<compile_context>
chip_gen: v7x
topology: tpu7x:2x2x1
jax: 0.10.2.dev20260603
libtpu: 0.0.44.dev20260713+nightly
codegen_flags: <defaults>
</compile_context>

<pallas_src>
import functools

import jax
import jax.numpy as jnp
from jax import lax
from jax.experimental import pallas as pl
from jax.experimental.pallas import tpu as pltpu
from jax.experimental.pallas import tpu_sc as plsc

N = 50000
E = 800000
D_IN = 128
HID = 64
OUT = 32

L = 16
NC = 2
NS = 16

N_PAD = 50176
E_PAD = 802816
R = E_PAD // 128
STRIPE = N_PAD // NS
BN = 1792
GRID_N = N_PAD // BN

_mesh = plsc.VectorSubcoreMesh(core_axis_name="c", subcore_axis_name="s")
_sc_params = pltpu.CompilerParams(use_tc_tiling_on_sc=False,
                                  needs_layout_passes=False)


SB = 28
NSB = (R // NS) // SB


def _deg_body(si_h, di_h, part_h, deg_h, hist, idx0, idx1, acc, tmp0, tmp1,
              is0, is1, rs0, rs1):
    c = lax.axis_index("c")
    s = lax.axis_index("s")

    zeros16 = jnp.zeros((L,), jnp.float32)

    def _zero(i, _):
        hist[pl.ds(i * L, L)] = zeros16
        return ()

    lax.fori_loop(0, N_PAD // L, _zero, (), unroll=4)

    base = s * (R // NS)
    ones16 = jnp.full((L,), 1.0, jnp.float32)

    def _fetch_idx(rows, buf, sem):
        @pl.when(c == 0)
        def _():
            pltpu.async_copy(si_h.at[rows], buf, sem)

        @pl.when(c == 1)
        def _():
            pltpu.async_copy(di_h.at[rows], buf, sem)

    def _drain_idx(sem, buf):
        pltpu.make_async_copy(si_h.at[pl.ds(0, SB)], buf, sem).wait()

    def _scatter_sb(buf):
        def _rows(j, _):
            for g in range(128 // L):
                iv = buf[j, pl.ds(g * L, L)]
                plsc.addupdate_scatter(hist, [iv], ones16)
            return ()

        lax.fori_loop(0, SB, _rows, (), unroll=4)

    _fetch_idx(pl.ds(base, SB), idx0, is0)

    def _sp(p, _):
        r0 = base + 2 * p * SB
        _fetch_idx(pl.ds(r0 + SB, SB), idx1, is1)
        _drain_idx(is0, idx0)
        _scatter_sb(idx0)

        @pl.when(p + 1 < NSB // 2)
        def _():
            _fetch_idx(pl.ds(r0 + 2 * SB, SB), idx0, is0)

        _drain_idx(is1, idx1)
        _scatter_sb(idx1)
        return ()

    lax.fori_loop(0, NSB // 2, _sp, ())

    pltpu.sync_copy(hist, part_h.at[c, s])
    plsc.subcore_barrier()

    sl = pl.ds(s * STRIPE, STRIPE)
    pltpu.sync_copy(part_h.at[c, 0, sl], acc)
    pltpu.async_copy(part_h.at[c, 1, sl], tmp0, rs0)

    def _drain_part(sem, buf):
        pltpu.make_async_copy(part_h.at[c, 0, sl], buf, sem).wait()

    for t in range(1, NS):
        buf, sem = (tmp0, rs0) if t % 2 == 1 else (tmp1, rs1)
        nbuf, nsem = (tmp1, rs1) if t % 2 == 1 else (tmp0, rs0)
        if t + 1 < NS:
            pltpu.async_copy(part_h.at[c, t + 1, sl], nbuf, nsem)
        _drain_part(sem, buf)

        def _add(k, _):
            ksl = pl.ds(k * L, L)
            acc[ksl] = acc[ksl] + buf[ksl]
            return ()

        lax.fori_loop(0, STRIPE // L, _add, (), unroll=4)

    pltpu.sync_copy(acc, deg_h.at[c, sl])


_deg_kernel = functools.partial(
    pl.kernel,
    out_type=(
        jax.ShapeDtypeStruct((NC, NS, N_PAD), jnp.float32),
        jax.ShapeDtypeStruct((NC, N_PAD), jnp.float32),
    ),
    mesh=_mesh,
    scratch_types=[
        pltpu.VMEM((N_PAD,), jnp.float32),
        pltpu.VMEM((SB, 128), jnp.int32),
        pltpu.VMEM((SB, 128), jnp.int32),
        pltpu.VMEM((STRIPE,), jnp.float32),
        pltpu.VMEM((STRIPE,), jnp.float32),
        pltpu.VMEM((STRIPE,), jnp.float32),
        pltpu.SemaphoreType.DMA,
        pltpu.SemaphoreType.DMA,
        pltpu.SemaphoreType.DMA,
        pltpu.SemaphoreType.DMA,
    ],
    compiler_params=_sc_params,
)(_deg_body)


KI = 2
BLK = KI * 128
NBLK = (R // NS) // KI
NPAIR = NBLK // 2
ZR = 196


def _edge_body(rpt, cstr, goff, tab_h, si_h, di_h, out_h, idx_s, idx_d,
               rows0, rows1, zbuf, sh_acc, gs0, gs1, ss0, ss1):
    c = lax.axis_index("c")
    s = lax.axis_index("s")

    zeros16 = jnp.zeros((L,), jnp.float32)

    def _zero(i, _):
        for g in range(OUT // L):
            zbuf[i, pl.ds(g * L, L)] = zeros16
        return ()

    lax.fori_loop(0, zbuf.shape[0], _zero, (), unroll=4)

    zrows = zbuf.shape[0]
    for t in range(STRIPE // zrows):
        pltpu.sync_copy(zbuf, sh_acc.at[pl.ds(s * STRIPE + t * zrows, zrows)])
    plsc.subcore_barrier()

    base = c * cstr + s * rpt
    npair = rpt // (2 * KI)

    def _load_idx(b, buf):
        r0 = base + b * KI
        pltpu.sync_copy(si_h.at[pl.ds(r0, KI)], idx_s.at[buf])
        pltpu.sync_copy(di_h.at[pl.ds(r0, KI)], idx_d.at[buf])
        if goff:
            off = (c * goff).astype(jnp.int32)
            for j in range(KI):
                for g in range(128 // L):
                    gsl = pl.ds(g * L, L)
                    idx_s[buf, j, gsl] = idx_s[buf, j, gsl] + off

    def _fire_gathers(buf, rbuf, gsem):
        for j in range(KI):
            pltpu.async_copy(tab_h.at[idx_s.at[buf, j]],
                             rbuf.at[pl.ds(j * 128, 128)], gsem)

    def _fire_scatters(buf, rbuf, ssem):
        for j in range(KI):
            pltpu.async_copy(rbuf.at[pl.ds(j * 128, 128)],
                             sh_acc.at[idx_d.at[buf, j]], ssem, add=True)

    def _drain(sem, rbuf):
        pltpu.make_async_copy(tab_h.at[pl.ds(0, BLK)], rbuf, sem).wait()

    _load_idx(0, 0)
    _fire_gathers(0, rows0, gs0)

    def _pair(p, _):
        b0 = 2 * p
        _load_idx(b0 + 1, 1)

        @pl.when(p >= 1)
        def _():
            _drain(ss1, rows1)

        _fire_gathers(1, rows1, gs1)

        _drain(gs0, rows0)
        _fire_scatters(0, rows0, ss0)

        @pl.when(p + 1 < npair)
        def _():
            _load_idx(b0 + 2, 0)
            _drain(ss0, rows0)
            _fire_gathers(0, rows0, gs0)

        _drain(gs1, rows1)
        _fire_scatters(1, rows1, ss1)
        return ()

    lax.fori_loop(0, npair, _pair, ())
    _drain(ss0, rows0)
    _drain(ss1, rows1)
    plsc.subcore_barrier()

    sl = pl.ds(s * STRIPE, STRIPE)
    pltpu.sync_copy(sh_acc.at[sl], out_h.at[c, sl])


def _make_edge_kernel(rpt, cstr, goff):
    return functools.partial(
        pl.kernel,
        out_type=jax.ShapeDtypeStruct((NC, N_PAD, OUT), jnp.float32),
        mesh=_mesh,
        scratch_types=[
            pltpu.VMEM((2, KI, 128), jnp.int32),
            pltpu.VMEM((2, KI, 128), jnp.int32),
            pltpu.VMEM((BLK, OUT), jnp.float32),
            pltpu.VMEM((BLK, OUT), jnp.float32),
            pltpu.VMEM((ZR, OUT), jnp.float32),
            pltpu.VMEM_SHARED((N_PAD, OUT), jnp.float32),
            pltpu.SemaphoreType.DMA,
            pltpu.SemaphoreType.DMA,
            pltpu.SemaphoreType.DMA,
            pltpu.SemaphoreType.DMA,
        ],
        compiler_params=_sc_params,
    )(functools.partial(_edge_body, rpt, cstr, goff))


_edge_p0 = _make_edge_kernel(R // NS, 0, N_PAD)
_edge_p1 = _make_edge_kernel(R // (NC * NS), R // NC, 0)


def _rs(d):
    return lax.rsqrt(jnp.maximum(d, 1.0))


def _mm1_body(x_ref, d_ref, w1_ref, out_ref):
    xs = x_ref[...] * _rs(d_ref[:, 0:1])
    h = jnp.dot(xs, w1_ref[...], preferred_element_type=jnp.float32)
    out_ref[0] = h[:, :OUT]
    out_ref[1] = h[:, OUT:]


def _mm2_body(agg_ref, d_ref, w2_ref, b1_ref, out_ref):
    a = jnp.concatenate([agg_ref[0], agg_ref[1]], axis=1)
    t = (jnp.maximum(a * _rs(d_ref[:, 1:2]) + b1_ref[...], 0.0)
         * _rs(d_ref[:, 0:1]))
    h2 = jnp.dot(t, w2_ref[...], preferred_element_type=jnp.float32)
    out_ref[0] = h2


def _fin_body(p_ref, d_ref, b2_ref, out_ref):
    p = p_ref[0] + p_ref[1]
    out_ref[...] = p * _rs(d_ref[:, 1:2]) + b2_ref[...]


def _dcol_spec():
    return pl.BlockSpec((BN, 2), lambda i: (i, 0))


def _mm1(x, dcol, W1):
    return pl.pallas_call(
        _mm1_body,
        grid=(GRID_N,),
        in_specs=[
            pl.BlockSpec((BN, D_IN), lambda i: (i, 0)),
            _dcol_spec(),
            pl.BlockSpec((D_IN, HID), lambda i: (0, 0)),
        ],
        out_specs=pl.BlockSpec((NC, BN, OUT), lambda i: (0, i, 0)),
        out_shape=jax.ShapeDtypeStruct((NC, N_PAD, OUT), jnp.float32),
    )(x, dcol, W1)


def _mm2(agg, dcol, W2, b1):
    return pl.pallas_call(
        _mm2_body,
        grid=(GRID_N,),
        in_specs=[
            pl.BlockSpec((NC, BN, OUT), lambda i: (0, i, 0)),
            _dcol_spec(),
            pl.BlockSpec((HID, OUT), lambda i: (0, 0)),
            pl.BlockSpec((1, HID), lambda i: (0, 0)),
        ],
        out_specs=pl.BlockSpec((NC, BN, OUT), lambda i: (0, i, 0)),
        out_shape=jax.ShapeDtypeStruct((NC, N_PAD, OUT), jnp.float32),
    )(agg, dcol, W2, b1)


def _fin(p, dcol, b2):
    return pl.pallas_call(
        _fin_body,
        grid=(GRID_N,),
        in_specs=[
            pl.BlockSpec((NC, BN, OUT), lambda i: (0, i, 0)),
            _dcol_spec(),
            pl.BlockSpec((1, OUT), lambda i: (0, 0)),
        ],
        out_specs=pl.BlockSpec((BN, OUT), lambda i: (i, 0)),
        out_shape=jax.ShapeDtypeStruct((N, OUT), jnp.float32),
    )(p, dcol, b2)


def kernel(node_features, edge_index, W1, b1, W2, b2):
    src = edge_index[0].astype(jnp.int32)
    dst = edge_index[1].astype(jnp.int32)
    pad = jnp.full((E_PAD - E,), N, jnp.int32)
    s2 = jnp.concatenate([src, pad]).reshape(R, 128)
    d2 = jnp.concatenate([dst, pad]).reshape(R, 128)

    _, deg = _deg_kernel(s2, d2)
    dcol = jnp.stack([deg[0], deg[1]], axis=1)

    table0 = _mm1(node_features, dcol, W1).reshape(NC * N_PAD, OUT)

    w1r = b1.reshape(1, HID)

    pred = s2[0, 0] >= 0

    def _skip(_t):
        return jnp.zeros((NC, N_PAD, OUT), jnp.float32)

    agg1 = lax.cond(pred, lambda t: _edge_p0(t, s2, d2), _skip, table0)
    table1 = _mm2(agg1, dcol, W2, w1r).reshape(NC * N_PAD, OUT)
    agg2 = lax.cond(pred, lambda t: _edge_p1(t, s2, d2), _skip, table1)
    return _fin(agg2, dcol, b2.reshape(1, OUT))

# --- scband reference (transcript-rebuilt; emitter-appended) ---
"""Pipeline reference for scband-law-graph-encoder-77515569758941 (READ-ONLY COPY).

The authoritative reference and input builder live on the scoring server;
editing this copy changes nothing except your own understanding.
"""

import jax, jax.numpy as jnp
import numpy as np

N_NODES = 50000
N_EDGES = 800000
NODE_DIM = 128
HID = 64
OUT = 32


def setup_inputs(seed: int = 0) -> dict:
    key = jax.random.key(seed)
    k1, k2, k3, k4, k5, k6 = jax.random.split(key, 6)
    node_features = jax.random.normal(k1, (N_NODES, NODE_DIM), dtype=jnp.float32)
    edge_index = jax.random.randint(k2, (2, N_EDGES), 0, N_NODES, dtype=jnp.int32).astype(jnp.int64)
    # GraphConv layer 1: 128 -> 64 (glorot-ish init), layer 2: 64 -> 32
    W1 = jax.random.normal(k3, (NODE_DIM, HID), dtype=jnp.float32) * (1.0 / np.sqrt(NODE_DIM))
    b1 = jnp.zeros((HID,), dtype=jnp.float32)
    W2 = jax.random.normal(k4, (HID, OUT), dtype=jnp.float32) * (1.0 / np.sqrt(HID))
    b2 = jnp.zeros((OUT,), dtype=jnp.float32)
    return {"node_features": node_features, "edge_index": edge_index, "W1": W1, "b1": b1, "W2": W2, "b2": b2}


def _graph_conv(h, src, dst, W, b):
    # Faithful DGL GraphConv with norm='both', weight=True, bias=True.
    # in_feats > out_feats for both layers, so weight is applied BEFORE aggregation.
    n = h.shape[0]
    ones = jnp.ones(src.shape[0], dtype=h.dtype)
    deg_out = jnp.zeros((n,), dtype=h.dtype).at[src].add(ones)
    deg_out = jnp.maximum(deg_out, 1.0)
    deg_in = jnp.zeros((n,), dtype=h.dtype).at[dst].add(ones)
    deg_in = jnp.maximum(deg_in, 1.0)
    h = h * jax.lax.rsqrt(deg_out)[:, None]
    h = h @ W
    msg = jnp.take(h, src, axis=0)
    agg = jnp.zeros((n, W.shape[1]), dtype=h.dtype).at[dst].add(msg)
    agg = agg * jax.lax.rsqrt(deg_in)[:, None]
    return agg + b


def reference(node_features, edge_index, W1, b1, W2, b2):
    src = edge_index[0]
    dst = edge_index[1]
    h = _graph_conv(node_features, src, dst, W1, b1)
    h = jax.nn.relu(h)
    h = _graph_conv(h, src, dst, W2, b2)
    return h

if __name__ == "__main__":
    import jax
    _d = setup_inputs()
    print(jax.jit(kernel)(*tuple(_d.values())))

</pallas_src>

<mosaic_0001>
#map = affine_map<(d0, d1) -> (0, 0)>
#map1 = affine_map<(d0, d1) -> (0, 0, 0)>
module attributes {stable_mosaic.version = 14 : i64} {
  func.func @_deg_body(%arg0: i32, %arg1: i32, %arg2: memref<6272x128xi32, #tpu.memory_space<hbm>>, %arg3: memref<6272x128xi32, #tpu.memory_space<hbm>>, %arg4: memref<2x16x50176xf32, #tpu.memory_space<hbm>>, %arg5: memref<2x50176xf32, #tpu.memory_space<hbm>>, %arg6: memref<50176xf32, #tpu.memory_space<vmem>>, %arg7: memref<28x128xi32, #tpu.memory_space<vmem>>, %arg8: memref<28x128xi32, #tpu.memory_space<vmem>>, %arg9: memref<3136xf32, #tpu.memory_space<vmem>>, %arg10: memref<3136xf32, #tpu.memory_space<vmem>>, %arg11: memref<3136xf32, #tpu.memory_space<vmem>>, %arg12: memref<!tpu.dma_semaphore, #tpu.memory_space<semaphore_mem>>, %arg13: memref<!tpu.dma_semaphore, #tpu.memory_space<semaphore_mem>>, %arg14: memref<!tpu.dma_semaphore, #tpu.memory_space<semaphore_mem>>, %arg15: memref<!tpu.dma_semaphore, #tpu.memory_space<semaphore_mem>>) attributes {dimension_semantics = [#tpu.dimension_semantics<core_parallel>, #tpu.dimension_semantics<subcore_parallel>], iteration_bounds = array<i64: 2, 16>, scalar_prefetch = 0 : i64, scratch_operands = 10 : i64, tpu.core_type = #tpu.core_type<sc_vector_subcore>, window_params = [{transform_indices = #map}, {transform_indices = #map}, {transform_indices = #map1}, {transform_indices = #map}]} {
    %broadcast_in_dim3A = arith.constant 0.000000e+00 : f32
    %broadcast_in_dim3A_0 = vector.broadcast %broadcast_in_dim3A : f32 to vector<16xf32>
    %scan3A = arith.constant 0 : i32
    %scan3A_1 = arith.constant 3136 : i32
    %scan3A_2 = arith.addi %scan3A, %scan3A_1 : i32
    %scan3A_3 = arith.constant 4 : i32
    scf.for %scan3A_245 = %scan3A to %scan3A_2 step %scan3A_3  : i32 {
      %mul3A_246 = arith.constant 16 : i32
      %mul3A_247 = arith.muli %scan3A_245, %mul3A_246 : i32
      %swap3A = arith.index_cast %mul3A_247 : i32 to index
      %swap3A_248 = tpu.vector_load %arg6[%swap3A] {strides = array<i32>} : memref<50176xf32, #tpu.memory_space<vmem>>, vector<16xf32>,
      tpu.vector_store %arg6[%swap3A], %broadcast_in_dim3A_0 {strides = array<i32>} : memref<50176xf32, #tpu.memory_space<vmem>>, vector<16xf32>,
      %scan3A_249 = arith.constant 1 : i32
      %scan3A_250 = arith.addi %scan3A_245, %scan3A_249 : i32
      %mul3A_251 = arith.constant 16 : i32
      %mul3A_252 = arith.muli %scan3A_250, %mul3A_251 : i32
      %swap3A_253 = arith.index_cast %mul3A_252 : i32 to index
      %swap3A_254 = tpu.vector_load %arg6[%swap3A_253] {strides = array<i32>} : memref<50176xf32, #tpu.memory_space<vmem>>, vector<16xf32>,
      tpu.vector_store %arg6[%swap3A_253], %broadcast_in_dim3A_0 {strides = array<i32>} : memref<50176xf32, #tpu.memory_space<vmem>>, vector<16xf32>,
      %scan3A_255 = arith.constant 2 : i32
      %scan3A_256 = arith.addi %scan3A_245, %scan3A_255 : i32
      %mul3A_257 = arith.constant 16 : i32
      %mul3A_258 = arith.muli %scan3A_256, %mul3A_257 : i32
      %swap3A_259 = arith.index_cast %mul3A_258 : i32 to index
      %swap3A_260 = tpu.vector_load %arg6[%swap3A_259] {strides = array<i32>} : memref<50176xf32, #tpu.memory_space<vmem>>, vector<16xf32>,
      tpu.vector_store %arg6[%swap3A_259], %broadcast_in_dim3A_0 {strides = array<i32>} : memref<50176xf32, #tpu.memory_space<vmem>>, vector<16xf32>,
      %scan3A_261 = arith.constant 3 : i32
      %scan3A_262 = arith.addi %scan3A_245, %scan3A_261 : i32
      %mul3A_263 = arith.constant 16 : i32
      %mul3A_264 = arith.muli %scan3A_262, %mul3A_263 : i32
      %swap3A_265 = arith.index_cast %mul3A_264 : i32 to index
      %swap3A_266 = tpu.vector_load %arg6[%swap3A_265] {strides = array<i32>} : memref<50176xf32, #tpu.memory_space<vmem>>, vector<16xf32>,
      tpu.vector_store %arg6[%swap3A_265], %broadcast_in_dim3A_0 {strides = array<i32>} : memref<50176xf32, #tpu.memory_space<vmem>>, vector<16xf32>,
    }
    %scan3A_4 = arith.constant 3136 : i32
    %mul3A = arith.constant 392 : i32
    %mul3A_5 = arith.muli %arg1, %mul3A : i32
    %broadcast_in_dim3A_6 = arith.constant 1.000000e+00 : f32
    %broadcast_in_dim3A_7 = vector.broadcast %broadcast_in_dim3A_6 : f32 to vector<16xf32>
    %eq3A = arith.constant 0 : i32
    %eq3A_8 = arith.cmpi eq, %arg0, %eq3A : i32
    %convert_element_type3A = arith.extui %eq3A_8 : i1 to i32
    %cond3A = arith.constant 0 : i32
    %cond3A_9 = arith.cmpi ne, %convert_element_type3A, %cond3A : i32
    scf.if %cond3A_9 {
      %dma_start3A_245 = arith.constant 0 : i32
      %dma_start3A_246 = tpu.memref_slice %arg2[%mul3A_5, %dma_start3A_245] : memref<6272x128xi32, #tpu.memory_space<hbm>> -> memref<28x128xi32, #tpu.memory_space<hbm>>
      %dma_start3A_247 = arith.constant 0 : i32
      %dma_start3A_248 = tpu.memref_slice %arg2[%mul3A_5, %dma_start3A_247] : memref<6272x128xi32, #tpu.memory_space<hbm>> -> memref<28x128xi32, #tpu.memory_space<hbm>>
      tpu.enqueue_dma source(%dma_start3A_248 : memref<28x128xi32, #tpu.memory_space<hbm>>) target(%arg7 : memref<28x128xi32, #tpu.memory_space<vmem>>) target_semaphore(%arg12 : memref<!tpu.dma_semaphore, #tpu.memory_space<semaphore_mem>>)
    } else {
    }
    %eq3A_10 = arith.constant 1 : i32
    %eq3A_11 = arith.cmpi eq, %arg0, %eq3A_10 : i32
    %convert_element_type3A_12 = arith.extui %eq3A_11 : i1 to i32
    %cond3A_13 = arith.constant 0 : i32
    %cond3A_14 = arith.cmpi ne, %convert_element_type3A_12, %cond3A_13 : i32
    scf.if %cond3A_14 {
      %dma_start3A_245 = arith.constant 0 : i32
      %dma_start3A_246 = tpu.memref_slice %arg3[%mul3A_5, %dma_start3A_245] : memref<6272x128xi32, #tpu.memory_space<hbm>> -> memref<28x128xi32, #tpu.memory_space<hbm>>
      %dma_start3A_247 = arith.constant 0 : i32
      %dma_start3A_248 = tpu.memref_slice %arg3[%mul3A_5, %dma_start3A_247] : memref<6272x128xi32, #tpu.memory_space<hbm>> -> memref<28x128xi32, #tpu.memory_space<hbm>>
      tpu.enqueue_dma source(%dma_start3A_248 : memref<28x128xi32, #tpu.memory_space<hbm>>) target(%arg7 : memref<28x128xi32, #tpu.memory_space<vmem>>) target_semaphore(%arg12 : memref<!tpu.dma_semaphore, #tpu.memory_space<semaphore_mem>>)
    } else {
    }
    %scan3A_15 = arith.constant 0 : i32
    %scan3A_16 = arith.constant 7 : i32
    %scan3A_17 = arith.addi %scan3A_15, %scan3A_16 : i32
    %scan3A_18 = arith.constant 1 : i32
    scf.for %scan3A_245 = %scan3A_15 to %scan3A_17 step %scan3A_18  : i32 {
      %mul3A_246 = arith.constant 2 : i32
      %mul3A_247 = arith.muli %mul3A_246, %scan3A_245 : i32
      %mul3A_248 = arith.constant 28 : i32
      %mul3A_249 = arith.muli %mul3A_247, %mul3A_248 : i32
      %add3A = arith.addi %mul3A_5, %mul3A_249 : i32
      %add3A_250 = arith.constant 28 : i32
      %add3A_251 = arith.addi %add3A, %add3A_250 : i32
      %eq3A_252 = arith.constant 0 : i32
      %eq3A_253 = arith.cmpi eq, %arg0, %eq3A_252 : i32
      %convert_element_type3A_254 = arith.extui %eq3A_253 : i1 to i32
      %cond3A_255 = arith.constant 0 : i32
      %cond3A_256 = arith.cmpi ne, %convert_element_type3A_254, %cond3A_255 : i32
      scf.if %cond3A_256 {
        %dma_start3A_290 = arith.constant 0 : i32
        %dma_start3A_291 = tpu.memref_slice %arg2[%add3A_251, %dma_start3A_290] : memref<6272x128xi32, #tpu.memory_space<hbm>> -> memref<28x128xi32, #tpu.memory_space<hbm>>
        %dma_start3A_292 = arith.constant 0 : i32
        %dma_start3A_293 = tpu.memref_slice %arg2[%add3A_251, %dma_start3A_292] : memref<6272x128xi32, #tpu.memory_space<hbm>> -> memref<28x128xi32, #tpu.memory_space<hbm>>
        tpu.enqueue_dma source(%dma_start3A_293 : memref<28x128xi32, #tpu.memory_space<hbm>>) target(%arg8 : memref<28x128xi32, #tpu.memory_space<vmem>>) target_semaphore(%arg13 : memref<!tpu.dma_semaphore, #tpu.memory_space<semaphore_mem>>)
      } else {
      }
      %eq3A_257 = arith.constant 1 : i32
      %eq3A_258 = arith.cmpi eq, %arg0, %eq3A_257 : i32
      %convert_element_type3A_259 = arith.extui %eq3A_258 : i1 to i32
      %cond3A_260 = arith.constant 0 : i32
      %cond3A_261 = arith.cmpi ne, %convert_element_type3A_259, %cond3A_260 : i32
      scf.if %cond3A_261 {
        %dma_start3A_290 = arith.constant 0 : i32
        %dma_start3A_291 = tpu.memref_slice %arg3[%add3A_251, %dma_start3A_290] : memref<6272x128xi32, #tpu.memory_space<hbm>> -> memref<28x128xi32, #tpu.memory_space<hbm>>
        %dma_start3A_292 = arith.constant 0 : i32
        %dma_start3A_293 = tpu.memref_slice %arg3[%add3A_251, %dma_start3A_292] : memref<6272x128xi32, #tpu.memory_space<hbm>> -> memref<28x128xi32, #tpu.memory_space<hbm>>
        tpu.enqueue_dma source(%dma_start3A_293 : memref<28x128xi32, #tpu.memory_space<hbm>>) target(%arg8 : memref<28x128xi32, #tpu.memory_space<vmem>>) target_semaphore(%arg13 : memref<!tpu.dma_semaphore, #tpu.memory_space<semaphore_mem>>)
      } else {
      }
      %dma_wait3A_262 = arith.constant 0 : i32
      %dma_wait3A_263 = arith.constant 0 : i32
      %dma_wait3A_264 = tpu.memref_slice %arg2[%dma_wait3A_262, %dma_wait3A_263] : memref<6272x128xi32, #tpu.memory_space<hbm>> -> memref<28x128xi32, #tpu.memory_space<hbm>>
      %dma_wait3A_265 = arith.constant 0 : i32
      %dma_wait3A_266 = arith.constant 0 : i32
      %dma_wait3A_267 = tpu.memref_slice %arg2[%dma_wait3A_265, %dma_wait3A_266] : memref<6272x128xi32, #tpu.memory_space<hbm>> -> memref<28x128xi32, #tpu.memory_space<hbm>>
      tpu.wait_dma2 semaphore(%arg12 : memref<!tpu.dma_semaphore, #tpu.memory_space<semaphore_mem>>) src(%dma_wait3A_267 : memref<28x128xi32, #tpu.memory_space<hbm>>) dst(%arg7 : memref<28x128xi32, #tpu.memory_space<vmem>>)
      %scan3A_268 = arith.constant 0 : i32
      %scan3A_269 = arith.constant 28 : i32
      %scan3A_270 = arith.addi %scan3A_268, %scan3A_269 : i32
      %scan3A_271 = arith.constant 4 : i32
      scf.for %scan3A_290 = %scan3A_268 to %scan3A_270 step %scan3A_271  : i32 {
        %get3A = arith.index_cast %scan3A_290 : i32 to index
        %get3A_291 = arith.constant 0 : index
        %get3A_292 = tpu.vector_load %arg7[%get3A, %get3A_291] {strides = array<i32>} : memref<28x128xi32, #tpu.memory_space<vmem>>, vector<16xi32>,
        tpu.vector_store_idx %arg6[%get3A_292], %broadcast_in_dim3A_7 {add = true} : memref<50176xf32, #tpu.memory_space<vmem>>[vector<16xi32>], vector<16xf32>,
        %get3A_293 = arith.index_cast %scan3A_290 : i32 to index
        %get3A_294 = arith.constant 16 : index
        %get3A_295 = tpu.vector_load %arg7[%get3A_293, %get3A_294] {strides = array<i32>} : memref<28x128xi32, #tpu.memory_space<vmem>>, vector<16xi32>,
        tpu.vector_store_idx %arg6[%get3A_295], %broadcast_in_dim3A_7 {add = true} : memref<50176xf32, #tpu.memory_space<vmem>>[vector<16xi32>], vector<16xf32>,
        %get3A_296 = arith.index_cast %scan3A_290 : i32 to index
        %get3A_297 = arith.constant 32 : index
        %get3A_298 = tpu.vector_load %arg7[%get3A_296, %get3A_297] {strides = array<i32>} : memref<28x128xi32, #tpu.memory_space<vmem>>, vector<16xi32>,
        tpu.vector_store_idx %arg6[%get3A_298], %broadcast_in_dim3A_7 {add = true} : memref<50176xf32, #tpu.memory_space<vmem>>[vector<16xi32>], vector<16xf32>,
        %get3A_299 = arith.index_cast %scan3A_290 : i32 to index
        %get3A_300 = arith.constant 48 : index
        %get3A_301 = tpu.vector_load %arg7[%get3A_299, %get3A_300] {strides = array<i32>} : memref<28x128xi32, #tpu.memory_space<vmem>>, vector<16xi32>,
        tpu.vector_store_idx %arg6[%get3A_301], %broadcast_in_dim3A_7 {add = true} : memref<50176xf32, #tpu.memory_space<vmem>>[vector<16xi32>], vector<16xf32>,
        %get3A_302 = arith.index_cast %scan3A_290 : i32 to index
        %get3A_303 = arith.constant 64 : index
        %get3A_304 = tpu.vector_load %arg7[%get3A_302, %get3A_303] {strides = array<i32>} : memref<28x128xi32, #tpu.memory_space<vmem>>, vector<16xi32>,
        tpu.vector_store_idx %arg6[%get3A_304], %broadcast_in_dim3A_7 {add = true} : memref<50176xf32, #tpu.memory_space<vmem>>[vector<16xi32>], vector<16xf32>,
        %get3A_305 = arith.index_cast %scan3A_290 : i32 to index
        %get3A_306 = arith.constant 80 : index
        %get3A_307 = tpu.vector_load %arg7[%get3A_305, %get3A_306] {strides = array<i32>} : memref<28x128xi32, #tpu.memory_space<vmem>>, vector<16xi32>,
        tpu.vector_store_idx %arg6[%get3A_307], %broadcast_in_dim3A_7 {add = true} : memref<50176xf32, #tpu.memory_space<vmem>>[vector<16xi32>], vector<16xf32>,
        %get3A_308 = arith.index_cast %scan3A_290 : i32 to index
        %get3A_309 = arith.constant 96 : index
        %get3A_310 = tpu.vector_load %arg7[%get3A_308, %get3A_309] {strides = array<i32>} : memref<28x128xi32, #tpu.memory_space<vmem>>, vector<16xi32>,
        tpu.vector_store_idx %arg6[%get3A_310], %broadcast_in_dim3A_7 {add = true} : memref<50176xf32, #tpu.memory_space<vmem>>[vector<16xi32>], vector<16xf32>,
        %get3A_311 = arith.index_cast %scan3A_290 : i32 to index
        %get3A_312 = arith.constant 112 : index
        %get3A_313 = tpu.vector_load %arg7[%get3A_311, %get3A_312] {strides = array<i32>} : memref<28x128xi32, #tpu.memory_space<vmem>>, vector<16xi32>,
        tpu.vector_store_idx %arg6[%get3A_313], %broadcast_in_dim3A_7 {add = true} : memref<50176xf32, #tpu.memory_space<vmem>>[vector<16xi32>], vector<16xf32>,
        %scan3A_314 = arith.constant 1 : i32
        %scan3A_315 = arith.addi %scan3A_290, %scan3A_314 : i32
        %get3A_316 = arith.index_cast %scan3A_315 : i32 to index
        %get3A_317 = arith.constant 0 : index
        %get3A_318 = tpu.vector_load %arg7[%get3A_316, %get3A_317] {strides = array<i32>} : memref<28x128xi32, #tpu.memory_space<vmem>>, vector<16xi32>,
        tpu.vector_store_idx %arg6[%get3A_318], %broadcast_in_dim3A_7 {add = true} : memref<50176xf32, #tpu.memory_space<vmem>>[vector<16xi32>], vector<16xf32>,
        %get3A_319 = arith.index_cast %scan3A_315 : i32 to index
        %get3A_320 = arith.constant 16 : index
        %get3A_321 = tpu.vector_load %arg7[%get3A_319, %get3A_320] {strides = array<i32>} : memref<28x128xi32, #tpu.memory_space<vmem>>, vector<16xi32>,
        tpu.vector_store_idx %arg6[%get3A_321], %broadcast_in_dim3A_7 {add = true} : memref<50176xf32, #tpu.memory_space<vmem>>[vector<16xi32>], vector<16xf32>,
        %get3A_322 = arith.index_cast %scan3A_315 : i32 to index
        %get3A_323 = arith.constant 32 : index
        %get3A_324 = tpu.vector_load %arg7[%get3A_322, %get3A_323] {strides = array<i32>} : memref<28x128xi32, #tpu.memory_space<vmem>>, vector<16xi32>,
        tpu.vector_store_idx %arg6[%get3A_324], %broadcast_in_dim3A_7 {add = true} : memref<50176xf32, #tpu.memory_space<vmem>>[vector<16xi32>], vector<16xf32>,
        %get3A_325 = arith.index_cast %scan3A_315 : i32 to index
        %get3A_326 = arith.constant 48 : index
        %get3A_327 = tpu.vector_load %arg7[%get3A_325, %get3A_326] {strides = array<i32>} : memref<28x128xi32, #tpu.memory_space<vmem>>, vector<16xi32>,
        tpu.vector_store_idx %arg6[%get3A_327], %broadcast_in_dim3A_7 {add = true} : memref<50176xf32, #tpu.memory_space<vmem>>[vector<16xi32>], vector<16xf32>,
        %get3A_328 = arith.index_cast %scan3A_315 : i32 to index
        %get3A_329 = arith.constant 64 : index
        %get3A_330 = tpu.vector_load %arg7[%get3A_328, %get3A_329] {strides = array<i32>} : memref<28x128xi32, #tpu.memory_space<vmem>>, vector<16xi32>,
        tpu.vector_store_idx %arg6[%get3A_330], %broadcast_in_dim3A_7 {add = true} : memref<50176xf32, #tpu.memory_space<vmem>>[vector<16xi32>], vector<16xf32>,
        %get3A_331 = arith.index_cast %scan3A_315 : i32 to index
        %get3A_332 = arith.constant 80 : index
        %get3A_333 = tpu.vector_load %arg7[%get3A_331, %get3A_332] {strides = array<i32>} : memref<28x128xi32, #tpu.memory_space<vmem>>, vector<16xi32>,
        tpu.vector_store_idx %arg6[%get3A_333], %broadcast_in_dim3A_7 {add = true} : memref<50176xf32, #tpu.memory_space<vmem>>[vector<16xi32>], vector<16xf32>,
        %get3A_334 = arith.index_cast %scan3A_315 : i32 to index
        %get3A_335 = arith.constant 96 : index
        %get3A_336 = tpu.vector_load %arg7[%get3A_334, %get3A_335] {strides = array<i32>} : memref<28x128xi32, #tpu.memory_space<vmem>>, vector<16xi32>,
        tpu.vector_store_idx %arg6[%get3A_336], %broadcast_in_dim3A_7 {add = true} : memref<50176xf32, #tpu.memory_space<vmem>>[vector<16xi32>], vector<16xf32>,
        %get3A_337 = arith.index_cast %scan3A_315 : i32 to index
        %get3A_338 = arith.constant 112 : index
        %get3A_339 = tpu.vector_load %arg7[%get3A_337, %get3A_338] {strides = array<i32>} : memref<28x128xi32, #tpu.memory_space<vmem>>, vector<16xi32>,
        tpu.vector_store_idx %arg6[%get3A_339], %broadcast_in_dim3A_7 {add = true} : memref<50176xf32, #tpu.memory_space<vmem>>[vector<16xi32>], vector<16xf32>,
        %scan3A_340 = arith.constant 2 : i32
        %scan3A_341 = arith.addi %scan3A_290, %scan3A_340 : i32
        %get3A_342 = arith.index_cast %scan3A_341 : i32 to index
        %get3A_343 = arith.constant 0 : index
        %get3A_344 = tpu.vector_load %arg7[%get3A_342, %get3A_343] {strides = array<i32>} : memref<28x128xi32, #tpu.memory_space<vmem>>, vector<16xi32>,
        tpu.vector_store_idx %arg6[%get3A_344], %broadcast_in_dim3A_7 {add = true} : memref<50176xf32, #tpu.memory_space<vmem>>[vector<16xi32>], vector<16xf32>,
        %get3A_345 = arith.index_cast %scan3A_341 : i32 to index
        %get3A_346 = arith.constant 16 : index
        %get3A_347 = tpu.vector_load %arg7[%get3A_345, %get3A_346] {strides = array<i32>} : memref<28x128xi32, #tpu.memory_space<vmem>>, vector<16xi32>,
        tpu.vector_store_idx %arg6[%get3A_347], %broadcast_in_dim3A_7 {add = true} : memref<50176xf32, #tpu.memory_space<vmem>>[vector<16xi32>], vector<16xf32>,
        %get3A_348 = arith.index_cast %scan3A_341 : i32 to index
        %get3A_349 = arith.constant 32 : index
        %get3A_350 = tpu.vector_load %arg7[%get3A_348, %get3A_349] {strides = array<i32>} : memref<28x128xi32, #tpu.memory_space<vmem>>, vector<16xi32>,
        tpu.vector_store_idx %arg6[%get3A_350], %broadcast_in_dim3A_7 {add = true} : memref<50176xf32, #tpu.memory_space<vmem>>[vector<16xi32>], vector<16xf32>,
        %get3A_351 = arith.index_cast %scan3A_341 : i32 to index
        %get3A_352 = arith.constant 48 : index
        %get3A_353 = tpu.vector_load %arg7[%get3A_351, %get3A_352] {strides = array<i32>} : memref<28x128xi32, #tpu.memory_space<vmem>>, vector<16xi32>,
        tpu.vector_store_idx %arg6[%get3A_353], %broadcast_in_dim3A_7 {add = true} : memref<50176xf32, #tpu.memory_space<vmem>>[vector<16xi32>], vector<16xf32>,
        %get3A_354 = arith.index_cast %scan3A_341 : i32 to index
        %get3A_355 = arith.constant 64 : index
        %get3A_356 = tpu.vector_load %arg7[%get3A_354, %get3A_355] {strides = array<i32>} : memref<28x128xi32, #tpu.memory_space<vmem>>, vector<16xi32>,
        tpu.vector_store_idx %arg6[%get3A_356], %broadcast_in_dim3A_7 {add = true} : memref<50176xf32, #tpu.memory_space<vmem>>[vector<16xi32>], vector<16xf32>,
        %get3A_357 = arith.index_cast %scan3A_341 : i32 to index
        %get3A_358 = arith.constant 80 : index
        %get3A_359 = tpu.vector_load %arg7[%get3A_357, %get3A_358] {strides = array<i32>} : memref<28x128xi32, #tpu.memory_space<vmem>>, vector<16xi32>,
        tpu.vector_store_idx %arg6[%get3A_359], %broadcast_in_dim3A_7 {add = true} : memref<50176xf32, #tpu.memory_space<vmem>>[vector<16xi32>], vector<16xf32>,
        %get3A_360 = arith.index_cast %scan3A_341 : i32 to index
        %get3A_361 = arith.constant 96 : index
        %get3A_362 = tpu.vector_load %arg7[%get3A_360, %get3A_361] {strides = array<i32>} : memref<28x128xi32, #tpu.memory_space<vmem>>, vector<16xi32>,
        tpu.vector_store_idx %arg6[%get3A_362], %broadcast_in_dim3A_7 {add = true} : memref<50176xf32, #tpu.memory_space<vmem>>[vector<16xi32>], vector<16xf32>,
        %get3A_363 = arith.index_cast %scan3A_341 : i32 to index
        %get3A_364 = arith.constant 112 : index
        %get3A_365 = tpu.vector_load %arg7[%get3A_363, %get3A_364] {strides = array<i32>} : memref<28x128xi32, #tpu.memory_space<vmem>>, vector<16xi32>,
        tpu.vector_store_idx %arg6[%get3A_365], %broadcast_in_dim3A_7 {add = true} : memref<50176xf32, #tpu.memory_space<vmem>>[vector<16xi32>], vector<16xf32>,
        %scan3A_366 = arith.constant 3 : i32
        %scan3A_367 = arith.addi %scan3A_290, %scan3A_366 : i32
        %get3A_368 = arith.index_cast %scan3A_367 : i32 to index
        %get3A_369 = arith.constant 0 : index
        %get3A_370 = tpu.vector_load %arg7[%get3A_368, %get3A_369] {strides = array<i32>} : memref<28x128xi32, #tpu.memory_space<vmem>>, vector<16xi32>,
        tpu.vector_store_idx %arg6[%get3A_370], %broadcast_in_dim3A_7 {add = true} : memref<50176xf32, #tpu.memory_space<vmem>>[vector<16xi32>], vector<16xf32>,
        %get3A_371 = arith.index_cast %scan3A_367 : i32 to index
        %get3A_372 = arith.constant 16 : index
        %get3A_373 = tpu.vector_load %arg7[%get3A_371, %get3A_372] {strides = array<i32>} : memref<28x128xi32, #tpu.memory_space<vmem>>, vector<16xi32>,
        tpu.vector_store_idx %arg6[%get3A_373], %broadcast_in_dim3A_7 {add = true} : memref<50176xf32, #tpu.memory_space<vmem>>[vector<16xi32>], vector<16xf32>,
        %get3A_374 = arith.index_cast %scan3A_367 : i32 to index
        %get3A_375 = arith.constant 32 : index
        %get3A_376 = tpu.vector_load %arg7[%get3A_374, %get3A_375] {strides = array<i32>} : memref<28x128xi32, #tpu.memory_space<vmem>>, vector<16xi32>,
        tpu.vector_store_idx %arg6[%get3A_376], %broadcast_in_dim3A_7 {add = true} : memref<50176xf32, #tpu.memory_space<vmem>>[vector<16xi32>], vector<16xf32>,
        %get3A_377 = arith.index_cast %scan3A_367 : i32 to index
        %get3A_378 = arith.constant 48 : index
        %get3A_379 = tpu.vector_load %arg7[%get3A_377, %get3A_378] {strides = array<i32>} : memref<28x128xi32, #tpu.memory_space<vmem>>, vector<16xi32>,
        tpu.vector_store_idx %arg6[%get3A_379], %broadcast_in_dim3A_7 {add = true} : memref<50176xf32, #tpu.memory_space<vmem>>[vector<16xi32>], vector<16xf32>,
        %get3A_380 = arith.index_cast %scan3A_367 : i32 to index
        %get3A_381 = arith.constant 64 : index
        %get3A_382 = tpu.vector_load %arg7[%get3A_380, %get3A_381] {strides = array<i32>} : memref<28x128xi32, #tpu.memory_space<vmem>>, vector<16xi32>,
        tpu.vector_store_idx %arg6[%get3A_382], %broadcast_in_dim3A_7 {add = true} : memref<50176xf32, #tpu.memory_space<vmem>>[vector<16xi32>], vector<16xf32>,
        %get3A_383 = arith.index_cast %scan3A_367 : i32 to index
        %get3A_384 = arith.constant 80 : index
        %get3A_385 = tpu.vector_load %arg7[%get3A_383, %get3A_384] {strides = array<i32>} : memref<28x128xi32, #tpu.memory_space<vmem>>, vector<16xi32>,
        tpu.vector_store_idx %arg6[%get3A_385], %broadcast_in_dim3A_7 {add = true} : memref<50176xf32, #tpu.memory_space<vmem>>[vector<16xi32>], vector<16xf32>,
        %get3A_386 = arith.index_cast %scan3A_367 : i32 to index
        %get3A_387 = arith.constant 96 : index
        %get3A_388 = tpu.vector_load %arg7[%get3A_386, %get3A_387] {strides = array<i32>} : memref<28x128xi32, #tpu.memory_space<vmem>>, vector<16xi32>,
        tpu.vector_store_idx %arg6[%get3A_388], %broadcast_in_dim3A_7 {add = true} : memref<50176xf32, #tpu.memory_space<vmem>>[vector<16xi32>], vector<16xf32>,
        %get3A_389 = arith.index_cast %scan3A_367 : i32 to index
        %get3A_390 = arith.constant 112 : index
        %get3A_391 = tpu.vector_load %arg7[%get3A_389, %get3A_390] {strides = array<i32>} : memref<28x128xi32, #tpu.memory_space<vmem>>, vector<16xi32>,
        tpu.vector_store_idx %arg6[%get3A_391], %broadcast_in_dim3A_7 {add = true} : memref<50176xf32, #tpu.memory_space<vmem>>[vector<16xi32>], vector<16xf32>,
      }
      %scan3A_272 = arith.constant 28 : i32
      %add3A_273 = arith.constant 1 : i32
      %add3A_274 = arith.addi %scan3A_245, %add3A_273 : i32
      %lt3A = arith.constant 7 : i32
      %lt3A_275 = arith.cmpi slt, %add3A_274, %lt3A : i32
      %convert_element_type3A_276 = arith.extui %lt3A_275 : i1 to i32
      %cond3A_277 = arith.constant 0 : i32
      %cond3A_278 = arith.cmpi ne, %convert_element_type3A_276, %cond3A_277 : i32
      scf.if %cond3A_278 {
        %add3A_290 = arith.constant 56 : i32
        %add3A_291 = arith.addi %add3A, %add3A_290 : i32
        %eq3A_292 = arith.constant 0 : i32
        %eq3A_293 = arith.cmpi eq, %arg0, %eq3A_292 : i32
        %convert_element_type3A_294 = arith.extui %eq3A_293 : i1 to i32
        %cond3A_295 = arith.constant 0 : i32
        %cond3A_296 = arith.cmpi ne, %convert_element_type3A_294, %cond3A_295 : i32
        scf.if %cond3A_296 {
          %dma_start3A_302 = arith.constant 0 : i32
          %dma_start3A_303 = tpu.memref_slice %arg2[%add3A_291, %dma_start3A_302] : memref<6272x128xi32, #tpu.memory_space<hbm>> -> memref<28x128xi32, #tpu.memory_space<hbm>>
          %dma_start3A_304 = arith.constant 0 : i32
          %dma_start3A_305 = tpu.memref_slice %arg2[%add3A_291, %dma_start3A_304] : memref<6272x128xi32, #tpu.memory_space<hbm>> -> memref<28x128xi32, #tpu.memory_space<hbm>>
          tpu.enqueue_dma source(%dma_start3A_305 : memref<28x128xi32, #tpu.memory_space<hbm>>) target(%arg7 : memref<28x128xi32, #tpu.memory_space<vmem>>) target_semaphore(%arg12 : memref<!tpu.dma_semaphore, #tpu.memory_space<semaphore_mem>>)
        } else {
        }
        %eq3A_297 = arith.constant 1 : i32
        %eq3A_298 = arith.cmpi eq, %arg0, %eq3A_297 : i32
        %convert_element_type3A_299 = arith.extui %eq3A_298 : i1 to i32
        %cond3A_300 = arith.constant 0 : i32
        %cond3A_301 = arith.cmpi ne, %convert_element_type3A_299, %cond3A_300 : i32
        scf.if %cond3A_301 {
          %dma_start3A_302 = arith.constant 0 : i32
          %dma_start3A_303 = tpu.memref_slice %arg3[%add3A_291, %dma_start3A_302] : memref<6272x128xi32, #tpu.memory_space<hbm>> -> memref<28x128xi32, #tpu.memory_space<hbm>>
          %dma_start3A_304 = arith.constant 0 : i32
          %dma_start3A_305 = tpu.memref_slice %arg3[%add3A_291, %dma_start3A_304] : memref<6272x128xi32, #tpu.memory_space<hbm>> -> memref<28x128xi32, #tpu.memory_space<hbm>>
          tpu.enqueue_dma source(%dma_start3A_305 : memref<28x128xi32, #tpu.memory_space<hbm>>) target(%arg7 : memref<28x128xi32, #tpu.memory_space<vmem>>) target_semaphore(%arg12 : memref<!tpu.dma_semaphore, #tpu.memory_space<semaphore_mem>>)
        } else {
        }
      } else {
      }
      %dma_wait3A_279 = arith.constant 0 : i32
      %dma_wait3A_280 = arith.constant 0 : i32
      %dma_wait3A_281 = tpu.memref_slice %arg2[%dma_wait3A_279, %dma_wait3A_280] : memref<6272x128xi32, #tpu.memory_space<hbm>> -> memref<28x128xi32, #tpu.memory_space<hbm>>
      %dma_wait3A_282 = arith.constant 0 : i32
      %dma_wait3A_283 = arith.constant 0 : i32
      %dma_wait3A_284 = tpu.memref_slice %arg2[%dma_wait3A_282, %dma_wait3A_283] : memref<6272x128xi32, #tpu.memory_space<hbm>> -> memref<28x128xi32, #tpu.memory_space<hbm>>
      tpu.wait_dma2 semaphore(%arg13 : memref<!tpu.dma_semaphore, #tpu.memory_space<semaphore_mem>>) src(%dma_wait3A_284 : memref<28x128xi32, #tpu.memory_space<hbm>>) dst(%arg8 : memref<28x128xi32, #tpu.memory_space<vmem>>)
      %scan3A_285 = arith.constant 0 : i32
      %scan3A_286 = arith.constant 28 : i32
      %scan3A_287 = arith.addi %scan3A_285, %scan3A_286 : i32
      %scan3A_288 = arith.constant 4 : i32
      scf.for %scan3A_290 = %scan3A_285 to %scan3A_287 step %scan3A_288  : i32 {
        %get3A = arith.index_cast %scan3A_290 : i32 to index
        %get3A_291 = arith.constant 0 : index
        %get3A_292 = tpu.vector_load %arg8[%get3A, %get3A_291] {strides = array<i32>} : memref<28x128xi32, #tpu.memory_space<vmem>>, vector<16xi32>,
        tpu.vector_store_idx %arg6[%get3A_292], %broadcast_in_dim3A_7 {add = true} : memref<50176xf32, #tpu.memory_space<vmem>>[vector<16xi32>], vector<16xf32>,
        %get3A_293 = arith.index_cast %scan3A_290 : i32 to index
        %get3A_294 = arith.constant 16 : index
        %get3A_295 = tpu.vector_load %arg8[%get3A_293, %get3A_294] {strides = array<i32>} : memref<28x128xi32, #tpu.memory_space<vmem>>, vector<16xi32>,
        tpu.vector_store_idx %arg6[%get3A_295], %broadcast_in_dim3A_7 {add = true} : memref<50176xf32, #tpu.memory_space<vmem>>[vector<16xi32>], vector<16xf32>,
        %get3A_296 = arith.index_cast %scan3A_290 : i32 to index
        %get3A_297 = arith.constant 32 : index
        %get3A_298 = tpu.vector_load %arg8[%get3A_296, %get3A_297] {strides = array<i32>} : memref<28x128xi32, #tpu.memory_space<vmem>>, vector<16xi32>,
        tpu.vector_store_idx %arg6[%get3A_298], %broadcast_in_dim3A_7 {add = true} : memref<50176xf32, #tpu.memory_space<vmem>>[vector<16xi32>], vector<16xf32>,
        %get3A_299 = arith.index_cast %scan3A_290 : i32 to index
        %get3A_300 = arith.constant 48 : index
        %get3A_301 = tpu.vector_load %arg8[%get3A_299, %get3A_300] {strides = array<i32>} : memref<28x128xi32, #tpu.memory_space<vmem>>, vector<16xi32>,
        tpu.vector_store_idx %arg6[%get3A_301], %broadcast_in_dim3A_7 {add = true} : memref<50176xf32, #tpu.memory_space<vmem>>[vector<16xi32>], vector<16xf32>,
        %get3A_302 = arith.index_cast %scan3A_290 : i32 to index
        %get3A_303 = arith.constant 64 : index
        %get3A_304 = tpu.vector_load %arg8[%get3A_302, %get3A_303] {strides = array<i32>} : memref<28x128xi32, #tpu.memory_space<vmem>>, vector<16xi32>,
        tpu.vector_store_idx %arg6[%get3A_304], %broadcast_in_dim3A_7 {add = true} : memref<50176xf32, #tpu.memory_space<vmem>>[vector<16xi32>], vector<16xf32>,
        %get3A_305 = arith.index_cast %scan3A_290 : i32 to index
        %get3A_306 = arith.constant 80 : index
        %get3A_307 = tpu.vector_load %arg8[%get3A_305, %get3A_306] {strides = array<i32>} : memref<28x128xi32, #tpu.memory_space<vmem>>, vector<16xi32>,
        tpu.vector_store_idx %arg6[%get3A_307], %broadcast_in_dim3A_7 {add = true} : memref<50176xf32, #tpu.memory_space<vmem>>[vector<16xi32>], vector<16xf32>,
        %get3A_308 = arith.index_cast %scan3A_290 : i32 to index
        %get3A_309 = arith.constant 96 : index
        %get3A_310 = tpu.vector_load %arg8[%get3A_308, %get3A_309] {strides = array<i32>} : memref<28x128xi32, #tpu.memory_space<vmem>>, vector<16xi32>,
        tpu.vector_store_idx %arg6[%get3A_310], %broadcast_in_dim3A_7 {add = true} : memref<50176xf32, #tpu.memory_space<vmem>>[vector<16xi32>], vector<16xf32>,
        %get3A_311 = arith.index_cast %scan3A_290 : i32 to index
        %get3A_312 = arith.constant 112 : index
        %get3A_313 = tpu.vector_load %arg8[%get3A_311, %get3A_312] {strides = array<i32>} : memref<28x128xi32, #tpu.memory_space<vmem>>, vector<16xi32>,
        tpu.vector_store_idx %arg6[%get3A_313], %broadcast_in_dim3A_7 {add = true} : memref<50176xf32, #tpu.memory_space<vmem>>[vector<16xi32>], vector<16xf32>,
        %scan3A_314 = arith.constant 1 : i32
        %scan3A_315 = arith.addi %scan3A_290, %scan3A_314 : i32
        %get3A_316 = arith.index_cast %scan3A_315 : i32 to index
        %get3A_317 = arith.constant 0 : index
        %get3A_318 = tpu.vector_load %arg8[%get3A_316, %get3A_317] {strides = array<i32>} : memref<28x128xi32, #tpu.memory_space<vmem>>, vector<16xi32>,
        tpu.vector_store_idx %arg6[%get3A_318], %broadcast_in_dim3A_7 {add = true} : memref<50176xf32, #tpu.memory_space<vmem>>[vector<16xi32>], vector<16xf32>,
        %get3A_319 = arith.index_cast %scan3A_315 : i32 to index
        %get3A_320 = arith.constant 16 : index
        %get3A_321 = tpu.vector_load %arg8[%get3A_319, %get3A_320] {strides = array<i32>} : memref<28x128xi32, #tpu.memory_space<vmem>>, vector<16xi32>,
        tpu.vector_store_idx %arg6[%get3A_321], %broadcast_in_dim3A_7 {add = true} : memref<50176xf32, #tpu.memory_space<vmem>>[vector<16xi32>], vector<16xf32>,
        %get3A_322 = arith.index_cast %scan3A_315 : i32 to index
        %get3A_323 = arith.constant 32 : index
        %get3A_324 = tpu.vector_load %arg8[%get3A_322, %get3A_323] {strides = array<i32>} : memref<28x128xi32, #tpu.memory_space<vmem>>, vector<16xi32>,
        tpu.vector_store_idx %arg6[%get3A_324], %broadcast_in_dim3A_7 {add = true} : memref<50176xf32, #tpu.memory_space<vmem>>[vector<16xi32>], vector<16xf32>,
        %get3A_325 = arith.index_cast %scan3A_315 : i32 to index
        %get3A_326 = arith.constant 48 : index
        %get3A_327 = tpu.vector_load %arg8[%get3A_325, %get3A_326] {strides = array<i32>} : memref<28x128xi32, #tpu.memory_space<vmem>>, vector<16xi32>,
        tpu.vector_store_idx %arg6[%get3A_327], %broadcast_in_dim3A_7 {add = true} : memref<50176xf32, #tpu.memory_space<vmem>>[vector<16xi32>], vector<16xf32>,
        %get3A_328 = arith.index_cast %scan3A_315 : i32 to index
        %get3A_329 = arith.constant 64 : index
        %get3A_330 = tpu.vector_load %arg8[%get3A_328, %get3A_329] {strides = array<i32>} : memref<28x128xi32, #tpu.memory_space<vmem>>, vector<16xi32>,
        tpu.vector_store_idx %arg6[%get3A_330], %broadcast_in_dim3A_7 {add = true} : memref<50176xf32, #tpu.memory_space<vmem>>[vector<16xi32>], vector<16xf32>,
        %get3A_331 = arith.index_cast %scan3A_315 : i32 to index
        %get3A_332 = arith.constant 80 : index
        %get3A_333 = tpu.vector_load %arg8[%get3A_331, %get3A_332] {strides = array<i32>} : memref<28x128xi32, #tpu.memory_space<vmem>>, vector<16xi32>,
        tpu.vector_store_idx %arg6[%get3A_333], %broadcast_in_dim3A_7 {add = true} : memref<50176xf32, #tpu.memory_space<vmem>>[vector<16xi32>], vector<16xf32>,
        %get3A_334 = arith.index_cast %scan3A_315 : i32 to index
        %get3A_335 = arith.constant 96 : index
        %get3A_336 = tpu.vector_load %arg8[%get3A_334, %get3A_335] {strides = array<i32>} : memref<28x128xi32, #tpu.memory_space<vmem>>, vector<16xi32>,
        tpu.vector_store_idx %arg6[%get3A_336], %broadcast_in_dim3A_7 {add = true} : memref<50176xf32, #tpu.memory_space<vmem>>[vector<16xi32>], vector<16xf32>,
        %get3A_337 = arith.index_cast %scan3A_315 : i32 to index
        %get3A_338 = arith.constant 112 : index
        %get3A_339 = tpu.vector_load %arg8[%get3A_337, %get3A_338] {strides = array<i32>} : memref<28x128xi32, #tpu.memory_space<vmem>>, vector<16xi32>,
        tpu.vector_store_idx %arg6[%get3A_339], %broadcast_in_dim3A_7 {add = true} : memref<50176xf32, #tpu.memory_space<vmem>>[vector<16xi32>], vector<16xf32>,
        %scan3A_340 = arith.constant 2 : i32
        %scan3A_341 = arith.addi %scan3A_290, %scan3A_340 : i32
        %get3A_342 = arith.index_cast %scan3A_341 : i32 to index
        %get3A_343 = arith.constant 0 : index
        %get3A_344 = tpu.vector_load %arg8[%get3A_342, %get3A_343] {strides = array<i32>} : memref<28x128xi32, #tpu.memory_space<vmem>>, vector<16xi32>,
        tpu.vector_store_idx %arg6[%get3A_344], %broadcast_in_dim3A_7 {add = true} : memref<50176xf32, #tpu.memory_space<vmem>>[vector<16xi32>], vector<16xf32>,
        %get3A_345 = arith.index_cast %scan3A_341 : i32 to index
        %get3A_346 = arith.constant 16 : index
        %get3A_347 = tpu.vector_load %arg8[%get3A_345, %get3A_346] {strides = array<i32>} : memref<28x128xi32, #tpu.memory_space<vmem>>, vector<16xi32>,
        tpu.vector_store_idx %arg6[%get3A_347], %broadcast_in_dim3A_7 {add = true} : memref<50176xf32, #tpu.memory_space<vmem>>[vector<16xi32>], vector<16xf32>,
        %get3A_348 = arith.index_cast %scan3A_341 : i32 to index
        %get3A_349 = arith.constant 32 : index
        %get3A_350 = tpu.vector_load %arg8[%get3A_348, %get3A_349] {strides = array<i32>} : memref<28x128xi32, #tpu.memory_space<vmem>>, vector<16xi32>,
        tpu.vector_store_idx %arg6[%get3A_350], %broadcast_in_dim3A_7 {add = true} : memref<50176xf32, #tpu.memory_space<vmem>>[vector<16xi32>], vector<16xf32>,
        %get3A_351 = arith.index_cast %scan3A_341 : i32 to index
        %get3A_352 = arith.constant 48 : index
        %get3A_353 = tpu.vector_load %arg8[%get3A_351, %get3A_352] {strides = array<i32>} : memref<28x128xi32, #tpu.memory_space<vmem>>, vector<16xi32>,
        tpu.vector_store_idx %arg6[%get3A_353], %broadcast_in_dim3A_7 {add = true} : memref<50176xf32, #tpu.memory_space<vmem>>[vector<16xi32>], vector<16xf32>,
        %get3A_354 = arith.index_cast %scan3A_341 : i32 to index
        %get3A_355 = arith.constant 64 : index
        %get3A_356 = tpu.vector_load %arg8[%get3A_354, %get3A_355] {strides = array<i32>} : memref<28x128xi32, #tpu.memory_space<vmem>>, vector<16xi32>,
        tpu.vector_store_idx %arg6[%get3A_356], %broadcast_in_dim3A_7 {add = true} : memref<50176xf32, #tpu.memory_space<vmem>>[vector<16xi32>], vector<16xf32>,
        %get3A_357 = arith.index_cast %scan3A_341 : i32 to index
        %get3A_358 = arith.constant 80 : index
        %get3A_359 = tpu.vector_load %arg8[%get3A_357, %get3A_358] {strides = array<i32>} : memref<28x128xi32, #tpu.memory_space<vmem>>, vector<16xi32>,
        tpu.vector_store_idx %arg6[%get3A_359], %broadcast_in_dim3A_7 {add = true} : memref<50176xf32, #tpu.memory_space<vmem>>[vector<16xi32>], vector<16xf32>,
        %get3A_360 = arith.index_cast %scan3A_341 : i32 to index
        %get3A_361 = arith.constant 96 : index
        %get3A_362 = tpu.vector_load %arg8[%get3A_360, %get3A_361] {strides = array<i32>} : memref<28x128xi32, #tpu.memory_space<vmem>>, vector<16xi32>,
        tpu.vector_store_idx %arg6[%get3A_362], %broadcast_in_dim3A_7 {add = true} : memref<50176xf32, #tpu.memory_space<vmem>>[vector<16xi32>], vector<16xf32>,
        %get3A_363 = arith.index_cast %scan3A_341 : i32 to index
        %get3A_364 = arith.constant 112 : index
        %get3A_365 = tpu.vector_load %arg8[%get3A_363, %get3A_364] {strides = array<i32>} : memref<28x128xi32, #tpu.memory_space<vmem>>, vector<16xi32>,
        tpu.vector_store_idx %arg6[%get3A_365], %broadcast_in_dim3A_7 {add = true} : memref<50176xf32, #tpu.memory_space<vmem>>[vector<16xi32>], vector<16xf32>,
        %scan3A_366 = arith.constant 3 : i32
        %scan3A_367 = arith.addi %scan3A_290, %scan3A_366 : i32
        %get3A_368 = arith.index_cast %scan3A_367 : i32 to index
        %get3A_369 = arith.constant 0 : index
        %get3A_370 = tpu.vector_load %arg8[%get3A_368, %get3A_369] {strides = array<i32>} : memref<28x128xi32, #tpu.memory_space<vmem>>, vector<16xi32>,
        tpu.vector_store_idx %arg6[%get3A_370], %broadcast_in_dim3A_7 {add = true} : memref<50176xf32, #tpu.memory_space<vmem>>[vector<16xi32>], vector<16xf32>,
        %get3A_371 = arith.index_cast %scan3A_367 : i32 to index
        %get3A_372 = arith.constant 16 : index
        %get3A_373 = tpu.vector_load %arg8[%get3A_371, %get3A_372] {strides = array<i32>} : memref<28x128xi32, #tpu.memory_space<vmem>>, vector<16xi32>,
        tpu.vector_store_idx %arg6[%get3A_373], %broadcast_in_dim3A_7 {add = true} : memref<50176xf32, #tpu.memory_space<vmem>>[vector<16xi32>], vector<16xf32>,
        %get3A_374 = arith.index_cast %scan3A_367 : i32 to index
        %get3A_375 = arith.constant 32 : index
        %get3A_376 = tpu.vector_load %arg8[%get3A_374, %get3A_375] {strides = array<i32>} : memref<28x128xi32, #tpu.memory_space<vmem>>, vector<16xi32>,
        tpu.vector_store_idx %arg6[%get3A_376], %broadcast_in_dim3A_7 {add = true} : memref<50176xf32, #tpu.memory_space<vmem>>[vector<16xi32>], vector<16xf32>,
        %get3A_377 = arith.index_cast %scan3A_367 : i32 to index
        %get3A_378 = arith.constant 48 : index
        %get3A_379 = tpu.vector_load %arg8[%get3A_377, %get3A_378] {strides = array<i32>} : memref<28x128xi32, #tpu.memory_space<vmem>>, vector<16xi32>,
        tpu.vector_store_idx %arg6[%get3A_379], %broadcast_in_dim3A_7 {add = true} : memref<50176xf32, #tpu.memory_space<vmem>>[vector<16xi32>], vector<16xf32>,
        %get3A_380 = arith.index_cast %scan3A_367 : i32 to index
        %get3A_381 = arith.constant 64 : index
        %get3A_382 = tpu.vector_load %arg8[%get3A_380, %get3A_381] {strides = array<i32>} : memref<28x128xi32, #tpu.memory_space<vmem>>, vector<16xi32>,
        tpu.vector_store_idx %arg6[%get3A_382], %broadcast_in_dim3A_7 {add = true} : memref<50176xf32, #tpu.memory_space<vmem>>[vector<16xi32>], vector<16xf32>,
        %get3A_383 = arith.index_cast %scan3A_367 : i32 to index
        %get3A_384 = arith.constant 80 : index
        %get3A_385 = tpu.vector_load %arg8[%get3A_383, %get3A_384] {strides = array<i32>} : memref<28x128xi32, #tpu.memory_space<vmem>>, vector<16xi32>,
        tpu.vector_store_idx %arg6[%get3A_385], %broadcast_in_dim3A_7 {add = true} : memref<50176xf32, #tpu.memory_space<vmem>>[vector<16xi32>], vector<16xf32>,
        %get3A_386 = arith.index_cast %scan3A_367 : i32 to index
        %get3A_387 = arith.constant 96 : index
        %get3A_388 = tpu.vector_load %arg8[%get3A_386, %get3A_387] {strides = array<i32>} : memref<28x128xi32, #tpu.memory_space<vmem>>, vector<16xi32>,
        tpu.vector_store_idx %arg6[%get3A_388], %broadcast_in_dim3A_7 {add = true} : memref<50176xf32, #tpu.memory_space<vmem>>[vector<16xi32>], vector<16xf32>,
        %get3A_389 = arith.index_cast %scan3A_367 : i32 to index
        %get3A_390 = arith.constant 112 : index
        %get3A_391 = tpu.vector_load %arg8[%get3A_389, %get3A_390] {strides = array<i32>} : memref<28x128xi32, #tpu.memory_space<vmem>>, vector<16xi32>,
        tpu.vector_store_idx %arg6[%get3A_391], %broadcast_in_dim3A_7 {add = true} : memref<50176xf32, #tpu.memory_space<vmem>>[vector<16xi32>], vector<16xf32>,
      }
      %scan3A_289 = arith.constant 28 : i32
    }
    %scan3A_19 = arith.constant 7 : i32
    "tpu.region"() ({
      %run_scoped3A_245 = tpu.sem_alloc : memref<!tpu.dma_semaphore, #tpu.memory_space<semaphore_mem>>
      %dma_start3A_246 = arith.constant 0 : i32
      %dma_start3A_247 = tpu.memref_slice %arg4[%arg0, %arg1, %dma_start3A_246] : memref<2x16x50176xf32, #tpu.memory_space<hbm>> -> memref<1x1x50176xf32, #tpu.memory_space<hbm>>
      %dma_start3A_248 = tpu.memref_squeeze %dma_start3A_247 : memref<1x1x50176xf32, #tpu.memory_space<hbm>> -> memref<50176xf32, #tpu.memory_space<hbm>>
      %dma_start3A_249 = arith.constant 0 : i32
      %dma_start3A_250 = tpu.memref_slice %arg4[%arg0, %arg1, %dma_start3A_249] : memref<2x16x50176xf32, #tpu.memory_space<hbm>> -> memref<1x1x50176xf32, #tpu.memory_space<hbm>>
      %dma_start3A_251 = tpu.memref_squeeze %dma_start3A_250 : memref<1x1x50176xf32, #tpu.memory_space<hbm>> -> memref<50176xf32, #tpu.memory_space<hbm>>
      tpu.enqueue_dma source(%arg6 : memref<50176xf32, #tpu.memory_space<vmem>>) target(%dma_start3A_251 : memref<50176xf32, #tpu.memory_space<hbm>>) target_semaphore(%run_scoped3A_245 : memref<!tpu.dma_semaphore, #tpu.memory_space<semaphore_mem>>)
      %dma_wait3A_252 = arith.constant 0 : i32
      %dma_wait3A_253 = tpu.memref_slice %arg4[%arg0, %arg1, %dma_wait3A_252] : memref<2x16x50176xf32, #tpu.memory_space<hbm>> -> memref<1x1x50176xf32, #tpu.memory_space<hbm>>
      %dma_wait3A_254 = tpu.memref_squeeze %dma_wait3A_253 : memref<1x1x50176xf32, #tpu.memory_space<hbm>> -> memref<50176xf32, #tpu.memory_space<hbm>>
      %dma_wait3A_255 = arith.constant 0 : i32
      %dma_wait3A_256 = tpu.memref_slice %arg4[%arg0, %arg1, %dma_wait3A_255] : memref<2x16x50176xf32, #tpu.memory_space<hbm>> -> memref<1x1x50176xf32, #tpu.memory_space<hbm>>
      %dma_wait3A_257 = tpu.memref_squeeze %dma_wait3A_256 : memref<1x1x50176xf32, #tpu.memory_space<hbm>> -> memref<50176xf32, #tpu.memory_space<hbm>>
      tpu.wait_dma2 semaphore(%run_scoped3A_245 : memref<!tpu.dma_semaphore, #tpu.memory_space<semaphore_mem>>) src(%arg6 : memref<50176xf32, #tpu.memory_space<vmem>>) dst(%dma_wait3A_257 : memref<50176xf32, #tpu.memory_space<hbm>>)
      tpu.yield
    }) : () -> ()
    %barrier3A = arith.constant 0 : index
    tpu.barrier barrier_id(%barrier3A)
    %mul3A_20 = arith.constant 3136 : i32
    %mul3A_21 = arith.muli %arg1, %mul3A_20 : i32
    %run_scoped3A = arith.constant 0 : i32
    "tpu.region"() ({
      %run_scoped3A_245 = tpu.sem_alloc : memref<!tpu.dma_semaphore, #tpu.memory_space<semaphore_mem>>
      %dma_start3A_246 = tpu.memref_slice %arg4[%arg0, %run_scoped3A, %mul3A_21] : memref<2x16x50176xf32, #tpu.memory_space<hbm>> -> memref<1x1x3136xf32, #tpu.memory_space<hbm>>
      %dma_start3A_247 = tpu.memref_squeeze %dma_start3A_246 : memref<1x1x3136xf32, #tpu.memory_space<hbm>> -> memref<3136xf32, #tpu.memory_space<hbm>>
      %dma_start3A_248 = tpu.memref_slice %arg4[%arg0, %run_scoped3A, %mul3A_21] : memref<2x16x50176xf32, #tpu.memory_space<hbm>> -> memref<1x1x3136xf32, #tpu.memory_space<hbm>>
      %dma_start3A_249 = tpu.memref_squeeze %dma_start3A_248 : memref<1x1x3136xf32, #tpu.memory_space<hbm>> -> memref<3136xf32, #tpu.memory_space<hbm>>
      tpu.enqueue_dma source(%dma_start3A_249 : memref<3136xf32, #tpu.memory_space<hbm>>) target(%arg9 : memref<3136xf32, #tpu.memory_space<vmem>>) target_semaphore(%run_scoped3A_245 : memref<!tpu.dma_semaphore, #tpu.memory_space<semaphore_mem>>)
      %dma_wait3A_250 = tpu.memref_slice %arg4[%arg0, %run_scoped3A, %mul3A_21] : memref<2x16x50176xf32, #tpu.memory_space<hbm>> -> memref<1x1x3136xf32, #tpu.memory_space<hbm>>
      %dma_wait3A_251 = tpu.memref_squeeze %dma_wait3A_250 : memref<1x1x3136xf32, #tpu.memory_space<hbm>> -> memref<3136xf32, #tpu.memory_space<hbm>>
      %dma_wait3A_252 = tpu.memref_slice %arg4[%arg0, %run_scoped3A, %mul3A_21] : memref<2x16x50176xf32, #tpu.memory_space<hbm>> -> memref<1x1x3136xf32, #tpu.memory_space<hbm>>
      %dma_wait3A_253 = tpu.memref_squeeze %dma_wait3A_252 : memref<1x1x3136xf32, #tpu.memory_space<hbm>> -> memref<3136xf32, #tpu.memory_space<hbm>>
      tpu.wait_dma2 semaphore(%run_scoped3A_245 : memref<!tpu.dma_semaphore, #tpu.memory_space<semaphore_mem>>) src(%dma_wait3A_253 : memref<3136xf32, #tpu.memory_space<hbm>>) dst(%arg9 : memref<3136xf32, #tpu.memory_space<vmem>>)
      tpu.yield
    }) : () -> ()
    %dma_start3A = arith.constant 1 : i32
    %dma_start3A_22 = tpu.memref_slice %arg4[%arg0, %dma_start3A, %mul3A_21] : memref<2x16x50176xf32, #tpu.memory_space<hbm>> -> memref<1x1x3136xf32, #tpu.memory_space<hbm>>
    %dma_start3A_23 = tpu.memref_squeeze %dma_start3A_22 : memref<1x1x3136xf32, #tpu.memory_space<hbm>> -> memref<3136xf32, #tpu.memory_space<hbm>>
    %dma_start3A_24 = tpu.memref_slice %arg4[%arg0, %dma_start3A, %mul3A_21] : memref<2x16x50176xf32, #tpu.memory_space<hbm>> -> memref<1x1x3136xf32, #tpu.memory_space<hbm>>
    %dma_start3A_25 = tpu.memref_squeeze %dma_start3A_24 : memref<1x1x3136xf32, #tpu.memory_space<hbm>> -> memref<3136xf32, #tpu.memory_space<hbm>>
    tpu.enqueue_dma source(%dma_start3A_25 : memref<3136xf32, #tpu.memory_space<hbm>>) target(%arg10 : memref<3136xf32, #tpu.memory_space<vmem>>) target_semaphore(%arg14 : memref<!tpu.dma_semaphore, #tpu.memory_space<semaphore_mem>>)
    %dma_start3A_26 = arith.constant 2 : i32
    %dma_start3A_27 = tpu.memref_slice %arg4[%arg0, %dma_start3A_26, %mul3A_21] : memref<2x16x50176xf32, #tpu.memory_space<hbm>> -> memref<1x1x3136xf32, #tpu.memory_space<hbm>>
    %dma_start3A_28 = tpu.memref_squeeze %dma_start3A_27 : memref<1x1x3136xf32, #tpu.memory_space<hbm>> -> memref<3136xf32, #tpu.memory_space<hbm>>
    %dma_start3A_29 = tpu.memref_slice %arg4[%arg0, %dma_start3A_26, %mul3A_21] : memref<2x16x50176xf32, #tpu.memory_space<hbm>> -> memref<1x1x3136xf32, #tpu.memory_space<hbm>>
    %dma_start3A_30 = tpu.memref_squeeze %dma_start3A_29 : memref<1x1x3136xf32, #tpu.memory_space<hbm>> -> memref<3136xf32, #tpu.memory_space<hbm>>
    tpu.enqueue_dma source(%dma_start3A_30 : memref<3136xf32, #tpu.memory_space<hbm>>) target(%arg11 : memref<3136xf32, #tpu.memory_space<vmem>>) target_semaphore(%arg15 : memref<!tpu.dma_semaphore, #tpu.memory_space<semaphore_mem>>)
    %dma_wait3A = arith.constant 0 : i32
    %dma_wait3A_31 = tpu.memref_slice %arg4[%arg0, %dma_wait3A, %mul3A_21] : memref<2x16x50176xf32, #tpu.memory_space<hbm>> -> memref<1x1x3136xf32, #tpu.memory_space<hbm>>
    %dma_wait3A_32 = tpu.memref_squeeze %dma_wait3A_31 : memref<1x1x3136xf32, #tpu.memory_space<hbm>> -> memref<3136xf32, #tpu.memory_space<hbm>>
    %dma_wait3A_33 = tpu.memref_slice %arg4[%arg0, %dma_wait3A, %mul3A_21] : memref<2x16x50176xf32, #tpu.memory_space<hbm>> -> memref<1x1x3136xf32, #tpu.memory_space<hbm>>
    %dma_wait3A_34 = tpu.memref_squeeze %dma_wait3A_33 : memref<1x1x3136xf32, #tpu.memory_space<hbm>> -> memref<3136xf32, #tpu.memory_space<hbm>>
    tpu.wait_dma2 semaphore(%arg14 : memref<!tpu.dma_semaphore, #tpu.memory_space<semaphore_mem>>) src(%dma_wait3A_34 : memref<3136xf32, #tpu.memory_space<hbm>>) dst(%arg10 : memref<3136xf32, #tpu.memory_space<vmem>>)
    %scan3A_35 = arith.constant 0 : i32
    %scan3A_36 = arith.constant 196 : i32
    %scan3A_37 = arith.addi %scan3A_35, %scan3A_36 : i32
    %scan3A_38 = arith.constant 4 : i32
    scf.for %scan3A_245 = %scan3A_35 to %scan3A_37 step %scan3A_38  : i32 {
      %mul3A_246 = arith.constant 16 : i32
      %mul3A_247 = arith.muli %scan3A_245, %mul3A_246 : i32
      %get3A = arith.index_cast %mul3A_247 : i32 to index
      %get3A_248 = tpu.vector_load %arg9[%get3A] {strides = array<i32>} : memref<3136xf32, #tpu.memory_space<vmem>>, vector<16xf32>,
      %get3A_249 = arith.index_cast %mul3A_247 : i32 to index
      %get3A_250 = tpu.vector_load %arg10[%get3A_249] {strides = array<i32>} : memref<3136xf32, #tpu.memory_space<vmem>>, vector<16xf32>,
      %add3A = arith.addf %get3A_248, %get3A_250 : vector<16xf32>
      %swap3A = arith.index_cast %mul3A_247 : i32 to index
      %swap3A_251 = tpu.vector_load %arg9[%swap3A] {strides = array<i32>} : memref<3136xf32, #tpu.memory_space<vmem>>, vector<16xf32>,
      tpu.vector_store %arg9[%swap3A], %add3A {strides = array<i32>} : memref<3136xf32, #tpu.memory_space<vmem>>, vector<16xf32>,
      %scan3A_252 = arith.constant 1 : i32
      %scan3A_253 = arith.addi %scan3A_245, %scan3A_252 : i32
      %mul3A_254 = arith.constant 16 : i32
      %mul3A_255 = arith.muli %scan3A_253, %mul3A_254 : i32
      %get3A_256 = arith.index_cast %mul3A_255 : i32 to index
      %get3A_257 = tpu.vector_load %arg9[%get3A_256] {strides = array<i32>} : memref<3136xf32, #tpu.memory_space<vmem>>, vector<16xf32>,
      %get3A_258 = arith.index_cast %mul3A_255 : i32 to index
      %get3A_259 = tpu.vector_load %arg10[%get3A_258] {strides = array<i32>} : memref<3136xf32, #tpu.memory_space<vmem>>, vector<16xf32>,
      %add3A_260 = arith.addf %get3A_257, %get3A_259 : vector<16xf32>
      %swap3A_261 = arith.index_cast %mul3A_255 : i32 to index
      %swap3A_262 = tpu.vector_load %arg9[%swap3A_261] {strides = array<i32>} : memref<3136xf32, #tpu.memory_space<vmem>>, vector<16xf32>,
      tpu.vector_store %arg9[%swap3A_261], %add3A_260 {strides = array<i32>} : memref<3136xf32, #tpu.memory_space<vmem>>, vector<16xf32>,
      %scan3A_263 = arith.constant 2 : i32
      %scan3A_264 = arith.addi %scan3A_245, %scan3A_263 : i32
      %mul3A_265 = arith.constant 16 : i32
      %mul3A_266 = arith.muli %scan3A_264, %mul3A_265 : i32
      %get3A_267 = arith.index_cast %mul3A_266 : i32 to index
      %get3A_268 = tpu.vector_load %arg9[%get3A_267] {strides = array<i32>} : memref<3136xf32, #tpu.memory_space<vmem>>, vector<16xf32>,
      %get3A_269 = arith.index_cast %mul3A_266 : i32 to index
      %get3A_270 = tpu.vector_load %arg10[%get3A_269] {strides = array<i32>} : memref<3136xf32, #tpu.memory_space<vmem>>, vector<16xf32>,
      %add3A_271 = arith.addf %get3A_268, %get3A_270 : vector<16xf32>
      %swap3A_272 = arith.index_cast %mul3A_266 : i32 to index
      %swap3A_273 = tpu.vector_load %arg9[%swap3A_272] {strides = array<i32>} : memref<3136xf32, #tpu.memory_space<vmem>>, vector<16xf32>,
      tpu.vector_store %arg9[%swap3A_272], %add3A_271 {strides = array<i32>} : memref<3136xf32, #tpu.memory_space<vmem>>, vector<16xf32>,
      %scan3A_274 = arith.constant 3 : i32
      %scan3A_275 = arith.addi %scan3A_245, %scan3A_274 : i32
      %mul3A_276 = arith.constant 16 : i32
      %mul3A_277 = arith.muli %scan3A_275, %mul3A_276 : i32
      %get3A_278 = arith.index_cast %mul3A_277 : i32 to index
      %get3A_279 = tpu.vector_load %arg9[%get3A_278] {strides = array<i32>} : memref<3136xf32, #tpu.memory_space<vmem>>, vector<16xf32>,
      %get3A_280 = arith.index_cast %mul3A_277 : i32 to index
      %get3A_281 = tpu.vector_load %arg10[%get3A_280] {strides = array<i32>} : memref<3136xf32, #tpu.memory_space<vmem>>, vector<16xf32>,
      %add3A_282 = arith.addf %get3A_279, %get3A_281 : vector<16xf32>
      %swap3A_283 = arith.index_cast %mul3A_277 : i32 to index
      %swap3A_284 = tpu.vector_load %arg9[%swap3A_283] {strides = array<i32>} : memref<3136xf32, #tpu.memory_space<vmem>>, vector<16xf32>,
      tpu.vector_store %arg9[%swap3A_283], %add3A_282 {strides = array<i32>} : memref<3136xf32, #tpu.memory_space<vmem>>, vector<16xf32>,
    }
    %scan3A_39 = arith.constant 196 : i32
    %dma_start3A_40 = arith.constant 3 : i32
    %dma_start3A_41 = tpu.memref_slice %arg4[%arg0, %dma_start3A_40, %mul3A_21] : memref<2x16x50176xf32, #tpu.memory_space<hbm>> -> memref<1x1x3136xf32, #tpu.memory_space<hbm>>
    %dma_start3A_42 = tpu.memref_squeeze %dma_start3A_41 : memref<1x1x3136xf32, #tpu.memory_space<hbm>> -> memref<3136xf32, #tpu.memory_space<hbm>>
    %dma_start3A_43 = tpu.memref_slice %arg4[%arg0, %dma_start3A_40, %mul3A_21] : memref<2x16x50176xf32, #tpu.memory_space<hbm>> -> memref<1x1x3136xf32, #tpu.memory_space<hbm>>
    %dma_start3A_44 = tpu.memref_squeeze %dma_start3A_43 : memref<1x1x3136xf32, #tpu.memory_space<hbm>> -> memref<3136xf32, #tpu.memory_space<hbm>>
    tpu.enqueue_dma source(%dma_start3A_44 : memref<3136xf32, #tpu.memory_space<hbm>>) target(%arg10 : memref<3136xf32, #tpu.memory_space<vmem>>) target_semaphore(%arg14 : memref<!tpu.dma_semaphore, #tpu.memory_space<semaphore_mem>>)
    %dma_wait3A_45 = arith.constant 0 : i32
    %dma_wait3A_46 = tpu.memref_slice %arg4[%arg0, %dma_wait3A_45, %mul3A_21] : memref<2x16x50176xf32, #tpu.memory_space<hbm>> -> memref<1x1x3136xf32, #tpu.memory_space<hbm>>
    %dma_wait3A_47 = tpu.memref_squeeze %dma_wait3A_46 : memref<1x1x3136xf32, #tpu.memory_space<hbm>> -> memref<3136xf32, #tpu.memory_space<hbm>>
    %dma_wait3A_48 = tpu.memref_slice %arg4[%arg0, %dma_wait3A_45, %mul3A_21] : memref<2x16x50176xf32, #tpu.memory_space<hbm>> -> memref<1x1x3136xf32, #tpu.memory_space<hbm>>
    %dma_wait3A_49 = tpu.memref_squeeze %dma_wait3A_48 : memref<1x1x3136xf32, #tpu.memory_space<hbm>> -> memref<3136xf32, #tpu.memory_space<hbm>>
    tpu.wait_dma2 semaphore(%arg15 : memref<!tpu.dma_semaphore, #tpu.memory_space<semaphore_mem>>) src(%dma_wait3A_49 : memref<3136xf32, #tpu.memory_space<hbm>>) dst(%arg11 : memref<3136xf32, #tpu.memory_space<vmem>>)
    %scan3A_50 = arith.constant 0 : i32
    %scan3A_51 = arith.constant 196 : i32
    %scan3A_52 = arith.addi %scan3A_50, %scan3A_51 : i32
    %scan3A_53 = arith.constant 4 : i32
    scf.for %scan3A_245 = %scan3A_50 to %scan3A_52 step %scan3A_53  : i32 {
      %mul3A_246 = arith.constant 16 : i32
      %mul3A_247 = arith.muli %scan3A_245, %mul3A_246 : i32
      %get3A = arith.index_cast %mul3A_247 : i32 to index
      %get3A_248 = tpu.vector_load %arg9[%get3A] {strides = array<i32>} : memref<3136xf32, #tpu.memory_space<vmem>>, vector<16xf32>,
      %get3A_249 = arith.index_cast %mul3A_247 : i32 to index
      %get3A_250 = tpu.vector_load %arg11[%get3A_249] {strides = array<i32>} : memref<3136xf32, #tpu.memory_space<vmem>>, vector<16xf32>,
      %add3A = arith.addf %get3A_248, %get3A_250 : vector<16xf32>
      %swap3A = arith.index_cast %mul3A_247 : i32 to index
      %swap3A_251 = tpu.vector_load %arg9[%swap3A] {strides = array<i32>} : memref<3136xf32, #tpu.memory_space<vmem>>, vector<16xf32>,
      tpu.vector_store %arg9[%swap3A], %add3A {strides = array<i32>} : memref<3136xf32, #tpu.memory_space<vmem>>, vector<16xf32>,
      %scan3A_252 = arith.constant 1 : i32
      %scan3A_253 = arith.addi %scan3A_245, %scan3A_252 : i32
      %mul3A_254 = arith.constant 16 : i32
      %mul3A_255 = arith.muli %scan3A_253, %mul3A_254 : i32
      %get3A_256 = arith.index_cast %mul3A_255 : i32 to index
      %get3A_257 = tpu.vector_load %arg9[%get3A_256] {strides = array<i32>} : memref<3136xf32, #tpu.memory_space<vmem>>, vector<16xf32>,
      %get3A_258 = arith.index_cast %mul3A_255 : i32 to index
      %get3A_259 = tpu.vector_load %arg11[%get3A_258] {strides = array<i32>} : memref<3136xf32, #tpu.memory_space<vmem>>, vector<16xf32>,
      %add3A_260 = arith.addf %get3A_257, %get3A_259 : vector<16xf32>
      %swap3A_261 = arith.index_cast %mul3A_255 : i32 to index
      %swap3A_262 = tpu.vector_load %arg9[%swap3A_261] {strides = array<i32>} : memref<3136xf32, #tpu.memory_space<vmem>>, vector<16xf32>,
      tpu.vector_store %arg9[%swap3A_261], %add3A_260 {strides = array<i32>} : memref<3136xf32, #tpu.memory_space<vmem>>, vector<16xf32>,
      %scan3A_263 = arith.constant 2 : i32
      %scan3A_264 = arith.addi %scan3A_245, %scan3A_263 : i32
      %mul3A_265 = arith.constant 16 : i32
      %mul3A_266 = arith.muli %scan3A_264, %mul3A_265 : i32
      %get3A_267 = arith.index_cast %mul3A_266 : i32 to index
      %get3A_268 = tpu.vector_load %arg9[%get3A_267] {strides = array<i32>} : memref<3136xf32, #tpu.memory_space<vmem>>, vector<16xf32>,
      %get3A_269 = arith.index_cast %mul3A_266 : i32 to index
      %get3A_270 = tpu.vector_load %arg11[%get3A_269] {strides = array<i32>} : memref<3136xf32, #tpu.memory_space<vmem>>, vector<16xf32>,
      %add3A_271 = arith.addf %get3A_268, %get3A_270 : vector<16xf32>
      %swap3A_272 = arith.index_cast %mul3A_266 : i32 to index
      %swap3A_273 = tpu.vector_load %arg9[%swap3A_272] {strides = array<i32>} : memref<3136xf32, #tpu.memory_space<vmem>>, vector<16xf32>,
      tpu.vector_store %arg9[%swap3A_272], %add3A_271 {strides = array<i32>} : memref<3136xf32, #tpu.memory_space<vmem>>, vector<16xf32>,
      %scan3A_274 = arith.constant 3 : i32
      %scan3A_275 = arith.addi %scan3A_245, %scan3A_274 : i32
      %mul3A_276 = arith.constant 16 : i32
      %mul3A_277 = arith.muli %scan3A_275, %mul3A_276 : i32
      %get3A_278 = arith.index_cast %mul3A_277 : i32 to index
      %get3A_279 = tpu.vector_load %arg9[%get3A_278] {strides = array<i32>} : memref<3136xf32, #tpu.memory_space<vmem>>, vector<16xf32>,
      %get3A_280 = arith.index_cast %mul3A_277 : i32 to index
      %get3A_281 = tpu.vector_load %arg11[%get3A_280] {strides = array<i32>} : memref<3136xf32, #tpu.memory_space<vmem>>, vector<16xf32>,
      %add3A_282 = arith.addf %get3A_279, %get3A_281 : vector<16xf32>
      %swap3A_283 = arith.index_cast %mul3A_277 : i32 to index
      %swap3A_284 = tpu.vector_load %arg9[%swap3A_283] {strides = array<i32>} : memref<3136xf32, #tpu.memory_space<vmem>>, vector<16xf32>,
      tpu.vector_store %arg9[%swap3A_283], %add3A_282 {strides = array<i32>} : memref<3136xf32, #tpu.memory_space<vmem>>, vector<16xf32>,
    }
    %scan3A_54 = arith.constant 196 : i32
    %dma_start3A_55 = arith.constant 4 : i32
    %dma_start3A_56 = tpu.memref_slice %arg4[%arg0, %dma_start3A_55, %mul3A_21] : memref<2x16x50176xf32, #tpu.memory_space<hbm>> -> memref<1x1x3136xf32, #tpu.memory_space<hbm>>
    %dma_start3A_57 = tpu.memref_squeeze %dma_start3A_56 : memref<1x1x3136xf32, #tpu.memory_space<hbm>> -> memref<3136xf32, #tpu.memory_space<hbm>>
    %dma_start3A_58 = tpu.memref_slice %arg4[%arg0, %dma_start3A_55, %mul3A_21] : memref<2x16x50176xf32, #tpu.memory_space<hbm>> -> memref<1x1x3136xf32, #tpu.memory_space<hbm>>
    %dma_start3A_59 = tpu.memref_squeeze %dma_start3A_58 : memref<1x1x3136xf32, #tpu.memory_space<hbm>> -> memref<3136xf32, #tpu.memory_space<hbm>>
    tpu.enqueue_dma source(%dma_start3A_59 : memref<3136xf32, #tpu.memory_space<hbm>>) target(%arg11 : memref<3136xf32, #tpu.memory_space<vmem>>) target_semaphore(%arg15 : memref<!tpu.dma_semaphore, #tpu.memory_space<semaphore_mem>>)
    %dma_wait3A_60 = arith.constant 0 : i32
    %dma_wait3A_61 = tpu.memref_slice %arg4[%arg0, %dma_wait3A_60, %mul3A_21] : memref<2x16x50176xf32, #tpu.memory_space<hbm>> -> memref<1x1x3136xf32, #tpu.memory_space<hbm>>
    %dma_wait3A_62 = tpu.memref_squeeze %dma_wait3A_61 : memref<1x1x3136xf32, #tpu.memory_space<hbm>> -> memref<3136xf32, #tpu.memory_space<hbm>>
    %dma_wait3A_63 = tpu.memref_slice %arg4[%arg0, %dma_wait3A_60, %mul3A_21] : memref<2x16x50176xf32, #tpu.memory_space<hbm>> -> memref<1x1x3136xf32, #tpu.memory_space<hbm>>
    %dma_wait3A_64 = tpu.memref_squeeze %dma_wait3A_63 : memref<1x1x3136xf32, #tpu.memory_space<hbm>> -> memref<3136xf32, #tpu.memory_space<hbm>>
    tpu.wait_dma2 semaphore(%arg14 : memref<!tpu.dma_semaphore, #tpu.memory_space<semaphore_mem>>) src(%dma_wait3A_64 : memref<3136xf32, #tpu.memory_space<hbm>>) dst(%arg10 : memref<3136xf32, #tpu.memory_space<vmem>>)
    %scan3A_65 = arith.constant 0 : i32
    %scan3A_66 = arith.constant 196 : i32
    %scan3A_67 = arith.addi %scan3A_65, %scan3A_66 : i32
    %scan3A_68 = arith.constant 4 : i32
    scf.for %scan3A_245 = %scan3A_65 to %scan3A_67 step %scan3A_68  : i32 {
      %mul3A_246 = arith.constant 16 : i32
      %mul3A_247 = arith.muli %scan3A_245, %mul3A_246 : i32
      %get3A = arith.index_cast %mul3A_247 : i32 to index
      %get3A_248 = tpu.vector_load %arg9[%get3A] {strides = array<i32>} : memref<3136xf32, #tpu.memory_space<vmem>>, vector<16xf32>,
      %get3A_249 = arith.index_cast %mul3A_247 : i32 to index
      %get3A_250 = tpu.vector_load %arg10[%get3A_249] {strides = array<i32>} : memref<3136xf32, #tpu.memory_space<vmem>>, vector<16xf32>,
      %add3A = arith.addf %get3A_248, %get3A_250 : vector<16xf32>
      %swap3A = arith.index_cast %mul3A_247 : i32 to index
      %swap3A_251 = tpu.vector_load %arg9[%swap3A] {strides = array<i32>} : memref<3136xf32, #tpu.memory_space<vmem>>, vector<16xf32>,
      tpu.vector_store %arg9[%swap3A], %add3A {strides = array<i32>} : memref<3136xf32, #tpu.memory_space<vmem>>, vector<16xf32>,
      %scan3A_252 = arith.constant 1 : i32
      %scan3A_253 = arith.addi %scan3A_245, %scan3A_252 : i32
      %mul3A_254 = arith.constant 16 : i32
      %mul3A_255 = arith.muli %scan3A_253, %mul3A_254 : i32
      %get3A_256 = arith.index_cast %mul3A_255 : i32 to index
      %get3A_257 = tpu.vector_load %arg9[%get3A_256] {strides = array<i32>} : memref<3136xf32, #tpu.memory_space<vmem>>, vector<16xf32>,
      %get3A_258 = arith.index_cast %mul3A_255 : i32 to index
      %get3A_259 = tpu.vector_load %arg10[%get3A_258] {strides = array<i32>} : memref<3136xf32, #tpu.memory_space<vmem>>, vector<16xf32>,
      %add3A_260 = arith.addf %get3A_257, %get3A_259 : vector<16xf32>
      %swap3A_261 = arith.index_cast %mul3A_255 : i32 to index
      %swap3A_262 = tpu.vector_load %arg9[%swap3A_261] {strides = array<i32>} : memref<3136xf32, #tpu.memory_space<vmem>>, vector<16xf32>,
      tpu.vector_store %arg9[%swap3A_261], %add3A_260 {strides = array<i32>} : memref<3136xf32, #tpu.memory_space<vmem>>, vector<16xf32>,
      %scan3A_263 = arith.constant 2 : i32
      %scan3A_264 = arith.addi %scan3A_245, %scan3A_263 : i32
      %mul3A_265 = arith.constant 16 : i32
      %mul3A_266 = arith.muli %scan3A_264, %mul3A_265 : i32
      %get3A_267 = arith.index_cast %mul3A_266 : i32 to index
      %get3A_268 = tpu.vector_load %arg9[%get3A_267] {strides = array<i32>} : memref<3136xf32, #tpu.memory_space<vmem>>, vector<16xf32>,
      %get3A_269 = arith.index_cast %mul3A_266 : i32 to index
      %get3A_270 = tpu.vector_load %arg10[%get3A_269] {strides = array<i32>} : memref<3136xf32, #tpu.memory_space<vmem>>, vector<16xf32>,
      %add3A_271 = arith.addf %get3A_268, %get3A_270 : vector<16xf32>
      %swap3A_272 = arith.index_cast %mul3A_266 : i32 to index
      %swap3A_273 = tpu.vector_load %arg9[%swap3A_272] {strides = array<i32>} : memref<3136xf32, #tpu.memory_space<vmem>>, vector<16xf32>,
      tpu.vector_store %arg9[%swap3A_272], %add3A_271 {strides = array<i32>} : memref<3136xf32, #tpu.memory_space<vmem>>, vector<16xf32>,
      %scan3A_274 = arith.constant 3 : i32
      %scan3A_275 = arith.addi %scan3A_245, %scan3A_274 : i32
      %mul3A_276 = arith.constant 16 : i32
      %mul3A_277 = arith.muli %scan3A_275, %mul3A_276 : i32
      %get3A_278 = arith.index_cast %mul3A_277 : i32 to index
      %get3A_279 = tpu.vector_load %arg9[%get3A_278] {strides = array<i32>} : memref<3136xf32, #tpu.memory_space<vmem>>, vector<16xf32>,
      %get3A_280 = arith.index_cast %mul3A_277 : i32 to index
      %get3A_281 = tpu.vector_load %arg10[%get3A_280] {strides = array<i32>} : memref<3136xf32, #tpu.memory_space<vmem>>, vector<16xf32>,
      %add3A_282 = arith.addf %get3A_279, %get3A_281 : vector<16xf32>
      %swap3A_283 = arith.index_cast %mul3A_277 : i32 to index
      %swap3A_284 = tpu.vector_load %arg9[%swap3A_283] {strides = array<i32>} : memref<3136xf32, #tpu.memory_space<vmem>>, vector<16xf32>,
      tpu.vector_store %arg9[%swap3A_283], %add3A_282 {strides = array<i32>} : memref<3136xf32, #tpu.memory_space<vmem>>, vector<16xf32>,
    }
    %scan3A_69 = arith.constant 196 : i32
    %dma_start3A_70 = arith.constant 5 : i32
    %dma_start3A_71 = tpu.memref_slice %arg4[%arg0, %dma_start3A_70, %mul3A_21] : memref<2x16x50176xf32, #tpu.memory_space<hbm>> -> memref<1x1x3136xf32, #tpu.memory_space<hbm>>
    %dma_start3A_72 = tpu.memref_squeeze %dma_start3A_71 : memref<1x1x3136xf32, #tpu.memory_space<hbm>> -> memref<3136xf32, #tpu.memory_space<hbm>>
    %dma_start3A_73 = tpu.memref_slice %arg4[%arg0, %dma_start3A_70, %mul3A_21] : memref<2x16x50176xf32, #tpu.memory_space<hbm>> -> memref<1x1x3136xf32, #tpu.memory_space<hbm>>
    %dma_start3A_74 = tpu.memref_squeeze %dma_start3A_73 : memref<1x1x3136xf32, #tpu.memory_space<hbm>> -> memref<3136xf32, #tpu.memory_space<hbm>>
    tpu.enqueue_dma source(%dma_start3A_74 : memref<3136xf32, #tpu.memory_space<hbm>>) target(%arg10 : memref<3136xf32, #tpu.memory_space<vmem>>) target_semaphore(%arg14 : memref<!tpu.dma_semaphore, #tpu.memory_space<semaphore_mem>>)
    %dma_wait3A_75 = arith.constant 0 : i32
    %dma_wait3A_76 = tpu.memref_slice %arg4[%arg0, %dma_wait3A_75, %mul3A_21] : memref<2x16x50176xf32, #tpu.memory_space<hbm>> -> memref<1x1x3136xf32, #tpu.memory_space<hbm>>
    %dma_wait3A_77 = tpu.memref_squeeze %dma_wait3A_76 : memref<1x1x3136xf32, #tpu.memory_space<hbm>> -> memref<3136xf32, #tpu.memory_space<hbm>>
    %dma_wait3A_78 = tpu.memref_slice %arg4[%arg0, %dma_wait3A_75, %mul3A_21] : memref<2x16x50176xf32, #tpu.memory_space<hbm>> -> memref<1x1x3136xf32, #tpu.memory_space<hbm>>
    %dma_wait3A_79 = tpu.memref_squeeze %dma_wait3A_78 : memref<1x1x3136xf32, #tpu.memory_space<hbm>> -> memref<3136xf32, #tpu.memory_space<hbm>>
    tpu.wait_dma2 semaphore(%arg15 : memref<!tpu.dma_semaphore, #tpu.memory_space<semaphore_mem>>) src(%dma_wait3A_79 : memref<3136xf32, #tpu.memory_space<hbm>>) dst(%arg11 : memref<3136xf32, #tpu.memory_space<vmem>>)
    %scan3A_80 = arith.constant 0 : i32
    %scan3A_81 = arith.constant 196 : i32
    %scan3A_82 = arith.addi %scan3A_80, %scan3A_81 : i32
    %scan3A_83 = arith.constant 4 : i32
    scf.for %scan3A_245 = %scan3A_80 to %scan3A_82 step %scan3A_83  : i32 {
      %mul3A_246 = arith.constant 16 : i32
      %mul3A_247 = arith.muli %scan3A_245, %mul3A_246 : i32
      %get3A = arith.index_cast %mul3A_247 : i32 to index
      %get3A_248 = tpu.vector_load %arg9[%get3A] {strides = array<i32>} : memref<3136xf32, #tpu.memory_space<vmem>>, vector<16xf32>,
      %get3A_249 = arith.index_cast %mul3A_247 : i32 to index
      %get3A_250 = tpu.vector_load %arg11[%get3A_249] {strides = array<i32>} : memref<3136xf32, #tpu.memory_space<vmem>>, vector<16xf32>,
      %add3A = arith.addf %get3A_248, %get3A_250 : vector<16xf32>
      %swap3A = arith.index_cast %mul3A_247 : i32 to index
      %swap3A_251 = tpu.vector_load %arg9[%swap3A] {strides = array<i32>} : memref<3136xf32, #tpu.memory_space<vmem>>, vector<16xf32>,
      tpu.vector_store %arg9[%swap3A], %add3A {strides = array<i32>} : memref<3136xf32, #tpu.memory_space<vmem>>, vector<16xf32>,
      %scan3A_252 = arith.constant 1 : i32
      %scan3A_253 = arith.addi %scan3A_245, %scan3A_252 : i32
      %mul3A_254 = arith.constant 16 : i32
      %mul3A_255 = arith.muli %scan3A_253, %mul3A_254 : i32
      %get3A_256 = arith.index_cast %mul3A_255 : i32 to index
      %get3A_257 = tpu.vector_load %arg9[%get3A_256] {strides = array<i32>} : memref<3136xf32, #tpu.memory_space<vmem>>, vector<16xf32>,
      %get3A_258 = arith.index_cast %mul3A_255 : i32 to index
      %get3A_259 = tpu.vector_load %arg11[%get3A_258] {strides = array<i32>} : memref<3136xf32, #tpu.memory_space<vmem>>, vector<16xf32>,
      %add3A_260 = arith.addf %get3A_257, %get3A_259 : vector<16xf32>
      %swap3A_261 = arith.index_cast %mul3A_255 : i32 to index
      %swap3A_262 = tpu.vector_load %arg9[%swap3A_261] {strides = array<i32>} : memref<3136xf32, #tpu.memory_space<vmem>>, vector<16xf32>,
      tpu.vector_store %arg9[%swap3A_261], %add3A_260 {strides = array<i32>} : memref<3136xf32, #tpu.memory_space<vmem>>, vector<16xf32>,
      %scan3A_263 = arith.constant 2 : i32
      %scan3A_264 = arith.addi %scan3A_245, %scan3A_263 : i32
      %mul3A_265 = arith.constant 16 : i32
      %mul3A_266 = arith.muli %scan3A_264, %mul3A_265 : i32
      %get3A_267 = arith.index_cast %mul3A_266 : i32 to index
      %get3A_268 = tpu.vector_load %arg9[%get3A_267] {strides = array<i32>} : memref<3136xf32, #tpu.memory_space<vmem>>, vector<16xf32>,
      %get3A_269 = arith.index_cast %mul3A_266 : i32 to index
      %get3A_270 = tpu.vector_load %arg11[%get3A_269] {strides = array<i32>} : memref<3136xf32, #tpu.memory_space<vmem>>, vector<16xf32>,
      %add3A_271 = arith.addf %get3A_268, %get3A_270 : vector<16xf32>
      %swap3A_272 = arith.index_cast %mul3A_266 : i32 to index
      %swap3A_273 = tpu.vector_load %arg9[%swap3A_272] {strides = array<i32>} : memref<3136xf32, #tpu.memory_space<vmem>>, vector<16xf32>,
      tpu.vector_store %arg9[%swap3A_272], %add3A_271 {strides = array<i32>} : memref<3136xf32, #tpu.memory_space<vmem>>, vector<16xf32>,
      %scan3A_274 = arith.constant 3 : i32
      %scan3A_275 = arith.addi %scan3A_245, %scan3A_274 : i32
      %mul3A_276 = arith.constant 16 : i32
      %mul3A_277 = arith.muli %scan3A_275, %mul3A_276 : i32
      %get3A_278 = arith.index_cast %mul3A_277 : i32 to index
      %get3A_279 = tpu.vector_load %arg9[%get3A_278] {strides = array<i32>} : memref<3136xf32, #tpu.memory_space<vmem>>, vector<16xf32>,
      %get3A_280 = arith.index_cast %mul3A_277 : i32 to index
      %get3A_281 = tpu.vector_load %arg11[%get3A_280] {strides = array<i32>} : memref<3136xf32, #tpu.memory_space<vmem>>, vector<16xf32>,
      %add3A_282 = arith.addf %get3A_279, %get3A_281 : vector<16xf32>
      %swap3A_283 = arith.index_cast %mul3A_277 : i32 to index
      %swap3A_284 = tpu.vector_load %arg9[%swap3A_283] {strides = array<i32>} : memref<3136xf32, #tpu.memory_space<vmem>>, vector<16xf32>,
      tpu.vector_store %arg9[%swap3A_283], %add3A_282 {strides = array<i32>} : memref<3136xf32, #tpu.memory_space<vmem>>, vector<16xf32>,
    }
    %scan3A_84 = arith.constant 196 : i32
    %dma_start3A_85 = arith.constant 6 : i32
    %dma_start3A_86 = tpu.memref_slice %arg4[%arg0, %dma_start3A_85, %mul3A_21] : memref<2x16x50176xf32, #tpu.memory_space<hbm>> -> memref<1x1x3136xf32, #tpu.memory_space<hbm>>
    %dma_start3A_87 = tpu.memref_squeeze %dma_start3A_86 : memref<1x1x3136xf32, #tpu.memory_space<hbm>> -> memref<3136xf32, #tpu.memory_space<hbm>>
    %dma_start3A_88 = tpu.memref_slice %arg4[%arg0, %dma_start3A_85, %mul3A_21] : memref<2x16x50176xf32, #tpu.memory_space<hbm>> -> memref<1x1x3136xf32, #tpu.memory_space<hbm>>
    %dma_start3A_89 = tpu.memref_squeeze %dma_start3A_88 : memref<1x1x3136xf32, #tpu.memory_space<hbm>> -> memref<3136xf32, #tpu.memory_space<hbm>>
    tpu.enqueue_dma source(%dma_start3A_89 : memref<3136xf32, #tpu.memory_space<hbm>>) target(%arg11 : memref<3136xf32, #tpu.memory_space<vmem>>) target_semaphore(%arg15 : memref<!tpu.dma_semaphore, #tpu.memory_space<semaphore_mem>>)
    %dma_wait3A_90 = arith.constant 0 : i32
    %dma_wait3A_91 = tpu.memref_slice %arg4[%arg0, %dma_wait3A_90, %mul3A_21] : memref<2x16x50176xf32, #tpu.memory_space<hbm>> -> memref<1x1x3136xf32, #tpu.memory_space<hbm>>
    %dma_wait3A_92 = tpu.memref_squeeze %dma_wait3A_91 : memref<1x1x3136xf32, #tpu.memory_space<hbm>> -> memref<3136xf32, #tpu.memory_space<hbm>>
    %dma_wait3A_93 = tpu.memref_slice %arg4[%arg0, %dma_wait3A_90, %mul3A_21] : memref<2x16x50176xf32, #tpu.memory_space<hbm>> -> memref<1x1x3136xf32, #tpu.memory_space<hbm>>
    %dma_wait3A_94 = tpu.memref_squeeze %dma_wait3A_93 : memref<1x1x3136xf32, #tpu.memory_space<hbm>> -> memref<3136xf32, #tpu.memory_space<hbm>>
    tpu.wait_dma2 semaphore(%arg14 : memref<!tpu.dma_semaphore, #tpu.memory_space<semaphore_mem>>) src(%dma_wait3A_94 : memref<3136xf32, #tpu.memory_space<hbm>>) dst(%arg10 : memref<3136xf32, #tpu.memory_space<vmem>>)
    %scan3A_95 = arith.constant 0 : i32
    %scan3A_96 = arith.constant 196 : i32
    %scan3A_97 = arith.addi %scan3A_95, %scan3A_96 : i32
    %scan3A_98 = arith.constant 4 : i32
    scf.for %scan3A_245 = %scan3A_95 to %scan3A_97 step %scan3A_98  : i32 {
      %mul3A_246 = arith.constant 16 : i32
      %mul3A_247 = arith.muli %scan3A_245, %mul3A_246 : i32
      %get3A = arith.index_cast %mul3A_247 : i32 to index
      %get3A_248 = tpu.vector_load %arg9[%get3A] {strides = array<i32>} : memref<3136xf32, #tpu.memory_space<vmem>>, vector<16xf32>,
      %get3A_249 = arith.index_cast %mul3A_247 : i32 to index
      %get3A_250 = tpu.vector_load %arg10[%get3A_249] {strides = array<i32>} : memref<3136xf32, #tpu.memory_space<vmem>>, vector<16xf32>,
      %add3A = arith.addf %get3A_248, %get3A_250 : vector<16xf32>
      %swap3A = arith.index_cast %mul3A_247 : i32 to index
      %swap3A_251 = tpu.vector_load %arg9[%swap3A] {strides = array<i32>} : memref<3136xf32, #tpu.memory_space<vmem>>, vector<16xf32>,
      tpu.vector_store %arg9[%swap3A], %add3A {strides = array<i32>} : memref<3136xf32, #tpu.memory_space<vmem>>, vector<16xf32>,
      %scan3A_252 = arith.constant 1 : i32
      %scan3A_253 = arith.addi %scan3A_245, %scan3A_252 : i32
      %mul3A_254 = arith.constant 16 : i32
      %mul3A_255 = arith.muli %scan3A_253, %mul3A_254 : i32
      %get3A_256 = arith.index_cast %mul3A_255 : i32 to index
      %get3A_257 = tpu.vector_load %arg9[%get3A_256] {strides = array<i32>} : memref<3136xf32, #tpu.memory_space<vmem>>, vector<16xf32>,
      %get3A_258 = arith.index_cast %mul3A_255 : i32 to index
      %get3A_259 = tpu.vector_load %arg10[%get3A_258] {strides = array<i32>} : memref<3136xf32, #tpu.memory_space<vmem>>, vector<16xf32>,
      %add3A_260 = arith.addf %get3A_257, %get3A_259 : vector<16xf32>
      %swap3A_261 = arith.index_cast %mul3A_255 : i32 to index
      %swap3A_262 = tpu.vector_load %arg9[%swap3A_261] {strides = array<i32>} : memref<3136xf32, #tpu.memory_space<vmem>>, vector<16xf32>,
      tpu.vector_store %arg9[%swap3A_261], %add3A_260 {strides = array<i32>} : memref<3136xf32, #tpu.memory_space<vmem>>, vector<16xf32>,
      %scan3A_263 = arith.constant 2 : i32
      %scan3A_264 = arith.addi %scan3A_245, %scan3A_263 : i32
      %mul3A_265 = arith.constant 16 : i32
      %mul3A_266 = arith.muli %scan3A_264, %mul3A_265 : i32
      %get3A_267 = arith.index_cast %mul3A_266 : i32 to index
      %get3A_268 = tpu.vector_load %arg9[%get3A_267] {strides = array<i32>} : memref<3136xf32, #tpu.memory_space<vmem>>, vector<16xf32>,
      %get3A_269 = arith.index_cast %mul3A_266 : i32 to index
      %get3A_270 = tpu.vector_load %arg10[%get3A_269] {strides = array<i32>} : memref<3136xf32, #tpu.memory_space<vmem>>, vector<16xf32>,
      %add3A_271 = arith.addf %get3A_268, %get3A_270 : vector<16xf32>
      %swap3A_272 = arith.index_cast %mul3A_266 : i32 to index
      %swap3A_273 = tpu.vector_load %arg9[%swap3A_272] {strides = array<i32>} : memref<3136xf32, #tpu.memory_space<vmem>>, vector<16xf32>,
      tpu.vector_store %arg9[%swap3A_272], %add3A_271 {strides = array<i32>} : memref<3136xf32, #tpu.memory_space<vmem>>, vector<16xf32>,
      %scan3A_274 = arith.constant 3 : i32
      %scan3A_275 = arith.addi %scan3A_245, %scan3A_274 : i32
      %mul3A_276 = arith.constant 16 : i32
      %mul3A_277 = arith.muli %scan3A_275, %mul3A_276 : i32
      %get3A_278 = arith.index_cast %mul3A_277 : i32 to index
      %get3A_279 = tpu.vector_load %arg9[%get3A_278] {strides = array<i32>} : memref<3136xf32, #tpu.memory_space<vmem>>, vector<16xf32>,
      %get3A_280 = arith.index_cast %mul3A_277 : i32 to index
      %get3A_281 = tpu.vector_load %arg10[%get3A_280] {strides = array<i32>} : memref<3136xf32, #tpu.memory_space<vmem>>, vector<16xf32>,
      %add3A_282 = arith.addf %get3A_279, %get3A_281 : vector<16xf32>
      %swap3A_283 = arith.index_cast %mul3A_277 : i32 to index
      %swap3A_284 = tpu.vector_load %arg9[%swap3A_283] {strides = array<i32>} : memref<3136xf32, #tpu.memory_space<vmem>>, vector<16xf32>,
      tpu.vector_store %arg9[%swap3A_283], %add3A_282 {strides = array<i32>} : memref<3136xf32, #tpu.memory_space<vmem>>, vector<16xf32>,
    }
    %scan3A_99 = arith.constant 196 : i32
    %dma_start3A_100 = arith.constant 7 : i32
    %dma_start3A_101 = tpu.memref_slice %arg4[%arg0, %dma_start3A_100, %mul3A_21] : memref<2x16x50176xf32, #tpu.memory_space<hbm>> -> memref<1x1x3136xf32, #tpu.memory_space<hbm>>
    %dma_start3A_102 = tpu.memref_squeeze %dma_start3A_101 : memref<1x1x3136xf32, #tpu.memory_space<hbm>> -> memref<3136xf32, #tpu.memory_space<hbm>>
    %dma_start3A_103 = tpu.memref_slice %arg4[%arg0, %dma_start3A_100, %mul3A_21] : memref<2x16x50176xf32, #tpu.memory_space<hbm>> -> memref<1x1x3136xf32, #tpu.memory_space<hbm>>
    %dma_start3A_104 = tpu.memref_squeeze %dma_start3A_103 : memref<1x1x3136xf32, #tpu.memory_space<hbm>> -> memref<3136xf32, #tpu.memory_space<hbm>>
    tpu.enqueue_dma source(%dma_start3A_104 : memref<3136xf32, #tpu.memory_space<hbm>>) target(%arg10 : memref<3136xf32, #tpu.memory_space<vmem>>) target_semaphore(%arg14 : memref<!tpu.dma_semaphore, #tpu.memory_space<semaphore_mem>>)
    %dma_wait3A_105 = arith.constant 0 : i32
    %dma_wait3A_106 = tpu.memref_slice %arg4[%arg0, %dma_wait3A_105, %mul3A_21] : memref<2x16x50176xf32, #tpu.memory_space<hbm>> -> memref<1x1x3136xf32, #tpu.memory_space<hbm>>
    %dma_wait3A_107 = tpu.memref_squeeze %dma_wait3A_106 : memref<1x1x3136xf32, #tpu.memory_space<hbm>> -> memref<3136xf32, #tpu.memory_space<hbm>>
    %dma_wait3A_108 = tpu.memref_slice %arg4[%arg0, %dma_wait3A_105, %mul3A_21] : memref<2x16x50176xf32, #tpu.memory_space<hbm>> -> memref<1x1x3136xf32, #tpu.memory_space<hbm>>
    %dma_wait3A_109 = tpu.memref_squeeze %dma_wait3A_108 : memref<1x1x3136xf32, #tpu.memory_space<hbm>> -> memref<3136xf32, #tpu.memory_space<hbm>>
    tpu.wait_dma2 semaphore(%arg15 : memref<!tpu.dma_semaphore, #tpu.memory_space<semaphore_mem>>) src(%dma_wait3A_109 : memref<3136xf32, #tpu.memory_space<hbm>>) dst(%arg11 : memref<3136xf32, #tpu.memory_space<vmem>>)
    %scan3A_110 = arith.constant 0 : i32
    %scan3A_111 = arith.constant 196 : i32
    %scan3A_112 = arith.addi %scan3A_110, %scan3A_111 : i32
    %scan3A_113 = arith.constant 4 : i32
    scf.for %scan3A_245 = %scan3A_110 to %scan3A_112 step %scan3A_113  : i32 {
      %mul3A_246 = arith.constant 16 : i32
      %mul3A_247 = arith.muli %scan3A_245, %mul3A_246 : i32
      %get3A = arith.index_cast %mul3A_247 : i32 to index
      %get3A_248 = tpu.vector_load %arg9[%get3A] {strides = array<i32>} : memref<3136xf32, #tpu.memory_space<vmem>>, vector<16xf32>,
      %get3A_249 = arith.index_cast %mul3A_247 : i32 to index
      %get3A_250 = tpu.vector_load %arg11[%get3A_249] {strides = array<i32>} : memref<3136xf32, #tpu.memory_space<vmem>>, vector<16xf32>,
      %add3A = arith.addf %get3A_248, %get3A_250 : vector<16xf32>
      %swap3A = arith.index_cast %mul3A_247 : i32 to index
      %swap3A_251 = tpu.vector_load %arg9[%swap3A] {strides = array<i32>} : memref<3136xf32, #tpu.memory_space<vmem>>, vector<16xf32>,
      tpu.vector_store %arg9[%swap3A], %add3A {strides = array<i32>} : memref<3136xf32, #tpu.memory_space<vmem>>, vector<16xf32>,
      %scan3A_252 = arith.constant 1 : i32
      %scan3A_253 = arith.addi %scan3A_245, %scan3A_252 : i32
      %mul3A_254 = arith.constant 16 : i32
      %mul3A_255 = arith.muli %scan3A_253, %mul3A_254 : i32
      %get3A_256 = arith.index_cast %mul3A_255 : i32 to index
      %get3A_257 = tpu.vector_load %arg9[%get3A_256] {strides = array<i32>} : memref<3136xf32, #tpu.memory_space<vmem>>, vector<16xf32>,
      %get3A_258 = arith.index_cast %mul3A_255 : i32 to index
      %get3A_259 = tpu.vector_load %arg11[%get3A_258] {strides = array<i32>} : memref<3136xf32, #tpu.memory_space<vmem>>, vector<16xf32>,
      %add3A_260 = arith.addf %get3A_257, %get3A_259 : vector<16xf32>
      %swap3A_261 = arith.index_cast %mul3A_255 : i32 to index
      %swap3A_262 = tpu.vector_load %arg9[%swap3A_261] {strides = array<i32>} : memref<3136xf32, #tpu.memory_space<vmem>>, vector<16xf32>,
      tpu.vector_store %arg9[%swap3A_261], %add3A_260 {strides = array<i32>} : memref<3136xf32, #tpu.memory_space<vmem>>, vector<16xf32>,
      %scan3A_263 = arith.constant 2 : i32
      %scan3A_264 = arith.addi %scan3A_245, %scan3A_263 : i32
      %mul3A_265 = arith.constant 16 : i32
      %mul3A_266 = arith.muli %scan3A_264, %mul3A_265 : i32
      %get3A_267 = arith.index_cast %mul3A_266 : i32 to index
      %get3A_268 = tpu.vector_load %arg9[%get3A_267] {strides = array<i32>} : memref<3136xf32, #tpu.memory_space<vmem>>, vector<16xf32>,
      %get3A_269 = arith.index_cast %mul3A_266 : i32 to index
      %get3A_270 = tpu.vector_load %arg11[%get3A_269] {strides = array<i32>} : memref<3136xf32, #tpu.memory_space<vmem>>, vector<16xf32>,
      %add3A_271 = arith.addf %get3A_268, %get3A_270 : vector<16xf32>
      %swap3A_272 = arith.index_cast %mul3A_266 : i32 to index
      %swap3A_273 = tpu.vector_load %arg9[%swap3A_272] {strides = array<i32>} : memref<3136xf32, #tpu.memory_space<vmem>>, vector<16xf32>,
      tpu.vector_store %arg9[%swap3A_272], %add3A_271 {strides = array<i32>} : memref<3136xf32, #tpu.memory_space<vmem>>, vector<16xf32>,
      %scan3A_274 = arith.constant 3 : i32
      %scan3A_275 = arith.addi %scan3A_245, %scan3A_274 : i32
      %mul3A_276 = arith.constant 16 : i32
      %mul3A_277 = arith.muli %scan3A_275, %mul3A_276 : i32
      %get3A_278 = arith.index_cast %mul3A_277 : i32 to index
      %get3A_279 = tpu.vector_load %arg9[%get3A_278] {strides = array<i32>} : memref<3136xf32, #tpu.memory_space<vmem>>, vector<16xf32>,
      %get3A_280 = arith.index_cast %mul3A_277 : i32 to index
      %get3A_281 = tpu.vector_load %arg11[%get3A_280] {strides = array<i32>} : memref<3136xf32, #tpu.memory_space<vmem>>, vector<16xf32>,
      %add3A_282 = arith.addf %get3A_279, %get3A_281 : vector<16xf32>
      %swap3A_283 = arith.index_cast %mul3A_277 : i32 to index
      %swap3A_284 = tpu.vector_load %arg9[%swap3A_283] {strides = array<i32>} : memref<3136xf32, #tpu.memory_space<vmem>>, vector<16xf32>,
      tpu.vector_store %arg9[%swap3A_283], %add3A_282 {strides = array<i32>} : memref<3136xf32, #tpu.memory_space<vmem>>, vector<16xf32>,
    }
    %scan3A_114 = arith.constant 196 : i32
    %dma_start3A_115 = arith.constant 8 : i32
    %dma_start3A_116 = tpu.memref_slice %arg4[%arg0, %dma_start3A_115, %mul3A_21] : memref<2x16x50176xf32, #tpu.memory_space<hbm>> -> memref<1x1x3136xf32, #tpu.memory_space<hbm>>
    %dma_start3A_117 = tpu.memref_squeeze %dma_start3A_116 : memref<1x1x3136xf32, #tpu.memory_space<hbm>> -> memref<3136xf32, #tpu.memory_space<hbm>>
    %dma_start3A_118 = tpu.memref_slice %arg4[%arg0, %dma_start3A_115, %mul3A_21] : memref<2x16x50176xf32, #tpu.memory_space<hbm>> -> memref<1x1x3136xf32, #tpu.memory_space<hbm>>
    %dma_start3A_119 = tpu.memref_squeeze %dma_start3A_118 : memref<1x1x3136xf32, #tpu.memory_space<hbm>> -> memref<3136xf32, #tpu.memory_space<hbm>>
    tpu.enqueue_dma source(%dma_start3A_119 : memref<3136xf32, #tpu.memory_space<hbm>>) target(%arg11 : memref<3136xf32, #tpu.memory_space<vmem>>) target_semaphore(%arg15 : memref<!tpu.dma_semaphore, #tpu.memory_space<semaphore_mem>>)
    %dma_wait3A_120 = arith.constant 0 : i32
    %dma_wait3A_121 = tpu.memref_slice %arg4[%arg0, %dma_wait3A_120, %mul3A_21] : memref<2x16x50176xf32, #tpu.memory_space<hbm>> -> memref<1x1x3136xf32, #tpu.memory_space<hbm>>
    %dma_wait3A_122 = tpu.memref_squeeze %dma_wait3A_121 : memref<1x1x3136xf32, #tpu.memory_space<hbm>> -> memref<3136xf32, #tpu.memory_space<hbm>>
    %dma_wait3A_123 = tpu.memref_slice %arg4[%arg0, %dma_wait3A_120, %mul3A_21] : memref<2x16x50176xf32, #tpu.memory_space<hbm>> -> memref<1x1x3136xf32, #tpu.memory_space<hbm>>
    %dma_wait3A_124 = tpu.memref_squeeze %dma_wait3A_123 : memref<1x1x3136xf32, #tpu.memory_space<hbm>> -> memref<3136xf32, #tpu.memory_space<hbm>>
    tpu.wait_dma2 semaphore(%arg14 : memref<!tpu.dma_semaphore, #tpu.memory_space<semaphore_mem>>) src(%dma_wait3A_124 : memref<3136xf32, #tpu.memory_space<hbm>>) dst(%arg10 : memref<3136xf32, #tpu.memory_space<vmem>>)
    %scan3A_125 = arith.constant 0 : i32
    %scan3A_126 = arith.constant 196 : i32
    %scan3A_127 = arith.addi %scan3A_125, %scan3A_126 : i32
    %scan3A_128 = arith.constant 4 : i32
    scf.for %scan3A_245 = %scan3A_125 to %scan3A_127 step %scan3A_128  : i32 {
      %mul3A_246 = arith.constant 16 : i32
      %mul3A_247 = arith.muli %scan3A_245, %mul3A_246 : i32
      %get3A = arith.index_cast %mul3A_247 : i32 to index
      %get3A_248 = tpu.vector_load %arg9[%get3A] {strides = array<i32>} : memref<3136xf32, #tpu.memory_space<vmem>>, vector<16xf32>,
      %get3A_249 = arith.index_cast %mul3A_247 : i32 to index
      %get3A_250 = tpu.vector_load %arg10[%get3A_249] {strides = array<i32>} : memref<3136xf32, #tpu.memory_space<vmem>>, vector<16xf32>,
      %add3A = arith.addf %get3A_248, %get3A_250 : vector<16xf32>
      %swap3A = arith.index_cast %mul3A_247 : i32 to index
      %swap3A_251 = tpu.vector_load %arg9[%swap3A] {strides = array<i32>} : memref<3136xf32, #tpu.memory_space<vmem>>, vector<16xf32>,
      tpu.vector_store %arg9[%swap3A], %add3A {strides = array<i32>} : memref<3136xf32, #tpu.memory_space<vmem>>, vector<16xf32>,
      %scan3A_252 = arith.constant 1 : i32
      %scan3A_253 = arith.addi %scan3A_245, %scan3A_252 : i32
      %mul3A_254 = arith.constant 16 : i32
      %mul3A_255 = arith.muli %scan3A_253, %mul3A_254 : i32
      %get3A_256 = arith.index_cast %mul3A_255 : i32 to index
      %get3A_257 = tpu.vector_load %arg9[%get3A_256] {strides = array<i32>} : memref<3136xf32, #tpu.memory_space<vmem>>, vector<16xf32>,
      %get3A_258 = arith.index_cast %mul3A_255 : i32 to index
      %get3A_259 = tpu.vector_load %arg10[%get3A_258] {strides = array<i32>} : memref<3136xf32, #tpu.memory_space<vmem>>, vector<16xf32>,
      %add3A_260 = arith.addf %get3A_257, %get3A_259 : vector<16xf32>
      %swap3A_261 = arith.index_cast %mul3A_255 : i32 to index
      %swap3A_262 = tpu.vector_load %arg9[%swap3A_261] {strides = array<i32>} : memref<3136xf32, #tpu.memory_space<vmem>>, vector<16xf32>,
      tpu.vector_store %arg9[%swap3A_261], %add3A_260 {strides = array<i32>} : memref<3136xf32, #tpu.memory_space<vmem>>, vector<16xf32>,
      %scan3A_263 = arith.constant 2 : i32
      %scan3A_264 = arith.addi %scan3A_245, %scan3A_263 : i32
      %mul3A_265 = arith.constant 16 : i32
      %mul3A_266 = arith.muli %scan3A_264, %mul3A_265 : i32
      %get3A_267 = arith.index_cast %mul3A_266 : i32 to index
      %get3A_268 = tpu.vector_load %arg9[%get3A_267] {strides = array<i32>} : memref<3136xf32, #tpu.memory_space<vmem>>, vector<16xf32>,
      %get3A_269 = arith.index_cast %mul3A_266 : i32 to index
      %get3A_270 = tpu.vector_load %arg10[%get3A_269] {strides = array<i32>} : memref<3136xf32, #tpu.memory_space<vmem>>, vector<16xf32>,
      %add3A_271 = arith.addf %get3A_268, %get3A_270 : vector<16xf32>
      %swap3A_272 = arith.index_cast %mul3A_266 : i32 to index
      %swap3A_273 = tpu.vector_load %arg9[%swap3A_272] {strides = array<i32>} : memref<3136xf32, #tpu.memory_space<vmem>>, vector<16xf32>,
      tpu.vector_store %arg9[%swap3A_272], %add3A_271 {strides = array<i32>} : memref<3136xf32, #tpu.memory_space<vmem>>, vector<16xf32>,
      %scan3A_274 = arith.constant 3 : i32
      %scan3A_275 = arith.addi %scan3A_245, %scan3A_274 : i32
      %mul3A_276 = arith.constant 16 : i32
      %mul3A_277 = arith.muli %scan3A_275, %mul3A_276 : i32
      %get3A_278 = arith.index_cast %mul3A_277 : i32 to index
      %get3A_279 = tpu.vector_load %arg9[%get3A_278] {strides = array<i32>} : memref<3136xf32, #tpu.memory_space<vmem>>, vector<16xf32>,
      %get3A_280 = arith.index_cast %mul3A_277 : i32 to index
      %get3A_281 = tpu.vector_load %arg10[%get3A_280] {strides = array<i32>} : memref<3136xf32, #tpu.memory_space<vmem>>, vector<16xf32>,
      %add3A_282 = arith.addf %get3A_279, %get3A_281 : vector<16xf32>
      %swap3A_283 = arith.index_cast %mul3A_277 : i32 to index
      %swap3A_284 = tpu.vector_load %arg9[%swap3A_283] {strides = array<i32>} : memref<3136xf32, #tpu.memory_space<vmem>>, vector<16xf32>,
      tpu.vector_store %arg9[%swap3A_283], %add3A_282 {strides = array<i32>} : memref<3136xf32, #tpu.memory_space<vmem>>, vector<16xf32>,
    }
    %scan3A_129 = arith.constant 196 : i32
    %dma_start3A_130 = arith.constant 9 : i32
    %dma_start3A_131 = tpu.memref_slice %arg4[%arg0, %dma_start3A_130, %mul3A_21] : memref<2x16x50176xf32, #tpu.memory_space<hbm>> -> memref<1x1x3136xf32, #tpu.memory_space<hbm>>
    %dma_start3A_132 = tpu.memref_squeeze %dma_start3A_131 : memref<1x1x3136xf32, #tpu.memory_space<hbm>> -> memref<3136xf32, #tpu.memory_space<hbm>>
    %dma_start3A_133 = tpu.memref_slice %arg4[%arg0, %dma_start3A_130, %mul3A_21] : memref<2x16x50176xf32, #tpu.memory_space<hbm>> -> memref<1x1x3136xf32, #tpu.memory_space<hbm>>
    %dma_start3A_134 = tpu.memref_squeeze %dma_start3A_133 : memref<1x1x3136xf32, #tpu.memory_space<hbm>> -> memref<3136xf32, #tpu.memory_space<hbm>>
    tpu.enqueue_dma source(%dma_start3A_134 : memref<3136xf32, #tpu.memory_space<hbm>>) target(%arg10 : memref<3136xf32, #tpu.memory_space<vmem>>) target_semaphore(%arg14 : memref<!tpu.dma_semaphore, #tpu.memory_space<semaphore_mem>>)
    %dma_wait3A_135 = arith.constant 0 : i32
    %dma_wait3A_136 = tpu.memref_slice %arg4[%arg0, %dma_wait3A_135, %mul3A_21] : memref<2x16x50176xf32, #tpu.memory_space<hbm>> -> memref<1x1x3136xf32, #tpu.memory_space<hbm>>
    %dma_wait3A_137 = tpu.memref_squeeze %dma_wait3A_136 : memref<1x1x3136xf32, #tpu.memory_space<hbm>> -> memref<3136xf32, #tpu.memory_space<hbm>>
    %dma_wait3A_138 = tpu.memref_slice %arg4[%arg0, %dma_wait3A_135, %mul3A_21] : memref<2x16x50176xf32, #tpu.memory_space<hbm>> -> memref<1x1x3136xf32, #tpu.memory_space<hbm>>
    %dma_wait3A_139 = tpu.memref_squeeze %dma_wait3A_138 : memref<1x1x3136xf32, #tpu.memory_space<hbm>> -> memref<3136xf32, #tpu.memory_space<hbm>>
    tpu.wait_dma2 semaphore(%arg15 : memref<!tpu.dma_semaphore, #tpu.memory_space<semaphore_mem>>) src(%dma_wait3A_139 : memref<3136xf32, #tpu.memory_space<hbm>>) dst(%arg11 : memref<3136xf32, #tpu.memory_space<vmem>>)
    %scan3A_140 = arith.constant 0 : i32
    %scan3A_141 = arith.constant 196 : i32
    %scan3A_142 = arith.addi %scan3A_140, %scan3A_141 : i32
    %scan3A_143 = arith.constant 4 : i32
    scf.for %scan3A_245 = %scan3A_140 to %scan3A_142 step %scan3A_143  : i32 {
      %mul3A_246 = arith.constant 16 : i32
      %mul3A_247 = arith.muli %scan3A_245, %mul3A_246 : i32
      %get3A = arith.index_cast %mul3A_247 : i32 to index
      %get3A_248 = tpu.vector_load %arg9[%get3A] {strides = array<i32>} : memref<3136xf32, #tpu.memory_space<vmem>>, vector<16xf32>,
      %get3A_249 = arith.index_cast %mul3A_247 : i32 to index
      %get3A_250 = tpu.vector_load %arg11[%get3A_249] {strides = array<i32>} : memref<3136xf32, #tpu.memory_space<vmem>>, vector<16xf32>,
      %add3A = arith.addf %get3A_248, %get3A_250 : vector<16xf32>
      %swap3A = arith.index_cast %mul3A_247 : i32 to index
      %swap3A_251 = tpu.vector_load %arg9[%swap3A] {strides = array<i32>} : memref<3136xf32, #tpu.memory_space<vmem>>, vector<16xf32>,
      tpu.vector_store %arg9[%swap3A], %add3A {strides = array<i32>} : memref<3136xf32, #tpu.memory_space<vmem>>, vector<16xf32>,
      %scan3A_252 = arith.constant 1 : i32
      %scan3A_253 = arith.addi %scan3A_245, %scan3A_252 : i32
      %mul3A_254 = arith.constant 16 : i32
      %mul3A_255 = arith.muli %scan3A_253, %mul3A_254 : i32
      %get3A_256 = arith.index_cast %mul3A_255 : i32 to index
      %get3A_257 = tpu.vector_load %arg9[%get3A_256] {strides = array<i32>} : memref<3136xf32, #tpu.memory_space<vmem>>, vector<16xf32>,
      %get3A_258 = arith.index_cast %mul3A_255 : i32 to index
      %get3A_259 = tpu.vector_load %arg11[%get3A_258] {strides = array<i32>} : memref<3136xf32, #tpu.memory_space<vmem>>, vector<16xf32>,
      %add3A_260 = arith.addf %get3A_257, %get3A_259 : vector<16xf32>
      %swap3A_261 = arith.index_cast %mul3A_255 : i32 to index
      %swap3A_262 = tpu.vector_load %arg9[%swap3A_261] {strides = array<i32>} : memref<3136xf32, #tpu.memory_space<vmem>>, vector<16xf32>,
      tpu.vector_store %arg9[%swap3A_261], %add3A_260 {strides = array<i32>} : memref<3136xf32, #tpu.memory_space<vmem>>, vector<16xf32>,
      %scan3A_263 = arith.constant 2 : i32
      %scan3A_264 = arith.addi %scan3A_245, %scan3A_263 : i32
      %mul3A_265 = arith.constant 16 : i32
      %mul3A_266 = arith.muli %scan3A_264, %mul3A_265 : i32
      %get3A_267 = arith.index_cast %mul3A_266 : i32 to index
      %get3A_268 = tpu.vector_load %arg9[%get3A_267] {strides = array<i32>} : memref<3136xf32, #tpu.memory_space<vmem>>, vector<16xf32>,
      %get3A_269 = arith.index_cast %mul3A_266 : i32 to index
      %get3A_270 = tpu.vector_load %arg11[%get3A_269] {strides = array<i32>} : memref<3136xf32, #tpu.memory_space<vmem>>, vector<16xf32>,
      %add3A_271 = arith.addf %get3A_268, %get3A_270 : vector<16xf32>
      %swap3A_272 = arith.index_cast %mul3A_266 : i32 to index
      %swap3A_273 = tpu.vector_load %arg9[%swap3A_272] {strides = array<i32>} : memref<3136xf32, #tpu.memory_space<vmem>>, vector<16xf32>,
      tpu.vector_store %arg9[%swap3A_272], %add3A_271 {strides = array<i32>} : memref<3136xf32, #tpu.memory_space<vmem>>, vector<16xf32>,
      %scan3A_274 = arith.constant 3 : i32
      %scan3A_275 = arith.addi %scan3A_245, %scan3A_274 : i32
      %mul3A_276 = arith.constant 16 : i32
      %mul3A_277 = arith.muli %scan3A_275, %mul3A_276 : i32
      %get3A_278 = arith.index_cast %mul3A_277 : i32 to index
      %get3A_279 = tpu.vector_load %arg9[%get3A_278] {strides = array<i32>} : memref<3136xf32, #tpu.memory_space<vmem>>, vector<16xf32>,
      %get3A_280 = arith.index_cast %mul3A_277 : i32 to index
      %get3A_281 = tpu.vector_load %arg11[%get3A_280] {strides = array<i32>} : memref<3136xf32, #tpu.memory_space<vmem>>, vector<16xf32>,
      %add3A_282 = arith.addf %get3A_279, %get3A_281 : vector<16xf32>
      %swap3A_283 = arith.index_cast %mul3A_277 : i32 to index
      %swap3A_284 = tpu.vector_load %arg9[%swap3A_283] {strides = array<i32>} : memref<3136xf32, #tpu.memory_space<vmem>>, vector<16xf32>,
      tpu.vector_store %arg9[%swap3A_283], %add3A_282 {strides = array<i32>} : memref<3136xf32, #tpu.memory_space<vmem>>, vector<16xf32>,
    }
    %scan3A_144 = arith.constant 196 : i32
    %dma_start3A_145 = arith.constant 10 : i32
    %dma_start3A_146 = tpu.memref_slice %arg4[%arg0, %dma_start3A_145, %mul3A_21] : memref<2x16x50176xf32, #tpu.memory_space<hbm>> -> memref<1x1x3136xf32, #tpu.memory_space<hbm>>
    %dma_start3A_147 = tpu.memref_squeeze %dma_start3A_146 : memref<1x1x3136xf32, #tpu.memory_space<hbm>> -> memref<3136xf32, #tpu.memory_space<hbm>>
    %dma_start3A_148 = tpu.memref_slice %arg4[%arg0, %dma_start3A_145, %mul3A_21] : memref<2x16x50176xf32, #tpu.memory_space<hbm>> -> memref<1x1x3136xf32, #tpu.memory_space<hbm>>
    %dma_start3A_149 = tpu.memref_squeeze %dma_start3A_148 : memref<1x1x3136xf32, #tpu.memory_space<hbm>> -> memref<3136xf32, #tpu.memory_space<hbm>>
    tpu.enqueue_dma source(%dma_start3A_149 : memref<3136xf32, #tpu.memory_space<hbm>>) target(%arg11 : memref<3136xf32, #tpu.memory_space<vmem>>) target_semaphore(%arg15 : memref<!tpu.dma_semaphore, #tpu.memory_space<semaphore_mem>>)
    %dma_wait3A_150 = arith.constant 0 : i32
    %dma_wait3A_151 = tpu.memref_slice %arg4[%arg0, %dma_wait3A_150, %mul3A_21] : memref<2x16x50176xf32, #tpu.memory_space<hbm>> -> memref<1x1x3136xf32, #tpu.memory_space<hbm>>
    %dma_wait3A_152 = tpu.memref_squeeze %dma_wait3A_151 : memref<1x1x3136xf32, #tpu.memory_space<hbm>> -> memref<3136xf32, #tpu.memory_space<hbm>>
    %dma_wait3A_153 = tpu.memref_slice %arg4[%arg0, %dma_wait3A_150, %mul3A_21] : memref<2x16x50176xf32, #tpu.memory_space<hbm>> -> memref<1x1x3136xf32, #tpu.memory_space<hbm>>
    %dma_wait3A_154 = tpu.memref_squeeze %dma_wait3A_153 : memref<1x1x3136xf32, #tpu.memory_space<hbm>> -> memref<3136xf32, #tpu.memory_space<hbm>>
    tpu.wait_dma2 semaphore(%arg14 : memref<!tpu.dma_semaphore, #tpu.memory_space<semaphore_mem>>) src(%dma_wait3A_154 : memref<3136xf32, #tpu.memory_space<hbm>>) dst(%arg10 : memref<3136xf32, #tpu.memory_space<vmem>>)
    %scan3A_155 = arith.constant 0 : i32
    %scan3A_156 = arith.constant 196 : i32
    %scan3A_157 = arith.addi %scan3A_155, %scan3A_156 : i32
    %scan3A_158 = arith.constant 4 : i32
    scf.for %scan3A_245 = %scan3A_155 to %scan3A_157 step %scan3A_158  : i32 {
      %mul3A_246 = arith.constant 16 : i32
      %mul3A_247 = arith.muli %scan3A_245, %mul3A_246 : i32
      %get3A = arith.index_cast %mul3A_247 : i32 to index
      %get3A_248 = tpu.vector_load %arg9[%get3A] {strides = array<i32>} : memref<3136xf32, #tpu.memory_space<vmem>>, vector<16xf32>,
      %get3A_249 = arith.index_cast %mul3A_247 : i32 to index
      %get3A_250 = tpu.vector_load %arg10[%get3A_249] {strides = array<i32>} : memref<3136xf32, #tpu.memory_space<vmem>>, vector<16xf32>,
      %add3A = arith.addf %get3A_248, %get3A_250 : vector<16xf32>
      %swap3A = arith.index_cast %mul3A_247 : i32 to index
      %swap3A_251 = tpu.vector_load %arg9[%swap3A] {strides = array<i32>} : memref<3136xf32, #tpu.memory_space<vmem>>, vector<16xf32>,
      tpu.vector_store %arg9[%swap3A], %add3A {strides = array<i32>} : memref<3136xf32, #tpu.memory_space<vmem>>, vector<16xf32>,
      %scan3A_252 = arith.constant 1 : i32
      %scan3A_253 = arith.addi %scan3A_245, %scan3A_252 : i32
      %mul3A_254 = arith.constant 16 : i32
      %mul3A_255 = arith.muli %scan3A_253, %mul3A_254 : i32
      %get3A_256 = arith.index_cast %mul3A_255 : i32 to index
      %get3A_257 = tpu.vector_load %arg9[%get3A_256] {strides = array<i32>} : memref<3136xf32, #tpu.memory_space<vmem>>, vector<16xf32>,
      %get3A_258 = arith.index_cast %mul3A_255 : i32 to index
      %get3A_259 = tpu.vector_load %arg10[%get3A_258] {strides = array<i32>} : memref<3136xf32, #tpu.memory_space<vmem>>, vector<16xf32>,
      %add3A_260 = arith.addf %get3A_257, %get3A_259 : vector<16xf32>
      %swap3A_261 = arith.index_cast %mul3A_255 : i32 to index
      %swap3A_262 = tpu.vector_load %arg9[%swap3A_261] {strides = array<i32>} : memref<3136xf32, #tpu.memory_space<vmem>>, vector<16xf32>,
      tpu.vector_store %arg9[%swap3A_261], %add3A_260 {strides = array<i32>} : memref<3136xf32, #tpu.memory_space<vmem>>, vector<16xf32>,
      %scan3A_263 = arith.constant 2 : i32
      %scan3A_264 = arith.addi %scan3A_245, %scan3A_263 : i32
      %mul3A_265 = arith.constant 16 : i32
      %mul3A_266 = arith.muli %scan3A_264, %mul3A_265 : i32
      %get3A_267 = arith.index_cast %mul3A_266 : i32 to index
      %get3A_268 = tpu.vector_load %arg9[%get3A_267] {strides = array<i32>} : memref<3136xf32, #tpu.memory_space<vmem>>, vector<16xf32>,
      %get3A_269 = arith.index_cast %mul3A_266 : i32 to index
      %get3A_270 = tpu.vector_load %arg10[%get3A_269] {strides = array<i32>} : memref<3136xf32, #tpu.memory_space<vmem>>, vector<16xf32>,
      %add3A_271 = arith.addf %get3A_268, %get3A_270 : vector<16xf32>
      %swap3A_272 = arith.index_cast %mul3A_266 : i32 to index
      %swap3A_273 = tpu.vector_load %arg9[%swap3A_272] {strides = array<i32>} : memref<3136xf32, #tpu.memory_space<vmem>>, vector<16xf32>,
      tpu.vector_store %arg9[%swap3A_272], %add3A_271 {strides = array<i32>} : memref<3136xf32, #tpu.memory_space<vmem>>, vector<16xf32>,
      %scan3A_274 = arith.constant 3 : i32
      %scan3A_275 = arith.addi %scan3A_245, %scan3A_274 : i32
      %mul3A_276 = arith.constant 16 : i32
      %mul3A_277 = arith.muli %scan3A_275, %mul3A_276 : i32
      %get3A_278 = arith.index_cast %mul3A_277 : i32 to index
      %get3A_279 = tpu.vector_load %arg9[%get3A_278] {strides = array<i32>} : memref<3136xf32, #tpu.memory_space<vmem>>, vector<16xf32>,
      %get3A_280 = arith.index_cast %mul3A_277 : i32 to index
      %get3A_281 = tpu.vector_load %arg10[%get3A_280] {strides = array<i32>} : memref<3136xf32, #tpu.memory_space<vmem>>, vector<16xf32>,
      %add3A_282 = arith.addf %get3A_279, %get3A_281 : vector<16xf32>
      %swap3A_283 = arith.index_cast %mul3A_277 : i32 to index
      %swap3A_284 = tpu.vector_load %arg9[%swap3A_283] {strides = array<i32>} : memref<3136xf32, #tpu.memory_space<vmem>>, vector<16xf32>,
      tpu.vector_store %arg9[%swap3A_283], %add3A_282 {strides = array<i32>} : memref<3136xf32, #tpu.memory_space<vmem>>, vector<16xf32>,
    }
    %scan3A_159 = arith.constant 196 : i32
    %dma_start3A_160 = arith.constant 11 : i32
    %dma_start3A_161 = tpu.memref_slice %arg4[%arg0, %dma_start3A_160, %mul3A_21] : memref<2x16x50176xf32, #tpu.memory_space<hbm>> -> memref<1x1x3136xf32, #tpu.memory_space<hbm>>
    %dma_start3A_162 = tpu.memref_squeeze %dma_start3A_161 : memref<1x1x3136xf32, #tpu.memory_space<hbm>> -> memref<3136xf32, #tpu.memory_space<hbm>>
    %dma_start3A_163 = tpu.memref_slice %arg4[%arg0, %dma_start3A_160, %mul3A_21] : memref<2x16x50176xf32, #tpu.memory_space<hbm>> -> memref<1x1x3136xf32, #tpu.memory_space<hbm>>
    %dma_start3A_164 = tpu.memref_squeeze %dma_start3A_163 : memref<1x1x3136xf32, #tpu.memory_space<hbm>> -> memref<3136xf32, #tpu.memory_space<hbm>>
    tpu.enqueue_dma source(%dma_start3A_164 : memref<3136xf32, #tpu.memory_space<hbm>>) target(%arg10 : memref<3136xf32, #tpu.memory_space<vmem>>) target_semaphore(%arg14 : memref<!tpu.dma_semaphore, #tpu.memory_space<semaphore_mem>>)
    %dma_wait3A_165 = arith.constant 0 : i32
    %dma_wait3A_166 = tpu.memref_slice %arg4[%arg0, %dma_wait3A_165, %mul3A_21] : memref<2x16x50176xf32, #tpu.memory_space<hbm>> -> memref<1x1x3136xf32, #tpu.memory_space<hbm>>
    %dma_wait3A_167 = tpu.memref_squeeze %dma_wait3A_166 : memref<1x1x3136xf32, #tpu.memory_space<hbm>> -> memref<3136xf32, #tpu.memory_space<hbm>>
    %dma_wait3A_168 = tpu.memref_slice %arg4[%arg0, %dma_wait3A_165, %mul3A_21] : memref<2x16x50176xf32, #tpu.memory_space<hbm>> -> memref<1x1x3136xf32, #tpu.memory_space<hbm>>
    %dma_wait3A_169 = tpu.memref_squeeze %dma_wait3A_168 : memref<1x1x3136xf32, #tpu.memory_space<hbm>> -> memref<3136xf32, #tpu.memory_space<hbm>>
    tpu.wait_dma2 semaphore(%arg15 : memref<!tpu.dma_semaphore, #tpu.memory_space<semaphore_mem>>) src(%dma_wait3A_169 : memref<3136xf32, #tpu.memory_space<hbm>>) dst(%arg11 : memref<3136xf32, #tpu.memory_space<vmem>>)
    %scan3A_170 = arith.constant 0 : i32
    %scan3A_171 = arith.constant 196 : i32
    %scan3A_172 = arith.addi %scan3A_170, %scan3A_171 : i32
    %scan3A_173 = arith.constant 4 : i32
    scf.for %scan3A_245 = %scan3A_170 to %scan3A_172 step %scan3A_173  : i32 {
      %mul3A_246 = arith.constant 16 : i32
      %mul3A_247 = arith.muli %scan3A_245, %mul3A_246 : i32
      %get3A = arith.index_cast %mul3A_247 : i32 to index
      %get3A_248 = tpu.vector_load %arg9[%get3A] {strides = array<i32>} : memref<3136xf32, #tpu.memory_space<vmem>>, vector<16xf32>,
      %get3A_249 = arith.index_cast %mul3A_247 : i32 to index
      %get3A_250 = tpu.vector_load %arg11[%get3A_249] {strides = array<i32>} : memref<3136xf32, #tpu.memory_space<vmem>>, vector<16xf32>,
      %add3A = arith.addf %get3A_248, %get3A_250 : vector<16xf32>
      %swap3A = arith.index_cast %mul3A_247 : i32 to index
      %swap3A_251 = tpu.vector_load %arg9[%swap3A] {strides = array<i32>} : memref<3136xf32, #tpu.memory_space<vmem>>, vector<16xf32>,
      tpu.vector_store %arg9[%swap3A], %add3A {strides = array<i32>} : memref<3136xf32, #tpu.memory_space<vmem>>, vector<16xf32>,
      %scan3A_252 = arith.constant 1 : i32
      %scan3A_253 = arith.addi %scan3A_245, %scan3A_252 : i32
      %mul3A_254 = arith.constant 16 : i32
      %mul3A_255 = arith.muli %scan3A_253, %mul3A_254 : i32
      %get3A_256 = arith.index_cast %mul3A_255 : i32 to index
      %get3A_257 = tpu.vector_load %arg9[%get3A_256] {strides = array<i32>} : memref<3136xf32, #tpu.memory_space<vmem>>, vector<16xf32>,
      %get3A_258 = arith.index_cast %mul3A_255 : i32 to index
      %get3A_259 = tpu.vector_load %arg11[%get3A_258] {strides = array<i32>} : memref<3136xf32, #tpu.memory_space<vmem>>, vector<16xf32>,
      %add3A_260 = arith.addf %get3A_257, %get3A_259 : vector<16xf32>
      %swap3A_261 = arith.index_cast %mul3A_255 : i32 to index
      %swap3A_262 = tpu.vector_load %arg9[%swap3A_261] {strides = array<i32>} : memref<3136xf32, #tpu.memory_space<vmem>>, vector<16xf32>,
      tpu.vector_store %arg9[%swap3A_261], %add3A_260 {strides = array<i32>} : memref<3136xf32, #tpu.memory_space<vmem>>, vector<16xf32>,
      %scan3A_263 = arith.constant 2 : i32
      %scan3A_264 = arith.addi %scan3A_245, %scan3A_263 : i32
      %mul3A_265 = arith.constant 16 : i32
      %mul3A_266 = arith.muli %scan3A_264, %mul3A_265 : i32
      %get3A_267 = arith.index_cast %mul3A_266 : i32 to index
      %get3A_268 = tpu.vector_load %arg9[%get3A_267] {strides = array<i32>} : memref<3136xf32, #tpu.memory_space<vmem>>, vector<16xf32>,
      %get3A_269 = arith.index_cast %mul3A_266 : i32 to index
      %get3A_270 = tpu.vector_load %arg11[%get3A_269] {strides = array<i32>} : memref<3136xf32, #tpu.memory_space<vmem>>, vector<16xf32>,
      %add3A_271 = arith.addf %get3A_268, %get3A_270 : vector<16xf32>
      %swap3A_272 = arith.index_cast %mul3A_266 : i32 to index
      %swap3A_273 = tpu.vector_load %arg9[%swap3A_272] {strides = array<i32>} : memref<3136xf32, #tpu.memory_space<vmem>>, vector<16xf32>,
      tpu.vector_store %arg9[%swap3A_272], %add3A_271 {strides = array<i32>} : memref<3136xf32, #tpu.memory_space<vmem>>, vector<16xf32>,
      %scan3A_274 = arith.constant 3 : i32
      %scan3A_275 = arith.addi %scan3A_245, %scan3A_274 : i32
      %mul3A_276 = arith.constant 16 : i32
      %mul3A_277 = arith.muli %scan3A_275, %mul3A_276 : i32
      %get3A_278 = arith.index_cast %mul3A_277 : i32 to index
      %get3A_279 = tpu.vector_load %arg9[%get3A_278] {strides = array<i32>} : memref<3136xf32, #tpu.memory_space<vmem>>, vector<16xf32>,
      %get3A_280 = arith.index_cast %mul3A_277 : i32 to index
      %get3A_281 = tpu.vector_load %arg11[%get3A_280] {strides = array<i32>} : memref<3136xf32, #tpu.memory_space<vmem>>, vector<16xf32>,
      %add3A_282 = arith.addf %get3A_279, %get3A_281 : vector<16xf32>
      %swap3A_283 = arith.index_cast %mul3A_277 : i32 to index
      %swap3A_284 = tpu.vector_load %arg9[%swap3A_283] {strides = array<i32>} : memref<3136xf32, #tpu.memory_space<vmem>>, vector<16xf32>,
      tpu.vector_store %arg9[%swap3A_283], %add3A_282 {strides = array<i32>} : memref<3136xf32, #tpu.memory_space<vmem>>, vector<16xf32>,
    }
    %scan3A_174 = arith.constant 196 : i32
    %dma_start3A_175 = arith.constant 12 : i32
    %dma_start3A_176 = tpu.memref_slice %arg4[%arg0, %dma_start3A_175, %mul3A_21] : memref<2x16x50176xf32, #tpu.memory_space<hbm>> -> memref<1x1x3136xf32, #tpu.memory_space<hbm>>
    %dma_start3A_177 = tpu.memref_squeeze %dma_start3A_176 : memref<1x1x3136xf32, #tpu.memory_space<hbm>> -> memref<3136xf32, #tpu.memory_space<hbm>>
    %dma_start3A_178 = tpu.memref_slice %arg4[%arg0, %dma_start3A_175, %mul3A_21] : memref<2x16x50176xf32, #tpu.memory_space<hbm>> -> memref<1x1x3136xf32, #tpu.memory_space<hbm>>
    %dma_start3A_179 = tpu.memref_squeeze %dma_start3A_178 : memref<1x1x3136xf32, #tpu.memory_space<hbm>> -> memref<3136xf32, #tpu.memory_space<hbm>>
    tpu.enqueue_dma source(%dma_start3A_179 : memref<3136xf32, #tpu.memory_space<hbm>>) target(%arg11 : memref<3136xf32, #tpu.memory_space<vmem>>) target_semaphore(%arg15 : memref<!tpu.dma_semaphore, #tpu.memory_space<semaphore_mem>>)
    %dma_wait3A_180 = arith.constant 0 : i32
    %dma_wait3A_181 = tpu.memref_slice %arg4[%arg0, %dma_wait3A_180, %mul3A_21] : memref<2x16x50176xf32, #tpu.memory_space<hbm>> -> memref<1x1x3136xf32, #tpu.memory_space<hbm>>
    %dma_wait3A_182 = tpu.memref_squeeze %dma_wait3A_181 : memref<1x1x3136xf32, #tpu.memory_space<hbm>> -> memref<3136xf32, #tpu.memory_space<hbm>>
    %dma_wait3A_183 = tpu.memref_slice %arg4[%arg0, %dma_wait3A_180, %mul3A_21] : memref<2x16x50176xf32, #tpu.memory_space<hbm>> -> memref<1x1x3136xf32, #tpu.memory_space<hbm>>
    %dma_wait3A_184 = tpu.memref_squeeze %dma_wait3A_183 : memref<1x1x3136xf32, #tpu.memory_space<hbm>> -> memref<3136xf32, #tpu.memory_space<hbm>>
    tpu.wait_dma2 semaphore(%arg14 : memref<!tpu.dma_semaphore, #tpu.memory_space<semaphore_mem>>) src(%dma_wait3A_184 : memref<3136xf32, #tpu.memory_space<hbm>>) dst(%arg10 : memref<3136xf32, #tpu.memory_space<vmem>>)
    %scan3A_185 = arith.constant 0 : i32
    %scan3A_186 = arith.constant 196 : i32
    %scan3A_187 = arith.addi %scan3A_185, %scan3A_186 : i32
    %scan3A_188 = arith.constant 4 : i32
    scf.for %scan3A_245 = %scan3A_185 to %scan3A_187 step %scan3A_188  : i32 {
      %mul3A_246 = arith.constant 16 : i32
      %mul3A_247 = arith.muli %scan3A_245, %mul3A_246 : i32
      %get3A = arith.index_cast %mul3A_247 : i32 to index
      %get3A_248 = tpu.vector_load %arg9[%get3A] {strides = array<i32>} : memref<3136xf32, #tpu.memory_space<vmem>>, vector<16xf32>,
      %get3A_249 = arith.index_cast %mul3A_247 : i32 to index
      %get3A_250 = tpu.vector_load %arg10[%get3A_249] {strides = array<i32>} : memref<3136xf32, #tpu.memory_space<vmem>>, vector<16xf32>,
      %add3A = arith.addf %get3A_248, %get3A_250 : vector<16xf32>
      %swap3A = arith.index_cast %mul3A_247 : i32 to index
      %swap3A_251 = tpu.vector_load %arg9[%swap3A] {strides = array<i32>} : memref<3136xf32, #tpu.memory_space<vmem>>, vector<16xf32>,
      tpu.vector_store %arg9[%swap3A], %add3A {strides = array<i32>} : memref<3136xf32, #tpu.memory_space<vmem>>, vector<16xf32>,
      %scan3A_252 = arith.constant 1 : i32
      %scan3A_253 = arith.addi %scan3A_245, %scan3A_252 : i32
      %mul3A_254 = arith.constant 16 : i32
      %mul3A_255 = arith.muli %scan3A_253, %mul3A_254 : i32
      %get3A_256 = arith.index_cast %mul3A_255 : i32 to index
      %get3A_257 = tpu.vector_load %arg9[%get3A_256] {strides = array<i32>} : memref<3136xf32, #tpu.memory_space<vmem>>, vector<16xf32>,
      %get3A_258 = arith.index_cast %mul3A_255 : i32 to index
      %get3A_259 = tpu.vector_load %arg10[%get3A_258] {strides = array<i32>} : memref<3136xf32, #tpu.memory_space<vmem>>, vector<16xf32>,
      %add3A_260 = arith.addf %get3A_257, %get3A_259 : vector<16xf32>
      %swap3A_261 = arith.index_cast %mul3A_255 : i32 to index
      %swap3A_262 = tpu.vector_load %arg9[%swap3A_261] {strides = array<i32>} : memref<3136xf32, #tpu.memory_space<vmem>>, vector<16xf32>,
      tpu.vector_store %arg9[%swap3A_261], %add3A_260 {strides = array<i32>} : memref<3136xf32, #tpu.memory_space<vmem>>, vector<16xf32>,
      %scan3A_263 = arith.constant 2 : i32
      %scan3A_264 = arith.addi %scan3A_245, %scan3A_263 : i32
      %mul3A_265 = arith.constant 16 : i32
      %mul3A_266 = arith.muli %scan3A_264, %mul3A_265 : i32
      %get3A_267 = arith.index_cast %mul3A_266 : i32 to index
      %get3A_268 = tpu.vector_load %arg9[%get3A_267] {strides = array<i32>} : memref<3136xf32, #tpu.memory_space<vmem>>, vector<16xf32>,
      %get3A_269 = arith.index_cast %mul3A_266 : i32 to index
      %get3A_270 = tpu.vector_load %arg10[%get3A_269] {strides = array<i32>} : memref<3136xf32, #tpu.memory_space<vmem>>, vector<16xf32>,
      %add3A_271 = arith.addf %get3A_268, %get3A_270 : vector<16xf32>
      %swap3A_272 = arith.index_cast %mul3A_266 : i32 to index
      %swap3A_273 = tpu.vector_load %arg9[%swap3A_272] {strides = array<i32>} : memref<3136xf32, #tpu.memory_space<vmem>>, vector<16xf32>,
      tpu.vector_store %arg9[%swap3A_272], %add3A_271 {strides = array<i32>} : memref<3136xf32, #tpu.memory_space<vmem>>, vector<16xf32>,
      %scan3A_274 = arith.constant 3 : i32
      %scan3A_275 = arith.addi %scan3A_245, %scan3A_274 : i32
      %mul3A_276 = arith.constant 16 : i32
      %mul3A_277 = arith.muli %scan3A_275, %mul3A_276 : i32
      %get3A_278 = arith.index_cast %mul3A_277 : i32 to index
      %get3A_279 = tpu.vector_load %arg9[%get3A_278] {strides = array<i32>} : memref<3136xf32, #tpu.memory_space<vmem>>, vector<16xf32>,
      %get3A_280 = arith.index_cast %mul3A_277 : i32 to index
      %get3A_281 = tpu.vector_load %arg10[%get3A_280] {strides = array<i32>} : memref<3136xf32, #tpu.memory_space<vmem>>, vector<16xf32>,
      %add3A_282 = arith.addf %get3A_279, %get3A_281 : vector<16xf32>
      %swap3A_283 = arith.index_cast %mul3A_277 : i32 to index
      %swap3A_284 = tpu.vector_load %arg9[%swap3A_283] {strides = array<i32>} : memref<3136xf32, #tpu.memory_space<vmem>>, vector<16xf32>,
      tpu.vector_store %arg9[%swap3A_283], %add3A_282 {strides = array<i32>} : memref<3136xf32, #tpu.memory_space<vmem>>, vector<16xf32>,
    }
    %scan3A_189 = arith.constant 196 : i32
    %dma_start3A_190 = arith.constant 13 : i32
    %dma_start3A_191 = tpu.memref_slice %arg4[%arg0, %dma_start3A_190, %mul3A_21] : memref<2x16x50176xf32, #tpu.memory_space<hbm>> -> memref<1x1x3136xf32, #tpu.memory_space<hbm>>
    %dma_start3A_192 = tpu.memref_squeeze %dma_start3A_191 : memref<1x1x3136xf32, #tpu.memory_space<hbm>> -> memref<3136xf32, #tpu.memory_space<hbm>>
    %dma_start3A_193 = tpu.memref_slice %arg4[%arg0, %dma_start3A_190, %mul3A_21] : memref<2x16x50176xf32, #tpu.memory_space<hbm>> -> memref<1x1x3136xf32, #tpu.memory_space<hbm>>
    %dma_start3A_194 = tpu.memref_squeeze %dma_start3A_193 : memref<1x1x3136xf32, #tpu.memory_space<hbm>> -> memref<3136xf32, #tpu.memory_space<hbm>>
    tpu.enqueue_dma source(%dma_start3A_194 : memref<3136xf32, #tpu.memory_space<hbm>>) target(%arg10 : memref<3136xf32, #tpu.memory_space<vmem>>) target_semaphore(%arg14 : memref<!tpu.dma_semaphore, #tpu.memory_space<semaphore_mem>>)
    %dma_wait3A_195 = arith.constant 0 : i32
    %dma_wait3A_196 = tpu.memref_slice %arg4[%arg0, %dma_wait3A_195, %mul3A_21] : memref<2x16x50176xf32, #tpu.memory_space<hbm>> -> memref<1x1x3136xf32, #tpu.memory_space<hbm>>
    %dma_wait3A_197 = tpu.memref_squeeze %dma_wait3A_196 : memref<1x1x3136xf32, #tpu.memory_space<hbm>> -> memref<3136xf32, #tpu.memory_space<hbm>>
    %dma_wait3A_198 = tpu.memref_slice %arg4[%arg0, %dma_wait3A_195, %mul3A_21] : memref<2x16x50176xf32, #tpu.memory_space<hbm>> -> memref<1x1x3136xf32, #tpu.memory_space<hbm>>
    %dma_wait3A_199 = tpu.memref_squeeze %dma_wait3A_198 : memref<1x1x3136xf32, #tpu.memory_space<hbm>> -> memref<3136xf32, #tpu.memory_space<hbm>>
    tpu.wait_dma2 semaphore(%arg15 : memref<!tpu.dma_semaphore, #tpu.memory_space<semaphore_mem>>) src(%dma_wait3A_199 : memref<3136xf32, #tpu.memory_space<hbm>>) dst(%arg11 : memref<3136xf32, #tpu.memory_space<vmem>>)
    %scan3A_200 = arith.constant 0 : i32
    %scan3A_201 = arith.constant 196 : i32
    %scan3A_202 = arith.addi %scan3A_200, %scan3A_201 : i32
    %scan3A_203 = arith.constant 4 : i32
    scf.for %scan3A_245 = %scan3A_200 to %scan3A_202 step %scan3A_203  : i32 {
      %mul3A_246 = arith.constant 16 : i32
      %mul3A_247 = arith.muli %scan3A_245, %mul3A_246 : i32
      %get3A = arith.index_cast %mul3A_247 : i32 to index
      %get3A_248 = tpu.vector_load %arg9[%get3A] {strides = array<i32>} : memref<3136xf32, #tpu.memory_space<vmem>>, vector<16xf32>,
      %get3A_249 = arith.index_cast %mul3A_247 : i32 to index
      %get3A_250 = tpu.vector_load %arg11[%get3A_249] {strides = array<i32>} : memref<3136xf32, #tpu.memory_space<vmem>>, vector<16xf32>,
      %add3A = arith.addf %get3A_248, %get3A_250 : vector<16xf32>
      %swap3A = arith.index_cast %mul3A_247 : i32 to index
      %swap3A_251 = tpu.vector_load %arg9[%swap3A] {strides = array<i32>} : memref<3136xf32, #tpu.memory_space<vmem>>, vector<16xf32>,
      tpu.vector_store %arg9[%swap3A], %add3A {strides = array<i32>} : memref<3136xf32, #tpu.memory_space<vmem>>, vector<16xf32>,
      %scan3A_252 = arith.constant 1 : i32
      %scan3A_253 = arith.addi %scan3A_245, %scan3A_252 : i32
      %mul3A_254 = arith.constant 16 : i32
      %mul3A_255 = arith.muli %scan3A_253, %mul3A_254 : i32
      %get3A_256 = arith.index_cast %mul3A_255 : i32 to index
      %get3A_257 = tpu.vector_load %arg9[%get3A_256] {strides = array<i32>} : memref<3136xf32, #tpu.memory_space<vmem>>, vector<16xf32>,
      %get3A_258 = arith.index_cast %mul3A_255 : i32 to index
      %get3A_259 = tpu.vector_load %arg11[%get3A_258] {strides = array<i32>} : memref<3136xf32, #tpu.memory_space<vmem>>, vector<16xf32>,
      %add3A_260 = arith.addf %get3A_257, %get3A_259 : vector<16xf32>
      %swap3A_261 = arith.index_cast %mul3A_255 : i32 to index
      %swap3A_262 = tpu.vector_load %arg9[%swap3A_261] {strides = array<i32>} : memref<3136xf32, #tpu.memory_space<vmem>>, vector<16xf32>,
      tpu.vector_store %arg9[%swap3A_261], %add3A_260 {strides = array<i32>} : memref<3136xf32, #tpu.memory_space<vmem>>, vector<16xf32>,
      %scan3A_263 = arith.constant 2 : i32
      %scan3A_264 = arith.addi %scan3A_245, %scan3A_263 : i32
      %mul3A_265 = arith.constant 16 : i32
      %mul3A_266 = arith.muli %scan3A_264, %mul3A_265 : i32
      %get3A_267 = arith.index_cast %mul3A_266 : i32 to index
      %get3A_268 = tpu.vector_load %arg9[%get3A_267] {strides = array<i32>} : memref<3136xf32, #tpu.memory_space<vmem>>, vector<16xf32>,
      %get3A_269 = arith.index_cast %mul3A_266 : i32 to index
      %get3A_270 = tpu.vector_load %arg11[%get3A_269] {strides = array<i32>} : memref<3136xf32, #tpu.memory_space<vmem>>, vector<16xf32>,
      %add3A_271 = arith.addf %get3A_268, %get3A_270 : vector<16xf32>
      %swap3A_272 = arith.index_cast %mul3A_266 : i32 to index
      %swap3A_273 = tpu.vector_load %arg9[%swap3A_272] {strides = array<i32>} : memref<3136xf32, #tpu.memory_space<vmem>>, vector<16xf32>,
      tpu.vector_store %arg9[%swap3A_272], %add3A_271 {strides = array<i32>} : memref<3136xf32, #tpu.memory_space<vmem>>, vector<16xf32>,
      %scan3A_274 = arith.constant 3 : i32
      %scan3A_275 = arith.addi %scan3A_245, %scan3A_274 : i32
      %mul3A_276 = arith.constant 16 : i32
      %mul3A_277 = arith.muli %scan3A_275, %mul3A_276 : i32
      %get3A_278 = arith.index_cast %mul3A_277 : i32 to index
      %get3A_279 = tpu.vector_load %arg9[%get3A_278] {strides = array<i32>} : memref<3136xf32, #tpu.memory_space<vmem>>, vector<16xf32>,
      %get3A_280 = arith.index_cast %mul3A_277 : i32 to index
      %get3A_281 = tpu.vector_load %arg11[%get3A_280] {strides = array<i32>} : memref<3136xf32, #tpu.memory_space<vmem>>, vector<16xf32>,
      %add3A_282 = arith.addf %get3A_279, %get3A_281 : vector<16xf32>
      %swap3A_283 = arith.index_cast %mul3A_277 : i32 to index
      %swap3A_284 = tpu.vector_load %arg9[%swap3A_283] {strides = array<i32>} : memref<3136xf32, #tpu.memory_space<vmem>>, vector<16xf32>,
      tpu.vector_store %arg9[%swap3A_283], %add3A_282 {strides = array<i32>} : memref<3136xf32, #tpu.memory_space<vmem>>, vector<16xf32>,
    }
    %scan3A_204 = arith.constant 196 : i32
    %dma_start3A_205 = arith.constant 14 : i32
    %dma_start3A_206 = tpu.memref_slice %arg4[%arg0, %dma_start3A_205, %mul3A_21] : memref<2x16x50176xf32, #tpu.memory_space<hbm>> -> memref<1x1x3136xf32, #tpu.memory_space<hbm>>
    %dma_start3A_207 = tpu.memref_squeeze %dma_start3A_206 : memref<1x1x3136xf32, #tpu.memory_space<hbm>> -> memref<3136xf32, #tpu.memory_space<hbm>>
    %dma_start3A_208 = tpu.memref_slice %arg4[%arg0, %dma_start3A_205, %mul3A_21] : memref<2x16x50176xf32, #tpu.memory_space<hbm>> -> memref<1x1x3136xf32, #tpu.memory_space<hbm>>
    %dma_start3A_209 = tpu.memref_squeeze %dma_start3A_208 : memref<1x1x3136xf32, #tpu.memory_space<hbm>> -> memref<3136xf32, #tpu.memory_space<hbm>>
    tpu.enqueue_dma source(%dma_start3A_209 : memref<3136xf32, #tpu.memory_space<hbm>>) target(%arg11 : memref<3136xf32, #tpu.memory_space<vmem>>) target_semaphore(%arg15 : memref<!tpu.dma_semaphore, #tpu.memory_space<semaphore_mem>>)
    %dma_wait3A_210 = arith.constant 0 : i32
    %dma_wait3A_211 = tpu.memref_slice %arg4[%arg0, %dma_wait3A_210, %mul3A_21] : memref<2x16x50176xf32, #tpu.memory_space<hbm>> -> memref<1x1x3136xf32, #tpu.memory_space<hbm>>
    %dma_wait3A_212 = tpu.memref_squeeze %dma_wait3A_211 : memref<1x1x3136xf32, #tpu.memory_space<hbm>> -> memref<3136xf32, #tpu.memory_space<hbm>>
    %dma_wait3A_213 = tpu.memref_slice %arg4[%arg0, %dma_wait3A_210, %mul3A_21] : memref<2x16x50176xf32, #tpu.memory_space<hbm>> -> memref<1x1x3136xf32, #tpu.memory_space<hbm>>
    %dma_wait3A_214 = tpu.memref_squeeze %dma_wait3A_213 : memref<1x1x3136xf32, #tpu.memory_space<hbm>> -> memref<3136xf32, #tpu.memory_space<hbm>>
    tpu.wait_dma2 semaphore(%arg14 : memref<!tpu.dma_semaphore, #tpu.memory_space<semaphore_mem>>) src(%dma_wait3A_214 : memref<3136xf32, #tpu.memory_space<hbm>>) dst(%arg10 : memref<3136xf32, #tpu.memory_space<vmem>>)
    %scan3A_215 = arith.constant 0 : i32
    %scan3A_216 = arith.constant 196 : i32
    %scan3A_217 = arith.addi %scan3A_215, %scan3A_216 : i32
    %scan3A_218 = arith.constant 4 : i32
    scf.for %scan3A_245 = %scan3A_215 to %scan3A_217 step %scan3A_218  : i32 {
      %mul3A_246 = arith.constant 16 : i32
      %mul3A_247 = arith.muli %scan3A_245, %mul3A_246 : i32
      %get3A = arith.index_cast %mul3A_247 : i32 to index
      %get3A_248 = tpu.vector_load %arg9[%get3A] {strides = array<i32>} : memref<3136xf32, #tpu.memory_space<vmem>>, vector<16xf32>,
      %get3A_249 = arith.index_cast %mul3A_247 : i32 to index
      %get3A_250 = tpu.vector_load %arg10[%get3A_249] {strides = array<i32>} : memref<3136xf32, #tpu.memory_space<vmem>>, vector<16xf32>,
      %add3A = arith.addf %get3A_248, %get3A_250 : vector<16xf32>
      %swap3A = arith.index_cast %mul3A_247 : i32 to index
      %swap3A_251 = tpu.vector_load %arg9[%swap3A] {strides = array<i32>} : memref<3136xf32, #tpu.memory_space<vmem>>, vector<16xf32>,
      tpu.vector_store %arg9[%swap3A], %add3A {strides = array<i32>} : memref<3136xf32, #tpu.memory_space<vmem>>, vector<16xf32>,
      %scan3A_252 = arith.constant 1 : i32
      %scan3A_253 = arith.addi %scan3A_245, %scan3A_252 : i32
      %mul3A_254 = arith.constant 16 : i32
      %mul3A_255 = arith.muli %scan3A_253, %mul3A_254 : i32
      %get3A_256 = arith.index_cast %mul3A_255 : i32 to index
      %get3A_257 = tpu.vector_load %arg9[%get3A_256] {strides = array<i32>} : memref<3136xf32, #tpu.memory_space<vmem>>, vector<16xf32>,
      %get3A_258 = arith.index_cast %mul3A_255 : i32 to index
      %get3A_259 = tpu.vector_load %arg10[%get3A_258] {strides = array<i32>} : memref<3136xf32, #tpu.memory_space<vmem>>, vector<16xf32>,
      %add3A_260 = arith.addf %get3A_257, %get3A_259 : vector<16xf32>
      %swap3A_261 = arith.index_cast %mul3A_255 : i32 to index
      %swap3A_262 = tpu.vector_load %arg9[%swap3A_261] {strides = array<i32>} : memref<3136xf32, #tpu.memory_space<vmem>>, vector<16xf32>,
      tpu.vector_store %arg9[%swap3A_261], %add3A_260 {strides = array<i32>} : memref<3136xf32, #tpu.memory_space<vmem>>, vector<16xf32>,
      %scan3A_263 = arith.constant 2 : i32
      %scan3A_264 = arith.addi %scan3A_245, %scan3A_263 : i32
      %mul3A_265 = arith.constant 16 : i32
      %mul3A_266 = arith.muli %scan3A_264, %mul3A_265 : i32
      %get3A_267 = arith.index_cast %mul3A_266 : i32 to index
      %get3A_268 = tpu.vector_load %arg9[%get3A_267] {strides = array<i32>} : memref<3136xf32, #tpu.memory_space<vmem>>, vector<16xf32>,
      %get3A_269 = arith.index_cast %mul3A_266 : i32 to index
      %get3A_270 = tpu.vector_load %arg10[%get3A_269] {strides = array<i32>} : memref<3136xf32, #tpu.memory_space<vmem>>, vector<16xf32>,
      %add3A_271 = arith.addf %get3A_268, %get3A_270 : vector<16xf32>
      %swap3A_272 = arith.index_cast %mul3A_266 : i32 to index
      %swap3A_273 = tpu.vector_load %arg9[%swap3A_272] {strides = array<i32>} : memref<3136xf32, #tpu.memory_space<vmem>>, vector<16xf32>,
      tpu.vector_store %arg9[%swap3A_272], %add3A_271 {strides = array<i32>} : memref<3136xf32, #tpu.memory_space<vmem>>, vector<16xf32>,
      %scan3A_274 = arith.constant 3 : i32
      %scan3A_275 = arith.addi %scan3A_245, %scan3A_274 : i32
      %mul3A_276 = arith.constant 16 : i32
      %mul3A_277 = arith.muli %scan3A_275, %mul3A_276 : i32
      %get3A_278 = arith.index_cast %mul3A_277 : i32 to index
      %get3A_279 = tpu.vector_load %arg9[%get3A_278] {strides = array<i32>} : memref<3136xf32, #tpu.memory_space<vmem>>, vector<16xf32>,
      %get3A_280 = arith.index_cast %mul3A_277 : i32 to index
      %get3A_281 = tpu.vector_load %arg10[%get3A_280] {strides = array<i32>} : memref<3136xf32, #tpu.memory_space<vmem>>, vector<16xf32>,
      %add3A_282 = arith.addf %get3A_279, %get3A_281 : vector<16xf32>
      %swap3A_283 = arith.index_cast %mul3A_277 : i32 to index
      %swap3A_284 = tpu.vector_load %arg9[%swap3A_283] {strides = array<i32>} : memref<3136xf32, #tpu.memory_space<vmem>>, vector<16xf32>,
      tpu.vector_store %arg9[%swap3A_283], %add3A_282 {strides = array<i32>} : memref<3136xf32, #tpu.memory_space<vmem>>, vector<16xf32>,
    }
    %scan3A_219 = arith.constant 196 : i32
    %dma_start3A_220 = arith.constant 15 : i32
    %dma_start3A_221 = tpu.memref_slice %arg4[%arg0, %dma_start3A_220, %mul3A_21] : memref<2x16x50176xf32, #tpu.memory_space<hbm>> -> memref<1x1x3136xf32, #tpu.memory_space<hbm>>
    %dma_start3A_222 = tpu.memref_squeeze %dma_start3A_221 : memref<1x1x3136xf32, #tpu.memory_space<hbm>> -> memref<3136xf32, #tpu.memory_space<hbm>>
    %dma_start3A_223 = tpu.memref_slice %arg4[%arg0, %dma_start3A_220, %mul3A_21] : memref<2x16x50176xf32, #tpu.memory_space<hbm>> -> memref<1x1x3136xf32, #tpu.memory_space<hbm>>
    %dma_start3A_224 = tpu.memref_squeeze %dma_start3A_223 : memref<1x1x3136xf32, #tpu.memory_space<hbm>> -> memref<3136xf32, #tpu.memory_space<hbm>>
    tpu.enqueue_dma source(%dma_start3A_224 : memref<3136xf32, #tpu.memory_space<hbm>>) target(%arg10 : memref<3136xf32, #tpu.memory_space<vmem>>) target_semaphore(%arg14 : memref<!tpu.dma_semaphore, #tpu.memory_space<semaphore_mem>>)
    %dma_wait3A_225 = arith.constant 0 : i32
    %dma_wait3A_226 = tpu.memref_slice %arg4[%arg0, %dma_wait3A_225, %mul3A_21] : memref<2x16x50176xf32, #tpu.memory_space<hbm>> -> memref<1x1x3136xf32, #tpu.memory_space<hbm>>
    %dma_wait3A_227 = tpu.memref_squeeze %dma_wait3A_226 : memref<1x1x3136xf32, #tpu.memory_space<hbm>> -> memref<3136xf32, #tpu.memory_space<hbm>>
    %dma_wait3A_228 = tpu.memref_slice %arg4[%arg0, %dma_wait3A_225, %mul3A_21] : memref<2x16x50176xf32, #tpu.memory_space<hbm>> -> memref<1x1x3136xf32, #tpu.memory_space<hbm>>
    %dma_wait3A_229 = tpu.memref_squeeze %dma_wait3A_228 : memref<1x1x3136xf32, #tpu.memory_space<hbm>> -> memref<3136xf32, #tpu.memory_space<hbm>>
    tpu.wait_dma2 semaphore(%arg15 : memref<!tpu.dma_semaphore, #tpu.memory_space<semaphore_mem>>) src(%dma_wait3A_229 : memref<3136xf32, #tpu.memory_space<hbm>>) dst(%arg11 : memref<3136xf32, #tpu.memory_space<vmem>>)
    %scan3A_230 = arith.constant 0 : i32
    %scan3A_231 = arith.constant 196 : i32
    %scan3A_232 = arith.addi %scan3A_230, %scan3A_231 : i32
    %scan3A_233 = arith.constant 4 : i32
    scf.for %scan3A_245 = %scan3A_230 to %scan3A_232 step %scan3A_233  : i32 {
      %mul3A_246 = arith.constant 16 : i32
      %mul3A_247 = arith.muli %scan3A_245, %mul3A_246 : i32
      %get3A = arith.index_cast %mul3A_247 : i32 to index
      %get3A_248 = tpu.vector_load %arg9[%get3A] {strides = array<i32>} : memref<3136xf32, #tpu.memory_space<vmem>>, vector<16xf32>,
      %get3A_249 = arith.index_cast %mul3A_247 : i32 to index
      %get3A_250 = tpu.vector_load %arg11[%get3A_249] {strides = array<i32>} : memref<3136xf32, #tpu.memory_space<vmem>>, vector<16xf32>,
      %add3A = arith.addf %get3A_248, %get3A_250 : vector<16xf32>
      %swap3A = arith.index_cast %mul3A_247 : i32 to index
      %swap3A_251 = tpu.vector_load %arg9[%swap3A] {strides = array<i32>} : memref<3136xf32, #tpu.memory_space<vmem>>, vector<16xf32>,
      tpu.vector_store %arg9[%swap3A], %add3A {strides = array<i32>} : memref<3136xf32, #tpu.memory_space<vmem>>, vector<16xf32>,
      %scan3A_252 = arith.constant 1 : i32
      %scan3A_253 = arith.addi %scan3A_245, %scan3A_252 : i32
      %mul3A_254 = arith.constant 16 : i32
      %mul3A_255 = arith.muli %scan3A_253, %mul3A_254 : i32
      %get3A_256 = arith.index_cast %mul3A_255 : i32 to index
      %get3A_257 = tpu.vector_load %arg9[%get3A_256] {strides = array<i32>} : memref<3136xf32, #tpu.memory_space<vmem>>, vector<16xf32>,
      %get3A_258 = arith.index_cast %mul3A_255 : i32 to index
      %get3A_259 = tpu.vector_load %arg11[%get3A_258] {strides = array<i32>} : memref<3136xf32, #tpu.memory_space<vmem>>, vector<16xf32>,
      %add3A_260 = arith.addf %get3A_257, %get3A_259 : vector<16xf32>
      %swap3A_261 = arith.index_cast %mul3A_255 : i32 to index
      %swap3A_262 = tpu.vector_load %arg9[%swap3A_261] {strides = array<i32>} : memref<3136xf32, #tpu.memory_space<vmem>>, vector<16xf32>,
      tpu.vector_store %arg9[%swap3A_261], %add3A_260 {strides = array<i32>} : memref<3136xf32, #tpu.memory_space<vmem>>, vector<16xf32>,
      %scan3A_263 = arith.constant 2 : i32
      %scan3A_264 = arith.addi %scan3A_245, %scan3A_263 : i32
      %mul3A_265 = arith.constant 16 : i32
      %mul3A_266 = arith.muli %scan3A_264, %mul3A_265 : i32
      %get3A_267 = arith.index_cast %mul3A_266 : i32 to index
      %get3A_268 = tpu.vector_load %arg9[%get3A_267] {strides = array<i32>} : memref<3136xf32, #tpu.memory_space<vmem>>, vector<16xf32>,
      %get3A_269 = arith.index_cast %mul3A_266 : i32 to index
      %get3A_270 = tpu.vector_load %arg11[%get3A_269] {strides = array<i32>} : memref<3136xf32, #tpu.memory_space<vmem>>, vector<16xf32>,
      %add3A_271 = arith.addf %get3A_268, %get3A_270 : vector<16xf32>
      %swap3A_272 = arith.index_cast %mul3A_266 : i32 to index
      %swap3A_273 = tpu.vector_load %arg9[%swap3A_272] {strides = array<i32>} : memref<3136xf32, #tpu.memory_space<vmem>>, vector<16xf32>,
      tpu.vector_store %arg9[%swap3A_272], %add3A_271 {strides = array<i32>} : memref<3136xf32, #tpu.memory_space<vmem>>, vector<16xf32>,
      %scan3A_274 = arith.constant 3 : i32
      %scan3A_275 = arith.addi %scan3A_245, %scan3A_274 : i32
      %mul3A_276 = arith.constant 16 : i32
      %mul3A_277 = arith.muli %scan3A_275, %mul3A_276 : i32
      %get3A_278 = arith.index_cast %mul3A_277 : i32 to index
      %get3A_279 = tpu.vector_load %arg9[%get3A_278] {strides = array<i32>} : memref<3136xf32, #tpu.memory_space<vmem>>, vector<16xf32>,
      %get3A_280 = arith.index_cast %mul3A_277 : i32 to index
      %get3A_281 = tpu.vector_load %arg11[%get3A_280] {strides = array<i32>} : memref<3136xf32, #tpu.memory_space<vmem>>, vector<16xf32>,
      %add3A_282 = arith.addf %get3A_279, %get3A_281 : vector<16xf32>
      %swap3A_283 = arith.index_cast %mul3A_277 : i32 to index
      %swap3A_284 = tpu.vector_load %arg9[%swap3A_283] {strides = array<i32>} : memref<3136xf32, #tpu.memory_space<vmem>>, vector<16xf32>,
      tpu.vector_store %arg9[%swap3A_283], %add3A_282 {strides = array<i32>} : memref<3136xf32, #tpu.memory_space<vmem>>, vector<16xf32>,
    }
    %scan3A_234 = arith.constant 196 : i32
    %dma_wait3A_235 = arith.constant 0 : i32
    %dma_wait3A_236 = tpu.memref_slice %arg4[%arg0, %dma_wait3A_235, %mul3A_21] : memref<2x16x50176xf32, #tpu.memory_space<hbm>> -> memref<1x1x3136xf32, #tpu.memory_space<hbm>>
    %dma_wait3A_237 = tpu.memref_squeeze %dma_wait3A_236 : memref<1x1x3136xf32, #tpu.memory_space<hbm>> -> memref<3136xf32, #tpu.memory_space<hbm>>
    %dma_wait3A_238 = tpu.memref_slice %arg4[%arg0, %dma_wait3A_235, %mul3A_21] : memref<2x16x50176xf32, #tpu.memory_space<hbm>> -> memref<1x1x3136xf32, #tpu.memory_space<hbm>>
    %dma_wait3A_239 = tpu.memref_squeeze %dma_wait3A_238 : memref<1x1x3136xf32, #tpu.memory_space<hbm>> -> memref<3136xf32, #tpu.memory_space<hbm>>
    tpu.wait_dma2 semaphore(%arg14 : memref<!tpu.dma_semaphore, #tpu.memory_space<semaphore_mem>>) src(%dma_wait3A_239 : memref<3136xf32, #tpu.memory_space<hbm>>) dst(%arg10 : memref<3136xf32, #tpu.memory_space<vmem>>)
    %scan3A_240 = arith.constant 0 : i32
    %scan3A_241 = arith.constant 196 : i32
    %scan3A_242 = arith.addi %scan3A_240, %scan3A_241 : i32
    %scan3A_243 = arith.constant 4 : i32
    scf.for %scan3A_245 = %scan3A_240 to %scan3A_242 step %scan3A_243  : i32 {
      %mul3A_246 = arith.constant 16 : i32
      %mul3A_247 = arith.muli %scan3A_245, %mul3A_246 : i32
      %get3A = arith.index_cast %mul3A_247 : i32 to index
      %get3A_248 = tpu.vector_load %arg9[%get3A] {strides = array<i32>} : memref<3136xf32, #tpu.memory_space<vmem>>, vector<16xf32>,
      %get3A_249 = arith.index_cast %mul3A_247 : i32 to index
      %get3A_250 = tpu.vector_load %arg10[%get3A_249] {strides = array<i32>} : memref<3136xf32, #tpu.memory_space<vmem>>, vector<16xf32>,
      %add3A = arith.addf %get3A_248, %get3A_250 : vector<16xf32>
      %swap3A = arith.index_cast %mul3A_247 : i32 to index
      %swap3A_251 = tpu.vector_load %arg9[%swap3A] {strides = array<i32>} : memref<3136xf32, #tpu.memory_space<vmem>>, vector<16xf32>,
      tpu.vector_store %arg9[%swap3A], %add3A {strides = array<i32>} : memref<3136xf32, #tpu.memory_space<vmem>>, vector<16xf32>,
      %scan3A_252 = arith.constant 1 : i32
      %scan3A_253 = arith.addi %scan3A_245, %scan3A_252 : i32
      %mul3A_254 = arith.constant 16 : i32
      %mul3A_255 = arith.muli %scan3A_253, %mul3A_254 : i32
      %get3A_256 = arith.index_cast %mul3A_255 : i32 to index
      %get3A_257 = tpu.vector_load %arg9[%get3A_256] {strides = array<i32>} : memref<3136xf32, #tpu.memory_space<vmem>>, vector<16xf32>,
      %get3A_258 = arith.index_cast %mul3A_255 : i32 to index
      %get3A_259 = tpu.vector_load %arg10[%get3A_258] {strides = array<i32>} : memref<3136xf32, #tpu.memory_space<vmem>>, vector<16xf32>,
      %add3A_260 = arith.addf %get3A_257, %get3A_259 : vector<16xf32>
      %swap3A_261 = arith.index_cast %mul3A_255 : i32 to index
      %swap3A_262 = tpu.vector_load %arg9[%swap3A_261] {strides = array<i32>} : memref<3136xf32, #tpu.memory_space<vmem>>, vector<16xf32>,
      tpu.vector_store %arg9[%swap3A_261], %add3A_260 {strides = array<i32>} : memref<3136xf32, #tpu.memory_space<vmem>>, vector<16xf32>,
      %scan3A_263 = arith.constant 2 : i32
      %scan3A_264 = arith.addi %scan3A_245, %scan3A_263 : i32
      %mul3A_265 = arith.constant 16 : i32
      %mul3A_266 = arith.muli %scan3A_264, %mul3A_265 : i32
      %get3A_267 = arith.index_cast %mul3A_266 : i32 to index
      %get3A_268 = tpu.vector_load %arg9[%get3A_267] {strides = array<i32>} : memref<3136xf32, #tpu.memory_space<vmem>>, vector<16xf32>,
      %get3A_269 = arith.index_cast %mul3A_266 : i32 to index
      %get3A_270 = tpu.vector_load %arg10[%get3A_269] {strides = array<i32>} : memref<3136xf32, #tpu.memory_space<vmem>>, vector<16xf32>,
      %add3A_271 = arith.addf %get3A_268, %get3A_270 : vector<16xf32>
      %swap3A_272 = arith.index_cast %mul3A_266 : i32 to index
      %swap3A_273 = tpu.vector_load %arg9[%swap3A_272] {strides = array<i32>} : memref<3136xf32, #tpu.memory_space<vmem>>, vector<16xf32>,
      tpu.vector_store %arg9[%swap3A_272], %add3A_271 {strides = array<i32>} : memref<3136xf32, #tpu.memory_space<vmem>>, vector<16xf32>,
      %scan3A_274 = arith.constant 3 : i32
      %scan3A_275 = arith.addi %scan3A_245, %scan3A_274 : i32
      %mul3A_276 = arith.constant 16 : i32
      %mul3A_277 = arith.muli %scan3A_275, %mul3A_276 : i32
      %get3A_278 = arith.index_cast %mul3A_277 : i32 to index
      %get3A_279 = tpu.vector_load %arg9[%get3A_278] {strides = array<i32>} : memref<3136xf32, #tpu.memory_space<vmem>>, vector<16xf32>,
      %get3A_280 = arith.index_cast %mul3A_277 : i32 to index
      %get3A_281 = tpu.vector_load %arg10[%get3A_280] {strides = array<i32>} : memref<3136xf32, #tpu.memory_space<vmem>>, vector<16xf32>,
      %add3A_282 = arith.addf %get3A_279, %get3A_281 : vector<16xf32>
      %swap3A_283 = arith.index_cast %mul3A_277 : i32 to index
      %swap3A_284 = tpu.vector_load %arg9[%swap3A_283] {strides = array<i32>} : memref<3136xf32, #tpu.memory_space<vmem>>, vector<16xf32>,
      tpu.vector_store %arg9[%swap3A_283], %add3A_282 {strides = array<i32>} : memref<3136xf32, #tpu.memory_space<vmem>>, vector<16xf32>,
    }
    %scan3A_244 = arith.constant 196 : i32
    "tpu.region"() ({
      %run_scoped3A_245 = tpu.sem_alloc : memref<!tpu.dma_semaphore, #tpu.memory_space<semaphore_mem>>
      %dma_start3A_246 = tpu.memref_slice %arg5[%arg0, %mul3A_21] : memref<2x50176xf32, #tpu.memory_space<hbm>> -> memref<1x3136xf32, #tpu.memory_space<hbm>>
      %dma_start3A_247 = tpu.memref_squeeze %dma_start3A_246 : memref<1x3136xf32, #tpu.memory_space<hbm>> -> memref<3136xf32, #tpu.memory_space<hbm>>
      %dma_start3A_248 = tpu.memref_slice %arg5[%arg0, %mul3A_21] : memref<2x50176xf32, #tpu.memory_space<hbm>> -> memref<1x3136xf32, #tpu.memory_space<hbm>>
      %dma_start3A_249 = tpu.memref_squeeze %dma_start3A_248 : memref<1x3136xf32, #tpu.memory_space<hbm>> -> memref<3136xf32, #tpu.memory_space<hbm>>
      tpu.enqueue_dma source(%arg9 : memref<3136xf32, #tpu.memory_space<vmem>>) target(%dma_start3A_249 : memref<3136xf32, #tpu.memory_space<hbm>>) target_semaphore(%run_scoped3A_245 : memref<!tpu.dma_semaphore, #tpu.memory_space<semaphore_mem>>)
      %dma_wait3A_250 = tpu.memref_slice %arg5[%arg0, %mul3A_21] : memref<2x50176xf32, #tpu.memory_space<hbm>> -> memref<1x3136xf32, #tpu.memory_space<hbm>>
      %dma_wait3A_251 = tpu.memref_squeeze %dma_wait3A_250 : memref<1x3136xf32, #tpu.memory_space<hbm>> -> memref<3136xf32, #tpu.memory_space<hbm>>
      %dma_wait3A_252 = tpu.memref_slice %arg5[%arg0, %mul3A_21] : memref<2x50176xf32, #tpu.memory_space<hbm>> -> memref<1x3136xf32, #tpu.memory_space<hbm>>
      %dma_wait3A_253 = tpu.memref_squeeze %dma_wait3A_252 : memref<1x3136xf32, #tpu.memory_space<hbm>> -> memref<3136xf32, #tpu.memory_space<hbm>>
      tpu.wait_dma2 semaphore(%run_scoped3A_245 : memref<!tpu.dma_semaphore, #tpu.memory_space<semaphore_mem>>) src(%arg9 : memref<3136xf32, #tpu.memory_space<vmem>>) dst(%dma_wait3A_253 : memref<3136xf32, #tpu.memory_space<hbm>>)
      tpu.yield
    }) : () -> ()
    return
  }
}

#map = affine_map<(d0, d1) -> (0, 0)>
#map1 = affine_map<(d0, d1) -> (0, 0, 0)>
module attributes {stable_mosaic.version = 14 : i64} {
  func.func @_edge_body(%arg0: i32, %arg1: i32, %arg2: memref<100352x32xf32, #tpu.memory_space<hbm>>, %arg3: memref<6272x128xi32, #tpu.memory_space<hbm>>, %arg4: memref<6272x128xi32, #tpu.memory_space<hbm>>, %arg5: memref<2x50176x32xf32, #tpu.memory_space<hbm>>, %arg6: memref<2x2x128xi32, #tpu.memory_space<vmem>>, %arg7: memref<2x2x128xi32, #tpu.memory_space<vmem>>, %arg8: memref<256x32xf32, #tpu.memory_space<vmem>>, %arg9: memref<256x32xf32, #tpu.memory_space<vmem>>, %arg10: memref<196x32xf32, #tpu.memory_space<vmem>>, %arg11: memref<50176x32xf32, #tpu.memory_space<vmem_shared>>, %arg12: memref<!tpu.dma_semaphore, #tpu.memory_space<semaphore_mem>>, %arg13: memref<!tpu.dma_semaphore, #tpu.memory_space<semaphore_mem>>, %arg14: memref<!tpu.dma_semaphore, #tpu.memory_space<semaphore_mem>>, %arg15: memref<!tpu.dma_semaphore, #tpu.memory_space<semaphore_mem>>) attributes {dimension_semantics = [#tpu.dimension_semantics<core_parallel>, #tpu.dimension_semantics<subcore_parallel>], iteration_bounds = array<i64: 2, 16>, scalar_prefetch = 0 : i64, scratch_operands = 10 : i64, tpu.core_type = #tpu.core_type<sc_vector_subcore>, window_params = [{transform_indices = #map}, {transform_indices = #map}, {transform_indices = #map}, {transform_indices = #map1}]} {
    %broadcast_in_dim3A = arith.constant 0.000000e+00 : f32
    %broadcast_in_dim3A_0 = vector.broadcast %broadcast_in_dim3A : f32 to vector<16xf32>
    %scan3A = arith.constant 0 : i32
    %scan3A_1 = arith.constant 196 : i32
    %scan3A_2 = arith.addi %scan3A, %scan3A_1 : i32
    %scan3A_3 = arith.constant 4 : i32
    scf.for %scan3A_339 = %scan3A to %scan3A_2 step %scan3A_3  : i32 {
      %swap3A_340 = arith.index_cast %scan3A_339 : i32 to index
      %swap3A_341 = arith.constant 0 : index
      %swap3A_342 = tpu.vector_load %arg10[%swap3A_340, %swap3A_341] {strides = array<i32>} : memref<196x32xf32, #tpu.memory_space<vmem>>, vector<16xf32>,
      tpu.vector_store %arg10[%swap3A_340, %swap3A_341], %broadcast_in_dim3A_0 {strides = array<i32>} : memref<196x32xf32, #tpu.memory_space<vmem>>, vector<16xf32>,
      %swap3A_343 = arith.index_cast %scan3A_339 : i32 to index
      %swap3A_344 = arith.constant 16 : index
      %swap3A_345 = tpu.vector_load %arg10[%swap3A_343, %swap3A_344] {strides = array<i32>} : memref<196x32xf32, #tpu.memory_space<vmem>>, vector<16xf32>,
      tpu.vector_store %arg10[%swap3A_343, %swap3A_344], %broadcast_in_dim3A_0 {strides = array<i32>} : memref<196x32xf32, #tpu.memory_space<vmem>>, vector<16xf32>,
      %scan3A_346 = arith.constant 1 : i32
      %scan3A_347 = arith.addi %scan3A_339, %scan3A_346 : i32
      %swap3A_348 = arith.index_cast %scan3A_347 : i32 to index
      %swap3A_349 = arith.constant 0 : index
      %swap3A_350 = tpu.vector_load %arg10[%swap3A_348, %swap3A_349] {strides = array<i32>} : memref<196x32xf32, #tpu.memory_space<vmem>>, vector<16xf32>,
      tpu.vector_store %arg10[%swap3A_348, %swap3A_349], %broadcast_in_dim3A_0 {strides = array<i32>} : memref<196x32xf32, #tpu.memory_space<vmem>>, vector<16xf32>,
      %swap3A_351 = arith.index_cast %scan3A_347 : i32 to index
      %swap3A_352 = arith.constant 16 : index
      %swap3A_353 = tpu.vector_load %arg10[%swap3A_351, %swap3A_352] {strides = array<i32>} : memref<196x32xf32, #tpu.memory_space<vmem>>, vector<16xf32>,
      tpu.vector_store %arg10[%swap3A_351, %swap3A_352], %broadcast_in_dim3A_0 {strides = array<i32>} : memref<196x32xf32, #tpu.memory_space<vmem>>, vector<16xf32>,
      %scan3A_354 = arith.constant 2 : i32
      %scan3A_355 = arith.addi %scan3A_339, %scan3A_354 : i32
      %swap3A_356 = arith.index_cast %scan3A_355 : i32 to index
      %swap3A_357 = arith.constant 0 : index
      %swap3A_358 = tpu.vector_load %arg10[%swap3A_356, %swap3A_357] {strides = array<i32>} : memref<196x32xf32, #tpu.memory_space<vmem>>, vector<16xf32>,
      tpu.vector_store %arg10[%swap3A_356, %swap3A_357], %broadcast_in_dim3A_0 {strides = array<i32>} : memref<196x32xf32, #tpu.memory_space<vmem>>, vector<16xf32>,
      %swap3A_359 = arith.index_cast %scan3A_355 : i32 to index
      %swap3A_360 = arith.constant 16 : index
      %swap3A_361 = tpu.vector_load %arg10[%swap3A_359, %swap3A_360] {strides = array<i32>} : memref<196x32xf32, #tpu.memory_space<vmem>>, vector<16xf32>,
      tpu.vector_store %arg10[%swap3A_359, %swap3A_360], %broadcast_in_dim3A_0 {strides = array<i32>} : memref<196x32xf32, #tpu.memory_space<vmem>>, vector<16xf32>,
      %scan3A_362 = arith.constant 3 : i32
      %scan3A_363 = arith.addi %scan3A_339, %scan3A_362 : i32
      %swap3A_364 = arith.index_cast %scan3A_363 : i32 to index
      %swap3A_365 = arith.constant 0 : index
      %swap3A_366 = tpu.vector_load %arg10[%swap3A_364, %swap3A_365] {strides = array<i32>} : memref<196x32xf32, #tpu.memory_space<vmem>>, vector<16xf32>,
      tpu.vector_store %arg10[%swap3A_364, %swap3A_365], %broadcast_in_dim3A_0 {strides = array<i32>} : memref<196x32xf32, #tpu.memory_space<vmem>>, vector<16xf32>,
      %swap3A_367 = arith.index_cast %scan3A_363 : i32 to index
      %swap3A_368 = arith.constant 16 : index
      %swap3A_369 = tpu.vector_load %arg10[%swap3A_367, %swap3A_368] {strides = array<i32>} : memref<196x32xf32, #tpu.memory_space<vmem>>, vector<16xf32>,
      tpu.vector_store %arg10[%swap3A_367, %swap3A_368], %broadcast_in_dim3A_0 {strides = array<i32>} : memref<196x32xf32, #tpu.memory_space<vmem>>, vector<16xf32>,
    }
    %scan3A_4 = arith.constant 196 : i32
    %mul3A = arith.constant 3136 : i32
    %mul3A_5 = arith.muli %arg1, %mul3A : i32
    %add3A = arith.constant 0 : i32
    %add3A_6 = arith.addi %mul3A_5, %add3A : i32
    "tpu.region"() ({
      %run_scoped3A_339 = tpu.sem_alloc : memref<!tpu.dma_semaphore, #tpu.memory_space<semaphore_mem>>
      %dma_start3A_340 = arith.constant 0 : i32
      %dma_start3A_341 = tpu.memref_slice %arg11[%add3A_6, %dma_start3A_340] : memref<50176x32xf32, #tpu.memory_space<vmem_shared>> -> memref<196x32xf32, #tpu.memory_space<vmem_shared>>
      %dma_start3A_342 = arith.constant 0 : i32
      %dma_start3A_343 = tpu.memref_slice %arg11[%add3A_6, %dma_start3A_342] : memref<50176x32xf32, #tpu.memory_space<vmem_shared>> -> memref<196x32xf32, #tpu.memory_space<vmem_shared>>
      tpu.enqueue_dma source(%arg10 : memref<196x32xf32, #tpu.memory_space<vmem>>) target(%dma_start3A_343 : memref<196x32xf32, #tpu.memory_space<vmem_shared>>) target_semaphore(%run_scoped3A_339 : memref<!tpu.dma_semaphore, #tpu.memory_space<semaphore_mem>>)
      %dma_wait3A_344 = arith.constant 0 : i32
      %dma_wait3A_345 = tpu.memref_slice %arg11[%add3A_6, %dma_wait3A_344] : memref<50176x32xf32, #tpu.memory_space<vmem_shared>> -> memref<196x32xf32, #tpu.memory_space<vmem_shared>>
      %dma_wait3A_346 = arith.constant 0 : i32
      %dma_wait3A_347 = tpu.memref_slice %arg11[%add3A_6, %dma_wait3A_346] : memref<50176x32xf32, #tpu.memory_space<vmem_shared>> -> memref<196x32xf32, #tpu.memory_space<vmem_shared>>
      tpu.wait_dma2 semaphore(%run_scoped3A_339 : memref<!tpu.dma_semaphore, #tpu.memory_space<semaphore_mem>>) src(%arg10 : memref<196x32xf32, #tpu.memory_space<vmem>>) dst(%dma_wait3A_347 : memref<196x32xf32, #tpu.memory_space<vmem_shared>>)
      tpu.yield
    }) : () -> ()
    %mul3A_7 = arith.constant 3136 : i32
    %mul3A_8 = arith.muli %arg1, %mul3A_7 : i32
    %add3A_9 = arith.constant 196 : i32
    %add3A_10 = arith.addi %mul3A_8, %add3A_9 : i32
    "tpu.region"() ({
      %run_scoped3A_339 = tpu.sem_alloc : memref<!tpu.dma_semaphore, #tpu.memory_space<semaphore_mem>>
      %dma_start3A_340 = arith.constant 0 : i32
      %dma_start3A_341 = tpu.memref_slice %arg11[%add3A_10, %dma_start3A_340] : memref<50176x32xf32, #tpu.memory_space<vmem_shared>> -> memref<196x32xf32, #tpu.memory_space<vmem_shared>>
      %dma_start3A_342 = arith.constant 0 : i32
      %dma_start3A_343 = tpu.memref_slice %arg11[%add3A_10, %dma_start3A_342] : memref<50176x32xf32, #tpu.memory_space<vmem_shared>> -> memref<196x32xf32, #tpu.memory_space<vmem_shared>>
      tpu.enqueue_dma source(%arg10 : memref<196x32xf32, #tpu.memory_space<vmem>>) target(%dma_start3A_343 : memref<196x32xf32, #tpu.memory_space<vmem_shared>>) target_semaphore(%run_scoped3A_339 : memref<!tpu.dma_semaphore, #tpu.memory_space<semaphore_mem>>)
      %dma_wait3A_344 = arith.constant 0 : i32
      %dma_wait3A_345 = tpu.memref_slice %arg11[%add3A_10, %dma_wait3A_344] : memref<50176x32xf32, #tpu.memory_space<vmem_shared>> -> memref<196x32xf32, #tpu.memory_space<vmem_shared>>
      %dma_wait3A_346 = arith.constant 0 : i32
      %dma_wait3A_347 = tpu.memref_slice %arg11[%add3A_10, %dma_wait3A_346] : memref<50176x32xf32, #tpu.memory_space<vmem_shared>> -> memref<196x32xf32, #tpu.memory_space<vmem_shared>>
      tpu.wait_dma2 semaphore(%run_scoped3A_339 : memref<!tpu.dma_semaphore, #tpu.memory_space<semaphore_mem>>) src(%arg10 : memref<196x32xf32, #tpu.memory_space<vmem>>) dst(%dma_wait3A_347 : memref<196x32xf32, #tpu.memory_space<vmem_shared>>)
      tpu.yield
    }) : () -> ()
    %mul3A_11 = arith.constant 3136 : i32
    %mul3A_12 = arith.muli %arg1, %mul3A_11 : i32
    %add3A_13 = arith.constant 392 : i32
    %add3A_14 = arith.addi %mul3A_12, %add3A_13 : i32
    "tpu.region"() ({
      %run_scoped3A_339 = tpu.sem_alloc : memref<!tpu.dma_semaphore, #tpu.memory_space<semaphore_mem>>
      %dma_start3A_340 = arith.constant 0 : i32
      %dma_start3A_341 = tpu.memref_slice %arg11[%add3A_14, %dma_start3A_340] : memref<50176x32xf32, #tpu.memory_space<vmem_shared>> -> memref<196x32xf32, #tpu.memory_space<vmem_shared>>
      %dma_start3A_342 = arith.constant 0 : i32
      %dma_start3A_343 = tpu.memref_slice %arg11[%add3A_14, %dma_start3A_342] : memref<50176x32xf32, #tpu.memory_space<vmem_shared>> -> memref<196x32xf32, #tpu.memory_space<vmem_shared>>
      tpu.enqueue_dma source(%arg10 : memref<196x32xf32, #tpu.memory_space<vmem>>) target(%dma_start3A_343 : memref<196x32xf32, #tpu.memory_space<vmem_shared>>) target_semaphore(%run_scoped3A_339 : memref<!tpu.dma_semaphore, #tpu.memory_space<semaphore_mem>>)
      %dma_wait3A_344 = arith.constant 0 : i32
      %dma_wait3A_345 = tpu.memref_slice %arg11[%add3A_14, %dma_wait3A_344] : memref<50176x32xf32, #tpu.memory_space<vmem_shared>> -> memref<196x32xf32, #tpu.memory_space<vmem_shared>>
      %dma_wait3A_346 = arith.constant 0 : i32
      %dma_wait3A_347 = tpu.memref_slice %arg11[%add3A_14, %dma_wait3A_346] : memref<50176x32xf32, #tpu.memory_space<vmem_shared>> -> memref<196x32xf32, #tpu.memory_space<vmem_shared>>
      tpu.wait_dma2 semaphore(%run_scoped3A_339 : memref<!tpu.dma_semaphore, #tpu.memory_space<semaphore_mem>>) src(%arg10 : memref<196x32xf32, #tpu.memory_space<vmem>>) dst(%dma_wait3A_347 : memref<196x32xf32, #tpu.memory_space<vmem_shared>>)
      tpu.yield
    }) : () -> ()
    %mul3A_15 = arith.constant 3136 : i32
    %mul3A_16 = arith.muli %arg1, %mul3A_15 : i32
    %add3A_17 = arith.constant 588 : i32
    %add3A_18 = arith.addi %mul3A_16, %add3A_17 : i32
    "tpu.region"() ({
      %run_scoped3A_339 = tpu.sem_alloc : memref<!tpu.dma_semaphore, #tpu.memory_space<semaphore_mem>>
      %dma_start3A_340 = arith.constant 0 : i32
      %dma_start3A_341 = tpu.memref_slice %arg11[%add3A_18, %dma_start3A_340] : memref<50176x32xf32, #tpu.memory_space<vmem_shared>> -> memref<196x32xf32, #tpu.memory_space<vmem_shared>>
      %dma_start3A_342 = arith.constant 0 : i32
      %dma_start3A_343 = tpu.memref_slice %arg11[%add3A_18, %dma_start3A_342] : memref<50176x32xf32, #tpu.memory_space<vmem_shared>> -> memref<196x32xf32, #tpu.memory_space<vmem_shared>>
      tpu.enqueue_dma source(%arg10 : memref<196x32xf32, #tpu.memory_space<vmem>>) target(%dma_start3A_343 : memref<196x32xf32, #tpu.memory_space<vmem_shared>>) target_semaphore(%run_scoped3A_339 : memref<!tpu.dma_semaphore, #tpu.memory_space<semaphore_mem>>)
      %dma_wait3A_344 = arith.constant 0 : i32
      %dma_wait3A_345 = tpu.memref_slice %arg11[%add3A_18, %dma_wait3A_344] : memref<50176x32xf32, #tpu.memory_space<vmem_shared>> -> memref<196x32xf32, #tpu.memory_space<vmem_shared>>
      %dma_wait3A_346 = arith.constant 0 : i32
      %dma_wait3A_347 = tpu.memref_slice %arg11[%add3A_18, %dma_wait3A_346] : memref<50176x32xf32, #tpu.memory_space<vmem_shared>> -> memref<196x32xf32, #tpu.memory_space<vmem_shared>>
      tpu.wait_dma2 semaphore(%run_scoped3A_339 : memref<!tpu.dma_semaphore, #tpu.memory_space<semaphore_mem>>) src(%arg10 : memref<196x32xf32, #tpu.memory_space<vmem>>) dst(%dma_wait3A_347 : memref<196x32xf32, #tpu.memory_space<vmem_shared>>)
      tpu.yield
    }) : () -> ()
    %mul3A_19 = arith.constant 3136 : i32
    %mul3A_20 = arith.muli %arg1, %mul3A_19 : i32
    %add3A_21 = arith.constant 784 : i32
    %add3A_22 = arith.addi %mul3A_20, %add3A_21 : i32
    "tpu.region"() ({
      %run_scoped3A_339 = tpu.sem_alloc : memref<!tpu.dma_semaphore, #tpu.memory_space<semaphore_mem>>
      %dma_start3A_340 = arith.constant 0 : i32
      %dma_start3A_341 = tpu.memref_slice %arg11[%add3A_22, %dma_start3A_340] : memref<50176x32xf32, #tpu.memory_space<vmem_shared>> -> memref<196x32xf32, #tpu.memory_space<vmem_shared>>
      %dma_start3A_342 = arith.constant 0 : i32
      %dma_start3A_343 = tpu.memref_slice %arg11[%add3A_22, %dma_start3A_342] : memref<50176x32xf32, #tpu.memory_space<vmem_shared>> -> memref<196x32xf32, #tpu.memory_space<vmem_shared>>
      tpu.enqueue_dma source(%arg10 : memref<196x32xf32, #tpu.memory_space<vmem>>) target(%dma_start3A_343 : memref<196x32xf32, #tpu.memory_space<vmem_shared>>) target_semaphore(%run_scoped3A_339 : memref<!tpu.dma_semaphore, #tpu.memory_space<semaphore_mem>>)
      %dma_wait3A_344 = arith.constant 0 : i32
      %dma_wait3A_345 = tpu.memref_slice %arg11[%add3A_22, %dma_wait3A_344] : memref<50176x32xf32, #tpu.memory_space<vmem_shared>> -> memref<196x32xf32, #tpu.memory_space<vmem_shared>>
      %dma_wait3A_346 = arith.constant 0 : i32
      %dma_wait3A_347 = tpu.memref_slice %arg11[%add3A_22, %dma_wait3A_346] : memref<50176x32xf32, #tpu.memory_space<vmem_shared>> -> memref<196x32xf32, #tpu.memory_space<vmem_shared>>
      tpu.wait_dma2 semaphore(%run_scoped3A_339 : memref<!tpu.dma_semaphore, #tpu.memory_space<semaphore_mem>>) src(%arg10 : memref<196x32xf32, #tpu.memory_space<vmem>>) dst(%dma_wait3A_347 : memref<196x32xf32, #tpu.memory_space<vmem_shared>>)
      tpu.yield
    }) : () -> ()
    %mul3A_23 = arith.constant 3136 : i32
    %mul3A_24 = arith.muli %arg1, %mul3A_23 : i32
    %add3A_25 = arith.constant 980 : i32
    %add3A_26 = arith.addi %mul3A_24, %add3A_25 : i32
    "tpu.region"() ({
      %run_scoped3A_339 = tpu.sem_alloc : memref<!tpu.dma_semaphore, #tpu.memory_space<semaphore_mem>>
      %dma_start3A_340 = arith.constant 0 : i32
      %dma_start3A_341 = tpu.memref_slice %arg11[%add3A_26, %dma_start3A_340] : memref<50176x32xf32, #tpu.memory_space<vmem_shared>> -> memref<196x32xf32, #tpu.memory_space<vmem_shared>>
      %dma_start3A_342 = arith.constant 0 : i32
      %dma_start3A_343 = tpu.memref_slice %arg11[%add3A_26, %dma_start3A_342] : memref<50176x32xf32, #tpu.memory_space<vmem_shared>> -> memref<196x32xf32, #tpu.memory_space<vmem_shared>>
      tpu.enqueue_dma source(%arg10 : memref<196x32xf32, #tpu.memory_space<vmem>>) target(%dma_start3A_343 : memref<196x32xf32, #tpu.memory_space<vmem_shared>>) target_semaphore(%run_scoped3A_339 : memref<!tpu.dma_semaphore, #tpu.memory_space<semaphore_mem>>)
      %dma_wait3A_344 = arith.constant 0 : i32
      %dma_wait3A_345 = tpu.memref_slice %arg11[%add3A_26, %dma_wait3A_344] : memref<50176x32xf32, #tpu.memory_space<vmem_shared>> -> memref<196x32xf32, #tpu.memory_space<vmem_shared>>
      %dma_wait3A_346 = arith.constant 0 : i32
      %dma_wait3A_347 = tpu.memref_slice %arg11[%add3A_26, %dma_wait3A_346] : memref<50176x32xf32, #tpu.memory_space<vmem_shared>> -> memref<196x32xf32, #tpu.memory_space<vmem_shared>>
      tpu.wait_dma2 semaphore(%run_scoped3A_339 : memref<!tpu.dma_semaphore, #tpu.memory_space<semaphore_mem>>) src(%arg10 : memref<196x32xf32, #tpu.memory_space<vmem>>) dst(%dma_wait3A_347 : memref<196x32xf32, #tpu.memory_space<vmem_shared>>)
      tpu.yield
    }) : () -> ()
    %mul3A_27 = arith.constant 3136 : i32
    %mul3A_28 = arith.muli %arg1, %mul3A_27 : i32
    %add3A_29 = arith.constant 1176 : i32
    %add3A_30 = arith.addi %mul3A_28, %add3A_29 : i32
    "tpu.region"() ({
      %run_scoped3A_339 = tpu.sem_alloc : memref<!tpu.dma_semaphore, #tpu.memory_space<semaphore_mem>>
      %dma_start3A_340 = arith.constant 0 : i32
      %dma_start3A_341 = tpu.memref_slice %arg11[%add3A_30, %dma_start3A_340] : memref<50176x32xf32, #tpu.memory_space<vmem_shared>> -> memref<196x32xf32, #tpu.memory_space<vmem_shared>>
      %dma_start3A_342 = arith.constant 0 : i32
      %dma_start3A_343 = tpu.memref_slice %arg11[%add3A_30, %dma_start3A_342] : memref<50176x32xf32, #tpu.memory_space<vmem_shared>> -> memref<196x32xf32, #tpu.memory_space<vmem_shared>>
      tpu.enqueue_dma source(%arg10 : memref<196x32xf32, #tpu.memory_space<vmem>>) target(%dma_start3A_343 : memref<196x32xf32, #tpu.memory_space<vmem_shared>>) target_semaphore(%run_scoped3A_339 : memref<!tpu.dma_semaphore, #tpu.memory_space<semaphore_mem>>)
      %dma_wait3A_344 = arith.constant 0 : i32
      %dma_wait3A_345 = tpu.memref_slice %arg11[%add3A_30, %dma_wait3A_344] : memref<50176x32xf32, #tpu.memory_space<vmem_shared>> -> memref<196x32xf32, #tpu.memory_space<vmem_shared>>
      %dma_wait3A_346 = arith.constant 0 : i32
      %dma_wait3A_347 = tpu.memref_slice %arg11[%add3A_30, %dma_wait3A_346] : memref<50176x32xf32, #tpu.memory_space<vmem_shared>> -> memref<196x32xf32, #tpu.memory_space<vmem_shared>>
      tpu.wait_dma2 semaphore(%run_scoped3A_339 : memref<!tpu.dma_semaphore, #tpu.memory_space<semaphore_mem>>) src(%arg10 : memref<196x32xf32, #tpu.memory_space<vmem>>) dst(%dma_wait3A_347 : memref<196x32xf32, #tpu.memory_space<vmem_shared>>)
      tpu.yield
    }) : () -> ()
    %mul3A_31 = arith.constant 3136 : i32
    %mul3A_32 = arith.muli %arg1, %mul3A_31 : i32
    %add3A_33 = arith.constant 1372 : i32
    %add3A_34 = arith.addi %mul3A_32, %add3A_33 : i32
    "tpu.region"() ({
      %run_scoped3A_339 = tpu.sem_alloc : memref<!tpu.dma_semaphore, #tpu.memory_space<semaphore_mem>>
      %dma_start3A_340 = arith.constant 0 : i32
      %dma_start3A_341 = tpu.memref_slice %arg11[%add3A_34, %dma_start3A_340] : memref<50176x32xf32, #tpu.memory_space<vmem_shared>> -> memref<196x32xf32, #tpu.memory_space<vmem_shared>>
      %dma_start3A_342 = arith.constant 0 : i32
      %dma_start3A_343 = tpu.memref_slice %arg11[%add3A_34, %dma_start3A_342] : memref<50176x32xf32, #tpu.memory_space<vmem_shared>> -> memref<196x32xf32, #tpu.memory_space<vmem_shared>>
      tpu.enqueue_dma source(%arg10 : memref<196x32xf32, #tpu.memory_space<vmem>>) target(%dma_start3A_343 : memref<196x32xf32, #tpu.memory_space<vmem_shared>>) target_semaphore(%run_scoped3A_339 : memref<!tpu.dma_semaphore, #tpu.memory_space<semaphore_mem>>)
      %dma_wait3A_344 = arith.constant 0 : i32
      %dma_wait3A_345 = tpu.memref_slice %arg11[%add3A_34, %dma_wait3A_344] : memref<50176x32xf32, #tpu.memory_space<vmem_shared>> -> memref<196x32xf32, #tpu.memory_space<vmem_shared>>
      %dma_wait3A_346 = arith.constant 0 : i32
      %dma_wait3A_347 = tpu.memref_slice %arg11[%add3A_34, %dma_wait3A_346] : memref<50176x32xf32, #tpu.memory_space<vmem_shared>> -> memref<196x32xf32, #tpu.memory_space<vmem_shared>>
      tpu.wait_dma2 semaphore(%run_scoped3A_339 : memref<!tpu.dma_semaphore, #tpu.memory_space<semaphore_mem>>) src(%arg10 : memref<196x32xf32, #tpu.memory_space<vmem>>) dst(%dma_wait3A_347 : memref<196x32xf32, #tpu.memory_space<vmem_shared>>)
      tpu.yield
    }) : () -> ()
    %mul3A_35 = arith.constant 3136 : i32
    %mul3A_36 = arith.muli %arg1, %mul3A_35 : i32
    %add3A_37 = arith.constant 1568 : i32
    %add3A_38 = arith.addi %mul3A_36, %add3A_37 : i32
    "tpu.region"() ({
      %run_scoped3A_339 = tpu.sem_alloc : memref<!tpu.dma_semaphore, #tpu.memory_space<semaphore_mem>>
      %dma_start3A_340 = arith.constant 0 : i32
      %dma_start3A_341 = tpu.memref_slice %arg11[%add3A_38, %dma_start3A_340] : memref<50176x32xf32, #tpu.memory_space<vmem_shared>> -> memref<196x32xf32, #tpu.memory_space<vmem_shared>>
      %dma_start3A_342 = arith.constant 0 : i32
      %dma_start3A_343 = tpu.memref_slice %arg11[%add3A_38, %dma_start3A_342] : memref<50176x32xf32, #tpu.memory_space<vmem_shared>> -> memref<196x32xf32, #tpu.memory_space<vmem_shared>>
      tpu.enqueue_dma source(%arg10 : memref<196x32xf32, #tpu.memory_space<vmem>>) target(%dma_start3A_343 : memref<196x32xf32, #tpu.memory_space<vmem_shared>>) target_semaphore(%run_scoped3A_339 : memref<!tpu.dma_semaphore, #tpu.memory_space<semaphore_mem>>)
      %dma_wait3A_344 = arith.constant 0 : i32
      %dma_wait3A_345 = tpu.memref_slice %arg11[%add3A_38, %dma_wait3A_344] : memref<50176x32xf32, #tpu.memory_space<vmem_shared>> -> memref<196x32xf32, #tpu.memory_space<vmem_shared>>
      %dma_wait3A_346 = arith.constant 0 : i32
      %dma_wait3A_347 = tpu.memref_slice %arg11[%add3A_38, %dma_wait3A_346] : memref<50176x32xf32, #tpu.memory_space<vmem_shared>> -> memref<196x32xf32, #tpu.memory_space<vmem_shared>>
      tpu.wait_dma2 semaphore(%run_scoped3A_339 : memref<!tpu.dma_semaphore, #tpu.memory_space<semaphore_mem>>) src(%arg10 : memref<196x32xf32, #tpu.memory_space<vmem>>) dst(%dma_wait3A_347 : memref<196x32xf32, #tpu.memory_space<vmem_shared>>)
      tpu.yield
    }) : () -> ()
    %mul3A_39 = arith.constant 3136 : i32
    %mul3A_40 = arith.muli %arg1, %mul3A_39 : i32
    %add3A_41 = arith.constant 1764 : i32
    %add3A_42 = arith.addi %mul3A_40, %add3A_41 : i32
    "tpu.region"() ({
      %run_scoped3A_339 = tpu.sem_alloc : memref<!tpu.dma_semaphore, #tpu.memory_space<semaphore_mem>>
      %dma_start3A_340 = arith.constant 0 : i32
      %dma_start3A_341 = tpu.memref_slice %arg11[%add3A_42, %dma_start3A_340] : memref<50176x32xf32, #tpu.memory_space<vmem_shared>> -> memref<196x32xf32, #tpu.memory_space<vmem_shared>>
      %dma_start3A_342 = arith.constant 0 : i32
      %dma_start3A_343 = tpu.memref_slice %arg11[%add3A_42, %dma_start3A_342] : memref<50176x32xf32, #tpu.memory_space<vmem_shared>> -> memref<196x32xf32, #tpu.memory_space<vmem_shared>>
      tpu.enqueue_dma source(%arg10 : memref<196x32xf32, #tpu.memory_space<vmem>>) target(%dma_start3A_343 : memref<196x32xf32, #tpu.memory_space<vmem_shared>>) target_semaphore(%run_scoped3A_339 : memref<!tpu.dma_semaphore, #tpu.memory_space<semaphore_mem>>)
      %dma_wait3A_344 = arith.constant 0 : i32
      %dma_wait3A_345 = tpu.memref_slice %arg11[%add3A_42, %dma_wait3A_344] : memref<50176x32xf32, #tpu.memory_space<vmem_shared>> -> memref<196x32xf32, #tpu.memory_space<vmem_shared>>
      %dma_wait3A_346 = arith.constant 0 : i32
      %dma_wait3A_347 = tpu.memref_slice %arg11[%add3A_42, %dma_wait3A_346] : memref<50176x32xf32, #tpu.memory_space<vmem_shared>> -> memref<196x32xf32, #tpu.memory_space<vmem_shared>>
      tpu.wait_dma2 semaphore(%run_scoped3A_339 : memref<!tpu.dma_semaphore, #tpu.memory_space<semaphore_mem>>) src(%arg10 : memref<196x32xf32, #tpu.memory_space<vmem>>) dst(%dma_wait3A_347 : memref<196x32xf32, #tpu.memory_space<vmem_shared>>)
      tpu.yield
    }) : () -> ()
    %mul3A_43 = arith.constant 3136 : i32
    %mul3A_44 = arith.muli %arg1, %mul3A_43 : i32
    %add3A_45 = arith.constant 1960 : i32
    %add3A_46 = arith.addi %mul3A_44, %add3A_45 : i32
    "tpu.region"() ({
      %run_scoped3A_339 = tpu.sem_alloc : memref<!tpu.dma_semaphore, #tpu.memory_space<semaphore_mem>>
      %dma_start3A_340 = arith.constant 0 : i32
      %dma_start3A_341 = tpu.memref_slice %arg11[%add3A_46, %dma_start3A_340] : memref<50176x32xf32, #tpu.memory_space<vmem_shared>> -> memref<196x32xf32, #tpu.memory_space<vmem_shared>>
      %dma_start3A_342 = arith.constant 0 : i32
      %dma_start3A_343 = tpu.memref_slice %arg11[%add3A_46, %dma_start3A_342] : memref<50176x32xf32, #tpu.memory_space<vmem_shared>> -> memref<196x32xf32, #tpu.memory_space<vmem_shared>>
      tpu.enqueue_dma source(%arg10 : memref<196x32xf32, #tpu.memory_space<vmem>>) target(%dma_start3A_343 : memref<196x32xf32, #tpu.memory_space<vmem_shared>>) target_semaphore(%run_scoped3A_339 : memref<!tpu.dma_semaphore, #tpu.memory_space<semaphore_mem>>)
      %dma_wait3A_344 = arith.constant 0 : i32
      %dma_wait3A_345 = tpu.memref_slice %arg11[%add3A_46, %dma_wait3A_344] : memref<50176x32xf32, #tpu.memory_space<vmem_shared>> -> memref<196x32xf32, #tpu.memory_space<vmem_shared>>
      %dma_wait3A_346 = arith.constant 0 : i32
      %dma_wait3A_347 = tpu.memref_slice %arg11[%add3A_46, %dma_wait3A_346] : memref<50176x32xf32, #tpu.memory_space<vmem_shared>> -> memref<196x32xf32, #tpu.memory_space<vmem_shared>>
      tpu.wait_dma2 semaphore(%run_scoped3A_339 : memref<!tpu.dma_semaphore, #tpu.memory_space<semaphore_mem>>) src(%arg10 : memref<196x32xf32, #tpu.memory_space<vmem>>) dst(%dma_wait3A_347 : memref<196x32xf32, #tpu.memory_space<vmem_shared>>)
      tpu.yield
    }) : () -> ()
    %mul3A_47 = arith.constant 3136 : i32
    %mul3A_48 = arith.muli %arg1, %mul3A_47 : i32
    %add3A_49 = arith.constant 2156 : i32
    %add3A_50 = arith.addi %mul3A_48, %add3A_49 : i32
    "tpu.region"() ({
      %run_scoped3A_339 = tpu.sem_alloc : memref<!tpu.dma_semaphore, #tpu.memory_space<semaphore_mem>>
      %dma_start3A_340 = arith.constant 0 : i32
      %dma_start3A_341 = tpu.memref_slice %arg11[%add3A_50, %dma_start3A_340] : memref<50176x32xf32, #tpu.memory_space<vmem_shared>> -> memref<196x32xf32, #tpu.memory_space<vmem_shared>>
      %dma_start3A_342 = arith.constant 0 : i32
      %dma_start3A_343 = tpu.memref_slice %arg11[%add3A_50, %dma_start3A_342] : memref<50176x32xf32, #tpu.memory_space<vmem_shared>> -> memref<196x32xf32, #tpu.memory_space<vmem_shared>>
      tpu.enqueue_dma source(%arg10 : memref<196x32xf32, #tpu.memory_space<vmem>>) target(%dma_start3A_343 : memref<196x32xf32, #tpu.memory_space<vmem_shared>>) target_semaphore(%run_scoped3A_339 : memref<!tpu.dma_semaphore, #tpu.memory_space<semaphore_mem>>)
      %dma_wait3A_344 = arith.constant 0 : i32
      %dma_wait3A_345 = tpu.memref_slice %arg11[%add3A_50, %dma_wait3A_344] : memref<50176x32xf32, #tpu.memory_space<vmem_shared>> -> memref<196x32xf32, #tpu.memory_space<vmem_shared>>
      %dma_wait3A_346 = arith.constant 0 : i32
      %dma_wait3A_347 = tpu.memref_slice %arg11[%add3A_50, %dma_wait3A_346] : memref<50176x32xf32, #tpu.memory_space<vmem_shared>> -> memref<196x32xf32, #tpu.memory_space<vmem_shared>>
      tpu.wait_dma2 semaphore(%run_scoped3A_339 : memref<!tpu.dma_semaphore, #tpu.memory_space<semaphore_mem>>) src(%arg10 : memref<196x32xf32, #tpu.memory_space<vmem>>) dst(%dma_wait3A_347 : memref<196x32xf32, #tpu.memory_space<vmem_shared>>)
      tpu.yield
    }) : () -> ()
    %mul3A_51 = arith.constant 3136 : i32
    %mul3A_52 = arith.muli %arg1, %mul3A_51 : i32
    %add3A_53 = arith.constant 2352 : i32
    %add3A_54 = arith.addi %mul3A_52, %add3A_53 : i32
    "tpu.region"() ({
      %run_scoped3A_339 = tpu.sem_alloc : memref<!tpu.dma_semaphore, #tpu.memory_space<semaphore_mem>>
      %dma_start3A_340 = arith.constant 0 : i32
      %dma_start3A_341 = tpu.memref_slice %arg11[%add3A_54, %dma_start3A_340] : memref<50176x32xf32, #tpu.memory_space<vmem_shared>> -> memref<196x32xf32, #tpu.memory_space<vmem_shared>>
      %dma_start3A_342 = arith.constant 0 : i32
      %dma_start3A_343 = tpu.memref_slice %arg11[%add3A_54, %dma_start3A_342] : memref<50176x32xf32, #tpu.memory_space<vmem_shared>> -> memref<196x32xf32, #tpu.memory_space<vmem_shared>>
      tpu.enqueue_dma source(%arg10 : memref<196x32xf32, #tpu.memory_space<vmem>>) target(%dma_start3A_343 : memref<196x32xf32, #tpu.memory_space<vmem_shared>>) target_semaphore(%run_scoped3A_339 : memref<!tpu.dma_semaphore, #tpu.memory_space<semaphore_mem>>)
      %dma_wait3A_344 = arith.constant 0 : i32
      %dma_wait3A_345 = tpu.memref_slice %arg11[%add3A_54, %dma_wait3A_344] : memref<50176x32xf32, #tpu.memory_space<vmem_shared>> -> memref<196x32xf32, #tpu.memory_space<vmem_shared>>
      %dma_wait3A_346 = arith.constant 0 : i32
      %dma_wait3A_347 = tpu.memref_slice %arg11[%add3A_54, %dma_wait3A_346] : memref<50176x32xf32, #tpu.memory_space<vmem_shared>> -> memref<196x32xf32, #tpu.memory_space<vmem_shared>>
      tpu.wait_dma2 semaphore(%run_scoped3A_339 : memref<!tpu.dma_semaphore, #tpu.memory_space<semaphore_mem>>) src(%arg10 : memref<196x32xf32, #tpu.memory_space<vmem>>) dst(%dma_wait3A_347 : memref<196x32xf32, #tpu.memory_space<vmem_shared>>)
      tpu.yield
    }) : () -> ()
    %mul3A_55 = arith.constant 3136 : i32
    %mul3A_56 = arith.muli %arg1, %mul3A_55 : i32
    %add3A_57 = arith.constant 2548 : i32
    %add3A_58 = arith.addi %mul3A_56, %add3A_57 : i32
    "tpu.region"() ({
      %run_scoped3A_339 = tpu.sem_alloc : memref<!tpu.dma_semaphore, #tpu.memory_space<semaphore_mem>>
      %dma_start3A_340 = arith.constant 0 : i32
      %dma_start3A_341 = tpu.memref_slice %arg11[%add3A_58, %dma_start3A_340] : memref<50176x32xf32, #tpu.memory_space<vmem_shared>> -> memref<196x32xf32, #tpu.memory_space<vmem_shared>>
      %dma_start3A_342 = arith.constant 0 : i32
      %dma_start3A_343 = tpu.memref_slice %arg11[%add3A_58, %dma_start3A_342] : memref<50176x32xf32, #tpu.memory_space<vmem_shared>> -> memref<196x32xf32, #tpu.memory_space<vmem_shared>>
      tpu.enqueue_dma source(%arg10 : memref<196x32xf32, #tpu.memory_space<vmem>>) target(%dma_start3A_343 : memref<196x32xf32, #tpu.memory_space<vmem_shared>>) target_semaphore(%run_scoped3A_339 : memref<!tpu.dma_semaphore, #tpu.memory_space<semaphore_mem>>)
      %dma_wait3A_344 = arith.constant 0 : i32
      %dma_wait3A_345 = tpu.memref_slice %arg11[%add3A_58, %dma_wait3A_344] : memref<50176x32xf32, #tpu.memory_space<vmem_shared>> -> memref<196x32xf32, #tpu.memory_space<vmem_shared>>
      %dma_wait3A_346 = arith.constant 0 : i32
      %dma_wait3A_347 = tpu.memref_slice %arg11[%add3A_58, %dma_wait3A_346] : memref<50176x32xf32, #tpu.memory_space<vmem_shared>> -> memref<196x32xf32, #tpu.memory_space<vmem_shared>>
      tpu.wait_dma2 semaphore(%run_scoped3A_339 : memref<!tpu.dma_semaphore, #tpu.memory_space<semaphore_mem>>) src(%arg10 : memref<196x32xf32, #tpu.memory_space<vmem>>) dst(%dma_wait3A_347 : memref<196x32xf32, #tpu.memory_space<vmem_shared>>)
      tpu.yield
    }) : () -> ()
    %mul3A_59 = arith.constant 3136 : i32
    %mul3A_60 = arith.muli %arg1, %mul3A_59 : i32
    %add3A_61 = arith.constant 2744 : i32
    %add3A_62 = arith.addi %mul3A_60, %add3A_61 : i32
    "tpu.region"() ({
      %run_scoped3A_339 = tpu.sem_alloc : memref<!tpu.dma_semaphore, #tpu.memory_space<semaphore_mem>>
      %dma_start3A_340 = arith.constant 0 : i32
      %dma_start3A_341 = tpu.memref_slice %arg11[%add3A_62, %dma_start3A_340] : memref<50176x32xf32, #tpu.memory_space<vmem_shared>> -> memref<196x32xf32, #tpu.memory_space<vmem_shared>>
      %dma_start3A_342 = arith.constant 0 : i32
      %dma_start3A_343 = tpu.memref_slice %arg11[%add3A_62, %dma_start3A_342] : memref<50176x32xf32, #tpu.memory_space<vmem_shared>> -> memref<196x32xf32, #tpu.memory_space<vmem_shared>>
      tpu.enqueue_dma source(%arg10 : memref<196x32xf32, #tpu.memory_space<vmem>>) target(%dma_start3A_343 : memref<196x32xf32, #tpu.memory_space<vmem_shared>>) target_semaphore(%run_scoped3A_339 : memref<!tpu.dma_semaphore, #tpu.memory_space<semaphore_mem>>)
      %dma_wait3A_344 = arith.constant 0 : i32
      %dma_wait3A_345 = tpu.memref_slice %arg11[%add3A_62, %dma_wait3A_344] : memref<50176x32xf32, #tpu.memory_space<vmem_shared>> -> memref<196x32xf32, #tpu.memory_space<vmem_shared>>
      %dma_wait3A_346 = arith.constant 0 : i32
      %dma_wait3A_347 = tpu.memref_slice %arg11[%add3A_62, %dma_wait3A_346] : memref<50176x32xf32, #tpu.memory_space<vmem_shared>> -> memref<196x32xf32, #tpu.memory_space<vmem_shared>>
      tpu.wait_dma2 semaphore(%run_scoped3A_339 : memref<!tpu.dma_semaphore, #tpu.memory_space<semaphore_mem>>) src(%arg10 : memref<196x32xf32, #tpu.memory_space<vmem>>) dst(%dma_wait3A_347 : memref<196x32xf32, #tpu.memory_space<vmem_shared>>)
      tpu.yield
    }) : () -> ()
    %mul3A_63 = arith.constant 3136 : i32
    %mul3A_64 = arith.muli %arg1, %mul3A_63 : i32
    %add3A_65 = arith.constant 2940 : i32
    %add3A_66 = arith.addi %mul3A_64, %add3A_65 : i32
    "tpu.region"() ({
      %run_scoped3A_339 = tpu.sem_alloc : memref<!tpu.dma_semaphore, #tpu.memory_space<semaphore_mem>>
      %dma_start3A_340 = arith.constant 0 : i32
      %dma_start3A_341 = tpu.memref_slice %arg11[%add3A_66, %dma_start3A_340] : memref<50176x32xf32, #tpu.memory_space<vmem_shared>> -> memref<196x32xf32, #tpu.memory_space<vmem_shared>>
      %dma_start3A_342 = arith.constant 0 : i32
      %dma_start3A_343 = tpu.memref_slice %arg11[%add3A_66, %dma_start3A_342] : memref<50176x32xf32, #tpu.memory_space<vmem_shared>> -> memref<196x32xf32, #tpu.memory_space<vmem_shared>>
      tpu.enqueue_dma source(%arg10 : memref<196x32xf32, #tpu.memory_space<vmem>>) target(%dma_start3A_343 : memref<196x32xf32, #tpu.memory_space<vmem_shared>>) target_semaphore(%run_scoped3A_339 : memref<!tpu.dma_semaphore, #tpu.memory_space<semaphore_mem>>)
      %dma_wait3A_344 = arith.constant 0 : i32
      %dma_wait3A_345 = tpu.memref_slice %arg11[%add3A_66, %dma_wait3A_344] : memref<50176x32xf32, #tpu.memory_space<vmem_shared>> -> memref<196x32xf32, #tpu.memory_space<vmem_shared>>
      %dma_wait3A_346 = arith.constant 0 : i32
      %dma_wait3A_347 = tpu.memref_slice %arg11[%add3A_66, %dma_wait3A_346] : memref<50176x32xf32, #tpu.memory_space<vmem_shared>> -> memref<196x32xf32, #tpu.memory_space<vmem_shared>>
      tpu.wait_dma2 semaphore(%run_scoped3A_339 : memref<!tpu.dma_semaphore, #tpu.memory_space<semaphore_mem>>) src(%arg10 : memref<196x32xf32, #tpu.memory_space<vmem>>) dst(%dma_wait3A_347 : memref<196x32xf32, #tpu.memory_space<vmem_shared>>)
      tpu.yield
    }) : () -> ()
    %barrier3A = arith.constant 0 : index
    tpu.barrier barrier_id(%barrier3A)
    %mul3A_67 = arith.constant 0 : i32
    %mul3A_68 = arith.muli %arg0, %mul3A_67 : i32
    %mul3A_69 = arith.constant 392 : i32
    %mul3A_70 = arith.muli %arg1, %mul3A_69 : i32
    %add3A_71 = arith.addi %mul3A_68, %mul3A_70 : i32
    %add3A_72 = arith.constant 0 : i32
    %add3A_73 = arith.addi %add3A_71, %add3A_72 : i32
    %run_scoped3A = arith.constant 0 : i32
    "tpu.region"() ({
      %run_scoped3A_339 = tpu.sem_alloc : memref<!tpu.dma_semaphore, #tpu.memory_space<semaphore_mem>>
      %dma_start3A_340 = arith.constant 0 : i32
      %dma_start3A_341 = arith.constant 0 : i32
      %dma_start3A_342 = tpu.memref_slice %arg6[%run_scoped3A, %dma_start3A_340, %dma_start3A_341] : memref<2x2x128xi32, #tpu.memory_space<vmem>> -> memref<1x2x128xi32, #tpu.memory_space<vmem>>
      %dma_start3A_343 = tpu.memref_squeeze %dma_start3A_342 : memref<1x2x128xi32, #tpu.memory_space<vmem>> -> memref<2x128xi32, #tpu.memory_space<vmem>>
      %dma_start3A_344 = arith.constant 0 : i32
      %dma_start3A_345 = tpu.memref_slice %arg3[%add3A_73, %dma_start3A_344] : memref<6272x128xi32, #tpu.memory_space<hbm>> -> memref<2x128xi32, #tpu.memory_space<hbm>>
      %dma_start3A_346 = arith.constant 0 : i32
      %dma_start3A_347 = arith.constant 0 : i32
      %dma_start3A_348 = tpu.memref_slice %arg6[%run_scoped3A, %dma_start3A_346, %dma_start3A_347] : memref<2x2x128xi32, #tpu.memory_space<vmem>> -> memref<1x2x128xi32, #tpu.memory_space<vmem>>
      %dma_start3A_349 = tpu.memref_squeeze %dma_start3A_348 : memref<1x2x128xi32, #tpu.memory_space<vmem>> -> memref<2x128xi32, #tpu.memory_space<vmem>>
      %dma_start3A_350 = arith.constant 0 : i32
      %dma_start3A_351 = tpu.memref_slice %arg3[%add3A_73, %dma_start3A_350] : memref<6272x128xi32, #tpu.memory_space<hbm>> -> memref<2x128xi32, #tpu.memory_space<hbm>>
      tpu.enqueue_dma source(%dma_start3A_351 : memref<2x128xi32, #tpu.memory_space<hbm>>) target(%dma_start3A_349 : memref<2x128xi32, #tpu.memory_space<vmem>>) target_semaphore(%run_scoped3A_339 : memref<!tpu.dma_semaphore, #tpu.memory_space<semaphore_mem>>)
      %dma_wait3A_352 = arith.constant 0 : i32
      %dma_wait3A_353 = arith.constant 0 : i32
      %dma_wait3A_354 = tpu.memref_slice %arg6[%run_scoped3A, %dma_wait3A_352, %dma_wait3A_353] : memref<2x2x128xi32, #tpu.memory_space<vmem>> -> memref<1x2x128xi32, #tpu.memory_space<vmem>>
      %dma_wait3A_355 = tpu.memref_squeeze %dma_wait3A_354 : memref<1x2x128xi32, #tpu.memory_space<vmem>> -> memref<2x128xi32, #tpu.memory_space<vmem>>
      %dma_wait3A_356 = arith.constant 0 : i32
      %dma_wait3A_357 = tpu.memref_slice %arg3[%add3A_73, %dma_wait3A_356] : memref<6272x128xi32, #tpu.memory_space<hbm>> -> memref<2x128xi32, #tpu.memory_space<hbm>>
      %dma_wait3A_358 = arith.constant 0 : i32
      %dma_wait3A_359 = arith.constant 0 : i32
      %dma_wait3A_360 = tpu.memref_slice %arg6[%run_scoped3A, %dma_wait3A_358, %dma_wait3A_359] : memref<2x2x128xi32, #tpu.memory_space<vmem>> -> memref<1x2x128xi32, #tpu.memory_space<vmem>>
      %dma_wait3A_361 = tpu.memref_squeeze %dma_wait3A_360 : memref<1x2x128xi32, #tpu.memory_space<vmem>> -> memref<2x128xi32, #tpu.memory_space<vmem>>
      %dma_wait3A_362 = arith.constant 0 : i32
      %dma_wait3A_363 = tpu.memref_slice %arg3[%add3A_73, %dma_wait3A_362] : memref<6272x128xi32, #tpu.memory_space<hbm>> -> memref<2x128xi32, #tpu.memory_space<hbm>>
      tpu.wait_dma2 semaphore(%run_scoped3A_339 : memref<!tpu.dma_semaphore, #tpu.memory_space<semaphore_mem>>) src(%dma_wait3A_363 : memref<2x128xi32, #tpu.memory_space<hbm>>) dst(%dma_wait3A_361 : memref<2x128xi32, #tpu.memory_space<vmem>>)
      tpu.yield
    }) : () -> ()
    %run_scoped3A_74 = arith.constant 0 : i32
    "tpu.region"() ({
      %run_scoped3A_339 = tpu.sem_alloc : memref<!tpu.dma_semaphore, #tpu.memory_space<semaphore_mem>>
      %dma_start3A_340 = arith.constant 0 : i32
      %dma_start3A_341 = arith.constant 0 : i32
      %dma_start3A_342 = tpu.memref_slice %arg7[%run_scoped3A_74, %dma_start3A_340, %dma_start3A_341] : memref<2x2x128xi32, #tpu.memory_space<vmem>> -> memref<1x2x128xi32, #tpu.memory_space<vmem>>
      %dma_start3A_343 = tpu.memref_squeeze %dma_start3A_342 : memref<1x2x128xi32, #tpu.memory_space<vmem>> -> memref<2x128xi32, #tpu.memory_space<vmem>>
      %dma_start3A_344 = arith.constant 0 : i32
      %dma_start3A_345 = tpu.memref_slice %arg4[%add3A_73, %dma_start3A_344] : memref<6272x128xi32, #tpu.memory_space<hbm>> -> memref<2x128xi32, #tpu.memory_space<hbm>>
      %dma_start3A_346 = arith.constant 0 : i32
      %dma_start3A_347 = arith.constant 0 : i32
      %dma_start3A_348 = tpu.memref_slice %arg7[%run_scoped3A_74, %dma_start3A_346, %dma_start3A_347] : memref<2x2x128xi32, #tpu.memory_space<vmem>> -> memref<1x2x128xi32, #tpu.memory_space<vmem>>
      %dma_start3A_349 = tpu.memref_squeeze %dma_start3A_348 : memref<1x2x128xi32, #tpu.memory_space<vmem>> -> memref<2x128xi32, #tpu.memory_space<vmem>>
      %dma_start3A_350 = arith.constant 0 : i32
      %dma_start3A_351 = tpu.memref_slice %arg4[%add3A_73, %dma_start3A_350] : memref<6272x128xi32, #tpu.memory_space<hbm>> -> memref<2x128xi32, #tpu.memory_space<hbm>>
      tpu.enqueue_dma source(%dma_start3A_351 : memref<2x128xi32, #tpu.memory_space<hbm>>) target(%dma_start3A_349 : memref<2x128xi32, #tpu.memory_space<vmem>>) target_semaphore(%run_scoped3A_339 : memref<!tpu.dma_semaphore, #tpu.memory_space<semaphore_mem>>)
      %dma_wait3A_352 = arith.constant 0 : i32
      %dma_wait3A_353 = arith.constant 0 : i32
      %dma_wait3A_354 = tpu.memref_slice %arg7[%run_scoped3A_74, %dma_wait3A_352, %dma_wait3A_353] : memref<2x2x128xi32, #tpu.memory_space<vmem>> -> memref<1x2x128xi32, #tpu.memory_space<vmem>>
      %dma_wait3A_355 = tpu.memref_squeeze %dma_wait3A_354 : memref<1x2x128xi32, #tpu.memory_space<vmem>> -> memref<2x128xi32, #tpu.memory_space<vmem>>
      %dma_wait3A_356 = arith.constant 0 : i32
      %dma_wait3A_357 = tpu.memref_slice %arg4[%add3A_73, %dma_wait3A_356] : memref<6272x128xi32, #tpu.memory_space<hbm>> -> memref<2x128xi32, #tpu.memory_space<hbm>>
      %dma_wait3A_358 = arith.constant 0 : i32
      %dma_wait3A_359 = arith.constant 0 : i32
      %dma_wait3A_360 = tpu.memref_slice %arg7[%run_scoped3A_74, %dma_wait3A_358, %dma_wait3A_359] : memref<2x2x128xi32, #tpu.memory_space<vmem>> -> memref<1x2x128xi32, #tpu.memory_space<vmem>>
      %dma_wait3A_361 = tpu.memref_squeeze %dma_wait3A_360 : memref<1x2x128xi32, #tpu.memory_space<vmem>> -> memref<2x128xi32, #tpu.memory_space<vmem>>
      %dma_wait3A_362 = arith.constant 0 : i32
      %dma_wait3A_363 = tpu.memref_slice %arg4[%add3A_73, %dma_wait3A_362] : memref<6272x128xi32, #tpu.memory_space<hbm>> -> memref<2x128xi32, #tpu.memory_space<hbm>>
      tpu.wait_dma2 semaphore(%run_scoped3A_339 : memref<!tpu.dma_semaphore, #tpu.memory_space<semaphore_mem>>) src(%dma_wait3A_363 : memref<2x128xi32, #tpu.memory_space<hbm>>) dst(%dma_wait3A_361 : memref<2x128xi32, #tpu.memory_space<vmem>>)
      tpu.yield
    }) : () -> ()
    %mul3A_75 = arith.constant 50176 : i32
    %mul3A_76 = arith.muli %arg0, %mul3A_75 : i32
    %get3A = arith.constant 0 : i32
    %get3A_77 = arith.constant 0 : i32
    %get3A_78 = arith.index_cast %get3A : i32 to index
    %get3A_79 = arith.index_cast %get3A_77 : i32 to index
    %get3A_80 = arith.constant 0 : index
    %get3A_81 = tpu.vector_load %arg6[%get3A_78, %get3A_79, %get3A_80] {strides = array<i32>} : memref<2x2x128xi32, #tpu.memory_space<vmem>>, vector<16xi32>,
    %add3A_82 = vector.broadcast %mul3A_76 : i32 to vector<16xi32>
    %add3A_83 = arith.addi %get3A_81, %add3A_82 : vector<16xi32>
    %swap3A = arith.constant 0 : i32
    %swap3A_84 = arith.constant 0 : i32
    %swap3A_85 = arith.index_cast %swap3A : i32 to index
    %swap3A_86 = arith.index_cast %swap3A_84 : i32 to index
    %swap3A_87 = arith.constant 0 : index
    %swap3A_88 = tpu.vector_load %arg6[%swap3A_85, %swap3A_86, %swap3A_87] {strides = array<i32>} : memref<2x2x128xi32, #tpu.memory_space<vmem>>, vector<16xi32>,
    tpu.vector_store %arg6[%swap3A_85, %swap3A_86, %swap3A_87], %add3A_83 {strides = array<i32>} : memref<2x2x128xi32, #tpu.memory_space<vmem>>, vector<16xi32>,
    %get3A_89 = arith.constant 0 : i32
    %get3A_90 = arith.constant 0 : i32
    %get3A_91 = arith.index_cast %get3A_89 : i32 to index
    %get3A_92 = arith.index_cast %get3A_90 : i32 to index
    %get3A_93 = arith.constant 16 : index
    %get3A_94 = tpu.vector_load %arg6[%get3A_91, %get3A_92, %get3A_93] {strides = array<i32>} : memref<2x2x128xi32, #tpu.memory_space<vmem>>, vector<16xi32>,
    %add3A_95 = vector.broadcast %mul3A_76 : i32 to vector<16xi32>
    %add3A_96 = arith.addi %get3A_94, %add3A_95 : vector<16xi32>
    %swap3A_97 = arith.constant 0 : i32
    %swap3A_98 = arith.constant 0 : i32
    %swap3A_99 = arith.index_cast %swap3A_97 : i32 to index
    %swap3A_100 = arith.index_cast %swap3A_98 : i32 to index
    %swap3A_101 = arith.constant 16 : index
    %swap3A_102 = tpu.vector_load %arg6[%swap3A_99, %swap3A_100, %swap3A_101] {strides = array<i32>} : memref<2x2x128xi32, #tpu.memory_space<vmem>>, vector<16xi32>,
    tpu.vector_store %arg6[%swap3A_99, %swap3A_100, %swap3A_101], %add3A_96 {strides = array<i32>} : memref<2x2x128xi32, #tpu.memory_space<vmem>>, vector<16xi32>,
    %get3A_103 = arith.constant 0 : i32
    %get3A_104 = arith.constant 0 : i32
    %get3A_105 = arith.index_cast %get3A_103 : i32 to index
    %get3A_106 = arith.index_cast %get3A_104 : i32 to index
    %get3A_107 = arith.constant 32 : index
    %get3A_108 = tpu.vector_load %arg6[%get3A_105, %get3A_106, %get3A_107] {strides = array<i32>} : memref<2x2x128xi32, #tpu.memory_space<vmem>>, vector<16xi32>,
    %add3A_109 = vector.broadcast %mul3A_76 : i32 to vector<16xi32>
    %add3A_110 = arith.addi %get3A_108, %add3A_109 : vector<16xi32>
    %swap3A_111 = arith.constant 0 : i32
    %swap3A_112 = arith.constant 0 : i32
    %swap3A_113 = arith.index_cast %swap3A_111 : i32 to index
    %swap3A_114 = arith.index_cast %swap3A_112 : i32 to index
    %swap3A_115 = arith.constant 32 : index
    %swap3A_116 = tpu.vector_load %arg6[%swap3A_113, %swap3A_114, %swap3A_115] {strides = array<i32>} : memref<2x2x128xi32, #tpu.memory_space<vmem>>, vector<16xi32>,
    tpu.vector_store %arg6[%swap3A_113, %swap3A_114, %swap3A_115], %add3A_110 {strides = array<i32>} : memref<2x2x128xi32, #tpu.memory_space<vmem>>, vector<16xi32>,
    %get3A_117 = arith.constant 0 : i32
    %get3A_118 = arith.constant 0 : i32
    %get3A_119 = arith.index_cast %get3A_117 : i32 to index
    %get3A_120 = arith.index_cast %get3A_118 : i32 to index
    %get3A_121 = arith.constant 48 : index
    %get3A_122 = tpu.vector_load %arg6[%get3A_119, %get3A_120, %get3A_121] {strides = array<i32>} : memref<2x2x128xi32, #tpu.memory_space<vmem>>, vector<16xi32>,
    %add3A_123 = vector.broadcast %mul3A_76 : i32 to vector<16xi32>
    %add3A_124 = arith.addi %get3A_122, %add3A_123 : vector<16xi32>
    %swap3A_125 = arith.constant 0 : i32
    %swap3A_126 = arith.constant 0 : i32
    %swap3A_127 = arith.index_cast %swap3A_125 : i32 to index
    %swap3A_128 = arith.index_cast %swap3A_126 : i32 to index
    %swap3A_129 = arith.constant 48 : index
    %swap3A_130 = tpu.vector_load %arg6[%swap3A_127, %swap3A_128, %swap3A_129] {strides = array<i32>} : memref<2x2x128xi32, #tpu.memory_space<vmem>>, vector<16xi32>,
    tpu.vector_store %arg6[%swap3A_127, %swap3A_128, %swap3A_129], %add3A_124 {strides = array<i32>} : memref<2x2x128xi32, #tpu.memory_space<vmem>>, vector<16xi32>,
    %get3A_131 = arith.constant 0 : i32
    %get3A_132 = arith.constant 0 : i32
    %get3A_133 = arith.index_cast %get3A_131 : i32 to index
    %get3A_134 = arith.index_cast %get3A_132 : i32 to index
    %get3A_135 = arith.constant 64 : index
    %get3A_136 = tpu.vector_load %arg6[%get3A_133, %get3A_134, %get3A_135] {strides = array<i32>} : memref<2x2x128xi32, #tpu.memory_space<vmem>>, vector<16xi32>,
    %add3A_137 = vector.broadcast %mul3A_76 : i32 to vector<16xi32>
    %add3A_138 = arith.addi %get3A_136, %add3A_137 : vector<16xi32>
    %swap3A_139 = arith.constant 0 : i32
    %swap3A_140 = arith.constant 0 : i32
    %swap3A_141 = arith.index_cast %swap3A_139 : i32 to index
    %swap3A_142 = arith.index_cast %swap3A_140 : i32 to index
    %swap3A_143 = arith.constant 64 : index
    %swap3A_144 = tpu.vector_load %arg6[%swap3A_141, %swap3A_142, %swap3A_143] {strides = array<i32>} : memref<2x2x128xi32, #tpu.memory_space<vmem>>, vector<16xi32>,
    tpu.vector_store %arg6[%swap3A_141, %swap3A_142, %swap3A_143], %add3A_138 {strides = array<i32>} : memref<2x2x128xi32, #tpu.memory_space<vmem>>, vector<16xi32>,
    %get3A_145 = arith.constant 0 : i32
    %get3A_146 = arith.constant 0 : i32
    %get3A_147 = arith.index_cast %get3A_145 : i32 to index
    %get3A_148 = arith.index_cast %get3A_146 : i32 to index
    %get3A_149 = arith.constant 80 : index
    %get3A_150 = tpu.vector_load %arg6[%get3A_147, %get3A_148, %get3A_149] {strides = array<i32>} : memref<2x2x128xi32, #tpu.memory_space<vmem>>, vector<16xi32>,
    %add3A_151 = vector.broadcast %mul3A_76 : i32 to vector<16xi32>
    %add3A_152 = arith.addi %get3A_150, %add3A_151 : vector<16xi32>
    %swap3A_153 = arith.constant 0 : i32
    %swap3A_154 = arith.constant 0 : i32
    %swap3A_155 = arith.index_cast %swap3A_153 : i32 to index
    %swap3A_156 = arith.index_cast %swap3A_154 : i32 to index
    %swap3A_157 = arith.constant 80 : index
    %swap3A_158 = tpu.vector_load %arg6[%swap3A_155, %swap3A_156, %swap3A_157] {strides = array<i32>} : memref<2x2x128xi32, #tpu.memory_space<vmem>>, vector<16xi32>,
    tpu.vector_store %arg6[%swap3A_155, %swap3A_156, %swap3A_157], %add3A_152 {strides = array<i32>} : memref<2x2x128xi32, #tpu.memory_space<vmem>>, vector<16xi32>,
    %get3A_159 = arith.constant 0 : i32
    %get3A_160 = arith.constant 0 : i32
    %get3A_161 = arith.index_cast %get3A_159 : i32 to index
    %get3A_162 = arith.index_cast %get3A_160 : i32 to index
    %get3A_163 = arith.constant 96 : index
    %get3A_164 = tpu.vector_load %arg6[%get3A_161, %get3A_162, %get3A_163] {strides = array<i32>} : memref<2x2x128xi32, #tpu.memory_space<vmem>>, vector<16xi32>,
    %add3A_165 = vector.broadcast %mul3A_76 : i32 to vector<16xi32>
    %add3A_166 = arith.addi %get3A_164, %add3A_165 : vector<16xi32>
    %swap3A_167 = arith.constant 0 : i32
    %swap3A_168 = arith.constant 0 : i32
    %swap3A_169 = arith.index_cast %swap3A_167 : i32 to index
    %swap3A_170 = arith.index_cast %swap3A_168 : i32 to index
    %swap3A_171 = arith.constant 96 : index
    %swap3A_172 = tpu.vector_load %arg6[%swap3A_169, %swap3A_170, %swap3A_171] {strides = array<i32>} : memref<2x2x128xi32, #tpu.memory_space<vmem>>, vector<16xi32>,
    tpu.vector_store %arg6[%swap3A_169, %swap3A_170, %swap3A_171], %add3A_166 {strides = array<i32>} : memref<2x2x128xi32, #tpu.memory_space<vmem>>, vector<16xi32>,
    %get3A_173 = arith.constant 0 : i32
    %get3A_174 = arith.constant 0 : i32
    %get3A_175 = arith.index_cast %get3A_173 : i32 to index
    %get3A_176 = arith.index_cast %get3A_174 : i32 to index
    %get3A_177 = arith.constant 112 : index
    %get3A_178 = tpu.vector_load %arg6[%get3A_175, %get3A_176, %get3A_177] {strides = array<i32>} : memref<2x2x128xi32, #tpu.memory_space<vmem>>, vector<16xi32>,
    %add3A_179 = vector.broadcast %mul3A_76 : i32 to vector<16xi32>
    %add3A_180 = arith.addi %get3A_178, %add3A_179 : vector<16xi32>
    %swap3A_181 = arith.constant 0 : i32
    %swap3A_182 = arith.constant 0 : i32
    %swap3A_183 = arith.index_cast %swap3A_181 : i32 to index
    %swap3A_184 = arith.index_cast %swap3A_182 : i32 to index
    %swap3A_185 = arith.constant 112 : index
    %swap3A_186 = tpu.vector_load %arg6[%swap3A_183, %swap3A_184, %swap3A_185] {strides = array<i32>} : memref<2x2x128xi32, #tpu.memory_space<vmem>>, vector<16xi32>,
    tpu.vector_store %arg6[%swap3A_183, %swap3A_184, %swap3A_185], %add3A_180 {strides = array<i32>} : memref<2x2x128xi32, #tpu.memory_space<vmem>>, vector<16xi32>,
    %get3A_187 = arith.constant 0 : i32
    %get3A_188 = arith.constant 1 : i32
    %get3A_189 = arith.index_cast %get3A_187 : i32 to index
    %get3A_190 = arith.index_cast %get3A_188 : i32 to index
    %get3A_191 = arith.constant 0 : index
    %get3A_192 = tpu.vector_load %arg6[%get3A_189, %get3A_190, %get3A_191] {strides = array<i32>} : memref<2x2x128xi32, #tpu.memory_space<vmem>>, vector<16xi32>,
    %add3A_193 = vector.broadcast %mul3A_76 : i32 to vector<16xi32>
    %add3A_194 = arith.addi %get3A_192, %add3A_193 : vector<16xi32>
    %swap3A_195 = arith.constant 0 : i32
    %swap3A_196 = arith.constant 1 : i32
    %swap3A_197 = arith.index_cast %swap3A_195 : i32 to index
    %swap3A_198 = arith.index_cast %swap3A_196 : i32 to index
    %swap3A_199 = arith.constant 0 : index
    %swap3A_200 = tpu.vector_load %arg6[%swap3A_197, %swap3A_198, %swap3A_199] {strides = array<i32>} : memref<2x2x128xi32, #tpu.memory_space<vmem>>, vector<16xi32>,
    tpu.vector_store %arg6[%swap3A_197, %swap3A_198, %swap3A_199], %add3A_194 {strides = array<i32>} : memref<2x2x128xi32, #tpu.memory_space<vmem>>, vector<16xi32>,
    %get3A_201 = arith.constant 0 : i32
    %get3A_202 = arith.constant 1 : i32
    %get3A_203 = arith.index_cast %get3A_201 : i32 to index
    %get3A_204 = arith.index_cast %get3A_202 : i32 to index
    %get3A_205 = arith.constant 16 : index
    %get3A_206 = tpu.vector_load %arg6[%get3A_203, %get3A_204, %get3A_205] {strides = array<i32>} : memref<2x2x128xi32, #tpu.memory_space<vmem>>, vector<16xi32>,
    %add3A_207 = vector.broadcast %mul3A_76 : i32 to vector<16xi32>
    %add3A_208 = arith.addi %get3A_206, %add3A_207 : vector<16xi32>
    %swap3A_209 = arith.constant 0 : i32
    %swap3A_210 = arith.constant 1 : i32
    %swap3A_211 = arith.index_cast %swap3A_209 : i32 to index
    %swap3A_212 = arith.index_cast %swap3A_210 : i32 to index
    %swap3A_213 = arith.constant 16 : index
    %swap3A_214 = tpu.vector_load %arg6[%swap3A_211, %swap3A_212, %swap3A_213] {strides = array<i32>} : memref<2x2x128xi32, #tpu.memory_space<vmem>>, vector<16xi32>,
    tpu.vector_store %arg6[%swap3A_211, %swap3A_212, %swap3A_213], %add3A_208 {strides = array<i32>} : memref<2x2x128xi32, #tpu.memory_space<vmem>>, vector<16xi32>,
    %get3A_215 = arith.constant 0 : i32
    %get3A_216 = arith.constant 1 : i32
    %get3A_217 = arith.index_cast %get3A_215 : i32 to index
    %get3A_218 = arith.index_cast %get3A_216 : i32 to index
    %get3A_219 = arith.constant 32 : index
    %get3A_220 = tpu.vector_load %arg6[%get3A_217, %get3A_218, %get3A_219] {strides = array<i32>} : memref<2x2x128xi32, #tpu.memory_space<vmem>>, vector<16xi32>,
    %add3A_221 = vector.broadcast %mul3A_76 : i32 to vector<16xi32>
    %add3A_222 = arith.addi %get3A_220, %add3A_221 : vector<16xi32>
    %swap3A_223 = arith.constant 0 : i32
    %swap3A_224 = arith.constant 1 : i32
    %swap3A_225 = arith.index_cast %swap3A_223 : i32 to index
    %swap3A_226 = arith.index_cast %swap3A_224 : i32 to index
    %swap3A_227 = arith.constant 32 : index
    %swap3A_228 = tpu.vector_load %arg6[%swap3A_225, %swap3A_226, %swap3A_227] {strides = array<i32>} : memref<2x2x128xi32, #tpu.memory_space<vmem>>, vector<16xi32>,
    tpu.vector_store %arg6[%swap3A_225, %swap3A_226, %swap3A_227], %add3A_222 {strides = array<i32>} : memref<2x2x128xi32, #tpu.memory_space<vmem>>, vector<16xi32>,
    %get3A_229 = arith.constant 0 : i32
    %get3A_230 = arith.constant 1 : i32
    %get3A_231 = arith.index_cast %get3A_229 : i32 to index
    %get3A_232 = arith.index_cast %get3A_230 : i32 to index
    %get3A_233 = arith.constant 48 : index
    %get3A_234 = tpu.vector_load %arg6[%get3A_231, %get3A_232, %get3A_233] {strides = array<i32>} : memref<2x2x128xi32, #tpu.memory_space<vmem>>, vector<16xi32>,
    %add3A_235 = vector.broadcast %mul3A_76 : i32 to vector<16xi32>
    %add3A_236 = arith.addi %get3A_234, %add3A_235 : vector<16xi32>
    %swap3A_237 = arith.constant 0 : i32
    %swap3A_238 = arith.constant 1 : i32
    %swap3A_239 = arith.index_cast %swap3A_237 : i32 to index
    %swap3A_240 = arith.index_cast %swap3A_238 : i32 to index
    %swap3A_241 = arith.constant 48 : index
    %swap3A_242 = tpu.vector_load %arg6[%swap3A_239, %swap3A_240, %swap3A_241] {strides = array<i32>} : memref<2x2x128xi32, #tpu.memory_space<vmem>>, vector<16xi32>,
    tpu.vector_store %arg6[%swap3A_239, %swap3A_240, %swap3A_241], %add3A_236 {strides = array<i32>} : memref<2x2x128xi32, #tpu.memory_space<vmem>>, vector<16xi32>,
    %get3A_243 = arith.constant 0 : i32
    %get3A_244 = arith.constant 1 : i32
    %get3A_245 = arith.index_cast %get3A_243 : i32 to index
    %get3A_246 = arith.index_cast %get3A_244 : i32 to index
    %get3A_247 = arith.constant 64 : index
    %get3A_248 = tpu.vector_load %arg6[%get3A_245, %get3A_246, %get3A_247] {strides = array<i32>} : memref<2x2x128xi32, #tpu.memory_space<vmem>>, vector<16xi32>,
    %add3A_249 = vector.broadcast %mul3A_76 : i32 to vector<16xi32>
    %add3A_250 = arith.addi %get3A_248, %add3A_249 : vector<16xi32>
    %swap3A_251 = arith.constant 0 : i32
    %swap3A_252 = arith.constant 1 : i32
    %swap3A_253 = arith.index_cast %swap3A_251 : i32 to index
    %swap3A_254 = arith.index_cast %swap3A_252 : i32 to index
    %swap3A_255 = arith.constant 64 : index
    %swap3A_256 = tpu.vector_load %arg6[%swap3A_253, %swap3A_254, %swap3A_255] {strides = array<i32>} : memref<2x2x128xi32, #tpu.memory_space<vmem>>, vector<16xi32>,
    tpu.vector_store %arg6[%swap3A_253, %swap3A_254, %swap3A_255], %add3A_250 {strides = array<i32>} : memref<2x2x128xi32, #tpu.memory_space<vmem>>, vector<16xi32>,
    %get3A_257 = arith.constant 0 : i32
    %get3A_258 = arith.constant 1 : i32
    %get3A_259 = arith.index_cast %get3A_257 : i32 to index
    %get3A_260 = arith.index_cast %get3A_258 : i32 to index
    %get3A_261 = arith.constant 80 : index
    %get3A_262 = tpu.vector_load %arg6[%get3A_259, %get3A_260, %get3A_261] {strides = array<i32>} : memref<2x2x128xi32, #tpu.memory_space<vmem>>, vector<16xi32>,
    %add3A_263 = vector.broadcast %mul3A_76 : i32 to vector<16xi32>
    %add3A_264 = arith.addi %get3A_262, %add3A_263 : vector<16xi32>
    %swap3A_265 = arith.constant 0 : i32
    %swap3A_266 = arith.constant 1 : i32
    %swap3A_267 = arith.index_cast %swap3A_265 : i32 to index
    %swap3A_268 = arith.index_cast %swap3A_266 : i32 to index
    %swap3A_269 = arith.constant 80 : index
    %swap3A_270 = tpu.vector_load %arg6[%swap3A_267, %swap3A_268, %swap3A_269] {strides = array<i32>} : memref<2x2x128xi32, #tpu.memory_space<vmem>>, vector<16xi32>,
    tpu.vector_store %arg6[%swap3A_267, %swap3A_268, %swap3A_269], %add3A_264 {strides = array<i32>} : memref<2x2x128xi32, #tpu.memory_space<vmem>>, vector<16xi32>,
    %get3A_271 = arith.constant 0 : i32
    %get3A_272 = arith.constant 1 : i32
    %get3A_273 = arith.index_cast %get3A_271 : i32 to index
    %get3A_274 = arith.index_cast %get3A_272 : i32 to index
    %get3A_275 = arith.constant 96 : index
    %get3A_276 = tpu.vector_load %arg6[%get3A_273, %get3A_274, %get3A_275] {strides = array<i32>} : memref<2x2x128xi32, #tpu.memory_space<vmem>>, vector<16xi32>,
    %add3A_277 = vector.broadcast %mul3A_76 : i32 to vector<16xi32>
    %add3A_278 = arith.addi %get3A_276, %add3A_277 : vector<16xi32>
    %swap3A_279 = arith.constant 0 : i32
    %swap3A_280 = arith.constant 1 : i32
    %swap3A_281 = arith.index_cast %swap3A_279 : i32 to index
    %swap3A_282 = arith.index_cast %swap3A_280 : i32 to index
    %swap3A_283 = arith.constant 96 : index
    %swap3A_284 = tpu.vector_load %arg6[%swap3A_281, %swap3A_282, %swap3A_283] {strides = array<i32>} : memref<2x2x128xi32, #tpu.memory_space<vmem>>, vector<16xi32>,
    tpu.vector_store %arg6[%swap3A_281, %swap3A_282, %swap3A_283], %add3A_278 {strides = array<i32>} : memref<2x2x128xi32, #tpu.memory_space<vmem>>, vector<16xi32>,
    %get3A_285 = arith.constant 0 : i32
    %get3A_286 = arith.constant 1 : i32
    %get3A_287 = arith.index_cast %get3A_285 : i32 to index
    %get3A_288 = arith.index_cast %get3A_286 : i32 to index
    %get3A_289 = arith.constant 112 : index
    %get3A_290 = tpu.vector_load %arg6[%get3A_287, %get3A_288, %get3A_289] {strides = array<i32>} : memref<2x2x128xi32, #tpu.memory_space<vmem>>, vector<16xi32>,
    %add3A_291 = vector.broadcast %mul3A_76 : i32 to vector<16xi32>
    %add3A_292 = arith.addi %get3A_290, %add3A_291 : vector<16xi32>
    %swap3A_293 = arith.constant 0 : i32
    %swap3A_294 = arith.constant 1 : i32
    %swap3A_295 = arith.index_cast %swap3A_293 : i32 to index
    %swap3A_296 = arith.index_cast %swap3A_294 : i32 to index
    %swap3A_297 = arith.constant 112 : index
    %swap3A_298 = tpu.vector_load %arg6[%swap3A_295, %swap3A_296, %swap3A_297] {strides = array<i32>} : memref<2x2x128xi32, #tpu.memory_space<vmem>>, vector<16xi32>,
    tpu.vector_store %arg6[%swap3A_295, %swap3A_296, %swap3A_297], %add3A_292 {strides = array<i32>} : memref<2x2x128xi32, #tpu.memory_space<vmem>>, vector<16xi32>,
    %dma_start3A = arith.constant 0 : i32
    %dma_start3A_299 = arith.constant 0 : i32
    %dma_start3A_300 = arith.constant 0 : i32
    %dma_start3A_301 = arith.constant 0 : i32
    %dma_start3A_302 = tpu.memref_slice %arg8[%dma_start3A_300, %dma_start3A_301] : memref<256x32xf32, #tpu.memory_space<vmem>> -> memref<128x32xf32, #tpu.memory_space<vmem>>
    %dma_start3A_303 = arith.constant 0 : i32
    %dma_start3A_304 = tpu.memref_slice %arg6[%dma_start3A, %dma_start3A_299, %dma_start3A_303] : memref<2x2x128xi32, #tpu.memory_space<vmem>> -> memref<1x1x128xi32, #tpu.memory_space<vmem>>
    %dma_start3A_305 = tpu.memref_squeeze %dma_start3A_304 : memref<1x1x128xi32, #tpu.memory_space<vmem>> -> memref<128xi32, #tpu.memory_space<vmem>>
    %dma_start3A_306 = arith.constant 0 : i32
    %dma_start3A_307 = arith.constant 0 : i32
    %dma_start3A_308 = tpu.memref_slice %arg2[%dma_start3A_306, %dma_start3A_307] : memref<100352x32xf32, #tpu.memory_space<hbm>> -> memref<100352x32xf32, #tpu.memory_space<hbm>>
    tpu.enqueue_indirect_dma source(%dma_start3A_308 : memref<100352x32xf32, #tpu.memory_space<hbm>>) target(%dma_start3A_302 : memref<128x32xf32, #tpu.memory_space<vmem>>) offsets(%dma_start3A_305 : memref<128xi32, #tpu.memory_space<vmem>>) semaphore(%arg12 : memref<!tpu.dma_semaphore, #tpu.memory_space<semaphore_mem>>)
    %dma_start3A_309 = arith.constant 0 : i32
    %dma_start3A_310 = arith.constant 1 : i32
    %dma_start3A_311 = arith.constant 128 : i32
    %dma_start3A_312 = arith.constant 0 : i32
    %dma_start3A_313 = tpu.memref_slice %arg8[%dma_start3A_311, %dma_start3A_312] : memref<256x32xf32, #tpu.memory_space<vmem>> -> memref<128x32xf32, #tpu.memory_space<vmem>>
    %dma_start3A_314 = arith.constant 0 : i32
    %dma_start3A_315 = tpu.memref_slice %arg6[%dma_start3A_309, %dma_start3A_310, %dma_start3A_314] : memref<2x2x128xi32, #tpu.memory_space<vmem>> -> memref<1x1x128xi32, #tpu.memory_space<vmem>>
    %dma_start3A_316 = tpu.memref_squeeze %dma_start3A_315 : memref<1x1x128xi32, #tpu.memory_space<vmem>> -> memref<128xi32, #tpu.memory_space<vmem>>
    %dma_start3A_317 = arith.constant 0 : i32
    %dma_start3A_318 = arith.constant 0 : i32
    %dma_start3A_319 = tpu.memref_slice %arg2[%dma_start3A_317, %dma_start3A_318] : memref<100352x32xf32, #tpu.memory_space<hbm>> -> memref<100352x32xf32, #tpu.memory_space<hbm>>
    tpu.enqueue_indirect_dma source(%dma_start3A_319 : memref<100352x32xf32, #tpu.memory_space<hbm>>) target(%dma_start3A_313 : memref<128x32xf32, #tpu.memory_space<vmem>>) offsets(%dma_start3A_316 : memref<128xi32, #tpu.memory_space<vmem>>) semaphore(%arg12 : memref<!tpu.dma_semaphore, #tpu.memory_space<semaphore_mem>>)
    %scan3A_320 = arith.constant 0 : i32
    %scan3A_321 = arith.constant 98 : i32
    %scan3A_322 = arith.addi %scan3A_320, %scan3A_321 : i32
    %scan3A_323 = arith.constant 1 : i32
    scf.for %scan3A_339 = %scan3A_320 to %scan3A_322 step %scan3A_323  : i32 {
      %mul3A_340 = arith.constant 2 : i32
      %mul3A_341 = arith.muli %mul3A_340, %scan3A_339 : i32
      %add3A_342 = arith.constant 1 : i32
      %add3A_343 = arith.addi %mul3A_341, %add3A_342 : i32
      %mul3A_344 = arith.constant 2 : i32
      %mul3A_345 = arith.muli %add3A_343, %mul3A_344 : i32
      %add3A_346 = arith.addi %add3A_71, %mul3A_345 : i32
      %run_scoped3A_347 = arith.constant 1 : i32
      "tpu.region"() ({
        %run_scoped3A_661 = tpu.sem_alloc : memref<!tpu.dma_semaphore, #tpu.memory_space<semaphore_mem>>
        %dma_start3A_662 = arith.constant 0 : i32
        %dma_start3A_663 = arith.constant 0 : i32
        %dma_start3A_664 = tpu.memref_slice %arg6[%run_scoped3A_347, %dma_start3A_662, %dma_start3A_663] : memref<2x2x128xi32, #tpu.memory_space<vmem>> -> memref<1x2x128xi32, #tpu.memory_space<vmem>>
        %dma_start3A_665 = tpu.memref_squeeze %dma_start3A_664 : memref<1x2x128xi32, #tpu.memory_space<vmem>> -> memref<2x128xi32, #tpu.memory_space<vmem>>
        %dma_start3A_666 = arith.constant 0 : i32
        %dma_start3A_667 = tpu.memref_slice %arg3[%add3A_346, %dma_start3A_666] : memref<6272x128xi32, #tpu.memory_space<hbm>> -> memref<2x128xi32, #tpu.memory_space<hbm>>
        %dma_start3A_668 = arith.constant 0 : i32
        %dma_start3A_669 = arith.constant 0 : i32
        %dma_start3A_670 = tpu.memref_slice %arg6[%run_scoped3A_347, %dma_start3A_668, %dma_start3A_669] : memref<2x2x128xi32, #tpu.memory_space<vmem>> -> memref<1x2x128xi32, #tpu.memory_space<vmem>>
        %dma_start3A_671 = tpu.memref_squeeze %dma_start3A_670 : memref<1x2x128xi32, #tpu.memory_space<vmem>> -> memref<2x128xi32, #tpu.memory_space<vmem>>
        %dma_start3A_672 = arith.constant 0 : i32
        %dma_start3A_673 = tpu.memref_slice %arg3[%add3A_346, %dma_start3A_672] : memref<6272x128xi32, #tpu.memory_space<hbm>> -> memref<2x128xi32, #tpu.memory_space<hbm>>
        tpu.enqueue_dma source(%dma_start3A_673 : memref<2x128xi32, #tpu.memory_space<hbm>>) target(%dma_start3A_671 : memref<2x128xi32, #tpu.memory_space<vmem>>) target_semaphore(%run_scoped3A_661 : memref<!tpu.dma_semaphore, #tpu.memory_space<semaphore_mem>>)
        %dma_wait3A_674 = arith.constant 0 : i32
        %dma_wait3A_675 = arith.constant 0 : i32
        %dma_wait3A_676 = tpu.memref_slice %arg6[%run_scoped3A_347, %dma_wait3A_674, %dma_wait3A_675] : memref<2x2x128xi32, #tpu.memory_space<vmem>> -> memref<1x2x128xi32, #tpu.memory_space<vmem>>
        %dma_wait3A_677 = tpu.memref_squeeze %dma_wait3A_676 : memref<1x2x128xi32, #tpu.memory_space<vmem>> -> memref<2x128xi32, #tpu.memory_space<vmem>>
        %dma_wait3A_678 = arith.constant 0 : i32
        %dma_wait3A_679 = tpu.memref_slice %arg3[%add3A_346, %dma_wait3A_678] : memref<6272x128xi32, #tpu.memory_space<hbm>> -> memref<2x128xi32, #tpu.memory_space<hbm>>
        %dma_wait3A_680 = arith.constant 0 : i32
        %dma_wait3A_681 = arith.constant 0 : i32
        %dma_wait3A_682 = tpu.memref_slice %arg6[%run_scoped3A_347, %dma_wait3A_680, %dma_wait3A_681] : memref<2x2x128xi32, #tpu.memory_space<vmem>> -> memref<1x2x128xi32, #tpu.memory_space<vmem>>
        %dma_wait3A_683 = tpu.memref_squeeze %dma_wait3A_682 : memref<1x2x128xi32, #tpu.memory_space<vmem>> -> memref<2x128xi32, #tpu.memory_space<vmem>>
        %dma_wait3A_684 = arith.constant 0 : i32
        %dma_wait3A_685 = tpu.memref_slice %arg3[%add3A_346, %dma_wait3A_684] : memref<6272x128xi32, #tpu.memory_space<hbm>> -> memref<2x128xi32, #tpu.memory_space<hbm>>
        tpu.wait_dma2 semaphore(%run_scoped3A_661 : memref<!tpu.dma_semaphore, #tpu.memory_space<semaphore_mem>>) src(%dma_wait3A_685 : memref<2x128xi32, #tpu.memory_space<hbm>>) dst(%dma_wait3A_683 : memref<2x128xi32, #tpu.memory_space<vmem>>)
        tpu.yield
      }) : () -> ()
      %run_scoped3A_348 = arith.constant 1 : i32
      "tpu.region"() ({
        %run_scoped3A_661 = tpu.sem_alloc : memref<!tpu.dma_semaphore, #tpu.memory_space<semaphore_mem>>
        %dma_start3A_662 = arith.constant 0 : i32
        %dma_start3A_663 = arith.constant 0 : i32
        %dma_start3A_664 = tpu.memref_slice %arg7[%run_scoped3A_348, %dma_start3A_662, %dma_start3A_663] : memref<2x2x128xi32, #tpu.memory_space<vmem>> -> memref<1x2x128xi32, #tpu.memory_space<vmem>>
        %dma_start3A_665 = tpu.memref_squeeze %dma_start3A_664 : memref<1x2x128xi32, #tpu.memory_space<vmem>> -> memref<2x128xi32, #tpu.memory_space<vmem>>
        %dma_start3A_666 = arith.constant 0 : i32
        %dma_start3A_667 = tpu.memref_slice %arg4[%add3A_346, %dma_start3A_666] : memref<6272x128xi32, #tpu.memory_space<hbm>> -> memref<2x128xi32, #tpu.memory_space<hbm>>
        %dma_start3A_668 = arith.constant 0 : i32
        %dma_start3A_669 = arith.constant 0 : i32
        %dma_start3A_670 = tpu.memref_slice %arg7[%run_scoped3A_348, %dma_start3A_668, %dma_start3A_669] : memref<2x2x128xi32, #tpu.memory_space<vmem>> -> memref<1x2x128xi32, #tpu.memory_space<vmem>>
        %dma_start3A_671 = tpu.memref_squeeze %dma_start3A_670 : memref<1x2x128xi32, #tpu.memory_space<vmem>> -> memref<2x128xi32, #tpu.memory_space<vmem>>
        %dma_start3A_672 = arith.constant 0 : i32
        %dma_start3A_673 = tpu.memref_slice %arg4[%add3A_346, %dma_start3A_672] : memref<6272x128xi32, #tpu.memory_space<hbm>> -> memref<2x128xi32, #tpu.memory_space<hbm>>
        tpu.enqueue_dma source(%dma_start3A_673 : memref<2x128xi32, #tpu.memory_space<hbm>>) target(%dma_start3A_671 : memref<2x128xi32, #tpu.memory_space<vmem>>) target_semaphore(%run_scoped3A_661 : memref<!tpu.dma_semaphore, #tpu.memory_space<semaphore_mem>>)
        %dma_wait3A_674 = arith.constant 0 : i32
        %dma_wait3A_675 = arith.constant 0 : i32
        %dma_wait3A_676 = tpu.memref_slice %arg7[%run_scoped3A_348, %dma_wait3A_674, %dma_wait3A_675] : memref<2x2x128xi32, #tpu.memory_space<vmem>> -> memref<1x2x128xi32, #tpu.memory_space<vmem>>
        %dma_wait3A_677 = tpu.memref_squeeze %dma_wait3A_676 : memref<1x2x128xi32, #tpu.memory_space<vmem>> -> memref<2x128xi32, #tpu.memory_space<vmem>>
        %dma_wait3A_678 = arith.constant 0 : i32
        %dma_wait3A_679 = tpu.memref_slice %arg4[%add3A_346, %dma_wait3A_678] : memref<6272x128xi32, #tpu.memory_space<hbm>> -> memref<2x128xi32, #tpu.memory_space<hbm>>
        %dma_wait3A_680 = arith.constant 0 : i32
        %dma_wait3A_681 = arith.constant 0 : i32
        %dma_wait3A_682 = tpu.memref_slice %arg7[%run_scoped3A_348, %dma_wait3A_680, %dma_wait3A_681] : memref<2x2x128xi32, #tpu.memory_space<vmem>> -> memref<1x2x128xi32, #tpu.memory_space<vmem>>
        %dma_wait3A_683 = tpu.memref_squeeze %dma_wait3A_682 : memref<1x2x128xi32, #tpu.memory_space<vmem>> -> memref<2x128xi32, #tpu.memory_space<vmem>>
        %dma_wait3A_684 = arith.constant 0 : i32
        %dma_wait3A_685 = tpu.memref_slice %arg4[%add3A_346, %dma_wait3A_684] : memref<6272x128xi32, #tpu.memory_space<hbm>> -> memref<2x128xi32, #tpu.memory_space<hbm>>
        tpu.wait_dma2 semaphore(%run_scoped3A_661 : memref<!tpu.dma_semaphore, #tpu.memory_space<semaphore_mem>>) src(%dma_wait3A_685 : memref<2x128xi32, #tpu.memory_space<hbm>>) dst(%dma_wait3A_683 : memref<2x128xi32, #tpu.memory_space<vmem>>)
        tpu.yield
      }) : () -> ()
      %mul3A_349 = arith.constant 50176 : i32
      %mul3A_350 = arith.muli %arg0, %mul3A_349 : i32
      %get3A_351 = arith.constant 1 : i32
      %get3A_352 = arith.constant 0 : i32
      %get3A_353 = arith.index_cast %get3A_351 : i32 to index
      %get3A_354 = arith.index_cast %get3A_352 : i32 to index
      %get3A_355 = arith.constant 0 : index
      %get3A_356 = tpu.vector_load %arg6[%get3A_353, %get3A_354, %get3A_355] {strides = array<i32>} : memref<2x2x128xi32, #tpu.memory_space<vmem>>, vector<16xi32>,
      %add3A_357 = vector.broadcast %mul3A_350 : i32 to vector<16xi32>
      %add3A_358 = arith.addi %get3A_356, %add3A_357 : vector<16xi32>
      %swap3A_359 = arith.constant 1 : i32
      %swap3A_360 = arith.constant 0 : i32
      %swap3A_361 = arith.index_cast %swap3A_359 : i32 to index
      %swap3A_362 = arith.index_cast %swap3A_360 : i32 to index
      %swap3A_363 = arith.constant 0 : index
      %swap3A_364 = tpu.vector_load %arg6[%swap3A_361, %swap3A_362, %swap3A_363] {strides = array<i32>} : memref<2x2x128xi32, #tpu.memory_space<vmem>>, vector<16xi32>,
      tpu.vector_store %arg6[%swap3A_361, %swap3A_362, %swap3A_363], %add3A_358 {strides = array<i32>} : memref<2x2x128xi32, #tpu.memory_space<vmem>>, vector<16xi32>,
      %get3A_365 = arith.constant 1 : i32
      %get3A_366 = arith.constant 0 : i32
      %get3A_367 = arith.index_cast %get3A_365 : i32 to index
      %get3A_368 = arith.index_cast %get3A_366 : i32 to index
      %get3A_369 = arith.constant 16 : index
      %get3A_370 = tpu.vector_load %arg6[%get3A_367, %get3A_368, %get3A_369] {strides = array<i32>} : memref<2x2x128xi32, #tpu.memory_space<vmem>>, vector<16xi32>,
      %add3A_371 = vector.broadcast %mul3A_350 : i32 to vector<16xi32>
      %add3A_372 = arith.addi %get3A_370, %add3A_371 : vector<16xi32>
      %swap3A_373 = arith.constant 1 : i32
      %swap3A_374 = arith.constant 0 : i32
      %swap3A_375 = arith.index_cast %swap3A_373 : i32 to index
      %swap3A_376 = arith.index_cast %swap3A_374 : i32 to index
      %swap3A_377 = arith.constant 16 : index
      %swap3A_378 = tpu.vector_load %arg6[%swap3A_375, %swap3A_376, %swap3A_377] {strides = array<i32>} : memref<2x2x128xi32, #tpu.memory_space<vmem>>, vector<16xi32>,
      tpu.vector_store %arg6[%swap3A_375, %swap3A_376, %swap3A_377], %add3A_372 {strides = array<i32>} : memref<2x2x128xi32, #tpu.memory_space<vmem>>, vector<16xi32>,
      %get3A_379 = arith.constant 1 : i32
      %get3A_380 = arith.constant 0 : i32
      %get3A_381 = arith.index_cast %get3A_379 : i32 to index
      %get3A_382 = arith.index_cast %get3A_380 : i32 to index
      %get3A_383 = arith.constant 32 : index
      %get3A_384 = tpu.vector_load %arg6[%get3A_381, %get3A_382, %get3A_383] {strides = array<i32>} : memref<2x2x128xi32, #tpu.memory_space<vmem>>, vector<16xi32>,
      %add3A_385 = vector.broadcast %mul3A_350 : i32 to vector<16xi32>
      %add3A_386 = arith.addi %get3A_384, %add3A_385 : vector<16xi32>
      %swap3A_387 = arith.constant 1 : i32
      %swap3A_388 = arith.constant 0 : i32
      %swap3A_389 = arith.index_cast %swap3A_387 : i32 to index
      %swap3A_390 = arith.index_cast %swap3A_388 : i32 to index
      %swap3A_391 = arith.constant 32 : index
      %swap3A_392 = tpu.vector_load %arg6[%swap3A_389, %swap3A_390, %swap3A_391] {strides = array<i32>} : memref<2x2x128xi32, #tpu.memory_space<vmem>>, vector<16xi32>,
      tpu.vector_store %arg6[%swap3A_389, %swap3A_390, %swap3A_391], %add3A_386 {strides = array<i32>} : memref<2x2x128xi32, #tpu.memory_space<vmem>>, vector<16xi32>,
      %get3A_393 = arith.constant 1 : i32
      %get3A_394 = arith.constant 0 : i32
      %get3A_395 = arith.index_cast %get3A_393 : i32 to index
      %get3A_396 = arith.index_cast %get3A_394 : i32 to index
      %get3A_397 = arith.constant 48 : index
      %get3A_398 = tpu.vector_load %arg6[%get3A_395, %get3A_396, %get3A_397] {strides = array<i32>} : memref<2x2x128xi32, #tpu.memory_space<vmem>>, vector<16xi32>,
      %add3A_399 = vector.broadcast %mul3A_350 : i32 to vector<16xi32>
      %add3A_400 = arith.addi %get3A_398, %add3A_399 : vector<16xi32>
      %swap3A_401 = arith.constant 1 : i32
      %swap3A_402 = arith.constant 0 : i32
      %swap3A_403 = arith.index_cast %swap3A_401 : i32 to index
      %swap3A_404 = arith.index_cast %swap3A_402 : i32 to index
      %swap3A_405 = arith.constant 48 : index
      %swap3A_406 = tpu.vector_load %arg6[%swap3A_403, %swap3A_404, %swap3A_405] {strides = array<i32>} : memref<2x2x128xi32, #tpu.memory_space<vmem>>, vector<16xi32>,
      tpu.vector_store %arg6[%swap3A_403, %swap3A_404, %swap3A_405], %add3A_400 {strides = array<i32>} : memref<2x2x128xi32, #tpu.memory_space<vmem>>, vector<16xi32>,
      %get3A_407 = arith.constant 1 : i32
      %get3A_408 = arith.constant 0 : i32
      %get3A_409 = arith.index_cast %get3A_407 : i32 to index
      %get3A_410 = arith.index_cast %get3A_408 : i32 to index
      %get3A_411 = arith.constant 64 : index
      %get3A_412 = tpu.vector_load %arg6[%get3A_409, %get3A_410, %get3A_411] {strides = array<i32>} : memref<2x2x128xi32, #tpu.memory_space<vmem>>, vector<16xi32>,
      %add3A_413 = vector.broadcast %mul3A_350 : i32 to vector<16xi32>
      %add3A_414 = arith.addi %get3A_412, %add3A_413 : vector<16xi32>
      %swap3A_415 = arith.constant 1 : i32
      %swap3A_416 = arith.constant 0 : i32
      %swap3A_417 = arith.index_cast %swap3A_415 : i32 to index
      %swap3A_418 = arith.index_cast %swap3A_416 : i32 to index
      %swap3A_419 = arith.constant 64 : index
      %swap3A_420 = tpu.vector_load %arg6[%swap3A_417, %swap3A_418, %swap3A_419] {strides = array<i32>} : memref<2x2x128xi32, #tpu.memory_space<vmem>>, vector<16xi32>,
      tpu.vector_store %arg6[%swap3A_417, %swap3A_418, %swap3A_419], %add3A_414 {strides = array<i32>} : memref<2x2x128xi32, #tpu.memory_space<vmem>>, vector<16xi32>,
      %get3A_421 = arith.constant 1 : i32
      %get3A_422 = arith.constant 0 : i32
      %get3A_423 = arith.index_cast %get3A_421 : i32 to index
      %get3A_424 = arith.index_cast %get3A_422 : i32 to index
      %get3A_425 = arith.constant 80 : index
      %get3A_426 = tpu.vector_load %arg6[%get3A_423, %get3A_424, %get3A_425] {strides = array<i32>} : memref<2x2x128xi32, #tpu.memory_space<vmem>>, vector<16xi32>,
      %add3A_427 = vector.broadcast %mul3A_350 : i32 to vector<16xi32>
      %add3A_428 = arith.addi %get3A_426, %add3A_427 : vector<16xi32>
      %swap3A_429 = arith.constant 1 : i32
      %swap3A_430 = arith.constant 0 : i32
      %swap3A_431 = arith.index_cast %swap3A_429 : i32 to index
      %swap3A_432 = arith.index_cast %swap3A_430 : i32 to index
      %swap3A_433 = arith.constant 80 : index
      %swap3A_434 = tpu.vector_load %arg6[%swap3A_431, %swap3A_432, %swap3A_433] {strides = array<i32>} : memref<2x2x128xi32, #tpu.memory_space<vmem>>, vector<16xi32>,
      tpu.vector_store %arg6[%swap3A_431, %swap3A_432, %swap3A_433], %add3A_428 {strides = array<i32>} : memref<2x2x128xi32, #tpu.memory_space<vmem>>, vector<16xi32>,
      %get3A_435 = arith.constant 1 : i32
      %get3A_436 = arith.constant 0 : i32
      %get3A_437 = arith.index_cast %get3A_435 : i32 to index
      %get3A_438 = arith.index_cast %get3A_436 : i32 to index
      %get3A_439 = arith.constant 96 : index
      %get3A_440 = tpu.vector_load %arg6[%get3A_437, %get3A_438, %get3A_439] {strides = array<i32>} : memref<2x2x128xi32, #tpu.memory_space<vmem>>, vector<16xi32>,
      %add3A_441 = vector.broadcast %mul3A_350 : i32 to vector<16xi32>
      %add3A_442 = arith.addi %get3A_440, %add3A_441 : vector<16xi32>
      %swap3A_443 = arith.constant 1 : i32
      %swap3A_444 = arith.constant 0 : i32
      %swap3A_445 = arith.index_cast %swap3A_443 : i32 to index
      %swap3A_446 = arith.index_cast %swap3A_444 : i32 to index
      %swap3A_447 = arith.constant 96 : index
      %swap3A_448 = tpu.vector_load %arg6[%swap3A_445, %swap3A_446, %swap3A_447] {strides = array<i32>} : memref<2x2x128xi32, #tpu.memory_space<vmem>>, vector<16xi32>,
      tpu.vector_store %arg6[%swap3A_445, %swap3A_446, %swap3A_447], %add3A_442 {strides = array<i32>} : memref<2x2x128xi32, #tpu.memory_space<vmem>>, vector<16xi32>,
      %get3A_449 = arith.constant 1 : i32
      %get3A_450 = arith.constant 0 : i32
      %get3A_451 = arith.index_cast %get3A_449 : i32 to index
      %get3A_452 = arith.index_cast %get3A_450 : i32 to index
      %get3A_453 = arith.constant 112 : index
      %get3A_454 = tpu.vector_load %arg6[%get3A_451, %get3A_452, %get3A_453] {strides = array<i32>} : memref<2x2x128xi32, #tpu.memory_space<vmem>>, vector<16xi32>,
      %add3A_455 = vector.broadcast %mul3A_350 : i32 to vector<16xi32>
      %add3A_456 = arith.addi %get3A_454, %add3A_455 : vector<16xi32>
      %swap3A_457 = arith.constant 1 : i32
      %swap3A_458 = arith.constant 0 : i32
      %swap3A_459 = arith.index_cast %swap3A_457 : i32 to index
      %swap3A_460 = arith.index_cast %swap3A_458 : i32 to index
      %swap3A_461 = arith.constant 112 : index
      %swap3A_462 = tpu.vector_load %arg6[%swap3A_459, %swap3A_460, %swap3A_461] {strides = array<i32>} : memref<2x2x128xi32, #tpu.memory_space<vmem>>, vector<16xi32>,
      tpu.vector_store %arg6[%swap3A_459, %swap3A_460, %swap3A_461], %add3A_456 {strides = array<i32>} : memref<2x2x128xi32, #tpu.memory_space<vmem>>, vector<16xi32>,
      %get3A_463 = arith.constant 1 : i32
      %get3A_464 = arith.constant 1 : i32
      %get3A_465 = arith.index_cast %get3A_463 : i32 to index
      %get3A_466 = arith.index_cast %get3A_464 : i32 to index
      %get3A_467 = arith.constant 0 : index
      %get3A_468 = tpu.vector_load %arg6[%get3A_465, %get3A_466, %get3A_467] {strides = array<i32>} : memref<2x2x128xi32, #tpu.memory_space<vmem>>, vector<16xi32>,
      %add3A_469 = vector.broadcast %mul3A_350 : i32 to vector<16xi32>
      %add3A_470 = arith.addi %get3A_468, %add3A_469 : vector<16xi32>
      %swap3A_471 = arith.constant 1 : i32
      %swap3A_472 = arith.constant 1 : i32
      %swap3A_473 = arith.index_cast %swap3A_471 : i32 to index
      %swap3A_474 = arith.index_cast %swap3A_472 : i32 to index
      %swap3A_475 = arith.constant 0 : index
      %swap3A_476 = tpu.vector_load %arg6[%swap3A_473, %swap3A_474, %swap3A_475] {strides = array<i32>} : memref<2x2x128xi32, #tpu.memory_space<vmem>>, vector<16xi32>,
      tpu.vector_store %arg6[%swap3A_473, %swap3A_474, %swap3A_475], %add3A_470 {strides = array<i32>} : memref<2x2x128xi32, #tpu.memory_space<vmem>>, vector<16xi32>,
      %get3A_477 = arith.constant 1 : i32
      %get3A_478 = arith.constant 1 : i32
      %get3A_479 = arith.index_cast %get3A_477 : i32 to index
      %get3A_480 = arith.index_cast %get3A_478 : i32 to index
      %get3A_481 = arith.constant 16 : index
      %get3A_482 = tpu.vector_load %arg6[%get3A_479, %get3A_480, %get3A_481] {strides = array<i32>} : memref<2x2x128xi32, #tpu.memory_space<vmem>>, vector<16xi32>,
      %add3A_483 = vector.broadcast %mul3A_350 : i32 to vector<16xi32>
      %add3A_484 = arith.addi %get3A_482, %add3A_483 : vector<16xi32>
      %swap3A_485 = arith.constant 1 : i32
      %swap3A_486 = arith.constant 1 : i32
      %swap3A_487 = arith.index_cast %swap3A_485 : i32 to index
      %swap3A_488 = arith.index_cast %swap3A_486 : i32 to index
      %swap3A_489 = arith.constant 16 : index
      %swap3A_490 = tpu.vector_load %arg6[%swap3A_487, %swap3A_488, %swap3A_489] {strides = array<i32>} : memref<2x2x128xi32, #tpu.memory_space<vmem>>, vector<16xi32>,
      tpu.vector_store %arg6[%swap3A_487, %swap3A_488, %swap3A_489], %add3A_484 {strides = array<i32>} : memref<2x2x128xi32, #tpu.memory_space<vmem>>, vector<16xi32>,
      %get3A_491 = arith.constant 1 : i32
      %get3A_492 = arith.constant 1 : i32
      %get3A_493 = arith.index_cast %get3A_491 : i32 to index
      %get3A_494 = arith.index_cast %get3A_492 : i32 to index
      %get3A_495 = arith.constant 32 : index
      %get3A_496 = tpu.vector_load %arg6[%get3A_493, %get3A_494, %get3A_495] {strides = array<i32>} : memref<2x2x128xi32, #tpu.memory_space<vmem>>, vector<16xi32>,
      %add3A_497 = vector.broadcast %mul3A_350 : i32 to vector<16xi32>
      %add3A_498 = arith.addi %get3A_496, %add3A_497 : vector<16xi32>
      %swap3A_499 = arith.constant 1 : i32
      %swap3A_500 = arith.constant 1 : i32
      %swap3A_501 = arith.index_cast %swap3A_499 : i32 to index
      %swap3A_502 = arith.index_cast %swap3A_500 : i32 to index
      %swap3A_503 = arith.constant 32 : index
      %swap3A_504 = tpu.vector_load %arg6[%swap3A_501, %swap3A_502, %swap3A_503] {strides = array<i32>} : memref<2x2x128xi32, #tpu.memory_space<vmem>>, vector<16xi32>,
      tpu.vector_store %arg6[%swap3A_501, %swap3A_502, %swap3A_503], %add3A_498 {strides = array<i32>} : memref<2x2x128xi32, #tpu.memory_space<vmem>>, vector<16xi32>,
      %get3A_505 = arith.constant 1 : i32
      %get3A_506 = arith.constant 1 : i32
      %get3A_507 = arith.index_cast %get3A_505 : i32 to index
      %get3A_508 = arith.index_cast %get3A_506 : i32 to index
      %get3A_509 = arith.constant 48 : index
      %get3A_510 = tpu.vector_load %arg6[%get3A_507, %get3A_508, %get3A_509] {strides = array<i32>} : memref<2x2x128xi32, #tpu.memory_space<vmem>>, vector<16xi32>,
      %add3A_511 = vector.broadcast %mul3A_350 : i32 to vector<16xi32>
      %add3A_512 = arith.addi %get3A_510, %add3A_511 : vector<16xi32>
      %swap3A_513 = arith.constant 1 : i32
      %swap3A_514 = arith.constant 1 : i32
      %swap3A_515 = arith.index_cast %swap3A_513 : i32 to index
      %swap3A_516 = arith.index_cast %swap3A_514 : i32 to index
      %swap3A_517 = arith.constant 48 : index
      %swap3A_518 = tpu.vector_load %arg6[%swap3A_515, %swap3A_516, %swap3A_517] {strides = array<i32>} : memref<2x2x128xi32, #tpu.memory_space<vmem>>, vector<16xi32>,
      tpu.vector_store %arg6[%swap3A_515, %swap3A_516, %swap3A_517], %add3A_512 {strides = array<i32>} : memref<2x2x128xi32, #tpu.memory_space<vmem>>, vector<16xi32>,
      %get3A_519 = arith.constant 1 : i32
      %get3A_520 = arith.constant 1 : i32
      %get3A_521 = arith.index_cast %get3A_519 : i32 to index
      %get3A_522 = arith.index_cast %get3A_520 : i32 to index
      %get3A_523 = arith.constant 64 : index
      %get3A_524 = tpu.vector_load %arg6[%get3A_521, %get3A_522, %get3A_523] {strides = array<i32>} : memref<2x2x128xi32, #tpu.memory_space<vmem>>, vector<16xi32>,
      %add3A_525 = vector.broadcast %mul3A_350 : i32 to vector<16xi32>
      %add3A_526 = arith.addi %get3A_524, %add3A_525 : vector<16xi32>
      %swap3A_527 = arith.constant 1 : i32
      %swap3A_528 = arith.constant 1 : i32
      %swap3A_529 = arith.index_cast %swap3A_527 : i32 to index
      %swap3A_530 = arith.index_cast %swap3A_528 : i32 to index
      %swap3A_531 = arith.constant 64 : index
      %swap3A_532 = tpu.vector_load %arg6[%swap3A_529, %swap3A_530, %swap3A_531] {strides = array<i32>} : memref<2x2x128xi32, #tpu.memory_space<vmem>>, vector<16xi32>,
      tpu.vector_store %arg6[%swap3A_529, %swap3A_530, %swap3A_531], %add3A_526 {strides = array<i32>} : memref<2x2x128xi32, #tpu.memory_space<vmem>>, vector<16xi32>,
      %get3A_533 = arith.constant 1 : i32
      %get3A_534 = arith.constant 1 : i32
      %get3A_535 = arith.index_cast %get3A_533 : i32 to index
      %get3A_536 = arith.index_cast %get3A_534 : i32 to index
      %get3A_537 = arith.constant 80 : index
      %get3A_538 = tpu.vector_load %arg6[%get3A_535, %get3A_536, %get3A_537] {strides = array<i32>} : memref<2x2x128xi32, #tpu.memory_space<vmem>>, vector<16xi32>,
      %add3A_539 = vector.broadcast %mul3A_350 : i32 to vector<16xi32>
      %add3A_540 = arith.addi %get3A_538, %add3A_539 : vector<16xi32>
      %swap3A_541 = arith.constant 1 : i32
      %swap3A_542 = arith.constant 1 : i32
      %swap3A_543 = arith.index_cast %swap3A_541 : i32 to index
      %swap3A_544 = arith.index_cast %swap3A_542 : i32 to index
      %swap3A_545 = arith.constant 80 : index
      %swap3A_546 = tpu.vector_load %arg6[%swap3A_543, %swap3A_544, %swap3A_545] {strides = array<i32>} : memref<2x2x128xi32, #tpu.memory_space<vmem>>, vector<16xi32>,
      tpu.vector_store %arg6[%swap3A_543, %swap3A_544, %swap3A_545], %add3A_540 {strides = array<i32>} : memref<2x2x128xi32, #tpu.memory_space<vmem>>, vector<16xi32>,
      %get3A_547 = arith.constant 1 : i32
      %get3A_548 = arith.constant 1 : i32
      %get3A_549 = arith.index_cast %get3A_547 : i32 to index
      %get3A_550 = arith.index_cast %get3A_548 : i32 to index
      %get3A_551 = arith.constant 96 : index
      %get3A_552 = tpu.vector_load %arg6[%get3A_549, %get3A_550, %get3A_551] {strides = array<i32>} : memref<2x2x128xi32, #tpu.memory_space<vmem>>, vector<16xi32>,
      %add3A_553 = vector.broadcast %mul3A_350 : i32 to vector<16xi32>
      %add3A_554 = arith.addi %get3A_552, %add3A_553 : vector<16xi32>
      %swap3A_555 = arith.constant 1 : i32
      %swap3A_556 = arith.constant 1 : i32
      %swap3A_557 = arith.index_cast %swap3A_555 : i32 to index
      %swap3A_558 = arith.index_cast %swap3A_556 : i32 to index
      %swap3A_559 = arith.constant 96 : index
      %swap3A_560 = tpu.vector_load %arg6[%swap3A_557, %swap3A_558, %swap3A_559] {strides = array<i32>} : memref<2x2x128xi32, #tpu.memory_space<vmem>>, vector<16xi32>,
      tpu.vector_store %arg6[%swap3A_557, %swap3A_558, %swap3A_559], %add3A_554 {strides = array<i32>} : memref<2x2x128xi32, #tpu.memory_space<vmem>>, vector<16xi32>,
      %get3A_561 = arith.constant 1 : i32
      %get3A_562 = arith.constant 1 : i32
      %get3A_563 = arith.index_cast %get3A_561 : i32 to index
      %get3A_564 = arith.index_cast %get3A_562 : i32 to index
      %get3A_565 = arith.constant 112 : index
      %get3A_566 = tpu.vector_load %arg6[%get3A_563, %get3A_564, %get3A_565] {strides = array<i32>} : memref<2x2x128xi32, #tpu.memory_space<vmem>>, vector<16xi32>,
      %add3A_567 = vector.broadcast %mul3A_350 : i32 to vector<16xi32>
      %add3A_568 = arith.addi %get3A_566, %add3A_567 : vector<16xi32>
      %swap3A_569 = arith.constant 1 : i32
      %swap3A_570 = arith.constant 1 : i32
      %swap3A_571 = arith.index_cast %swap3A_569 : i32 to index
      %swap3A_572 = arith.index_cast %swap3A_570 : i32 to index
      %swap3A_573 = arith.constant 112 : index
      %swap3A_574 = tpu.vector_load %arg6[%swap3A_571, %swap3A_572, %swap3A_573] {strides = array<i32>} : memref<2x2x128xi32, #tpu.memory_space<vmem>>, vector<16xi32>,
      tpu.vector_store %arg6[%swap3A_571, %swap3A_572, %swap3A_573], %add3A_568 {strides = array<i32>} : memref<2x2x128xi32, #tpu.memory_space<vmem>>, vector<16xi32>,
      %ge3A = arith.constant 1 : i32
      %ge3A_575 = arith.cmpi sge, %scan3A_339, %ge3A : i32
      %convert_element_type3A = arith.extui %ge3A_575 : i1 to i32
      %cond3A = arith.constant 0 : i32
      %cond3A_576 = arith.cmpi ne, %convert_element_type3A, %cond3A : i32
      scf.if %cond3A_576 {
        %dma_wait3A_661 = arith.constant 0 : i32
        %dma_wait3A_662 = arith.constant 0 : i32
        %dma_wait3A_663 = tpu.memref_slice %arg2[%dma_wait3A_661, %dma_wait3A_662] : memref<100352x32xf32, #tpu.memory_space<hbm>> -> memref<256x32xf32, #tpu.memory_space<hbm>>
        %dma_wait3A_664 = arith.constant 0 : i32
        %dma_wait3A_665 = arith.constant 0 : i32
        %dma_wait3A_666 = tpu.memref_slice %arg2[%dma_wait3A_664, %dma_wait3A_665] : memref<100352x32xf32, #tpu.memory_space<hbm>> -> memref<256x32xf32, #tpu.memory_space<hbm>>
        tpu.wait_dma2 semaphore(%arg15 : memref<!tpu.dma_semaphore, #tpu.memory_space<semaphore_mem>>) src(%dma_wait3A_666 : memref<256x32xf32, #tpu.memory_space<hbm>>) dst(%arg9 : memref<256x32xf32, #tpu.memory_space<vmem>>)
      } else {
      }
      %dma_start3A_577 = arith.constant 1 : i32
      %dma_start3A_578 = arith.constant 0 : i32
      %dma_start3A_579 = arith.constant 0 : i32
      %dma_start3A_580 = arith.constant 0 : i32
      %dma_start3A_581 = tpu.memref_slice %arg9[%dma_start3A_579, %dma_start3A_580] : memref<256x32xf32, #tpu.memory_space<vmem>> -> memref<128x32xf32, #tpu.memory_space<vmem>>
      %dma_start3A_582 = arith.constant 0 : i32
      %dma_start3A_583 = tpu.memref_slice %arg6[%dma_start3A_577, %dma_start3A_578, %dma_start3A_582] : memref<2x2x128xi32, #tpu.memory_space<vmem>> -> memref<1x1x128xi32, #tpu.memory_space<vmem>>
      %dma_start3A_584 = tpu.memref_squeeze %dma_start3A_583 : memref<1x1x128xi32, #tpu.memory_space<vmem>> -> memref<128xi32, #tpu.memory_space<vmem>>
      %dma_start3A_585 = arith.constant 0 : i32
      %dma_start3A_586 = arith.constant 0 : i32
      %dma_start3A_587 = tpu.memref_slice %arg2[%dma_start3A_585, %dma_start3A_586] : memref<100352x32xf32, #tpu.memory_space<hbm>> -> memref<100352x32xf32, #tpu.memory_space<hbm>>
      tpu.enqueue_indirect_dma source(%dma_start3A_587 : memref<100352x32xf32, #tpu.memory_space<hbm>>) target(%dma_start3A_581 : memref<128x32xf32, #tpu.memory_space<vmem>>) offsets(%dma_start3A_584 : memref<128xi32, #tpu.memory_space<vmem>>) semaphore(%arg13 : memref<!tpu.dma_semaphore, #tpu.memory_space<semaphore_mem>>)
      %dma_start3A_588 = arith.constant 1 : i32
      %dma_start3A_589 = arith.constant 1 : i32
      %dma_start3A_590 = arith.constant 128 : i32
      %dma_start3A_591 = arith.constant 0 : i32
      %dma_start3A_592 = tpu.memref_slice %arg9[%dma_start3A_590, %dma_start3A_591] : memref<256x32xf32, #tpu.memory_space<vmem>> -> memref<128x32xf32, #tpu.memory_space<vmem>>
      %dma_start3A_593 = arith.constant 0 : i32
      %dma_start3A_594 = tpu.memref_slice %arg6[%dma_start3A_588, %dma_start3A_589, %dma_start3A_593] : memref<2x2x128xi32, #tpu.memory_space<vmem>> -> memref<1x1x128xi32, #tpu.memory_space<vmem>>
      %dma_start3A_595 = tpu.memref_squeeze %dma_start3A_594 : memref<1x1x128xi32, #tpu.memory_space<vmem>> -> memref<128xi32, #tpu.memory_space<vmem>>
      %dma_start3A_596 = arith.constant 0 : i32
      %dma_start3A_597 = arith.constant 0 : i32
      %dma_start3A_598 = tpu.memref_slice %arg2[%dma_start3A_596, %dma_start3A_597] : memref<100352x32xf32, #tpu.memory_space<hbm>> -> memref<100352x32xf32, #tpu.memory_space<hbm>>
      tpu.enqueue_indirect_dma source(%dma_start3A_598 : memref<100352x32xf32, #tpu.memory_space<hbm>>) target(%dma_start3A_592 : memref<128x32xf32, #tpu.memory_space<vmem>>) offsets(%dma_start3A_595 : memref<128xi32, #tpu.memory_space<vmem>>) semaphore(%arg13 : memref<!tpu.dma_semaphore, #tpu.memory_space<semaphore_mem>>)
      %dma_wait3A_599 = arith.constant 0 : i32
      %dma_wait3A_600 = arith.constant 0 : i32
      %dma_wait3A_601 = tpu.memref_slice %arg2[%dma_wait3A_599, %dma_wait3A_600] : memref<100352x32xf32, #tpu.memory_space<hbm>> -> memref<256x32xf32, #tpu.memory_space<hbm>>
      %dma_wait3A_602 = arith.constant 0 : i32
      %dma_wait3A_603 = arith.constant 0 : i32
      %dma_wait3A_604 = tpu.memref_slice %arg2[%dma_wait3A_602, %dma_wait3A_603] : memref<100352x32xf32, #tpu.memory_space<hbm>> -> memref<256x32xf32, #tpu.memory_space<hbm>>
      tpu.wait_dma2 semaphore(%arg12 : memref<!tpu.dma_semaphore, #tpu.memory_space<semaphore_mem>>) src(%dma_wait3A_604 : memref<256x32xf32, #tpu.memory_space<hbm>>) dst(%arg8 : memref<256x32xf32, #tpu.memory_space<vmem>>)
      %dma_start3A_605 = arith.constant 0 : i32
      %dma_start3A_606 = arith.constant 0 : i32
      %dma_start3A_607 = arith.constant 0 : i32
      %dma_start3A_608 = arith.constant 0 : i32
      %dma_start3A_609 = tpu.memref_slice %arg8[%dma_start3A_607, %dma_start3A_608] : memref<256x32xf32, #tpu.memory_space<vmem>> -> memref<128x32xf32, #tpu.memory_space<vmem>>
      %dma_start3A_610 = arith.constant 0 : i32
      %dma_start3A_611 = tpu.memref_slice %arg7[%dma_start3A_605, %dma_start3A_606, %dma_start3A_610] : memref<2x2x128xi32, #tpu.memory_space<vmem>> -> memref<1x1x128xi32, #tpu.memory_space<vmem>>
      %dma_start3A_612 = tpu.memref_squeeze %dma_start3A_611 : memref<1x1x128xi32, #tpu.memory_space<vmem>> -> memref<128xi32, #tpu.memory_space<vmem>>
      %dma_start3A_613 = arith.constant 0 : i32
      %dma_start3A_614 = arith.constant 0 : i32
      %dma_start3A_615 = tpu.memref_slice %arg11[%dma_start3A_613, %dma_start3A_614] : memref<50176x32xf32, #tpu.memory_space<vmem_shared>> -> memref<50176x32xf32, #tpu.memory_space<vmem_shared>>
      tpu.enqueue_indirect_dma source(%dma_start3A_609 : memref<128x32xf32, #tpu.memory_space<vmem>>) target(%dma_start3A_615 : memref<50176x32xf32, #tpu.memory_space<vmem_shared>>) offsets(%dma_start3A_612 : memref<128xi32, #tpu.memory_space<vmem>>) semaphore(%arg14 : memref<!tpu.dma_semaphore, #tpu.memory_space<semaphore_mem>>) {add = true}
      %dma_start3A_616 = arith.constant 0 : i32
      %dma_start3A_617 = arith.constant 1 : i32
      %dma_start3A_618 = arith.constant 128 : i32
      %dma_start3A_619 = arith.constant 0 : i32
      %dma_start3A_620 = tpu.memref_slice %arg8[%dma_start3A_618, %dma_start3A_619] : memref<256x32xf32, #tpu.memory_space<vmem>> -> memref<128x32xf32, #tpu.memory_space<vmem>>
      %dma_start3A_621 = arith.constant 0 : i32
      %dma_start3A_622 = tpu.memref_slice %arg7[%dma_start3A_616, %dma_start3A_617, %dma_start3A_621] : memref<2x2x128xi32, #tpu.memory_space<vmem>> -> memref<1x1x128xi32, #tpu.memory_space<vmem>>
      %dma_start3A_623 = tpu.memref_squeeze %dma_start3A_622 : memref<1x1x128xi32, #tpu.memory_space<vmem>> -> memref<128xi32, #tpu.memory_space<vmem>>
      %dma_start3A_624 = arith.constant 0 : i32
      %dma_start3A_625 = arith.constant 0 : i32
      %dma_start3A_626 = tpu.memref_slice %arg11[%dma_start3A_624, %dma_start3A_625] : memref<50176x32xf32, #tpu.memory_space<vmem_shared>> -> memref<50176x32xf32, #tpu.memory_space<vmem_shared>>
      tpu.enqueue_indirect_dma source(%dma_start3A_620 : memref<128x32xf32, #tpu.memory_space<vmem>>) target(%dma_start3A_626 : memref<50176x32xf32, #tpu.memory_space<vmem_shared>>) offsets(%dma_start3A_623 : memref<128xi32, #tpu.memory_space<vmem>>) semaphore(%arg14 : memref<!tpu.dma_semaphore, #tpu.memory_space<semaphore_mem>>) {add = true}
      %add3A_627 = arith.constant 1 : i32
      %add3A_628 = arith.addi %scan3A_339, %add3A_627 : i32
      %lt3A = arith.constant 98 : i32
      %lt3A_629 = arith.cmpi slt, %add3A_628, %lt3A : i32
      %convert_element_type3A_630 = arith.extui %lt3A_629 : i1 to i32
      %cond3A_631 = arith.constant 0 : i32
      %cond3A_632 = arith.cmpi ne, %convert_element_type3A_630, %cond3A_631 : i32
      scf.if %cond3A_632 {
        %add3A_661 = arith.constant 2 : i32
        %add3A_662 = arith.addi %mul3A_341, %add3A_661 : i32
        %mul3A_663 = arith.constant 2 : i32
        %mul3A_664 = arith.muli %add3A_662, %mul3A_663 : i32
        %add3A_665 = arith.addi %add3A_71, %mul3A_664 : i32
        %run_scoped3A_666 = arith.constant 0 : i32
        "tpu.region"() ({
          %run_scoped3A_922 = tpu.sem_alloc : memref<!tpu.dma_semaphore, #tpu.memory_space<semaphore_mem>>
          %dma_start3A_923 = arith.constant 0 : i32
          %dma_start3A_924 = arith.constant 0 : i32
          %dma_start3A_925 = tpu.memref_slice %arg6[%run_scoped3A_666, %dma_start3A_923, %dma_start3A_924] : memref<2x2x128xi32, #tpu.memory_space<vmem>> -> memref<1x2x128xi32, #tpu.memory_space<vmem>>
          %dma_start3A_926 = tpu.memref_squeeze %dma_start3A_925 : memref<1x2x128xi32, #tpu.memory_space<vmem>> -> memref<2x128xi32, #tpu.memory_space<vmem>>
          %dma_start3A_927 = arith.constant 0 : i32
          %dma_start3A_928 = tpu.memref_slice %arg3[%add3A_665, %dma_start3A_927] : memref<6272x128xi32, #tpu.memory_space<hbm>> -> memref<2x128xi32, #tpu.memory_space<hbm>>
          %dma_start3A_929 = arith.constant 0 : i32
          %dma_start3A_930 = arith.constant 0 : i32
          %dma_start3A_931 = tpu.memref_slice %arg6[%run_scoped3A_666, %dma_start3A_929, %dma_start3A_930] : memref<2x2x128xi32, #tpu.memory_space<vmem>> -> memref<1x2x128xi32, #tpu.memory_space<vmem>>
          %dma_start3A_932 = tpu.memref_squeeze %dma_start3A_931 : memref<1x2x128xi32, #tpu.memory_space<vmem>> -> memref<2x128xi32, #tpu.memory_space<vmem>>
          %dma_start3A_933 = arith.constant 0 : i32
          %dma_start3A_934 = tpu.memref_slice %arg3[%add3A_665, %dma_start3A_933] : memref<6272x128xi32, #tpu.memory_space<hbm>> -> memref<2x128xi32, #tpu.memory_space<hbm>>
          tpu.enqueue_dma source(%dma_start3A_934 : memref<2x128xi32, #tpu.memory_space<hbm>>) target(%dma_start3A_932 : memref<2x128xi32, #tpu.memory_space<vmem>>) target_semaphore(%run_scoped3A_922 : memref<!tpu.dma_semaphore, #tpu.memory_space<semaphore_mem>>)
          %dma_wait3A_935 = arith.constant 0 : i32
          %dma_wait3A_936 = arith.constant 0 : i32
          %dma_wait3A_937 = tpu.memref_slice %arg6[%run_scoped3A_666, %dma_wait3A_935, %dma_wait3A_936] : memref<2x2x128xi32, #tpu.memory_space<vmem>> -> memref<1x2x128xi32, #tpu.memory_space<vmem>>
          %dma_wait3A_938 = tpu.memref_squeeze %dma_wait3A_937 : memref<1x2x128xi32, #tpu.memory_space<vmem>> -> memref<2x128xi32, #tpu.memory_space<vmem>>
          %dma_wait3A_939 = arith.constant 0 : i32
          %dma_wait3A_940 = tpu.memref_slice %arg3[%add3A_665, %dma_wait3A_939] : memref<6272x128xi32, #tpu.memory_space<hbm>> -> memref<2x128xi32, #tpu.memory_space<hbm>>
          %dma_wait3A_941 = arith.constant 0 : i32
          %dma_wait3A_942 = arith.constant 0 : i32
          %dma_wait3A_943 = tpu.memref_slice %arg6[%run_scoped3A_666, %dma_wait3A_941, %dma_wait3A_942] : memref<2x2x128xi32, #tpu.memory_space<vmem>> -> memref<1x2x128xi32, #tpu.memory_space<vmem>>
          %dma_wait3A_944 = tpu.memref_squeeze %dma_wait3A_943 : memref<1x2x128xi32, #tpu.memory_space<vmem>> -> memref<2x128xi32, #tpu.memory_space<vmem>>
          %dma_wait3A_945 = arith.constant 0 : i32
          %dma_wait3A_946 = tpu.memref_slice %arg3[%add3A_665, %dma_wait3A_945] : memref<6272x128xi32, #tpu.memory_space<hbm>> -> memref<2x128xi32, #tpu.memory_space<hbm>>
          tpu.wait_dma2 semaphore(%run_scoped3A_922 : memref<!tpu.dma_semaphore, #tpu.memory_space<semaphore_mem>>) src(%dma_wait3A_946 : memref<2x128xi32, #tpu.memory_space<hbm>>) dst(%dma_wait3A_944 : memref<2x128xi32, #tpu.memory_space<vmem>>)
          tpu.yield
        }) : () -> ()
        %run_scoped3A_667 = arith.constant 0 : i32
        "tpu.region"() ({
          %run_scoped3A_922 = tpu.sem_alloc : memref<!tpu.dma_semaphore, #tpu.memory_space<semaphore_mem>>
          %dma_start3A_923 = arith.constant 0 : i32
          %dma_start3A_924 = arith.constant 0 : i32
          %dma_start3A_925 = tpu.memref_slice %arg7[%run_scoped3A_667, %dma_start3A_923, %dma_start3A_924] : memref<2x2x128xi32, #tpu.memory_space<vmem>> -> memref<1x2x128xi32, #tpu.memory_space<vmem>>
          %dma_start3A_926 = tpu.memref_squeeze %dma_start3A_925 : memref<1x2x128xi32, #tpu.memory_space<vmem>> -> memref<2x128xi32, #tpu.memory_space<vmem>>
          %dma_start3A_927 = arith.constant 0 : i32
          %dma_start3A_928 = tpu.memref_slice %arg4[%add3A_665, %dma_start3A_927] : memref<6272x128xi32, #tpu.memory_space<hbm>> -> memref<2x128xi32, #tpu.memory_space<hbm>>
          %dma_start3A_929 = arith.constant 0 : i32
          %dma_start3A_930 = arith.constant 0 : i32
          %dma_start3A_931 = tpu.memref_slice %arg7[%run_scoped3A_667, %dma_start3A_929, %dma_start3A_930] : memref<2x2x128xi32, #tpu.memory_space<vmem>> -> memref<1x2x128xi32, #tpu.memory_space<vmem>>
          %dma_start3A_932 = tpu.memref_squeeze %dma_start3A_931 : memref<1x2x128xi32, #tpu.memory_space<vmem>> -> memref<2x128xi32, #tpu.memory_space<vmem>>
          %dma_start3A_933 = arith.constant 0 : i32
          %dma_start3A_934 = tpu.memref_slice %arg4[%add3A_665, %dma_start3A_933] : memref<6272x128xi32, #tpu.memory_space<hbm>> -> memref<2x128xi32, #tpu.memory_space<hbm>>
          tpu.enqueue_dma source(%dma_start3A_934 : memref<2x128xi32, #tpu.memory_space<hbm>>) target(%dma_start3A_932 : memref<2x128xi32, #tpu.memory_space<vmem>>) target_semaphore(%run_scoped3A_922 : memref<!tpu.dma_semaphore, #tpu.memory_space<semaphore_mem>>)
          %dma_wait3A_935 = arith.constant 0 : i32
          %dma_wait3A_936 = arith.constant 0 : i32
          %dma_wait3A_937 = tpu.memref_slice %arg7[%run_scoped3A_667, %dma_wait3A_935, %dma_wait3A_936] : memref<2x2x128xi32, #tpu.memory_space<vmem>> -> memref<1x2x128xi32, #tpu.memory_space<vmem>>
          %dma_wait3A_938 = tpu.memref_squeeze %dma_wait3A_937 : memref<1x2x128xi32, #tpu.memory_space<vmem>> -> memref<2x128xi32, #tpu.memory_space<vmem>>
          %dma_wait3A_939 = arith.constant 0 : i32
          %dma_wait3A_940 = tpu.memref_slice %arg4[%add3A_665, %dma_wait3A_939] : memref<6272x128xi32, #tpu.memory_space<hbm>> -> memref<2x128xi32, #tpu.memory_space<hbm>>
          %dma_wait3A_941 = arith.constant 0 : i32
          %dma_wait3A_942 = arith.constant 0 : i32
          %dma_wait3A_943 = tpu.memref_slice %arg7[%run_scoped3A_667, %dma_wait3A_941, %dma_wait3A_942] : memref<2x2x128xi32, #tpu.memory_space<vmem>> -> memref<1x2x128xi32, #tpu.memory_space<vmem>>
          %dma_wait3A_944 = tpu.memref_squeeze %dma_wait3A_943 : memref<1x2x128xi32, #tpu.memory_space<vmem>> -> memref<2x128xi32, #tpu.memory_space<vmem>>
          %dma_wait3A_945 = arith.constant 0 : i32
          %dma_wait3A_946 = tpu.memref_slice %arg4[%add3A_665, %dma_wait3A_945] : memref<6272x128xi32, #tpu.memory_space<hbm>> -> memref<2x128xi32, #tpu.memory_space<hbm>>
          tpu.wait_dma2 semaphore(%run_scoped3A_922 : memref<!tpu.dma_semaphore, #tpu.memory_space<semaphore_mem>>) src(%dma_wait3A_946 : memref<2x128xi32, #tpu.memory_space<hbm>>) dst(%dma_wait3A_944 : memref<2x128xi32, #tpu.memory_space<vmem>>)
          tpu.yield
        }) : () -> ()
        %mul3A_668 = arith.constant 50176 : i32
        %mul3A_669 = arith.muli %arg0, %mul3A_668 : i32
        %get3A_670 = arith.constant 0 : i32
        %get3A_671 = arith.constant 0 : i32
        %get3A_672 = arith.index_cast %get3A_670 : i32 to index
        %get3A_673 = arith.index_cast %get3A_671 : i32 to index
        %get3A_674 = arith.constant 0 : index
        %get3A_675 = tpu.vector_load %arg6[%get3A_672, %get3A_673, %get3A_674] {strides = array<i32>} : memref<2x2x128xi32, #tpu.memory_space<vmem>>, vector<16xi32>,
        %add3A_676 = vector.broadcast %mul3A_669 : i32 to vector<16xi32>
        %add3A_677 = arith.addi %get3A_675, %add3A_676 : vector<16xi32>
        %swap3A_678 = arith.constant 0 : i32
        %swap3A_679 = arith.constant 0 : i32
        %swap3A_680 = arith.index_cast %swap3A_678 : i32 to index
        %swap3A_681 = arith.index_cast %swap3A_679 : i32 to index
        %swap3A_682 = arith.constant 0 : index
        %swap3A_683 = tpu.vector_load %arg6[%swap3A_680, %swap3A_681, %swap3A_682] {strides = array<i32>} : memref<2x2x128xi32, #tpu.memory_space<vmem>>, vector<16xi32>,
        tpu.vector_store %arg6[%swap3A_680, %swap3A_681, %swap3A_682], %add3A_677 {strides = array<i32>} : memref<2x2x128xi32, #tpu.memory_space<vmem>>, vector<16xi32>,
        %get3A_684 = arith.constant 0 : i32
        %get3A_685 = arith.constant 0 : i32
        %get3A_686 = arith.index_cast %get3A_684 : i32 to index
        %get3A_687 = arith.index_cast %get3A_685 : i32 to index
        %get3A_688 = arith.constant 16 : index
        %get3A_689 = tpu.vector_load %arg6[%get3A_686, %get3A_687, %get3A_688] {strides = array<i32>} : memref<2x2x128xi32, #tpu.memory_space<vmem>>, vector<16xi32>,
        %add3A_690 = vector.broadcast %mul3A_669 : i32 to vector<16xi32>
        %add3A_691 = arith.addi %get3A_689, %add3A_690 : vector<16xi32>
        %swap3A_692 = arith.constant 0 : i32
        %swap3A_693 = arith.constant 0 : i32
        %swap3A_694 = arith.index_cast %swap3A_692 : i32 to index
        %swap3A_695 = arith.index_cast %swap3A_693 : i32 to index
        %swap3A_696 = arith.constant 16 : index
        %swap3A_697 = tpu.vector_load %arg6[%swap3A_694, %swap3A_695, %swap3A_696] {strides = array<i32>} : memref<2x2x128xi32, #tpu.memory_space<vmem>>, vector<16xi32>,
        tpu.vector_store %arg6[%swap3A_694, %swap3A_695, %swap3A_696], %add3A_691 {strides = array<i32>} : memref<2x2x128xi32, #tpu.memory_space<vmem>>, vector<16xi32>,
        %get3A_698 = arith.constant 0 : i32
        %get3A_699 = arith.constant 0 : i32
        %get3A_700 = arith.index_cast %get3A_698 : i32 to index
        %get3A_701 = arith.index_cast %get3A_699 : i32 to index
        %get3A_702 = arith.constant 32 : index
        %get3A_703 = tpu.vector_load %arg6[%get3A_700, %get3A_701, %get3A_702] {strides = array<i32>} : memref<2x2x128xi32, #tpu.memory_space<vmem>>, vector<16xi32>,
        %add3A_704 = vector.broadcast %mul3A_669 : i32 to vector<16xi32>
        %add3A_705 = arith.addi %get3A_703, %add3A_704 : vector<16xi32>
        %swap3A_706 = arith.constant 0 : i32
        %swap3A_707 = arith.constant 0 : i32
        %swap3A_708 = arith.index_cast %swap3A_706 : i32 to index
        %swap3A_709 = arith.index_cast %swap3A_707 : i32 to index
        %swap3A_710 = arith.constant 32 : index
        %swap3A_711 = tpu.vector_load %arg6[%swap3A_708, %swap3A_709, %swap3A_710] {strides = array<i32>} : memref<2x2x128xi32, #tpu.memory_space<vmem>>, vector<16xi32>,
        tpu.vector_store %arg6[%swap3A_708, %swap3A_709, %swap3A_710], %add3A_705 {strides = array<i32>} : memref<2x2x128xi32, #tpu.memory_space<vmem>>, vector<16xi32>,
        %get3A_712 = arith.constant 0 : i32
        %get3A_713 = arith.constant 0 : i32
        %get3A_714 = arith.index_cast %get3A_712 : i32 to index
        %get3A_715 = arith.index_cast %get3A_713 : i32 to index
        %get3A_716 = arith.constant 48 : index
        %get3A_717 = tpu.vector_load %arg6[%get3A_714, %get3A_715, %get3A_716] {strides = array<i32>} : memref<2x2x128xi32, #tpu.memory_space<vmem>>, vector<16xi32>,
        %add3A_718 = vector.broadcast %mul3A_669 : i32 to vector<16xi32>
        %add3A_719 = arith.addi %get3A_717, %add3A_718 : vector<16xi32>
        %swap3A_720 = arith.constant 0 : i32
        %swap3A_721 = arith.constant 0 : i32
        %swap3A_722 = arith.index_cast %swap3A_720 : i32 to index
        %swap3A_723 = arith.index_cast %swap3A_721 : i32 to index
        %swap3A_724 = arith.constant 48 : index
        %swap3A_725 = tpu.vector_load %arg6[%swap3A_722, %swap3A_723, %swap3A_724] {strides = array<i32>} : memref<2x2x128xi32, #tpu.memory_space<vmem>>, vector<16xi32>,
        tpu.vector_store %arg6[%swap3A_722, %swap3A_723, %swap3A_724], %add3A_719 {strides = array<i32>} : memref<2x2x128xi32, #tpu.memory_space<vmem>>, vector<16xi32>,
        %get3A_726 = arith.constant 0 : i32
        %get3A_727 = arith.constant 0 : i32
        %get3A_728 = arith.index_cast %get3A_726 : i32 to index
        %get3A_729 = arith.index_cast %get3A_727 : i32 to index
        %get3A_730 = arith.constant 64 : index
        %get3A_731 = tpu.vector_load %arg6[%get3A_728, %get3A_729, %get3A_730] {strides = array<i32>} : memref<2x2x128xi32, #tpu.memory_space<vmem>>, vector<16xi32>,
        %add3A_732 = vector.broadcast %mul3A_669 : i32 to vector<16xi32>
        %add3A_733 = arith.addi %get3A_731, %add3A_732 : vector<16xi32>
        %swap3A_734 = arith.constant 0 : i32
        %swap3A_735 = arith.constant 0 : i32
        %swap3A_736 = arith.index_cast %swap3A_734 : i32 to index
        %swap3A_737 = arith.index_cast %swap3A_735 : i32 to index
        %swap3A_738 = arith.constant 64 : index
        %swap3A_739 = tpu.vector_load %arg6[%swap3A_736, %swap3A_737, %swap3A_738] {strides = array<i32>} : memref<2x2x128xi32, #tpu.memory_space<vmem>>, vector<16xi32>,
        tpu.vector_store %arg6[%swap3A_736, %swap3A_737, %swap3A_738], %add3A_733 {strides = array<i32>} : memref<2x2x128xi32, #tpu.memory_space<vmem>>, vector<16xi32>,
        %get3A_740 = arith.constant 0 : i32
        %get3A_741 = arith.constant 0 : i32
        %get3A_742 = arith.index_cast %get3A_740 : i32 to index
        %get3A_743 = arith.index_cast %get3A_741 : i32 to index
        %get3A_744 = arith.constant 80 : index
        %get3A_745 = tpu.vector_load %arg6[%get3A_742, %get3A_743, %get3A_744] {strides = array<i32>} : memref<2x2x128xi32, #tpu.memory_space<vmem>>, vector<16xi32>,
        %add3A_746 = vector.broadcast %mul3A_669 : i32 to vector<16xi32>
        %add3A_747 = arith.addi %get3A_745, %add3A_746 : vector<16xi32>
        %swap3A_748 = arith.constant 0 : i32
        %swap3A_749 = arith.constant 0 : i32
        %swap3A_750 = arith.index_cast %swap3A_748 : i32 to index
        %swap3A_751 = arith.index_cast %swap3A_749 : i32 to index
        %swap3A_752 = arith.constant 80 : index
        %swap3A_753 = tpu.vector_load %arg6[%swap3A_750, %swap3A_751, %swap3A_752] {strides = array<i32>} : memref<2x2x128xi32, #tpu.memory_space<vmem>>, vector<16xi32>,
        tpu.vector_store %arg6[%swap3A_750, %swap3A_751, %swap3A_752], %add3A_747 {strides = array<i32>} : memref<2x2x128xi32, #tpu.memory_space<vmem>>, vector<16xi32>,
        %get3A_754 = arith.constant 0 : i32
        %get3A_755 = arith.constant 0 : i32
        %get3A_756 = arith.index_cast %get3A_754 : i32 to index
        %get3A_757 = arith.index_cast %get3A_755 : i32 to index
        %get3A_758 = arith.constant 96 : index
        %get3A_759 = tpu.vector_load %arg6[%get3A_756, %get3A_757, %get3A_758] {strides = array<i32>} : memref<2x2x128xi32, #tpu.memory_space<vmem>>, vector<16xi32>,
        %add3A_760 = vector.broadcast %mul3A_669 : i32 to vector<16xi32>
        %add3A_761 = arith.addi %get3A_759, %add3A_760 : vector<16xi32>
        %swap3A_762 = arith.constant 0 : i32
        %swap3A_763 = arith.constant 0 : i32
        %swap3A_764 = arith.index_cast %swap3A_762 : i32 to index
        %swap3A_765 = arith.index_cast %swap3A_763 : i32 to index
        %swap3A_766 = arith.constant 96 : index
        %swap3A_767 = tpu.vector_load %arg6[%swap3A_764, %swap3A_765, %swap3A_766] {strides = array<i32>} : memref<2x2x128xi32, #tpu.memory_space<vmem>>, vector<16xi32>,
        tpu.vector_store %arg6[%swap3A_764, %swap3A_765, %swap3A_766], %add3A_761 {strides = array<i32>} : memref<2x2x128xi32, #tpu.memory_space<vmem>>, vector<16xi32>,
        %get3A_768 = arith.constant 0 : i32
        %get3A_769 = arith.constant 0 : i32
        %get3A_770 = arith.index_cast %get3A_768 : i32 to index
        %get3A_771 = arith.index_cast %get3A_769 : i32 to index
        %get3A_772 = arith.constant 112 : index
        %get3A_773 = tpu.vector_load %arg6[%get3A_770, %get3A_771, %get3A_772] {strides = array<i32>} : memref<2x2x128xi32, #tpu.memory_space<vmem>>, vector<16xi32>,
        %add3A_774 = vector.broadcast %mul3A_669 : i32 to vector<16xi32>
        %add3A_775 = arith.addi %get3A_773, %add3A_774 : vector<16xi32>
        %swap3A_776 = arith.constant 0 : i32
        %swap3A_777 = arith.constant 0 : i32
        %swap3A_778 = arith.index_cast %swap3A_776 : i32 to index
        %swap3A_779 = arith.index_cast %swap3A_777 : i32 to index
        %swap3A_780 = arith.constant 112 : index
        %swap3A_781 = tpu.vector_load %arg6[%swap3A_778, %swap3A_779, %swap3A_780] {strides = array<i32>} : memref<2x2x128xi32, #tpu.memory_space<vmem>>, vector<16xi32>,
        tpu.vector_store %arg6[%swap3A_778, %swap3A_779, %swap3A_780], %add3A_775 {strides = array<i32>} : memref<2x2x128xi32, #tpu.memory_space<vmem>>, vector<16xi32>,
        %get3A_782 = arith.constant 0 : i32
        %get3A_783 = arith.constant 1 : i32
        %get3A_784 = arith.index_cast %get3A_782 : i32 to index
        %get3A_785 = arith.index_cast %get3A_783 : i32 to index
        %get3A_786 = arith.constant 0 : index
        %get3A_787 = tpu.vector_load %arg6[%get3A_784, %get3A_785, %get3A_786] {strides = array<i32>} : memref<2x2x128xi32, #tpu.memory_space<vmem>>, vector<16xi32>,
        %add3A_788 = vector.broadcast %mul3A_669 : i32 to vector<16xi32>
        %add3A_789 = arith.addi %get3A_787, %add3A_788 : vector<16xi32>
        %swap3A_790 = arith.constant 0 : i32
        %swap3A_791 = arith.constant 1 : i32
        %swap3A_792 = arith.index_cast %swap3A_790 : i32 to index
        %swap3A_793 = arith.index_cast %swap3A_791 : i32 to index
        %swap3A_794 = arith.constant 0 : index
        %swap3A_795 = tpu.vector_load %arg6[%swap3A_792, %swap3A_793, %swap3A_794] {strides = array<i32>} : memref<2x2x128xi32, #tpu.memory_space<vmem>>, vector<16xi32>,
        tpu.vector_store %arg6[%swap3A_792, %swap3A_793, %swap3A_794], %add3A_789 {strides = array<i32>} : memref<2x2x128xi32, #tpu.memory_space<vmem>>, vector<16xi32>,
        %get3A_796 = arith.constant 0 : i32
        %get3A_797 = arith.constant 1 : i32
        %get3A_798 = arith.index_cast %get3A_796 : i32 to index
        %get3A_799 = arith.index_cast %get3A_797 : i32 to index
        %get3A_800 = arith.constant 16 : index
        %get3A_801 = tpu.vector_load %arg6[%get3A_798, %get3A_799, %get3A_800] {strides = array<i32>} : memref<2x2x128xi32, #tpu.memory_space<vmem>>, vector<16xi32>,
        %add3A_802 = vector.broadcast %mul3A_669 : i32 to vector<16xi32>
        %add3A_803 = arith.addi %get3A_801, %add3A_802 : vector<16xi32>
        %swap3A_804 = arith.constant 0 : i32
        %swap3A_805 = arith.constant 1 : i32
        %swap3A_806 = arith.index_cast %swap3A_804 : i32 to index
        %swap3A_807 = arith.index_cast %swap3A_805 : i32 to index
        %swap3A_808 = arith.constant 16 : index
        %swap3A_809 = tpu.vector_load %arg6[%swap3A_806, %swap3A_807, %swap3A_808] {strides = array<i32>} : memref<2x2x128xi32, #tpu.memory_space<vmem>>, vector<16xi32>,
        tpu.vector_store %arg6[%swap3A_806, %swap3A_807, %swap3A_808], %add3A_803 {strides = array<i32>} : memref<2x2x128xi32, #tpu.memory_space<vmem>>, vector<16xi32>,
        %get3A_810 = arith.constant 0 : i32
        %get3A_811 = arith.constant 1 : i32
        %get3A_812 = arith.index_cast %get3A_810 : i32 to index
        %get3A_813 = arith.index_cast %get3A_811 : i32 to index
        %get3A_814 = arith.constant 32 : index
        %get3A_815 = tpu.vector_load %arg6[%get3A_812, %get3A_813, %get3A_814] {strides = array<i32>} : memref<2x2x128xi32, #tpu.memory_space<vmem>>, vector<16xi32>,
        %add3A_816 = vector.broadcast %mul3A_669 : i32 to vector<16xi32>
        %add3A_817 = arith.addi %get3A_815, %add3A_816 : vector<16xi32>
        %swap3A_818 = arith.constant 0 : i32
        %swap3A_819 = arith.constant 1 : i32
        %swap3A_820 = arith.index_cast %swap3A_818 : i32 to index
        %swap3A_821 = arith.index_cast %swap3A_819 : i32 to index
        %swap3A_822 = arith.constant 32 : index
        %swap3A_823 = tpu.vector_load %arg6[%swap3A_820, %swap3A_821, %swap3A_822] {strides = array<i32>} : memref<2x2x128xi32, #tpu.memory_space<vmem>>, vector<16xi32>,
        tpu.vector_store %arg6[%swap3A_820, %swap3A_821, %swap3A_822], %add3A_817 {strides = array<i32>} : memref<2x2x128xi32, #tpu.memory_space<vmem>>, vector<16xi32>,
        %get3A_824 = arith.constant 0 : i32
        %get3A_825 = arith.constant 1 : i32
        %get3A_826 = arith.index_cast %get3A_824 : i32 to index
        %get3A_827 = arith.index_cast %get3A_825 : i32 to index
        %get3A_828 = arith.constant 48 : index
        %get3A_829 = tpu.vector_load %arg6[%get3A_826, %get3A_827, %get3A_828] {strides = array<i32>} : memref<2x2x128xi32, #tpu.memory_space<vmem>>, vector<16xi32>,
        %add3A_830 = vector.broadcast %mul3A_669 : i32 to vector<16xi32>
        %add3A_831 = arith.addi %get3A_829, %add3A_830 : vector<16xi32>
        %swap3A_832 = arith.constant 0 : i32
        %swap3A_833 = arith.constant 1 : i32
        %swap3A_834 = arith.index_cast %swap3A_832 : i32 to index
        %swap3A_835 = arith.index_cast %swap3A_833 : i32 to index
        %swap3A_836 = arith.constant 48 : index
        %swap3A_837 = tpu.vector_load %arg6[%swap3A_834, %swap3A_835, %swap3A_836] {strides = array<i32>} : memref<2x2x128xi32, #tpu.memory_space<vmem>>, vector<16xi32>,
        tpu.vector_store %arg6[%swap3A_834, %swap3A_835, %swap3A_836], %add3A_831 {strides = array<i32>} : memref<2x2x128xi32, #tpu.memory_space<vmem>>, vector<16xi32>,
        %get3A_838 = arith.constant 0 : i32
        %get3A_839 = arith.constant 1 : i32
        %get3A_840 = arith.index_cast %get3A_838 : i32 to index
        %get3A_841 = arith.index_cast %get3A_839 : i32 to index
        %get3A_842 = arith.constant 64 : index
        %get3A_843 = tpu.vector_load %arg6[%get3A_840, %get3A_841, %get3A_842] {strides = array<i32>} : memref<2x2x128xi32, #tpu.memory_space<vmem>>, vector<16xi32>,
        %add3A_844 = vector.broadcast %mul3A_669 : i32 to vector<16xi32>
        %add3A_845 = arith.addi %get3A_843, %add3A_844 : vector<16xi32>
        %swap3A_846 = arith.constant 0 : i32
        %swap3A_847 = arith.constant 1 : i32
        %swap3A_848 = arith.index_cast %swap3A_846 : i32 to index
        %swap3A_849 = arith.index_cast %swap3A_847 : i32 to index
        %swap3A_850 = arith.constant 64 : index
        %swap3A_851 = tpu.vector_load %arg6[%swap3A_848, %swap3A_849, %swap3A_850] {strides = array<i32>} : memref<2x2x128xi32, #tpu.memory_space<vmem>>, vector<16xi32>,
        tpu.vector_store %arg6[%swap3A_848, %swap3A_849, %swap3A_850], %add3A_845 {strides = array<i32>} : memref<2x2x128xi32, #tpu.memory_space<vmem>>, vector<16xi32>,
        %get3A_852 = arith.constant 0 : i32
        %get3A_853 = arith.constant 1 : i32
        %get3A_854 = arith.index_cast %get3A_852 : i32 to index
        %get3A_855 = arith.index_cast %get3A_853 : i32 to index
        %get3A_856 = arith.constant 80 : index
        %get3A_857 = tpu.vector_load %arg6[%get3A_854, %get3A_855, %get3A_856] {strides = array<i32>} : memref<2x2x128xi32, #tpu.memory_space<vmem>>, vector<16xi32>,
        %add3A_858 = vector.broadcast %mul3A_669 : i32 to vector<16xi32>
        %add3A_859 = arith.addi %get3A_857, %add3A_858 : vector<16xi32>
        %swap3A_860 = arith.constant 0 : i32
        %swap3A_861 = arith.constant 1 : i32
        %swap3A_862 = arith.index_cast %swap3A_860 : i32 to index
        %swap3A_863 = arith.index_cast %swap3A_861 : i32 to index
        %swap3A_864 = arith.constant 80 : index
        %swap3A_865 = tpu.vector_load %arg6[%swap3A_862, %swap3A_863, %swap3A_864] {strides = array<i32>} : memref<2x2x128xi32, #tpu.memory_space<vmem>>, vector<16xi32>,
        tpu.vector_store %arg6[%swap3A_862, %swap3A_863, %swap3A_864], %add3A_859 {strides = array<i32>} : memref<2x2x128xi32, #tpu.memory_space<vmem>>, vector<16xi32>,
        %get3A_866 = arith.constant 0 : i32
        %get3A_867 = arith.constant 1 : i32
        %get3A_868 = arith.index_cast %get3A_866 : i32 to index
        %get3A_869 = arith.index_cast %get3A_867 : i32 to index
        %get3A_870 = arith.constant 96 : index
        %get3A_871 = tpu.vector_load %arg6[%get3A_868, %get3A_869, %get3A_870] {strides = array<i32>} : memref<2x2x128xi32, #tpu.memory_space<vmem>>, vector<16xi32>,
        %add3A_872 = vector.broadcast %mul3A_669 : i32 to vector<16xi32>
        %add3A_873 = arith.addi %get3A_871, %add3A_872 : vector<16xi32>
        %swap3A_874 = arith.constant 0 : i32
        %swap3A_875 = arith.constant 1 : i32
        %swap3A_876 = arith.index_cast %swap3A_874 : i32 to index
        %swap3A_877 = arith.index_cast %swap3A_875 : i32 to index
        %swap3A_878 = arith.constant 96 : index
        %swap3A_879 = tpu.vector_load %arg6[%swap3A_876, %swap3A_877, %swap3A_878] {strides = array<i32>} : memref<2x2x128xi32, #tpu.memory_space<vmem>>, vector<16xi32>,
        tpu.vector_store %arg6[%swap3A_876, %swap3A_877, %swap3A_878], %add3A_873 {strides = array<i32>} : memref<2x2x128xi32, #tpu.memory_space<vmem>>, vector<16xi32>,
        %get3A_880 = arith.constant 0 : i32
        %get3A_881 = arith.constant 1 : i32
        %get3A_882 = arith.index_cast %get3A_880 : i32 to index
        %get3A_883 = arith.index_cast %get3A_881 : i32 to index
        %get3A_884 = arith.constant 112 : index
        %get3A_885 = tpu.vector_load %arg6[%get3A_882, %get3A_883, %get3A_884] {strides = array<i32>} : memref<2x2x128xi32, #tpu.memory_space<vmem>>, vector<16xi32>,
        %add3A_886 = vector.broadcast %mul3A_669 : i32 to vector<16xi32>
        %add3A_887 = arith.addi %get3A_885, %add3A_886 : vector<16xi32>
        %swap3A_888 = arith.constant 0 : i32
        %swap3A_889 = arith.constant 1 : i32
        %swap3A_890 = arith.index_cast %swap3A_888 : i32 to index
        %swap3A_891 = arith.index_cast %swap3A_889 : i32 to index
        %swap3A_892 = arith.constant 112 : index
        %swap3A_893 = tpu.vector_load %arg6[%swap3A_890, %swap3A_891, %swap3A_892] {strides = array<i32>} : memref<2x2x128xi32, #tpu.memory_space<vmem>>, vector<16xi32>,
        tpu.vector_store %arg6[%swap3A_890, %swap3A_891, %swap3A_892], %add3A_887 {strides = array<i32>} : memref<2x2x128xi32, #tpu.memory_space<vmem>>, vector<16xi32>,
        %dma_wait3A_894 = arith.constant 0 : i32
        %dma_wait3A_895 = arith.constant 0 : i32
        %dma_wait3A_896 = tpu.memref_slice %arg2[%dma_wait3A_894, %dma_wait3A_895] : memref<100352x32xf32, #tpu.memory_space<hbm>> -> memref<256x32xf32, #tpu.memory_space<hbm>>
        %dma_wait3A_897 = arith.constant 0 : i32
        %dma_wait3A_898 = arith.constant 0 : i32
        %dma_wait3A_899 = tpu.memref_slice %arg2[%dma_wait3A_897, %dma_wait3A_898] : memref<100352x32xf32, #tpu.memory_space<hbm>> -> memref<256x32xf32, #tpu.memory_space<hbm>>
        tpu.wait_dma2 semaphore(%arg14 : memref<!tpu.dma_semaphore, #tpu.memory_space<semaphore_mem>>) src(%dma_wait3A_899 : memref<256x32xf32, #tpu.memory_space<hbm>>) dst(%arg8 : memref<256x32xf32, #tpu.memory_space<vmem>>)
        %dma_start3A_900 = arith.constant 0 : i32
        %dma_start3A_901 = arith.constant 0 : i32
        %dma_start3A_902 = arith.constant 0 : i32
        %dma_start3A_903 = arith.constant 0 : i32
        %dma_start3A_904 = tpu.memref_slice %arg8[%dma_start3A_902, %dma_start3A_903] : memref<256x32xf32, #tpu.memory_space<vmem>> -> memref<128x32xf32, #tpu.memory_space<vmem>>
        %dma_start3A_905 = arith.constant 0 : i32
        %dma_start3A_906 = tpu.memref_slice %arg6[%dma_start3A_900, %dma_start3A_901, %dma_start3A_905] : memref<2x2x128xi32, #tpu.memory_space<vmem>> -> memref<1x1x128xi32, #tpu.memory_space<vmem>>
        %dma_start3A_907 = tpu.memref_squeeze %dma_start3A_906 : memref<1x1x128xi32, #tpu.memory_space<vmem>> -> memref<128xi32, #tpu.memory_space<vmem>>
        %dma_start3A_908 = arith.constant 0 : i32
        %dma_start3A_909 = arith.constant 0 : i32
        %dma_start3A_910 = tpu.memref_slice %arg2[%dma_start3A_908, %dma_start3A_909] : memref<100352x32xf32, #tpu.memory_space<hbm>> -> memref<100352x32xf32, #tpu.memory_space<hbm>>
        tpu.enqueue_indirect_dma source(%dma_start3A_910 : memref<100352x32xf32, #tpu.memory_space<hbm>>) target(%dma_start3A_904 : memref<128x32xf32, #tpu.memory_space<vmem>>) offsets(%dma_start3A_907 : memref<128xi32, #tpu.memory_space<vmem>>) semaphore(%arg12 : memref<!tpu.dma_semaphore, #tpu.memory_space<semaphore_mem>>)
        %dma_start3A_911 = arith.constant 0 : i32
        %dma_start3A_912 = arith.constant 1 : i32
        %dma_start3A_913 = arith.constant 128 : i32
        %dma_start3A_914 = arith.constant 0 : i32
        %dma_start3A_915 = tpu.memref_slice %arg8[%dma_start3A_913, %dma_start3A_914] : memref<256x32xf32, #tpu.memory_space<vmem>> -> memref<128x32xf32, #tpu.memory_space<vmem>>
        %dma_start3A_916 = arith.constant 0 : i32
        %dma_start3A_917 = tpu.memref_slice %arg6[%dma_start3A_911, %dma_start3A_912, %dma_start3A_916] : memref<2x2x128xi32, #tpu.memory_space<vmem>> -> memref<1x1x128xi32, #tpu.memory_space<vmem>>
        %dma_start3A_918 = tpu.memref_squeeze %dma_start3A_917 : memref<1x1x128xi32, #tpu.memory_space<vmem>> -> memref<128xi32, #tpu.memory_space<vmem>>
        %dma_start3A_919 = arith.constant 0 : i32
        %dma_start3A_920 = arith.constant 0 : i32
        %dma_start3A_921 = tpu.memref_slice %arg2[%dma_start3A_919, %dma_start3A_920] : memref<100352x32xf32, #tpu.memory_space<hbm>> -> memref<100352x32xf32, #tpu.memory_space<hbm>>
        tpu.enqueue_indirect_dma source(%dma_start3A_921 : memref<100352x32xf32, #tpu.memory_space<hbm>>) target(%dma_start3A_915 : memref<128x32xf32, #tpu.memory_space<vmem>>) offsets(%dma_start3A_918 : memref<128xi32, #tpu.memory_space<vmem>>) semaphore(%arg12 : memref<!tpu.dma_semaphore, #tpu.memory_space<semaphore_mem>>)
      } else {
      }
      %dma_wait3A_633 = arith.constant 0 : i32
      %dma_wait3A_634 = arith.constant 0 : i32
      %dma_wait3A_635 = tpu.memref_slice %arg2[%dma_wait3A_633, %dma_wait3A_634] : memref<100352x32xf32, #tpu.memory_space<hbm>> -> memref<256x32xf32, #tpu.memory_space<hbm>>
      %dma_wait3A_636 = arith.constant 0 : i32
      %dma_wait3A_637 = arith.constant 0 : i32
      %dma_wait3A_638 = tpu.memref_slice %arg2[%dma_wait3A_636, %dma_wait3A_637] : memref<100352x32xf32, #tpu.memory_space<hbm>> -> memref<256x32xf32, #tpu.memory_space<hbm>>
      tpu.wait_dma2 semaphore(%arg13 : memref<!tpu.dma_semaphore, #tpu.memory_space<semaphore_mem>>) src(%dma_wait3A_638 : memref<256x32xf32, #tpu.memory_space<hbm>>) dst(%arg9 : memref<256x32xf32, #tpu.memory_space<vmem>>)
      %dma_start3A_639 = arith.constant 1 : i32
      %dma_start3A_640 = arith.constant 0 : i32
      %dma_start3A_641 = arith.constant 0 : i32
      %dma_start3A_642 = arith.constant 0 : i32
      %dma_start3A_643 = tpu.memref_slice %arg9[%dma_start3A_641, %dma_start3A_642] : memref<256x32xf32, #tpu.memory_space<vmem>> -> memref<128x32xf32, #tpu.memory_space<vmem>>
      %dma_start3A_644 = arith.constant 0 : i32
      %dma_start3A_645 = tpu.memref_slice %arg7[%dma_start3A_639, %dma_start3A_640, %dma_start3A_644] : memref<2x2x128xi32, #tpu.memory_space<vmem>> -> memref<1x1x128xi32, #tpu.memory_space<vmem>>
      %dma_start3A_646 = tpu.memref_squeeze %dma_start3A_645 : memref<1x1x128xi32, #tpu.memory_space<vmem>> -> memref<128xi32, #tpu.memory_space<vmem>>
      %dma_start3A_647 = arith.constant 0 : i32
      %dma_start3A_648 = arith.constant 0 : i32
      %dma_start3A_649 = tpu.memref_slice %arg11[%dma_start3A_647, %dma_start3A_648] : memref<50176x32xf32, #tpu.memory_space<vmem_shared>> -> memref<50176x32xf32, #tpu.memory_space<vmem_shared>>
      tpu.enqueue_indirect_dma source(%dma_start3A_643 : memref<128x32xf32, #tpu.memory_space<vmem>>) target(%dma_start3A_649 : memref<50176x32xf32, #tpu.memory_space<vmem_shared>>) offsets(%dma_start3A_646 : memref<128xi32, #tpu.memory_space<vmem>>) semaphore(%arg15 : memref<!tpu.dma_semaphore, #tpu.memory_space<semaphore_mem>>) {add = true}
      %dma_start3A_650 = arith.constant 1 : i32
      %dma_start3A_651 = arith.constant 1 : i32
      %dma_start3A_652 = arith.constant 128 : i32
      %dma_start3A_653 = arith.constant 0 : i32
      %dma_start3A_654 = tpu.memref_slice %arg9[%dma_start3A_652, %dma_start3A_653] : memref<256x32xf32, #tpu.memory_space<vmem>> -> memref<128x32xf32, #tpu.memory_space<vmem>>
      %dma_start3A_655 = arith.constant 0 : i32
      %dma_start3A_656 = tpu.memref_slice %arg7[%dma_start3A_650, %dma_start3A_651, %dma_start3A_655] : memref<2x2x128xi32, #tpu.memory_space<vmem>> -> memref<1x1x128xi32, #tpu.memory_space<vmem>>
      %dma_start3A_657 = tpu.memref_squeeze %dma_start3A_656 : memref<1x1x128xi32, #tpu.memory_space<vmem>> -> memref<128xi32, #tpu.memory_space<vmem>>
      %dma_start3A_658 = arith.constant 0 : i32
      %dma_start3A_659 = arith.constant 0 : i32
      %dma_start3A_660 = tpu.memref_slice %arg11[%dma_start3A_658, %dma_start3A_659] : memref<50176x32xf32, #tpu.memory_space<vmem_shared>> -> memref<50176x32xf32, #tpu.memory_space<vmem_shared>>
      tpu.enqueue_indirect_dma source(%dma_start3A_654 : memref<128x32xf32, #tpu.memory_space<vmem>>) target(%dma_start3A_660 : memref<50176x32xf32, #tpu.memory_space<vmem_shared>>) offsets(%dma_start3A_657 : memref<128xi32, #tpu.memory_space<vmem>>) semaphore(%arg15 : memref<!tpu.dma_semaphore, #tpu.memory_space<semaphore_mem>>) {add = true}
    }
    %scan3A_324 = arith.constant 98 : i32
    %dma_wait3A = arith.constant 0 : i32
    %dma_wait3A_325 = arith.constant 0 : i32
    %dma_wait3A_326 = tpu.memref_slice %arg2[%dma_wait3A, %dma_wait3A_325] : memref<100352x32xf32, #tpu.memory_space<hbm>> -> memref<256x32xf32, #tpu.memory_space<hbm>>
    %dma_wait3A_327 = arith.constant 0 : i32
    %dma_wait3A_328 = arith.constant 0 : i32
    %dma_wait3A_329 = tpu.memref_slice %arg2[%dma_wait3A_327, %dma_wait3A_328] : memref<100352x32xf32, #tpu.memory_space<hbm>> -> memref<256x32xf32, #tpu.memory_space<hbm>>
    tpu.wait_dma2 semaphore(%arg14 : memref<!tpu.dma_semaphore, #tpu.memory_space<semaphore_mem>>) src(%dma_wait3A_329 : memref<256x32xf32, #tpu.memory_space<hbm>>) dst(%arg8 : memref<256x32xf32, #tpu.memory_space<vmem>>)
    %dma_wait3A_330 = arith.constant 0 : i32
    %dma_wait3A_331 = arith.constant 0 : i32
    %dma_wait3A_332 = tpu.memref_slice %arg2[%dma_wait3A_330, %dma_wait3A_331] : memref<100352x32xf32, #tpu.memory_space<hbm>> -> memref<256x32xf32, #tpu.memory_space<hbm>>
    %dma_wait3A_333 = arith.constant 0 : i32
    %dma_wait3A_334 = arith.constant 0 : i32
    %dma_wait3A_335 = tpu.memref_slice %arg2[%dma_wait3A_333, %dma_wait3A_334] : memref<100352x32xf32, #tpu.memory_space<hbm>> -> memref<256x32xf32, #tpu.memory_space<hbm>>
    tpu.wait_dma2 semaphore(%arg15 : memref<!tpu.dma_semaphore, #tpu.memory_space<semaphore_mem>>) src(%dma_wait3A_335 : memref<256x32xf32, #tpu.memory_space<hbm>>) dst(%arg9 : memref<256x32xf32, #tpu.memory_space<vmem>>)
    %barrier3A_336 = arith.constant 0 : index
    tpu.barrier barrier_id(%barrier3A_336)
    %mul3A_337 = arith.constant 3136 : i32
    %mul3A_338 = arith.muli %arg1, %mul3A_337 : i32
    "tpu.region"() ({
      %run_scoped3A_339 = tpu.sem_alloc : memref<!tpu.dma_semaphore, #tpu.memory_space<semaphore_mem>>
      %dma_start3A_340 = arith.constant 0 : i32
      %dma_start3A_341 = tpu.memref_slice %arg5[%arg0, %mul3A_338, %dma_start3A_340] : memref<2x50176x32xf32, #tpu.memory_space<hbm>> -> memref<1x3136x32xf32, #tpu.memory_space<hbm>>
      %dma_start3A_342 = tpu.memref_squeeze %dma_start3A_341 : memref<1x3136x32xf32, #tpu.memory_space<hbm>> -> memref<3136x32xf32, #tpu.memory_space<hbm>>
      %dma_start3A_343 = arith.constant 0 : i32
      %dma_start3A_344 = tpu.memref_slice %arg11[%mul3A_338, %dma_start3A_343] : memref<50176x32xf32, #tpu.memory_space<vmem_shared>> -> memref<3136x32xf32, #tpu.memory_space<vmem_shared>>
      tpu.enqueue_dma source(%dma_start3A_344 : memref<3136x32xf32, #tpu.memory_space<vmem_shared>>) target(%dma_start3A_342 : memref<3136x32xf32, #tpu.memory_space<hbm>>) target_semaphore(%run_scoped3A_339 : memref<!tpu.dma_semaphore, #tpu.memory_space<semaphore_mem>>)
      %dma_wait3A_345 = arith.constant 0 : i32
      %dma_wait3A_346 = tpu.memref_slice %arg5[%arg0, %mul3A_338, %dma_wait3A_345] : memref<2x50176x32xf32, #tpu.memory_space<hbm>> -> memref<1x3136x32xf32, #tpu.memory_space<hbm>>
      %dma_wait3A_347 = tpu.memref_squeeze %dma_wait3A_346 : memref<1x3136x32xf32, #tpu.memory_space<hbm>> -> memref<3136x32xf32, #tpu.memory_space<hbm>>
      %dma_wait3A_348 = arith.constant 0 : i32
      %dma_wait3A_349 = tpu.memref_slice %arg11[%mul3A_338, %dma_wait3A_348] : memref<50176x32xf32, #tpu.memory_space<vmem_shared>> -> memref<3136x32xf32, #tpu.memory_space<vmem_shared>>
      tpu.wait_dma2 semaphore(%run_scoped3A_339 : memref<!tpu.dma_semaphore, #tpu.memory_space<semaphore_mem>>) src(%dma_wait3A_349 : memref<3136x32xf32, #tpu.memory_space<vmem_shared>>) dst(%dma_wait3A_347 : memref<3136x32xf32, #tpu.memory_space<hbm>>)
      tpu.yield
    }) : () -> ()
    return
  }
}

#map = affine_map<(d0, d1) -> (0, 0)>
#map1 = affine_map<(d0, d1) -> (0, 0, 0)>
module attributes {stable_mosaic.version = 14 : i64} {
  func.func @_edge_body(%arg0: i32, %arg1: i32, %arg2: memref<100352x32xf32, #tpu.memory_space<hbm>>, %arg3: memref<6272x128xi32, #tpu.memory_space<hbm>>, %arg4: memref<6272x128xi32, #tpu.memory_space<hbm>>, %arg5: memref<2x50176x32xf32, #tpu.memory_space<hbm>>, %arg6: memref<2x2x128xi32, #tpu.memory_space<vmem>>, %arg7: memref<2x2x128xi32, #tpu.memory_space<vmem>>, %arg8: memref<256x32xf32, #tpu.memory_space<vmem>>, %arg9: memref<256x32xf32, #tpu.memory_space<vmem>>, %arg10: memref<196x32xf32, #tpu.memory_space<vmem>>, %arg11: memref<50176x32xf32, #tpu.memory_space<vmem_shared>>, %arg12: memref<!tpu.dma_semaphore, #tpu.memory_space<semaphore_mem>>, %arg13: memref<!tpu.dma_semaphore, #tpu.memory_space<semaphore_mem>>, %arg14: memref<!tpu.dma_semaphore, #tpu.memory_space<semaphore_mem>>, %arg15: memref<!tpu.dma_semaphore, #tpu.memory_space<semaphore_mem>>) attributes {dimension_semantics = [#tpu.dimension_semantics<core_parallel>, #tpu.dimension_semantics<subcore_parallel>], iteration_bounds = array<i64: 2, 16>, scalar_prefetch = 0 : i64, scratch_operands = 10 : i64, tpu.core_type = #tpu.core_type<sc_vector_subcore>, window_params = [{transform_indices = #map}, {transform_indices = #map}, {transform_indices = #map}, {transform_indices = #map1}]} {
    %broadcast_in_dim3A = arith.constant 0.000000e+00 : f32
    %broadcast_in_dim3A_0 = vector.broadcast %broadcast_in_dim3A : f32 to vector<16xf32>
    %scan3A = arith.constant 0 : i32
    %scan3A_1 = arith.constant 196 : i32
    %scan3A_2 = arith.addi %scan3A, %scan3A_1 : i32
    %scan3A_3 = arith.constant 4 : i32
    scf.for %scan3A_115 = %scan3A to %scan3A_2 step %scan3A_3  : i32 {
      %swap3A = arith.index_cast %scan3A_115 : i32 to index
      %swap3A_116 = arith.constant 0 : index
      %swap3A_117 = tpu.vector_load %arg10[%swap3A, %swap3A_116] {strides = array<i32>} : memref<196x32xf32, #tpu.memory_space<vmem>>, vector<16xf32>,
      tpu.vector_store %arg10[%swap3A, %swap3A_116], %broadcast_in_dim3A_0 {strides = array<i32>} : memref<196x32xf32, #tpu.memory_space<vmem>>, vector<16xf32>,
      %swap3A_118 = arith.index_cast %scan3A_115 : i32 to index
      %swap3A_119 = arith.constant 16 : index
      %swap3A_120 = tpu.vector_load %arg10[%swap3A_118, %swap3A_119] {strides = array<i32>} : memref<196x32xf32, #tpu.memory_space<vmem>>, vector<16xf32>,
      tpu.vector_store %arg10[%swap3A_118, %swap3A_119], %broadcast_in_dim3A_0 {strides = array<i32>} : memref<196x32xf32, #tpu.memory_space<vmem>>, vector<16xf32>,
      %scan3A_121 = arith.constant 1 : i32
      %scan3A_122 = arith.addi %scan3A_115, %scan3A_121 : i32
      %swap3A_123 = arith.index_cast %scan3A_122 : i32 to index
      %swap3A_124 = arith.constant 0 : index
      %swap3A_125 = tpu.vector_load %arg10[%swap3A_123, %swap3A_124] {strides = array<i32>} : memref<196x32xf32, #tpu.memory_space<vmem>>, vector<16xf32>,
      tpu.vector_store %arg10[%swap3A_123, %swap3A_124], %broadcast_in_dim3A_0 {strides = array<i32>} : memref<196x32xf32, #tpu.memory_space<vmem>>, vector<16xf32>,
      %swap3A_126 = arith.index_cast %scan3A_122 : i32 to index
      %swap3A_127 = arith.constant 16 : index
      %swap3A_128 = tpu.vector_load %arg10[%swap3A_126, %swap3A_127] {strides = array<i32>} : memref<196x32xf32, #tpu.memory_space<vmem>>, vector<16xf32>,
      tpu.vector_store %arg10[%swap3A_126, %swap3A_127], %broadcast_in_dim3A_0 {strides = array<i32>} : memref<196x32xf32, #tpu.memory_space<vmem>>, vector<16xf32>,
      %scan3A_129 = arith.constant 2 : i32
      %scan3A_130 = arith.addi %scan3A_115, %scan3A_129 : i32
      %swap3A_131 = arith.index_cast %scan3A_130 : i32 to index
      %swap3A_132 = arith.constant 0 : index
      %swap3A_133 = tpu.vector_load %arg10[%swap3A_131, %swap3A_132] {strides = array<i32>} : memref<196x32xf32, #tpu.memory_space<vmem>>, vector<16xf32>,
      tpu.vector_store %arg10[%swap3A_131, %swap3A_132], %broadcast_in_dim3A_0 {strides = array<i32>} : memref<196x32xf32, #tpu.memory_space<vmem>>, vector<16xf32>,
      %swap3A_134 = arith.index_cast %scan3A_130 : i32 to index
      %swap3A_135 = arith.constant 16 : index
      %swap3A_136 = tpu.vector_load %arg10[%swap3A_134, %swap3A_135] {strides = array<i32>} : memref<196x32xf32, #tpu.memory_space<vmem>>, vector<16xf32>,
      tpu.vector_store %arg10[%swap3A_134, %swap3A_135], %broadcast_in_dim3A_0 {strides = array<i32>} : memref<196x32xf32, #tpu.memory_space<vmem>>, vector<16xf32>,
      %scan3A_137 = arith.constant 3 : i32
      %scan3A_138 = arith.addi %scan3A_115, %scan3A_137 : i32
      %swap3A_139 = arith.index_cast %scan3A_138 : i32 to index
      %swap3A_140 = arith.constant 0 : index
      %swap3A_141 = tpu.vector_load %arg10[%swap3A_139, %swap3A_140] {strides = array<i32>} : memref<196x32xf32, #tpu.memory_space<vmem>>, vector<16xf32>,
      tpu.vector_store %arg10[%swap3A_139, %swap3A_140], %broadcast_in_dim3A_0 {strides = array<i32>} : memref<196x32xf32, #tpu.memory_space<vmem>>, vector<16xf32>,
      %swap3A_142 = arith.index_cast %scan3A_138 : i32 to index
      %swap3A_143 = arith.constant 16 : index
      %swap3A_144 = tpu.vector_load %arg10[%swap3A_142, %swap3A_143] {strides = array<i32>} : memref<196x32xf32, #tpu.memory_space<vmem>>, vector<16xf32>,
      tpu.vector_store %arg10[%swap3A_142, %swap3A_143], %broadcast_in_dim3A_0 {strides = array<i32>} : memref<196x32xf32, #tpu.memory_space<vmem>>, vector<16xf32>,
    }
    %scan3A_4 = arith.constant 196 : i32
    %mul3A = arith.constant 3136 : i32
    %mul3A_5 = arith.muli %arg1, %mul3A : i32
    %add3A = arith.constant 0 : i32
    %add3A_6 = arith.addi %mul3A_5, %add3A : i32
    "tpu.region"() ({
      %run_scoped3A_115 = tpu.sem_alloc : memref<!tpu.dma_semaphore, #tpu.memory_space<semaphore_mem>>
      %dma_start3A_116 = arith.constant 0 : i32
      %dma_start3A_117 = tpu.memref_slice %arg11[%add3A_6, %dma_start3A_116] : memref<50176x32xf32, #tpu.memory_space<vmem_shared>> -> memref<196x32xf32, #tpu.memory_space<vmem_shared>>
      %dma_start3A_118 = arith.constant 0 : i32
      %dma_start3A_119 = tpu.memref_slice %arg11[%add3A_6, %dma_start3A_118] : memref<50176x32xf32, #tpu.memory_space<vmem_shared>> -> memref<196x32xf32, #tpu.memory_space<vmem_shared>>
      tpu.enqueue_dma source(%arg10 : memref<196x32xf32, #tpu.memory_space<vmem>>) target(%dma_start3A_119 : memref<196x32xf32, #tpu.memory_space<vmem_shared>>) target_semaphore(%run_scoped3A_115 : memref<!tpu.dma_semaphore, #tpu.memory_space<semaphore_mem>>)
      %dma_wait3A_120 = arith.constant 0 : i32
      %dma_wait3A_121 = tpu.memref_slice %arg11[%add3A_6, %dma_wait3A_120] : memref<50176x32xf32, #tpu.memory_space<vmem_shared>> -> memref<196x32xf32, #tpu.memory_space<vmem_shared>>
      %dma_wait3A_122 = arith.constant 0 : i32
      %dma_wait3A_123 = tpu.memref_slice %arg11[%add3A_6, %dma_wait3A_122] : memref<50176x32xf32, #tpu.memory_space<vmem_shared>> -> memref<196x32xf32, #tpu.memory_space<vmem_shared>>
      tpu.wait_dma2 semaphore(%run_scoped3A_115 : memref<!tpu.dma_semaphore, #tpu.memory_space<semaphore_mem>>) src(%arg10 : memref<196x32xf32, #tpu.memory_space<vmem>>) dst(%dma_wait3A_123 : memref<196x32xf32, #tpu.memory_space<vmem_shared>>)
      tpu.yield
    }) : () -> ()
    %mul3A_7 = arith.constant 3136 : i32
    %mul3A_8 = arith.muli %arg1, %mul3A_7 : i32
    %add3A_9 = arith.constant 196 : i32
    %add3A_10 = arith.addi %mul3A_8, %add3A_9 : i32
    "tpu.region"() ({
      %run_scoped3A_115 = tpu.sem_alloc : memref<!tpu.dma_semaphore, #tpu.memory_space<semaphore_mem>>
      %dma_start3A_116 = arith.constant 0 : i32
      %dma_start3A_117 = tpu.memref_slice %arg11[%add3A_10, %dma_start3A_116] : memref<50176x32xf32, #tpu.memory_space<vmem_shared>> -> memref<196x32xf32, #tpu.memory_space<vmem_shared>>
      %dma_start3A_118 = arith.constant 0 : i32
      %dma_start3A_119 = tpu.memref_slice %arg11[%add3A_10, %dma_start3A_118] : memref<50176x32xf32, #tpu.memory_space<vmem_shared>> -> memref<196x32xf32, #tpu.memory_space<vmem_shared>>
      tpu.enqueue_dma source(%arg10 : memref<196x32xf32, #tpu.memory_space<vmem>>) target(%dma_start3A_119 : memref<196x32xf32, #tpu.memory_space<vmem_shared>>) target_semaphore(%run_scoped3A_115 : memref<!tpu.dma_semaphore, #tpu.memory_space<semaphore_mem>>)
      %dma_wait3A_120 = arith.constant 0 : i32
      %dma_wait3A_121 = tpu.memref_slice %arg11[%add3A_10, %dma_wait3A_120] : memref<50176x32xf32, #tpu.memory_space<vmem_shared>> -> memref<196x32xf32, #tpu.memory_space<vmem_shared>>
      %dma_wait3A_122 = arith.constant 0 : i32
      %dma_wait3A_123 = tpu.memref_slice %arg11[%add3A_10, %dma_wait3A_122] : memref<50176x32xf32, #tpu.memory_space<vmem_shared>> -> memref<196x32xf32, #tpu.memory_space<vmem_shared>>
      tpu.wait_dma2 semaphore(%run_scoped3A_115 : memref<!tpu.dma_semaphore, #tpu.memory_space<semaphore_mem>>) src(%arg10 : memref<196x32xf32, #tpu.memory_space<vmem>>) dst(%dma_wait3A_123 : memref<196x32xf32, #tpu.memory_space<vmem_shared>>)
      tpu.yield
    }) : () -> ()
    %mul3A_11 = arith.constant 3136 : i32
    %mul3A_12 = arith.muli %arg1, %mul3A_11 : i32
    %add3A_13 = arith.constant 392 : i32
    %add3A_14 = arith.addi %mul3A_12, %add3A_13 : i32
    "tpu.region"() ({
      %run_scoped3A_115 = tpu.sem_alloc : memref<!tpu.dma_semaphore, #tpu.memory_space<semaphore_mem>>
      %dma_start3A_116 = arith.constant 0 : i32
      %dma_start3A_117 = tpu.memref_slice %arg11[%add3A_14, %dma_start3A_116] : memref<50176x32xf32, #tpu.memory_space<vmem_shared>> -> memref<196x32xf32, #tpu.memory_space<vmem_shared>>
      %dma_start3A_118 = arith.constant 0 : i32
      %dma_start3A_119 = tpu.memref_slice %arg11[%add3A_14, %dma_start3A_118] : memref<50176x32xf32, #tpu.memory_space<vmem_shared>> -> memref<196x32xf32, #tpu.memory_space<vmem_shared>>
      tpu.enqueue_dma source(%arg10 : memref<196x32xf32, #tpu.memory_space<vmem>>) target(%dma_start3A_119 : memref<196x32xf32, #tpu.memory_space<vmem_shared>>) target_semaphore(%run_scoped3A_115 : memref<!tpu.dma_semaphore, #tpu.memory_space<semaphore_mem>>)
      %dma_wait3A_120 = arith.constant 0 : i32
      %dma_wait3A_121 = tpu.memref_slice %arg11[%add3A_14, %dma_wait3A_120] : memref<50176x32xf32, #tpu.memory_space<vmem_shared>> -> memref<196x32xf32, #tpu.memory_space<vmem_shared>>
      %dma_wait3A_122 = arith.constant 0 : i32
      %dma_wait3A_123 = tpu.memref_slice %arg11[%add3A_14, %dma_wait3A_122] : memref<50176x32xf32, #tpu.memory_space<vmem_shared>> -> memref<196x32xf32, #tpu.memory_space<vmem_shared>>
      tpu.wait_dma2 semaphore(%run_scoped3A_115 : memref<!tpu.dma_semaphore, #tpu.memory_space<semaphore_mem>>) src(%arg10 : memref<196x32xf32, #tpu.memory_space<vmem>>) dst(%dma_wait3A_123 : memref<196x32xf32, #tpu.memory_space<vmem_shared>>)
      tpu.yield
    }) : () -> ()
    %mul3A_15 = arith.constant 3136 : i32
    %mul3A_16 = arith.muli %arg1, %mul3A_15 : i32
    %add3A_17 = arith.constant 588 : i32
    %add3A_18 = arith.addi %mul3A_16, %add3A_17 : i32
    "tpu.region"() ({
      %run_scoped3A_115 = tpu.sem_alloc : memref<!tpu.dma_semaphore, #tpu.memory_space<semaphore_mem>>
      %dma_start3A_116 = arith.constant 0 : i32
      %dma_start3A_117 = tpu.memref_slice %arg11[%add3A_18, %dma_start3A_116] : memref<50176x32xf32, #tpu.memory_space<vmem_shared>> -> memref<196x32xf32, #tpu.memory_space<vmem_shared>>
      %dma_start3A_118 = arith.constant 0 : i32
      %dma_start3A_119 = tpu.memref_slice %arg11[%add3A_18, %dma_start3A_118] : memref<50176x32xf32, #tpu.memory_space<vmem_shared>> -> memref<196x32xf32, #tpu.memory_space<vmem_shared>>
      tpu.enqueue_dma source(%arg10 : memref<196x32xf32, #tpu.memory_space<vmem>>) target(%dma_start3A_119 : memref<196x32xf32, #tpu.memory_space<vmem_shared>>) target_semaphore(%run_scoped3A_115 : memref<!tpu.dma_semaphore, #tpu.memory_space<semaphore_mem>>)
      %dma_wait3A_120 = arith.constant 0 : i32
      %dma_wait3A_121 = tpu.memref_slice %arg11[%add3A_18, %dma_wait3A_120] : memref<50176x32xf32, #tpu.memory_space<vmem_shared>> -> memref<196x32xf32, #tpu.memory_space<vmem_shared>>
      %dma_wait3A_122 = arith.constant 0 : i32
      %dma_wait3A_123 = tpu.memref_slice %arg11[%add3A_18, %dma_wait3A_122] : memref<50176x32xf32, #tpu.memory_space<vmem_shared>> -> memref<196x32xf32, #tpu.memory_space<vmem_shared>>
      tpu.wait_dma2 semaphore(%run_scoped3A_115 : memref<!tpu.dma_semaphore, #tpu.memory_space<semaphore_mem>>) src(%arg10 : memref<196x32xf32, #tpu.memory_space<vmem>>) dst(%dma_wait3A_123 : memref<196x32xf32, #tpu.memory_space<vmem_shared>>)
      tpu.yield
    }) : () -> ()
    %mul3A_19 = arith.constant 3136 : i32
    %mul3A_20 = arith.muli %arg1, %mul3A_19 : i32
    %add3A_21 = arith.constant 784 : i32
    %add3A_22 = arith.addi %mul3A_20, %add3A_21 : i32
    "tpu.region"() ({
      %run_scoped3A_115 = tpu.sem_alloc : memref<!tpu.dma_semaphore, #tpu.memory_space<semaphore_mem>>
      %dma_start3A_116 = arith.constant 0 : i32
      %dma_start3A_117 = tpu.memref_slice %arg11[%add3A_22, %dma_start3A_116] : memref<50176x32xf32, #tpu.memory_space<vmem_shared>> -> memref<196x32xf32, #tpu.memory_space<vmem_shared>>
      %dma_start3A_118 = arith.constant 0 : i32
      %dma_start3A_119 = tpu.memref_slice %arg11[%add3A_22, %dma_start3A_118] : memref<50176x32xf32, #tpu.memory_space<vmem_shared>> -> memref<196x32xf32, #tpu.memory_space<vmem_shared>>
      tpu.enqueue_dma source(%arg10 : memref<196x32xf32, #tpu.memory_space<vmem>>) target(%dma_start3A_119 : memref<196x32xf32, #tpu.memory_space<vmem_shared>>) target_semaphore(%run_scoped3A_115 : memref<!tpu.dma_semaphore, #tpu.memory_space<semaphore_mem>>)
      %dma_wait3A_120 = arith.constant 0 : i32
      %dma_wait3A_121 = tpu.memref_slice %arg11[%add3A_22, %dma_wait3A_120] : memref<50176x32xf32, #tpu.memory_space<vmem_shared>> -> memref<196x32xf32, #tpu.memory_space<vmem_shared>>
      %dma_wait3A_122 = arith.constant 0 : i32
      %dma_wait3A_123 = tpu.memref_slice %arg11[%add3A_22, %dma_wait3A_122] : memref<50176x32xf32, #tpu.memory_space<vmem_shared>> -> memref<196x32xf32, #tpu.memory_space<vmem_shared>>
      tpu.wait_dma2 semaphore(%run_scoped3A_115 : memref<!tpu.dma_semaphore, #tpu.memory_space<semaphore_mem>>) src(%arg10 : memref<196x32xf32, #tpu.memory_space<vmem>>) dst(%dma_wait3A_123 : memref<196x32xf32, #tpu.memory_space<vmem_shared>>)
      tpu.yield
    }) : () -> ()
    %mul3A_23 = arith.constant 3136 : i32
    %mul3A_24 = arith.muli %arg1, %mul3A_23 : i32
    %add3A_25 = arith.constant 980 : i32
    %add3A_26 = arith.addi %mul3A_24, %add3A_25 : i32
    "tpu.region"() ({
      %run_scoped3A_115 = tpu.sem_alloc : memref<!tpu.dma_semaphore, #tpu.memory_space<semaphore_mem>>
      %dma_start3A_116 = arith.constant 0 : i32
      %dma_start3A_117 = tpu.memref_slice %arg11[%add3A_26, %dma_start3A_116] : memref<50176x32xf32, #tpu.memory_space<vmem_shared>> -> memref<196x32xf32, #tpu.memory_space<vmem_shared>>
      %dma_start3A_118 = arith.constant 0 : i32
      %dma_start3A_119 = tpu.memref_slice %arg11[%add3A_26, %dma_start3A_118] : memref<50176x32xf32, #tpu.memory_space<vmem_shared>> -> memref<196x32xf32, #tpu.memory_space<vmem_shared>>
      tpu.enqueue_dma source(%arg10 : memref<196x32xf32, #tpu.memory_space<vmem>>) target(%dma_start3A_119 : memref<196x32xf32, #tpu.memory_space<vmem_shared>>) target_semaphore(%run_scoped3A_115 : memref<!tpu.dma_semaphore, #tpu.memory_space<semaphore_mem>>)
      %dma_wait3A_120 = arith.constant 0 : i32
      %dma_wait3A_121 = tpu.memref_slice %arg11[%add3A_26, %dma_wait3A_120] : memref<50176x32xf32, #tpu.memory_space<vmem_shared>> -> memref<196x32xf32, #tpu.memory_space<vmem_shared>>
      %dma_wait3A_122 = arith.constant 0 : i32
      %dma_wait3A_123 = tpu.memref_slice %arg11[%add3A_26, %dma_wait3A_122] : memref<50176x32xf32, #tpu.memory_space<vmem_shared>> -> memref<196x32xf32, #tpu.memory_space<vmem_shared>>
      tpu.wait_dma2 semaphore(%run_scoped3A_115 : memref<!tpu.dma_semaphore, #tpu.memory_space<semaphore_mem>>) src(%arg10 : memref<196x32xf32, #tpu.memory_space<vmem>>) dst(%dma_wait3A_123 : memref<196x32xf32, #tpu.memory_space<vmem_shared>>)
      tpu.yield
    }) : () -> ()
    %mul3A_27 = arith.constant 3136 : i32
    %mul3A_28 = arith.muli %arg1, %mul3A_27 : i32
    %add3A_29 = arith.constant 1176 : i32
    %add3A_30 = arith.addi %mul3A_28, %add3A_29 : i32
    "tpu.region"() ({
      %run_scoped3A_115 = tpu.sem_alloc : memref<!tpu.dma_semaphore, #tpu.memory_space<semaphore_mem>>
      %dma_start3A_116 = arith.constant 0 : i32
      %dma_start3A_117 = tpu.memref_slice %arg11[%add3A_30, %dma_start3A_116] : memref<50176x32xf32, #tpu.memory_space<vmem_shared>> -> memref<196x32xf32, #tpu.memory_space<vmem_shared>>
      %dma_start3A_118 = arith.constant 0 : i32
      %dma_start3A_119 = tpu.memref_slice %arg11[%add3A_30, %dma_start3A_118] : memref<50176x32xf32, #tpu.memory_space<vmem_shared>> -> memref<196x32xf32, #tpu.memory_space<vmem_shared>>
      tpu.enqueue_dma source(%arg10 : memref<196x32xf32, #tpu.memory_space<vmem>>) target(%dma_start3A_119 : memref<196x32xf32, #tpu.memory_space<vmem_shared>>) target_semaphore(%run_scoped3A_115 : memref<!tpu.dma_semaphore, #tpu.memory_space<semaphore_mem>>)
      %dma_wait3A_120 = arith.constant 0 : i32
      %dma_wait3A_121 = tpu.memref_slice %arg11[%add3A_30, %dma_wait3A_120] : memref<50176x32xf32, #tpu.memory_space<vmem_shared>> -> memref<196x32xf32, #tpu.memory_space<vmem_shared>>
      %dma_wait3A_122 = arith.constant 0 : i32
      %dma_wait3A_123 = tpu.memref_slice %arg11[%add3A_30, %dma_wait3A_122] : memref<50176x32xf32, #tpu.memory_space<vmem_shared>> -> memref<196x32xf32, #tpu.memory_space<vmem_shared>>
      tpu.wait_dma2 semaphore(%run_scoped3A_115 : memref<!tpu.dma_semaphore, #tpu.memory_space<semaphore_mem>>) src(%arg10 : memref<196x32xf32, #tpu.memory_space<vmem>>) dst(%dma_wait3A_123 : memref<196x32xf32, #tpu.memory_space<vmem_shared>>)
      tpu.yield
    }) : () -> ()
    %mul3A_31 = arith.constant 3136 : i32
    %mul3A_32 = arith.muli %arg1, %mul3A_31 : i32
    %add3A_33 = arith.constant 1372 : i32
    %add3A_34 = arith.addi %mul3A_32, %add3A_33 : i32
    "tpu.region"() ({
      %run_scoped3A_115 = tpu.sem_alloc : memref<!tpu.dma_semaphore, #tpu.memory_space<semaphore_mem>>
      %dma_start3A_116 = arith.constant 0 : i32
      %dma_start3A_117 = tpu.memref_slice %arg11[%add3A_34, %dma_start3A_116] : memref<50176x32xf32, #tpu.memory_space<vmem_shared>> -> memref<196x32xf32, #tpu.memory_space<vmem_shared>>
      %dma_start3A_118 = arith.constant 0 : i32
      %dma_start3A_119 = tpu.memref_slice %arg11[%add3A_34, %dma_start3A_118] : memref<50176x32xf32, #tpu.memory_space<vmem_shared>> -> memref<196x32xf32, #tpu.memory_space<vmem_shared>>
      tpu.enqueue_dma source(%arg10 : memref<196x32xf32, #tpu.memory_space<vmem>>) target(%dma_start3A_119 : memref<196x32xf32, #tpu.memory_space<vmem_shared>>) target_semaphore(%run_scoped3A_115 : memref<!tpu.dma_semaphore, #tpu.memory_space<semaphore_mem>>)
      %dma_wait3A_120 = arith.constant 0 : i32
      %dma_wait3A_121 = tpu.memref_slice %arg11[%add3A_34, %dma_wait3A_120] : memref<50176x32xf32, #tpu.memory_space<vmem_shared>> -> memref<196x32xf32, #tpu.memory_space<vmem_shared>>
      %dma_wait3A_122 = arith.constant 0 : i32
      %dma_wait3A_123 = tpu.memref_slice %arg11[%add3A_34, %dma_wait3A_122] : memref<50176x32xf32, #tpu.memory_space<vmem_shared>> -> memref<196x32xf32, #tpu.memory_space<vmem_shared>>
      tpu.wait_dma2 semaphore(%run_scoped3A_115 : memref<!tpu.dma_semaphore, #tpu.memory_space<semaphore_mem>>) src(%arg10 : memref<196x32xf32, #tpu.memory_space<vmem>>) dst(%dma_wait3A_123 : memref<196x32xf32, #tpu.memory_space<vmem_shared>>)
      tpu.yield
    }) : () -> ()
    %mul3A_35 = arith.constant 3136 : i32
    %mul3A_36 = arith.muli %arg1, %mul3A_35 : i32
    %add3A_37 = arith.constant 1568 : i32
    %add3A_38 = arith.addi %mul3A_36, %add3A_37 : i32
    "tpu.region"() ({
      %run_scoped3A_115 = tpu.sem_alloc : memref<!tpu.dma_semaphore, #tpu.memory_space<semaphore_mem>>
      %dma_start3A_116 = arith.constant 0 : i32
      %dma_start3A_117 = tpu.memref_slice %arg11[%add3A_38, %dma_start3A_116] : memref<50176x32xf32, #tpu.memory_space<vmem_shared>> -> memref<196x32xf32, #tpu.memory_space<vmem_shared>>
      %dma_start3A_118 = arith.constant 0 : i32
      %dma_start3A_119 = tpu.memref_slice %arg11[%add3A_38, %dma_start3A_118] : memref<50176x32xf32, #tpu.memory_space<vmem_shared>> -> memref<196x32xf32, #tpu.memory_space<vmem_shared>>
      tpu.enqueue_dma source(%arg10 : memref<196x32xf32, #tpu.memory_space<vmem>>) target(%dma_start3A_119 : memref<196x32xf32, #tpu.memory_space<vmem_shared>>) target_semaphore(%run_scoped3A_115 : memref<!tpu.dma_semaphore, #tpu.memory_space<semaphore_mem>>)
      %dma_wait3A_120 = arith.constant 0 : i32
      %dma_wait3A_121 = tpu.memref_slice %arg11[%add3A_38, %dma_wait3A_120] : memref<50176x32xf32, #tpu.memory_space<vmem_shared>> -> memref<196x32xf32, #tpu.memory_space<vmem_shared>>
      %dma_wait3A_122 = arith.constant 0 : i32
      %dma_wait3A_123 = tpu.memref_slice %arg11[%add3A_38, %dma_wait3A_122] : memref<50176x32xf32, #tpu.memory_space<vmem_shared>> -> memref<196x32xf32, #tpu.memory_space<vmem_shared>>
      tpu.wait_dma2 semaphore(%run_scoped3A_115 : memref<!tpu.dma_semaphore, #tpu.memory_space<semaphore_mem>>) src(%arg10 : memref<196x32xf32, #tpu.memory_space<vmem>>) dst(%dma_wait3A_123 : memref<196x32xf32, #tpu.memory_space<vmem_shared>>)
      tpu.yield
    }) : () -> ()
    %mul3A_39 = arith.constant 3136 : i32
    %mul3A_40 = arith.muli %arg1, %mul3A_39 : i32
    %add3A_41 = arith.constant 1764 : i32
    %add3A_42 = arith.addi %mul3A_40, %add3A_41 : i32
    "tpu.region"() ({
      %run_scoped3A_115 = tpu.sem_alloc : memref<!tpu.dma_semaphore, #tpu.memory_space<semaphore_mem>>
      %dma_start3A_116 = arith.constant 0 : i32
      %dma_start3A_117 = tpu.memref_slice %arg11[%add3A_42, %dma_start3A_116] : memref<50176x32xf32, #tpu.memory_space<vmem_shared>> -> memref<196x32xf32, #tpu.memory_space<vmem_shared>>
      %dma_start3A_118 = arith.constant 0 : i32
      %dma_start3A_119 = tpu.memref_slice %arg11[%add3A_42, %dma_start3A_118] : memref<50176x32xf32, #tpu.memory_space<vmem_shared>> -> memref<196x32xf32, #tpu.memory_space<vmem_shared>>
      tpu.enqueue_dma source(%arg10 : memref<196x32xf32, #tpu.memory_space<vmem>>) target(%dma_start3A_119 : memref<196x32xf32, #tpu.memory_space<vmem_shared>>) target_semaphore(%run_scoped3A_115 : memref<!tpu.dma_semaphore, #tpu.memory_space<semaphore_mem>>)
      %dma_wait3A_120 = arith.constant 0 : i32
      %dma_wait3A_121 = tpu.memref_slice %arg11[%add3A_42, %dma_wait3A_120] : memref<50176x32xf32, #tpu.memory_space<vmem_shared>> -> memref<196x32xf32, #tpu.memory_space<vmem_shared>>
      %dma_wait3A_122 = arith.constant 0 : i32
      %dma_wait3A_123 = tpu.memref_slice %arg11[%add3A_42, %dma_wait3A_122] : memref<50176x32xf32, #tpu.memory_space<vmem_shared>> -> memref<196x32xf32, #tpu.memory_space<vmem_shared>>
      tpu.wait_dma2 semaphore(%run_scoped3A_115 : memref<!tpu.dma_semaphore, #tpu.memory_space<semaphore_mem>>) src(%arg10 : memref<196x32xf32, #tpu.memory_space<vmem>>) dst(%dma_wait3A_123 : memref<196x32xf32, #tpu.memory_space<vmem_shared>>)
      tpu.yield
    }) : () -> ()
    %mul3A_43 = arith.constant 3136 : i32
    %mul3A_44 = arith.muli %arg1, %mul3A_43 : i32
    %add3A_45 = arith.constant 1960 : i32
    %add3A_46 = arith.addi %mul3A_44, %add3A_45 : i32
    "tpu.region"() ({
      %run_scoped3A_115 = tpu.sem_alloc : memref<!tpu.dma_semaphore, #tpu.memory_space<semaphore_mem>>
      %dma_start3A_116 = arith.constant 0 : i32
      %dma_start3A_117 = tpu.memref_slice %arg11[%add3A_46, %dma_start3A_116] : memref<50176x32xf32, #tpu.memory_space<vmem_shared>> -> memref<196x32xf32, #tpu.memory_space<vmem_shared>>
      %dma_start3A_118 = arith.constant 0 : i32
      %dma_start3A_119 = tpu.memref_slice %arg11[%add3A_46, %dma_start3A_118] : memref<50176x32xf32, #tpu.memory_space<vmem_shared>> -> memref<196x32xf32, #tpu.memory_space<vmem_shared>>
      tpu.enqueue_dma source(%arg10 : memref<196x32xf32, #tpu.memory_space<vmem>>) target(%dma_start3A_119 : memref<196x32xf32, #tpu.memory_space<vmem_shared>>) target_semaphore(%run_scoped3A_115 : memref<!tpu.dma_semaphore, #tpu.memory_space<semaphore_mem>>)
      %dma_wait3A_120 = arith.constant 0 : i32
      %dma_wait3A_121 = tpu.memref_slice %arg11[%add3A_46, %dma_wait3A_120] : memref<50176x32xf32, #tpu.memory_space<vmem_shared>> -> memref<196x32xf32, #tpu.memory_space<vmem_shared>>
      %dma_wait3A_122 = arith.constant 0 : i32
      %dma_wait3A_123 = tpu.memref_slice %arg11[%add3A_46, %dma_wait3A_122] : memref<50176x32xf32, #tpu.memory_space<vmem_shared>> -> memref<196x32xf32, #tpu.memory_space<vmem_shared>>
      tpu.wait_dma2 semaphore(%run_scoped3A_115 : memref<!tpu.dma_semaphore, #tpu.memory_space<semaphore_mem>>) src(%arg10 : memref<196x32xf32, #tpu.memory_space<vmem>>) dst(%dma_wait3A_123 : memref<196x32xf32, #tpu.memory_space<vmem_shared>>)
      tpu.yield
    }) : () -> ()
    %mul3A_47 = arith.constant 3136 : i32
    %mul3A_48 = arith.muli %arg1, %mul3A_47 : i32
    %add3A_49 = arith.constant 2156 : i32
    %add3A_50 = arith.addi %mul3A_48, %add3A_49 : i32
    "tpu.region"() ({
      %run_scoped3A_115 = tpu.sem_alloc : memref<!tpu.dma_semaphore, #tpu.memory_space<semaphore_mem>>
      %dma_start3A_116 = arith.constant 0 : i32
      %dma_start3A_117 = tpu.memref_slice %arg11[%add3A_50, %dma_start3A_116] : memref<50176x32xf32, #tpu.memory_space<vmem_shared>> -> memref<196x32xf32, #tpu.memory_space<vmem_shared>>
      %dma_start3A_118 = arith.constant 0 : i32
      %dma_start3A_119 = tpu.memref_slice %arg11[%add3A_50, %dma_start3A_118] : memref<50176x32xf32, #tpu.memory_space<vmem_shared>> -> memref<196x32xf32, #tpu.memory_space<vmem_shared>>
      tpu.enqueue_dma source(%arg10 : memref<196x32xf32, #tpu.memory_space<vmem>>) target(%dma_start3A_119 : memref<196x32xf32, #tpu.memory_space<vmem_shared>>) target_semaphore(%run_scoped3A_115 : memref<!tpu.dma_semaphore, #tpu.memory_space<semaphore_mem>>)
      %dma_wait3A_120 = arith.constant 0 : i32
      %dma_wait3A_121 = tpu.memref_slice %arg11[%add3A_50, %dma_wait3A_120] : memref<50176x32xf32, #tpu.memory_space<vmem_shared>> -> memref<196x32xf32, #tpu.memory_space<vmem_shared>>
      %dma_wait3A_122 = arith.constant 0 : i32
      %dma_wait3A_123 = tpu.memref_slice %arg11[%add3A_50, %dma_wait3A_122] : memref<50176x32xf32, #tpu.memory_space<vmem_shared>> -> memref<196x32xf32, #tpu.memory_space<vmem_shared>>
      tpu.wait_dma2 semaphore(%run_scoped3A_115 : memref<!tpu.dma_semaphore, #tpu.memory_space<semaphore_mem>>) src(%arg10 : memref<196x32xf32, #tpu.memory_space<vmem>>) dst(%dma_wait3A_123 : memref<196x32xf32, #tpu.memory_space<vmem_shared>>)
      tpu.yield
    }) : () -> ()
    %mul3A_51 = arith.constant 3136 : i32
    %mul3A_52 = arith.muli %arg1, %mul3A_51 : i32
    %add3A_53 = arith.constant 2352 : i32
    %add3A_54 = arith.addi %mul3A_52, %add3A_53 : i32
    "tpu.region"() ({
      %run_scoped3A_115 = tpu.sem_alloc : memref<!tpu.dma_semaphore, #tpu.memory_space<semaphore_mem>>
      %dma_start3A_116 = arith.constant 0 : i32
      %dma_start3A_117 = tpu.memref_slice %arg11[%add3A_54, %dma_start3A_116] : memref<50176x32xf32, #tpu.memory_space<vmem_shared>> -> memref<196x32xf32, #tpu.memory_space<vmem_shared>>
      %dma_start3A_118 = arith.constant 0 : i32
      %dma_start3A_119 = tpu.memref_slice %arg11[%add3A_54, %dma_start3A_118] : memref<50176x32xf32, #tpu.memory_space<vmem_shared>> -> memref<196x32xf32, #tpu.memory_space<vmem_shared>>
      tpu.enqueue_dma source(%arg10 : memref<196x32xf32, #tpu.memory_space<vmem>>) target(%dma_start3A_119 : memref<196x32xf32, #tpu.memory_space<vmem_shared>>) target_semaphore(%run_scoped3A_115 : memref<!tpu.dma_semaphore, #tpu.memory_space<semaphore_mem>>)
      %dma_wait3A_120 = arith.constant 0 : i32
      %dma_wait3A_121 = tpu.memref_slice %arg11[%add3A_54, %dma_wait3A_120] : memref<50176x32xf32, #tpu.memory_space<vmem_shared>> -> memref<196x32xf32, #tpu.memory_space<vmem_shared>>
      %dma_wait3A_122 = arith.constant 0 : i32
      %dma_wait3A_123 = tpu.memref_slice %arg11[%add3A_54, %dma_wait3A_122] : memref<50176x32xf32, #tpu.memory_space<vmem_shared>> -> memref<196x32xf32, #tpu.memory_space<vmem_shared>>
      tpu.wait_dma2 semaphore(%run_scoped3A_115 : memref<!tpu.dma_semaphore, #tpu.memory_space<semaphore_mem>>) src(%arg10 : memref<196x32xf32, #tpu.memory_space<vmem>>) dst(%dma_wait3A_123 : memref<196x32xf32, #tpu.memory_space<vmem_shared>>)
      tpu.yield
    }) : () -> ()
    %mul3A_55 = arith.constant 3136 : i32
    %mul3A_56 = arith.muli %arg1, %mul3A_55 : i32
    %add3A_57 = arith.constant 2548 : i32
    %add3A_58 = arith.addi %mul3A_56, %add3A_57 : i32
    "tpu.region"() ({
      %run_scoped3A_115 = tpu.sem_alloc : memref<!tpu.dma_semaphore, #tpu.memory_space<semaphore_mem>>
      %dma_start3A_116 = arith.constant 0 : i32
      %dma_start3A_117 = tpu.memref_slice %arg11[%add3A_58, %dma_start3A_116] : memref<50176x32xf32, #tpu.memory_space<vmem_shared>> -> memref<196x32xf32, #tpu.memory_space<vmem_shared>>
      %dma_start3A_118 = arith.constant 0 : i32
      %dma_start3A_119 = tpu.memref_slice %arg11[%add3A_58, %dma_start3A_118] : memref<50176x32xf32, #tpu.memory_space<vmem_shared>> -> memref<196x32xf32, #tpu.memory_space<vmem_shared>>
      tpu.enqueue_dma source(%arg10 : memref<196x32xf32, #tpu.memory_space<vmem>>) target(%dma_start3A_119 : memref<196x32xf32, #tpu.memory_space<vmem_shared>>) target_semaphore(%run_scoped3A_115 : memref<!tpu.dma_semaphore, #tpu.memory_space<semaphore_mem>>)
      %dma_wait3A_120 = arith.constant 0 : i32
      %dma_wait3A_121 = tpu.memref_slice %arg11[%add3A_58, %dma_wait3A_120] : memref<50176x32xf32, #tpu.memory_space<vmem_shared>> -> memref<196x32xf32, #tpu.memory_space<vmem_shared>>
      %dma_wait3A_122 = arith.constant 0 : i32
      %dma_wait3A_123 = tpu.memref_slice %arg11[%add3A_58, %dma_wait3A_122] : memref<50176x32xf32, #tpu.memory_space<vmem_shared>> -> memref<196x32xf32, #tpu.memory_space<vmem_shared>>
      tpu.wait_dma2 semaphore(%run_scoped3A_115 : memref<!tpu.dma_semaphore, #tpu.memory_space<semaphore_mem>>) src(%arg10 : memref<196x32xf32, #tpu.memory_space<vmem>>) dst(%dma_wait3A_123 : memref<196x32xf32, #tpu.memory_space<vmem_shared>>)
      tpu.yield
    }) : () -> ()
    %mul3A_59 = arith.constant 3136 : i32
    %mul3A_60 = arith.muli %arg1, %mul3A_59 : i32
    %add3A_61 = arith.constant 2744 : i32
    %add3A_62 = arith.addi %mul3A_60, %add3A_61 : i32
    "tpu.region"() ({
      %run_scoped3A_115 = tpu.sem_alloc : memref<!tpu.dma_semaphore, #tpu.memory_space<semaphore_mem>>
      %dma_start3A_116 = arith.constant 0 : i32
      %dma_start3A_117 = tpu.memref_slice %arg11[%add3A_62, %dma_start3A_116] : memref<50176x32xf32, #tpu.memory_space<vmem_shared>> -> memref<196x32xf32, #tpu.memory_space<vmem_shared>>
      %dma_start3A_118 = arith.constant 0 : i32
      %dma_start3A_119 = tpu.memref_slice %arg11[%add3A_62, %dma_start3A_118] : memref<50176x32xf32, #tpu.memory_space<vmem_shared>> -> memref<196x32xf32, #tpu.memory_space<vmem_shared>>
      tpu.enqueue_dma source(%arg10 : memref<196x32xf32, #tpu.memory_space<vmem>>) target(%dma_start3A_119 : memref<196x32xf32, #tpu.memory_space<vmem_shared>>) target_semaphore(%run_scoped3A_115 : memref<!tpu.dma_semaphore, #tpu.memory_space<semaphore_mem>>)
      %dma_wait3A_120 = arith.constant 0 : i32
      %dma_wait3A_121 = tpu.memref_slice %arg11[%add3A_62, %dma_wait3A_120] : memref<50176x32xf32, #tpu.memory_space<vmem_shared>> -> memref<196x32xf32, #tpu.memory_space<vmem_shared>>
      %dma_wait3A_122 = arith.constant 0 : i32
      %dma_wait3A_123 = tpu.memref_slice %arg11[%add3A_62, %dma_wait3A_122] : memref<50176x32xf32, #tpu.memory_space<vmem_shared>> -> memref<196x32xf32, #tpu.memory_space<vmem_shared>>
      tpu.wait_dma2 semaphore(%run_scoped3A_115 : memref<!tpu.dma_semaphore, #tpu.memory_space<semaphore_mem>>) src(%arg10 : memref<196x32xf32, #tpu.memory_space<vmem>>) dst(%dma_wait3A_123 : memref<196x32xf32, #tpu.memory_space<vmem_shared>>)
      tpu.yield
    }) : () -> ()
    %mul3A_63 = arith.constant 3136 : i32
    %mul3A_64 = arith.muli %arg1, %mul3A_63 : i32
    %add3A_65 = arith.constant 2940 : i32
    %add3A_66 = arith.addi %mul3A_64, %add3A_65 : i32
    "tpu.region"() ({
      %run_scoped3A_115 = tpu.sem_alloc : memref<!tpu.dma_semaphore, #tpu.memory_space<semaphore_mem>>
      %dma_start3A_116 = arith.constant 0 : i32
      %dma_start3A_117 = tpu.memref_slice %arg11[%add3A_66, %dma_start3A_116] : memref<50176x32xf32, #tpu.memory_space<vmem_shared>> -> memref<196x32xf32, #tpu.memory_space<vmem_shared>>
      %dma_start3A_118 = arith.constant 0 : i32
      %dma_start3A_119 = tpu.memref_slice %arg11[%add3A_66, %dma_start3A_118] : memref<50176x32xf32, #tpu.memory_space<vmem_shared>> -> memref<196x32xf32, #tpu.memory_space<vmem_shared>>
      tpu.enqueue_dma source(%arg10 : memref<196x32xf32, #tpu.memory_space<vmem>>) target(%dma_start3A_119 : memref<196x32xf32, #tpu.memory_space<vmem_shared>>) target_semaphore(%run_scoped3A_115 : memref<!tpu.dma_semaphore, #tpu.memory_space<semaphore_mem>>)
      %dma_wait3A_120 = arith.constant 0 : i32
      %dma_wait3A_121 = tpu.memref_slice %arg11[%add3A_66, %dma_wait3A_120] : memref<50176x32xf32, #tpu.memory_space<vmem_shared>> -> memref<196x32xf32, #tpu.memory_space<vmem_shared>>
      %dma_wait3A_122 = arith.constant 0 : i32
      %dma_wait3A_123 = tpu.memref_slice %arg11[%add3A_66, %dma_wait3A_122] : memref<50176x32xf32, #tpu.memory_space<vmem_shared>> -> memref<196x32xf32, #tpu.memory_space<vmem_shared>>
      tpu.wait_dma2 semaphore(%run_scoped3A_115 : memref<!tpu.dma_semaphore, #tpu.memory_space<semaphore_mem>>) src(%arg10 : memref<196x32xf32, #tpu.memory_space<vmem>>) dst(%dma_wait3A_123 : memref<196x32xf32, #tpu.memory_space<vmem_shared>>)
      tpu.yield
    }) : () -> ()
    %barrier3A = arith.constant 0 : index
    tpu.barrier barrier_id(%barrier3A)
    %mul3A_67 = arith.constant 3136 : i32
    %mul3A_68 = arith.muli %arg0, %mul3A_67 : i32
    %mul3A_69 = arith.constant 196 : i32
    %mul3A_70 = arith.muli %arg1, %mul3A_69 : i32
    %add3A_71 = arith.addi %mul3A_68, %mul3A_70 : i32
    %add3A_72 = arith.constant 0 : i32
    %add3A_73 = arith.addi %add3A_71, %add3A_72 : i32
    %run_scoped3A = arith.constant 0 : i32
    "tpu.region"() ({
      %run_scoped3A_115 = tpu.sem_alloc : memref<!tpu.dma_semaphore, #tpu.memory_space<semaphore_mem>>
      %dma_start3A_116 = arith.constant 0 : i32
      %dma_start3A_117 = arith.constant 0 : i32
      %dma_start3A_118 = tpu.memref_slice %arg6[%run_scoped3A, %dma_start3A_116, %dma_start3A_117] : memref<2x2x128xi32, #tpu.memory_space<vmem>> -> memref<1x2x128xi32, #tpu.memory_space<vmem>>
      %dma_start3A_119 = tpu.memref_squeeze %dma_start3A_118 : memref<1x2x128xi32, #tpu.memory_space<vmem>> -> memref<2x128xi32, #tpu.memory_space<vmem>>
      %dma_start3A_120 = arith.constant 0 : i32
      %dma_start3A_121 = tpu.memref_slice %arg3[%add3A_73, %dma_start3A_120] : memref<6272x128xi32, #tpu.memory_space<hbm>> -> memref<2x128xi32, #tpu.memory_space<hbm>>
      %dma_start3A_122 = arith.constant 0 : i32
      %dma_start3A_123 = arith.constant 0 : i32
      %dma_start3A_124 = tpu.memref_slice %arg6[%run_scoped3A, %dma_start3A_122, %dma_start3A_123] : memref<2x2x128xi32, #tpu.memory_space<vmem>> -> memref<1x2x128xi32, #tpu.memory_space<vmem>>
      %dma_start3A_125 = tpu.memref_squeeze %dma_start3A_124 : memref<1x2x128xi32, #tpu.memory_space<vmem>> -> memref<2x128xi32, #tpu.memory_space<vmem>>
      %dma_start3A_126 = arith.constant 0 : i32
      %dma_start3A_127 = tpu.memref_slice %arg3[%add3A_73, %dma_start3A_126] : memref<6272x128xi32, #tpu.memory_space<hbm>> -> memref<2x128xi32, #tpu.memory_space<hbm>>
      tpu.enqueue_dma source(%dma_start3A_127 : memref<2x128xi32, #tpu.memory_space<hbm>>) target(%dma_start3A_125 : memref<2x128xi32, #tpu.memory_space<vmem>>) target_semaphore(%run_scoped3A_115 : memref<!tpu.dma_semaphore, #tpu.memory_space<semaphore_mem>>)
      %dma_wait3A_128 = arith.constant 0 : i32
      %dma_wait3A_129 = arith.constant 0 : i32
      %dma_wait3A_130 = tpu.memref_slice %arg6[%run_scoped3A, %dma_wait3A_128, %dma_wait3A_129] : memref<2x2x128xi32, #tpu.memory_space<vmem>> -> memref<1x2x128xi32, #tpu.memory_space<vmem>>
      %dma_wait3A_131 = tpu.memref_squeeze %dma_wait3A_130 : memref<1x2x128xi32, #tpu.memory_space<vmem>> -> memref<2x128xi32, #tpu.memory_space<vmem>>
      %dma_wait3A_132 = arith.constant 0 : i32
      %dma_wait3A_133 = tpu.memref_slice %arg3[%add3A_73, %dma_wait3A_132] : memref<6272x128xi32, #tpu.memory_space<hbm>> -> memref<2x128xi32, #tpu.memory_space<hbm>>
      %dma_wait3A_134 = arith.constant 0 : i32
      %dma_wait3A_135 = arith.constant 0 : i32
      %dma_wait3A_136 = tpu.memref_slice %arg6[%run_scoped3A, %dma_wait3A_134, %dma_wait3A_135] : memref<2x2x128xi32, #tpu.memory_space<vmem>> -> memref<1x2x128xi32, #tpu.memory_space<vmem>>
      %dma_wait3A_137 = tpu.memref_squeeze %dma_wait3A_136 : memref<1x2x128xi32, #tpu.memory_space<vmem>> -> memref<2x128xi32, #tpu.memory_space<vmem>>
      %dma_wait3A_138 = arith.constant 0 : i32
      %dma_wait3A_139 = tpu.memref_slice %arg3[%add3A_73, %dma_wait3A_138] : memref<6272x128xi32, #tpu.memory_space<hbm>> -> memref<2x128xi32, #tpu.memory_space<hbm>>
      tpu.wait_dma2 semaphore(%run_scoped3A_115 : memref<!tpu.dma_semaphore, #tpu.memory_space<semaphore_mem>>) src(%dma_wait3A_139 : memref<2x128xi32, #tpu.memory_space<hbm>>) dst(%dma_wait3A_137 : memref<2x128xi32, #tpu.memory_space<vmem>>)
      tpu.yield
    }) : () -> ()
    %run_scoped3A_74 = arith.constant 0 : i32
    "tpu.region"() ({
      %run_scoped3A_115 = tpu.sem_alloc : memref<!tpu.dma_semaphore, #tpu.memory_space<semaphore_mem>>
      %dma_start3A_116 = arith.constant 0 : i32
      %dma_start3A_117 = arith.constant 0 : i32
      %dma_start3A_118 = tpu.memref_slice %arg7[%run_scoped3A_74, %dma_start3A_116, %dma_start3A_117] : memref<2x2x128xi32, #tpu.memory_space<vmem>> -> memref<1x2x128xi32, #tpu.memory_space<vmem>>
      %dma_start3A_119 = tpu.memref_squeeze %dma_start3A_118 : memref<1x2x128xi32, #tpu.memory_space<vmem>> -> memref<2x128xi32, #tpu.memory_space<vmem>>
      %dma_start3A_120 = arith.constant 0 : i32
      %dma_start3A_121 = tpu.memref_slice %arg4[%add3A_73, %dma_start3A_120] : memref<6272x128xi32, #tpu.memory_space<hbm>> -> memref<2x128xi32, #tpu.memory_space<hbm>>
      %dma_start3A_122 = arith.constant 0 : i32
      %dma_start3A_123 = arith.constant 0 : i32
      %dma_start3A_124 = tpu.memref_slice %arg7[%run_scoped3A_74, %dma_start3A_122, %dma_start3A_123] : memref<2x2x128xi32, #tpu.memory_space<vmem>> -> memref<1x2x128xi32, #tpu.memory_space<vmem>>
      %dma_start3A_125 = tpu.memref_squeeze %dma_start3A_124 : memref<1x2x128xi32, #tpu.memory_space<vmem>> -> memref<2x128xi32, #tpu.memory_space<vmem>>
      %dma_start3A_126 = arith.constant 0 : i32
      %dma_start3A_127 = tpu.memref_slice %arg4[%add3A_73, %dma_start3A_126] : memref<6272x128xi32, #tpu.memory_space<hbm>> -> memref<2x128xi32, #tpu.memory_space<hbm>>
      tpu.enqueue_dma source(%dma_start3A_127 : memref<2x128xi32, #tpu.memory_space<hbm>>) target(%dma_start3A_125 : memref<2x128xi32, #tpu.memory_space<vmem>>) target_semaphore(%run_scoped3A_115 : memref<!tpu.dma_semaphore, #tpu.memory_space<semaphore_mem>>)
      %dma_wait3A_128 = arith.constant 0 : i32
      %dma_wait3A_129 = arith.constant 0 : i32
      %dma_wait3A_130 = tpu.memref_slice %arg7[%run_scoped3A_74, %dma_wait3A_128, %dma_wait3A_129] : memref<2x2x128xi32, #tpu.memory_space<vmem>> -> memref<1x2x128xi32, #tpu.memory_space<vmem>>
      %dma_wait3A_131 = tpu.memref_squeeze %dma_wait3A_130 : memref<1x2x128xi32, #tpu.memory_space<vmem>> -> memref<2x128xi32, #tpu.memory_space<vmem>>
      %dma_wait3A_132 = arith.constant 0 : i32
      %dma_wait3A_133 = tpu.memref_slice %arg4[%add3A_73, %dma_wait3A_132] : memref<6272x128xi32, #tpu.memory_space<hbm>> -> memref<2x128xi32, #tpu.memory_space<hbm>>
      %dma_wait3A_134 = arith.constant 0 : i32
      %dma_wait3A_135 = arith.constant 0 : i32
      %dma_wait3A_136 = tpu.memref_slice %arg7[%run_scoped3A_74, %dma_wait3A_134, %dma_wait3A_135] : memref<2x2x128xi32, #tpu.memory_space<vmem>> -> memref<1x2x128xi32, #tpu.memory_space<vmem>>
      %dma_wait3A_137 = tpu.memref_squeeze %dma_wait3A_136 : memref<1x2x128xi32, #tpu.memory_space<vmem>> -> memref<2x128xi32, #tpu.memory_space<vmem>>
      %dma_wait3A_138 = arith.constant 0 : i32
      %dma_wait3A_139 = tpu.memref_slice %arg4[%add3A_73, %dma_wait3A_138] : memref<6272x128xi32, #tpu.memory_space<hbm>> -> memref<2x128xi32, #tpu.memory_space<hbm>>
      tpu.wait_dma2 semaphore(%run_scoped3A_115 : memref<!tpu.dma_semaphore, #tpu.memory_space<semaphore_mem>>) src(%dma_wait3A_139 : memref<2x128xi32, #tpu.memory_space<hbm>>) dst(%dma_wait3A_137 : memref<2x128xi32, #tpu.memory_space<vmem>>)
      tpu.yield
    }) : () -> ()
    %dma_start3A = arith.constant 0 : i32
    %dma_start3A_75 = arith.constant 0 : i32
    %dma_start3A_76 = arith.constant 0 : i32
    %dma_start3A_77 = arith.constant 0 : i32
    %dma_start3A_78 = tpu.memref_slice %arg8[%dma_start3A_76, %dma_start3A_77] : memref<256x32xf32, #tpu.memory_space<vmem>> -> memref<128x32xf32, #tpu.memory_space<vmem>>
    %dma_start3A_79 = arith.constant 0 : i32
    %dma_start3A_80 = tpu.memref_slice %arg6[%dma_start3A, %dma_start3A_75, %dma_start3A_79] : memref<2x2x128xi32, #tpu.memory_space<vmem>> -> memref<1x1x128xi32, #tpu.memory_space<vmem>>
    %dma_start3A_81 = tpu.memref_squeeze %dma_start3A_80 : memref<1x1x128xi32, #tpu.memory_space<vmem>> -> memref<128xi32, #tpu.memory_space<vmem>>
    %dma_start3A_82 = arith.constant 0 : i32
    %dma_start3A_83 = arith.constant 0 : i32
    %dma_start3A_84 = tpu.memref_slice %arg2[%dma_start3A_82, %dma_start3A_83] : memref<100352x32xf32, #tpu.memory_space<hbm>> -> memref<100352x32xf32, #tpu.memory_space<hbm>>
    tpu.enqueue_indirect_dma source(%dma_start3A_84 : memref<100352x32xf32, #tpu.memory_space<hbm>>) target(%dma_start3A_78 : memref<128x32xf32, #tpu.memory_space<vmem>>) offsets(%dma_start3A_81 : memref<128xi32, #tpu.memory_space<vmem>>) semaphore(%arg12 : memref<!tpu.dma_semaphore, #tpu.memory_space<semaphore_mem>>)
    %dma_start3A_85 = arith.constant 0 : i32
    %dma_start3A_86 = arith.constant 1 : i32
    %dma_start3A_87 = arith.constant 128 : i32
    %dma_start3A_88 = arith.constant 0 : i32
    %dma_start3A_89 = tpu.memref_slice %arg8[%dma_start3A_87, %dma_start3A_88] : memref<256x32xf32, #tpu.memory_space<vmem>> -> memref<128x32xf32, #tpu.memory_space<vmem>>
    %dma_start3A_90 = arith.constant 0 : i32
    %dma_start3A_91 = tpu.memref_slice %arg6[%dma_start3A_85, %dma_start3A_86, %dma_start3A_90] : memref<2x2x128xi32, #tpu.memory_space<vmem>> -> memref<1x1x128xi32, #tpu.memory_space<vmem>>
    %dma_start3A_92 = tpu.memref_squeeze %dma_start3A_91 : memref<1x1x128xi32, #tpu.memory_space<vmem>> -> memref<128xi32, #tpu.memory_space<vmem>>
    %dma_start3A_93 = arith.constant 0 : i32
    %dma_start3A_94 = arith.constant 0 : i32
    %dma_start3A_95 = tpu.memref_slice %arg2[%dma_start3A_93, %dma_start3A_94] : memref<100352x32xf32, #tpu.memory_space<hbm>> -> memref<100352x32xf32, #tpu.memory_space<hbm>>
    tpu.enqueue_indirect_dma source(%dma_start3A_95 : memref<100352x32xf32, #tpu.memory_space<hbm>>) target(%dma_start3A_89 : memref<128x32xf32, #tpu.memory_space<vmem>>) offsets(%dma_start3A_92 : memref<128xi32, #tpu.memory_space<vmem>>) semaphore(%arg12 : memref<!tpu.dma_semaphore, #tpu.memory_space<semaphore_mem>>)
    %scan3A_96 = arith.constant 0 : i32
    %scan3A_97 = arith.constant 49 : i32
    %scan3A_98 = arith.addi %scan3A_96, %scan3A_97 : i32
    %scan3A_99 = arith.constant 1 : i32
    scf.for %scan3A_115 = %scan3A_96 to %scan3A_98 step %scan3A_99  : i32 {
      %mul3A_116 = arith.constant 2 : i32
      %mul3A_117 = arith.muli %mul3A_116, %scan3A_115 : i32
      %add3A_118 = arith.constant 1 : i32
      %add3A_119 = arith.addi %mul3A_117, %add3A_118 : i32
      %mul3A_120 = arith.constant 2 : i32
      %mul3A_121 = arith.muli %add3A_119, %mul3A_120 : i32
      %add3A_122 = arith.addi %add3A_71, %mul3A_121 : i32
      %run_scoped3A_123 = arith.constant 1 : i32
      "tpu.region"() ({
        %run_scoped3A_211 = tpu.sem_alloc : memref<!tpu.dma_semaphore, #tpu.memory_space<semaphore_mem>>
        %dma_start3A_212 = arith.constant 0 : i32
        %dma_start3A_213 = arith.constant 0 : i32
        %dma_start3A_214 = tpu.memref_slice %arg6[%run_scoped3A_123, %dma_start3A_212, %dma_start3A_213] : memref<2x2x128xi32, #tpu.memory_space<vmem>> -> memref<1x2x128xi32, #tpu.memory_space<vmem>>
        %dma_start3A_215 = tpu.memref_squeeze %dma_start3A_214 : memref<1x2x128xi32, #tpu.memory_space<vmem>> -> memref<2x128xi32, #tpu.memory_space<vmem>>
        %dma_start3A_216 = arith.constant 0 : i32
        %dma_start3A_217 = tpu.memref_slice %arg3[%add3A_122, %dma_start3A_216] : memref<6272x128xi32, #tpu.memory_space<hbm>> -> memref<2x128xi32, #tpu.memory_space<hbm>>
        %dma_start3A_218 = arith.constant 0 : i32
        %dma_start3A_219 = arith.constant 0 : i32
        %dma_start3A_220 = tpu.memref_slice %arg6[%run_scoped3A_123, %dma_start3A_218, %dma_start3A_219] : memref<2x2x128xi32, #tpu.memory_space<vmem>> -> memref<1x2x128xi32, #tpu.memory_space<vmem>>
        %dma_start3A_221 = tpu.memref_squeeze %dma_start3A_220 : memref<1x2x128xi32, #tpu.memory_space<vmem>> -> memref<2x128xi32, #tpu.memory_space<vmem>>
        %dma_start3A_222 = arith.constant 0 : i32
        %dma_start3A_223 = tpu.memref_slice %arg3[%add3A_122, %dma_start3A_222] : memref<6272x128xi32, #tpu.memory_space<hbm>> -> memref<2x128xi32, #tpu.memory_space<hbm>>
        tpu.enqueue_dma source(%dma_start3A_223 : memref<2x128xi32, #tpu.memory_space<hbm>>) target(%dma_start3A_221 : memref<2x128xi32, #tpu.memory_space<vmem>>) target_semaphore(%run_scoped3A_211 : memref<!tpu.dma_semaphore, #tpu.memory_space<semaphore_mem>>)
        %dma_wait3A_224 = arith.constant 0 : i32
        %dma_wait3A_225 = arith.constant 0 : i32
        %dma_wait3A_226 = tpu.memref_slice %arg6[%run_scoped3A_123, %dma_wait3A_224, %dma_wait3A_225] : memref<2x2x128xi32, #tpu.memory_space<vmem>> -> memref<1x2x128xi32, #tpu.memory_space<vmem>>
        %dma_wait3A_227 = tpu.memref_squeeze %dma_wait3A_226 : memref<1x2x128xi32, #tpu.memory_space<vmem>> -> memref<2x128xi32, #tpu.memory_space<vmem>>
        %dma_wait3A_228 = arith.constant 0 : i32
        %dma_wait3A_229 = tpu.memref_slice %arg3[%add3A_122, %dma_wait3A_228] : memref<6272x128xi32, #tpu.memory_space<hbm>> -> memref<2x128xi32, #tpu.memory_space<hbm>>
        %dma_wait3A_230 = arith.constant 0 : i32
        %dma_wait3A_231 = arith.constant 0 : i32
        %dma_wait3A_232 = tpu.memref_slice %arg6[%run_scoped3A_123, %dma_wait3A_230, %dma_wait3A_231] : memref<2x2x128xi32, #tpu.memory_space<vmem>> -> memref<1x2x128xi32, #tpu.memory_space<vmem>>
        %dma_wait3A_233 = tpu.memref_squeeze %dma_wait3A_232 : memref<1x2x128xi32, #tpu.memory_space<vmem>> -> memref<2x128xi32, #tpu.memory_space<vmem>>
        %dma_wait3A_234 = arith.constant 0 : i32
        %dma_wait3A_235 = tpu.memref_slice %arg3[%add3A_122, %dma_wait3A_234] : memref<6272x128xi32, #tpu.memory_space<hbm>> -> memref<2x128xi32, #tpu.memory_space<hbm>>
        tpu.wait_dma2 semaphore(%run_scoped3A_211 : memref<!tpu.dma_semaphore, #tpu.memory_space<semaphore_mem>>) src(%dma_wait3A_235 : memref<2x128xi32, #tpu.memory_space<hbm>>) dst(%dma_wait3A_233 : memref<2x128xi32, #tpu.memory_space<vmem>>)
        tpu.yield
      }) : () -> ()
      %run_scoped3A_124 = arith.constant 1 : i32
      "tpu.region"() ({
        %run_scoped3A_211 = tpu.sem_alloc : memref<!tpu.dma_semaphore, #tpu.memory_space<semaphore_mem>>
        %dma_start3A_212 = arith.constant 0 : i32
        %dma_start3A_213 = arith.constant 0 : i32
        %dma_start3A_214 = tpu.memref_slice %arg7[%run_scoped3A_124, %dma_start3A_212, %dma_start3A_213] : memref<2x2x128xi32, #tpu.memory_space<vmem>> -> memref<1x2x128xi32, #tpu.memory_space<vmem>>
        %dma_start3A_215 = tpu.memref_squeeze %dma_start3A_214 : memref<1x2x128xi32, #tpu.memory_space<vmem>> -> memref<2x128xi32, #tpu.memory_space<vmem>>
        %dma_start3A_216 = arith.constant 0 : i32
        %dma_start3A_217 = tpu.memref_slice %arg4[%add3A_122, %dma_start3A_216] : memref<6272x128xi32, #tpu.memory_space<hbm>> -> memref<2x128xi32, #tpu.memory_space<hbm>>
        %dma_start3A_218 = arith.constant 0 : i32
        %dma_start3A_219 = arith.constant 0 : i32
        %dma_start3A_220 = tpu.memref_slice %arg7[%run_scoped3A_124, %dma_start3A_218, %dma_start3A_219] : memref<2x2x128xi32, #tpu.memory_space<vmem>> -> memref<1x2x128xi32, #tpu.memory_space<vmem>>
        %dma_start3A_221 = tpu.memref_squeeze %dma_start3A_220 : memref<1x2x128xi32, #tpu.memory_space<vmem>> -> memref<2x128xi32, #tpu.memory_space<vmem>>
        %dma_start3A_222 = arith.constant 0 : i32
        %dma_start3A_223 = tpu.memref_slice %arg4[%add3A_122, %dma_start3A_222] : memref<6272x128xi32, #tpu.memory_space<hbm>> -> memref<2x128xi32, #tpu.memory_space<hbm>>
        tpu.enqueue_dma source(%dma_start3A_223 : memref<2x128xi32, #tpu.memory_space<hbm>>) target(%dma_start3A_221 : memref<2x128xi32, #tpu.memory_space<vmem>>) target_semaphore(%run_scoped3A_211 : memref<!tpu.dma_semaphore, #tpu.memory_space<semaphore_mem>>)
        %dma_wait3A_224 = arith.constant 0 : i32
        %dma_wait3A_225 = arith.constant 0 : i32
        %dma_wait3A_226 = tpu.memref_slice %arg7[%run_scoped3A_124, %dma_wait3A_224, %dma_wait3A_225] : memref<2x2x128xi32, #tpu.memory_space<vmem>> -> memref<1x2x128xi32, #tpu.memory_space<vmem>>
        %dma_wait3A_227 = tpu.memref_squeeze %dma_wait3A_226 : memref<1x2x128xi32, #tpu.memory_space<vmem>> -> memref<2x128xi32, #tpu.memory_space<vmem>>
        %dma_wait3A_228 = arith.constant 0 : i32
        %dma_wait3A_229 = tpu.memref_slice %arg4[%add3A_122, %dma_wait3A_228] : memref<6272x128xi32, #tpu.memory_space<hbm>> -> memref<2x128xi32, #tpu.memory_space<hbm>>
        %dma_wait3A_230 = arith.constant 0 : i32
        %dma_wait3A_231 = arith.constant 0 : i32
        %dma_wait3A_232 = tpu.memref_slice %arg7[%run_scoped3A_124, %dma_wait3A_230, %dma_wait3A_231] : memref<2x2x128xi32, #tpu.memory_space<vmem>> -> memref<1x2x128xi32, #tpu.memory_space<vmem>>
        %dma_wait3A_233 = tpu.memref_squeeze %dma_wait3A_232 : memref<1x2x128xi32, #tpu.memory_space<vmem>> -> memref<2x128xi32, #tpu.memory_space<vmem>>
        %dma_wait3A_234 = arith.constant 0 : i32
        %dma_wait3A_235 = tpu.memref_slice %arg4[%add3A_122, %dma_wait3A_234] : memref<6272x128xi32, #tpu.memory_space<hbm>> -> memref<2x128xi32, #tpu.memory_space<hbm>>
        tpu.wait_dma2 semaphore(%run_scoped3A_211 : memref<!tpu.dma_semaphore, #tpu.memory_space<semaphore_mem>>) src(%dma_wait3A_235 : memref<2x128xi32, #tpu.memory_space<hbm>>) dst(%dma_wait3A_233 : memref<2x128xi32, #tpu.memory_space<vmem>>)
        tpu.yield
      }) : () -> ()
      %ge3A = arith.constant 1 : i32
      %ge3A_125 = arith.cmpi sge, %scan3A_115, %ge3A : i32
      %convert_element_type3A = arith.extui %ge3A_125 : i1 to i32
      %cond3A = arith.constant 0 : i32
      %cond3A_126 = arith.cmpi ne, %convert_element_type3A, %cond3A : i32
      scf.if %cond3A_126 {
        %dma_wait3A_211 = arith.constant 0 : i32
        %dma_wait3A_212 = arith.constant 0 : i32
        %dma_wait3A_213 = tpu.memref_slice %arg2[%dma_wait3A_211, %dma_wait3A_212] : memref<100352x32xf32, #tpu.memory_space<hbm>> -> memref<256x32xf32, #tpu.memory_space<hbm>>
        %dma_wait3A_214 = arith.constant 0 : i32
        %dma_wait3A_215 = arith.constant 0 : i32
        %dma_wait3A_216 = tpu.memref_slice %arg2[%dma_wait3A_214, %dma_wait3A_215] : memref<100352x32xf32, #tpu.memory_space<hbm>> -> memref<256x32xf32, #tpu.memory_space<hbm>>
        tpu.wait_dma2 semaphore(%arg15 : memref<!tpu.dma_semaphore, #tpu.memory_space<semaphore_mem>>) src(%dma_wait3A_216 : memref<256x32xf32, #tpu.memory_space<hbm>>) dst(%arg9 : memref<256x32xf32, #tpu.memory_space<vmem>>)
      } else {
      }
      %dma_start3A_127 = arith.constant 1 : i32
      %dma_start3A_128 = arith.constant 0 : i32
      %dma_start3A_129 = arith.constant 0 : i32
      %dma_start3A_130 = arith.constant 0 : i32
      %dma_start3A_131 = tpu.memref_slice %arg9[%dma_start3A_129, %dma_start3A_130] : memref<256x32xf32, #tpu.memory_space<vmem>> -> memref<128x32xf32, #tpu.memory_space<vmem>>
      %dma_start3A_132 = arith.constant 0 : i32
      %dma_start3A_133 = tpu.memref_slice %arg6[%dma_start3A_127, %dma_start3A_128, %dma_start3A_132] : memref<2x2x128xi32, #tpu.memory_space<vmem>> -> memref<1x1x128xi32, #tpu.memory_space<vmem>>
      %dma_start3A_134 = tpu.memref_squeeze %dma_start3A_133 : memref<1x1x128xi32, #tpu.memory_space<vmem>> -> memref<128xi32, #tpu.memory_space<vmem>>
      %dma_start3A_135 = arith.constant 0 : i32
      %dma_start3A_136 = arith.constant 0 : i32
      %dma_start3A_137 = tpu.memref_slice %arg2[%dma_start3A_135, %dma_start3A_136] : memref<100352x32xf32, #tpu.memory_space<hbm>> -> memref<100352x32xf32, #tpu.memory_space<hbm>>
      tpu.enqueue_indirect_dma source(%dma_start3A_137 : memref<100352x32xf32, #tpu.memory_space<hbm>>) target(%dma_start3A_131 : memref<128x32xf32, #tpu.memory_space<vmem>>) offsets(%dma_start3A_134 : memref<128xi32, #tpu.memory_space<vmem>>) semaphore(%arg13 : memref<!tpu.dma_semaphore, #tpu.memory_space<semaphore_mem>>)
      %dma_start3A_138 = arith.constant 1 : i32
      %dma_start3A_139 = arith.constant 1 : i32
      %dma_start3A_140 = arith.constant 128 : i32
      %dma_start3A_141 = arith.constant 0 : i32
      %dma_start3A_142 = tpu.memref_slice %arg9[%dma_start3A_140, %dma_start3A_141] : memref<256x32xf32, #tpu.memory_space<vmem>> -> memref<128x32xf32, #tpu.memory_space<vmem>>
      %dma_start3A_143 = arith.constant 0 : i32
      %dma_start3A_144 = tpu.memref_slice %arg6[%dma_start3A_138, %dma_start3A_139, %dma_start3A_143] : memref<2x2x128xi32, #tpu.memory_space<vmem>> -> memref<1x1x128xi32, #tpu.memory_space<vmem>>
      %dma_start3A_145 = tpu.memref_squeeze %dma_start3A_144 : memref<1x1x128xi32, #tpu.memory_space<vmem>> -> memref<128xi32, #tpu.memory_space<vmem>>
      %dma_start3A_146 = arith.constant 0 : i32
      %dma_start3A_147 = arith.constant 0 : i32
      %dma_start3A_148 = tpu.memref_slice %arg2[%dma_start3A_146, %dma_start3A_147] : memref<100352x32xf32, #tpu.memory_space<hbm>> -> memref<100352x32xf32, #tpu.memory_space<hbm>>
      tpu.enqueue_indirect_dma source(%dma_start3A_148 : memref<100352x32xf32, #tpu.memory_space<hbm>>) target(%dma_start3A_142 : memref<128x32xf32, #tpu.memory_space<vmem>>) offsets(%dma_start3A_145 : memref<128xi32, #tpu.memory_space<vmem>>) semaphore(%arg13 : memref<!tpu.dma_semaphore, #tpu.memory_space<semaphore_mem>>)
      %dma_wait3A_149 = arith.constant 0 : i32
      %dma_wait3A_150 = arith.constant 0 : i32
      %dma_wait3A_151 = tpu.memref_slice %arg2[%dma_wait3A_149, %dma_wait3A_150] : memref<100352x32xf32, #tpu.memory_space<hbm>> -> memref<256x32xf32, #tpu.memory_space<hbm>>
      %dma_wait3A_152 = arith.constant 0 : i32
      %dma_wait3A_153 = arith.constant 0 : i32
      %dma_wait3A_154 = tpu.memref_slice %arg2[%dma_wait3A_152, %dma_wait3A_153] : memref<100352x32xf32, #tpu.memory_space<hbm>> -> memref<256x32xf32, #tpu.memory_space<hbm>>
      tpu.wait_dma2 semaphore(%arg12 : memref<!tpu.dma_semaphore, #tpu.memory_space<semaphore_mem>>) src(%dma_wait3A_154 : memref<256x32xf32, #tpu.memory_space<hbm>>) dst(%arg8 : memref<256x32xf32, #tpu.memory_space<vmem>>)
      %dma_start3A_155 = arith.constant 0 : i32
      %dma_start3A_156 = arith.constant 0 : i32
      %dma_start3A_157 = arith.constant 0 : i32
      %dma_start3A_158 = arith.constant 0 : i32
      %dma_start3A_159 = tpu.memref_slice %arg8[%dma_start3A_157, %dma_start3A_158] : memref<256x32xf32, #tpu.memory_space<vmem>> -> memref<128x32xf32, #tpu.memory_space<vmem>>
      %dma_start3A_160 = arith.constant 0 : i32
      %dma_start3A_161 = tpu.memref_slice %arg7[%dma_start3A_155, %dma_start3A_156, %dma_start3A_160] : memref<2x2x128xi32, #tpu.memory_space<vmem>> -> memref<1x1x128xi32, #tpu.memory_space<vmem>>
      %dma_start3A_162 = tpu.memref_squeeze %dma_start3A_161 : memref<1x1x128xi32, #tpu.memory_space<vmem>> -> memref<128xi32, #tpu.memory_space<vmem>>
      %dma_start3A_163 = arith.constant 0 : i32
      %dma_start3A_164 = arith.constant 0 : i32
      %dma_start3A_165 = tpu.memref_slice %arg11[%dma_start3A_163, %dma_start3A_164] : memref<50176x32xf32, #tpu.memory_space<vmem_shared>> -> memref<50176x32xf32, #tpu.memory_space<vmem_shared>>
      tpu.enqueue_indirect_dma source(%dma_start3A_159 : memref<128x32xf32, #tpu.memory_space<vmem>>) target(%dma_start3A_165 : memref<50176x32xf32, #tpu.memory_space<vmem_shared>>) offsets(%dma_start3A_162 : memref<128xi32, #tpu.memory_space<vmem>>) semaphore(%arg14 : memref<!tpu.dma_semaphore, #tpu.memory_space<semaphore_mem>>) {add = true}
      %dma_start3A_166 = arith.constant 0 : i32
      %dma_start3A_167 = arith.constant 1 : i32
      %dma_start3A_168 = arith.constant 128 : i32
      %dma_start3A_169 = arith.constant 0 : i32
      %dma_start3A_170 = tpu.memref_slice %arg8[%dma_start3A_168, %dma_start3A_169] : memref<256x32xf32, #tpu.memory_space<vmem>> -> memref<128x32xf32, #tpu.memory_space<vmem>>
      %dma_start3A_171 = arith.constant 0 : i32
      %dma_start3A_172 = tpu.memref_slice %arg7[%dma_start3A_166, %dma_start3A_167, %dma_start3A_171] : memref<2x2x128xi32, #tpu.memory_space<vmem>> -> memref<1x1x128xi32, #tpu.memory_space<vmem>>
      %dma_start3A_173 = tpu.memref_squeeze %dma_start3A_172 : memref<1x1x128xi32, #tpu.memory_space<vmem>> -> memref<128xi32, #tpu.memory_space<vmem>>
      %dma_start3A_174 = arith.constant 0 : i32
      %dma_start3A_175 = arith.constant 0 : i32
      %dma_start3A_176 = tpu.memref_slice %arg11[%dma_start3A_174, %dma_start3A_175] : memref<50176x32xf32, #tpu.memory_space<vmem_shared>> -> memref<50176x32xf32, #tpu.memory_space<vmem_shared>>
      tpu.enqueue_indirect_dma source(%dma_start3A_170 : memref<128x32xf32, #tpu.memory_space<vmem>>) target(%dma_start3A_176 : memref<50176x32xf32, #tpu.memory_space<vmem_shared>>) offsets(%dma_start3A_173 : memref<128xi32, #tpu.memory_space<vmem>>) semaphore(%arg14 : memref<!tpu.dma_semaphore, #tpu.memory_space<semaphore_mem>>) {add = true}
      %add3A_177 = arith.constant 1 : i32
      %add3A_178 = arith.addi %scan3A_115, %add3A_177 : i32
      %lt3A = arith.constant 49 : i32
      %lt3A_179 = arith.cmpi slt, %add3A_178, %lt3A : i32
      %convert_element_type3A_180 = arith.extui %lt3A_179 : i1 to i32
      %cond3A_181 = arith.constant 0 : i32
      %cond3A_182 = arith.cmpi ne, %convert_element_type3A_180, %cond3A_181 : i32
      scf.if %cond3A_182 {
        %add3A_211 = arith.constant 2 : i32
        %add3A_212 = arith.addi %mul3A_117, %add3A_211 : i32
        %mul3A_213 = arith.constant 2 : i32
        %mul3A_214 = arith.muli %add3A_212, %mul3A_213 : i32
        %add3A_215 = arith.addi %add3A_71, %mul3A_214 : i32
        %run_scoped3A_216 = arith.constant 0 : i32
        "tpu.region"() ({
          %run_scoped3A_246 = tpu.sem_alloc : memref<!tpu.dma_semaphore, #tpu.memory_space<semaphore_mem>>
          %dma_start3A_247 = arith.constant 0 : i32
          %dma_start3A_248 = arith.constant 0 : i32
          %dma_start3A_249 = tpu.memref_slice %arg6[%run_scoped3A_216, %dma_start3A_247, %dma_start3A_248] : memref<2x2x128xi32, #tpu.memory_space<vmem>> -> memref<1x2x128xi32, #tpu.memory_space<vmem>>
          %dma_start3A_250 = tpu.memref_squeeze %dma_start3A_249 : memref<1x2x128xi32, #tpu.memory_space<vmem>> -> memref<2x128xi32, #tpu.memory_space<vmem>>
          %dma_start3A_251 = arith.constant 0 : i32
          %dma_start3A_252 = tpu.memref_slice %arg3[%add3A_215, %dma_start3A_251] : memref<6272x128xi32, #tpu.memory_space<hbm>> -> memref<2x128xi32, #tpu.memory_space<hbm>>
          %dma_start3A_253 = arith.constant 0 : i32
          %dma_start3A_254 = arith.constant 0 : i32
          %dma_start3A_255 = tpu.memref_slice %arg6[%run_scoped3A_216, %dma_start3A_253, %dma_start3A_254] : memref<2x2x128xi32, #tpu.memory_space<vmem>> -> memref<1x2x128xi32, #tpu.memory_space<vmem>>
          %dma_start3A_256 = tpu.memref_squeeze %dma_start3A_255 : memref<1x2x128xi32, #tpu.memory_space<vmem>> -> memref<2x128xi32, #tpu.memory_space<vmem>>
          %dma_start3A_257 = arith.constant 0 : i32
          %dma_start3A_258 = tpu.memref_slice %arg3[%add3A_215, %dma_start3A_257] : memref<6272x128xi32, #tpu.memory_space<hbm>> -> memref<2x128xi32, #tpu.memory_space<hbm>>
          tpu.enqueue_dma source(%dma_start3A_258 : memref<2x128xi32, #tpu.memory_space<hbm>>) target(%dma_start3A_256 : memref<2x128xi32, #tpu.memory_space<vmem>>) target_semaphore(%run_scoped3A_246 : memref<!tpu.dma_semaphore, #tpu.memory_space<semaphore_mem>>)
          %dma_wait3A_259 = arith.constant 0 : i32
          %dma_wait3A_260 = arith.constant 0 : i32
          %dma_wait3A_261 = tpu.memref_slice %arg6[%run_scoped3A_216, %dma_wait3A_259, %dma_wait3A_260] : memref<2x2x128xi32, #tpu.memory_space<vmem>> -> memref<1x2x128xi32, #tpu.memory_space<vmem>>
          %dma_wait3A_262 = tpu.memref_squeeze %dma_wait3A_261 : memref<1x2x128xi32, #tpu.memory_space<vmem>> -> memref<2x128xi32, #tpu.memory_space<vmem>>
          %dma_wait3A_263 = arith.constant 0 : i32
          %dma_wait3A_264 = tpu.memref_slice %arg3[%add3A_215, %dma_wait3A_263] : memref<6272x128xi32, #tpu.memory_space<hbm>> -> memref<2x128xi32, #tpu.memory_space<hbm>>
          %dma_wait3A_265 = arith.constant 0 : i32
          %dma_wait3A_266 = arith.constant 0 : i32
          %dma_wait3A_267 = tpu.memref_slice %arg6[%run_scoped3A_216, %dma_wait3A_265, %dma_wait3A_266] : memref<2x2x128xi32, #tpu.memory_space<vmem>> -> memref<1x2x128xi32, #tpu.memory_space<vmem>>
          %dma_wait3A_268 = tpu.memref_squeeze %dma_wait3A_267 : memref<1x2x128xi32, #tpu.memory_space<vmem>> -> memref<2x128xi32, #tpu.memory_space<vmem>>
          %dma_wait3A_269 = arith.constant 0 : i32
          %dma_wait3A_270 = tpu.memref_slice %arg3[%add3A_215, %dma_wait3A_269] : memref<6272x128xi32, #tpu.memory_space<hbm>> -> memref<2x128xi32, #tpu.memory_space<hbm>>
          tpu.wait_dma2 semaphore(%run_scoped3A_246 : memref<!tpu.dma_semaphore, #tpu.memory_space<semaphore_mem>>) src(%dma_wait3A_270 : memref<2x128xi32, #tpu.memory_space<hbm>>) dst(%dma_wait3A_268 : memref<2x128xi32, #tpu.memory_space<vmem>>)
          tpu.yield
        }) : () -> ()
        %run_scoped3A_217 = arith.constant 0 : i32
        "tpu.region"() ({
          %run_scoped3A_246 = tpu.sem_alloc : memref<!tpu.dma_semaphore, #tpu.memory_space<semaphore_mem>>
          %dma_start3A_247 = arith.constant 0 : i32
          %dma_start3A_248 = arith.constant 0 : i32
          %dma_start3A_249 = tpu.memref_slice %arg7[%run_scoped3A_217, %dma_start3A_247, %dma_start3A_248] : memref<2x2x128xi32, #tpu.memory_space<vmem>> -> memref<1x2x128xi32, #tpu.memory_space<vmem>>
          %dma_start3A_250 = tpu.memref_squeeze %dma_start3A_249 : memref<1x2x128xi32, #tpu.memory_space<vmem>> -> memref<2x128xi32, #tpu.memory_space<vmem>>
          %dma_start3A_251 = arith.constant 0 : i32
          %dma_start3A_252 = tpu.memref_slice %arg4[%add3A_215, %dma_start3A_251] : memref<6272x128xi32, #tpu.memory_space<hbm>> -> memref<2x128xi32, #tpu.memory_space<hbm>>
          %dma_start3A_253 = arith.constant 0 : i32
          %dma_start3A_254 = arith.constant 0 : i32
          %dma_start3A_255 = tpu.memref_slice %arg7[%run_scoped3A_217, %dma_start3A_253, %dma_start3A_254] : memref<2x2x128xi32, #tpu.memory_space<vmem>> -> memref<1x2x128xi32, #tpu.memory_space<vmem>>
          %dma_start3A_256 = tpu.memref_squeeze %dma_start3A_255 : memref<1x2x128xi32, #tpu.memory_space<vmem>> -> memref<2x128xi32, #tpu.memory_space<vmem>>
          %dma_start3A_257 = arith.constant 0 : i32
          %dma_start3A_258 = tpu.memref_slice %arg4[%add3A_215, %dma_start3A_257] : memref<6272x128xi32, #tpu.memory_space<hbm>> -> memref<2x128xi32, #tpu.memory_space<hbm>>
          tpu.enqueue_dma source(%dma_start3A_258 : memref<2x128xi32, #tpu.memory_space<hbm>>) target(%dma_start3A_256 : memref<2x128xi32, #tpu.memory_space<vmem>>) target_semaphore(%run_scoped3A_246 : memref<!tpu.dma_semaphore, #tpu.memory_space<semaphore_mem>>)
          %dma_wait3A_259 = arith.constant 0 : i32
          %dma_wait3A_260 = arith.constant 0 : i32
          %dma_wait3A_261 = tpu.memref_slice %arg7[%run_scoped3A_217, %dma_wait3A_259, %dma_wait3A_260] : memref<2x2x128xi32, #tpu.memory_space<vmem>> -> memref<1x2x128xi32, #tpu.memory_space<vmem>>
          %dma_wait3A_262 = tpu.memref_squeeze %dma_wait3A_261 : memref<1x2x128xi32, #tpu.memory_space<vmem>> -> memref<2x128xi32, #tpu.memory_space<vmem>>
          %dma_wait3A_263 = arith.constant 0 : i32
          %dma_wait3A_264 = tpu.memref_slice %arg4[%add3A_215, %dma_wait3A_263] : memref<6272x128xi32, #tpu.memory_space<hbm>> -> memref<2x128xi32, #tpu.memory_space<hbm>>
          %dma_wait3A_265 = arith.constant 0 : i32
          %dma_wait3A_266 = arith.constant 0 : i32
          %dma_wait3A_267 = tpu.memref_slice %arg7[%run_scoped3A_217, %dma_wait3A_265, %dma_wait3A_266] : memref<2x2x128xi32, #tpu.memory_space<vmem>> -> memref<1x2x128xi32, #tpu.memory_space<vmem>>
          %dma_wait3A_268 = tpu.memref_squeeze %dma_wait3A_267 : memref<1x2x128xi32, #tpu.memory_space<vmem>> -> memref<2x128xi32, #tpu.memory_space<vmem>>
          %dma_wait3A_269 = arith.constant 0 : i32
          %dma_wait3A_270 = tpu.memref_slice %arg4[%add3A_215, %dma_wait3A_269] : memref<6272x128xi32, #tpu.memory_space<hbm>> -> memref<2x128xi32, #tpu.memory_space<hbm>>
          tpu.wait_dma2 semaphore(%run_scoped3A_246 : memref<!tpu.dma_semaphore, #tpu.memory_space<semaphore_mem>>) src(%dma_wait3A_270 : memref<2x128xi32, #tpu.memory_space<hbm>>) dst(%dma_wait3A_268 : memref<2x128xi32, #tpu.memory_space<vmem>>)
          tpu.yield
        }) : () -> ()
        %dma_wait3A_218 = arith.constant 0 : i32
        %dma_wait3A_219 = arith.constant 0 : i32
        %dma_wait3A_220 = tpu.memref_slice %arg2[%dma_wait3A_218, %dma_wait3A_219] : memref<100352x32xf32, #tpu.memory_space<hbm>> -> memref<256x32xf32, #tpu.memory_space<hbm>>
        %dma_wait3A_221 = arith.constant 0 : i32
        %dma_wait3A_222 = arith.constant 0 : i32
        %dma_wait3A_223 = tpu.memref_slice %arg2[%dma_wait3A_221, %dma_wait3A_222] : memref<100352x32xf32, #tpu.memory_space<hbm>> -> memref<256x32xf32, #tpu.memory_space<hbm>>
        tpu.wait_dma2 semaphore(%arg14 : memref<!tpu.dma_semaphore, #tpu.memory_space<semaphore_mem>>) src(%dma_wait3A_223 : memref<256x32xf32, #tpu.memory_space<hbm>>) dst(%arg8 : memref<256x32xf32, #tpu.memory_space<vmem>>)
        %dma_start3A_224 = arith.constant 0 : i32
        %dma_start3A_225 = arith.constant 0 : i32
        %dma_start3A_226 = arith.constant 0 : i32
        %dma_start3A_227 = arith.constant 0 : i32
        %dma_start3A_228 = tpu.memref_slice %arg8[%dma_start3A_226, %dma_start3A_227] : memref<256x32xf32, #tpu.memory_space<vmem>> -> memref<128x32xf32, #tpu.memory_space<vmem>>
        %dma_start3A_229 = arith.constant 0 : i32
        %dma_start3A_230 = tpu.memref_slice %arg6[%dma_start3A_224, %dma_start3A_225, %dma_start3A_229] : memref<2x2x128xi32, #tpu.memory_space<vmem>> -> memref<1x1x128xi32, #tpu.memory_space<vmem>>
        %dma_start3A_231 = tpu.memref_squeeze %dma_start3A_230 : memref<1x1x128xi32, #tpu.memory_space<vmem>> -> memref<128xi32, #tpu.memory_space<vmem>>
        %dma_start3A_232 = arith.constant 0 : i32
        %dma_start3A_233 = arith.constant 0 : i32
        %dma_start3A_234 = tpu.memref_slice %arg2[%dma_start3A_232, %dma_start3A_233] : memref<100352x32xf32, #tpu.memory_space<hbm>> -> memref<100352x32xf32, #tpu.memory_space<hbm>>
        tpu.enqueue_indirect_dma source(%dma_start3A_234 : memref<100352x32xf32, #tpu.memory_space<hbm>>) target(%dma_start3A_228 : memref<128x32xf32, #tpu.memory_space<vmem>>) offsets(%dma_start3A_231 : memref<128xi32, #tpu.memory_space<vmem>>) semaphore(%arg12 : memref<!tpu.dma_semaphore, #tpu.memory_space<semaphore_mem>>)
        %dma_start3A_235 = arith.constant 0 : i32
        %dma_start3A_236 = arith.constant 1 : i32
        %dma_start3A_237 = arith.constant 128 : i32
        %dma_start3A_238 = arith.constant 0 : i32
        %dma_start3A_239 = tpu.memref_slice %arg8[%dma_start3A_237, %dma_start3A_238] : memref<256x32xf32, #tpu.memory_space<vmem>> -> memref<128x32xf32, #tpu.memory_space<vmem>>
        %dma_start3A_240 = arith.constant 0 : i32
        %dma_start3A_241 = tpu.memref_slice %arg6[%dma_start3A_235, %dma_start3A_236, %dma_start3A_240] : memref<2x2x128xi32, #tpu.memory_space<vmem>> -> memref<1x1x128xi32, #tpu.memory_space<vmem>>
        %dma_start3A_242 = tpu.memref_squeeze %dma_start3A_241 : memref<1x1x128xi32, #tpu.memory_space<vmem>> -> memref<128xi32, #tpu.memory_space<vmem>>
        %dma_start3A_243 = arith.constant 0 : i32
        %dma_start3A_244 = arith.constant 0 : i32
        %dma_start3A_245 = tpu.memref_slice %arg2[%dma_start3A_243, %dma_start3A_244] : memref<100352x32xf32, #tpu.memory_space<hbm>> -> memref<100352x32xf32, #tpu.memory_space<hbm>>
        tpu.enqueue_indirect_dma source(%dma_start3A_245 : memref<100352x32xf32, #tpu.memory_space<hbm>>) target(%dma_start3A_239 : memref<128x32xf32, #tpu.memory_space<vmem>>) offsets(%dma_start3A_242 : memref<128xi32, #tpu.memory_space<vmem>>) semaphore(%arg12 : memref<!tpu.dma_semaphore, #tpu.memory_space<semaphore_mem>>)
      } else {
      }
      %dma_wait3A_183 = arith.constant 0 : i32
      %dma_wait3A_184 = arith.constant 0 : i32
      %dma_wait3A_185 = tpu.memref_slice %arg2[%dma_wait3A_183, %dma_wait3A_184] : memref<100352x32xf32, #tpu.memory_space<hbm>> -> memref<256x32xf32, #tpu.memory_space<hbm>>
      %dma_wait3A_186 = arith.constant 0 : i32
      %dma_wait3A_187 = arith.constant 0 : i32
      %dma_wait3A_188 = tpu.memref_slice %arg2[%dma_wait3A_186, %dma_wait3A_187] : memref<100352x32xf32, #tpu.memory_space<hbm>> -> memref<256x32xf32, #tpu.memory_space<hbm>>
      tpu.wait_dma2 semaphore(%arg13 : memref<!tpu.dma_semaphore, #tpu.memory_space<semaphore_mem>>) src(%dma_wait3A_188 : memref<256x32xf32, #tpu.memory_space<hbm>>) dst(%arg9 : memref<256x32xf32, #tpu.memory_space<vmem>>)
      %dma_start3A_189 = arith.constant 1 : i32
      %dma_start3A_190 = arith.constant 0 : i32
      %dma_start3A_191 = arith.constant 0 : i32
      %dma_start3A_192 = arith.constant 0 : i32
      %dma_start3A_193 = tpu.memref_slice %arg9[%dma_start3A_191, %dma_start3A_192] : memref<256x32xf32, #tpu.memory_space<vmem>> -> memref<128x32xf32, #tpu.memory_space<vmem>>
      %dma_start3A_194 = arith.constant 0 : i32
      %dma_start3A_195 = tpu.memref_slice %arg7[%dma_start3A_189, %dma_start3A_190, %dma_start3A_194] : memref<2x2x128xi32, #tpu.memory_space<vmem>> -> memref<1x1x128xi32, #tpu.memory_space<vmem>>
      %dma_start3A_196 = tpu.memref_squeeze %dma_start3A_195 : memref<1x1x128xi32, #tpu.memory_space<vmem>> -> memref<128xi32, #tpu.memory_space<vmem>>
      %dma_start3A_197 = arith.constant 0 : i32
      %dma_start3A_198 = arith.constant 0 : i32
      %dma_start3A_199 = tpu.memref_slice %arg11[%dma_start3A_197, %dma_start3A_198] : memref<50176x32xf32, #tpu.memory_space<vmem_shared>> -> memref<50176x32xf32, #tpu.memory_space<vmem_shared>>
      tpu.enqueue_indirect_dma source(%dma_start3A_193 : memref<128x32xf32, #tpu.memory_space<vmem>>) target(%dma_start3A_199 : memref<50176x32xf32, #tpu.memory_space<vmem_shared>>) offsets(%dma_start3A_196 : memref<128xi32, #tpu.memory_space<vmem>>) semaphore(%arg15 : memref<!tpu.dma_semaphore, #tpu.memory_space<semaphore_mem>>) {add = true}
      %dma_start3A_200 = arith.constant 1 : i32
      %dma_start3A_201 = arith.constant 1 : i32
      %dma_start3A_202 = arith.constant 128 : i32
      %dma_start3A_203 = arith.constant 0 : i32
      %dma_start3A_204 = tpu.memref_slice %arg9[%dma_start3A_202, %dma_start3A_203] : memref<256x32xf32, #tpu.memory_space<vmem>> -> memref<128x32xf32, #tpu.memory_space<vmem>>
      %dma_start3A_205 = arith.constant 0 : i32
      %dma_start3A_206 = tpu.memref_slice %arg7[%dma_start3A_200, %dma_start3A_201, %dma_start3A_205] : memref<2x2x128xi32, #tpu.memory_space<vmem>> -> memref<1x1x128xi32, #tpu.memory_space<vmem>>
      %dma_start3A_207 = tpu.memref_squeeze %dma_start3A_206 : memref<1x1x128xi32, #tpu.memory_space<vmem>> -> memref<128xi32, #tpu.memory_space<vmem>>
      %dma_start3A_208 = arith.constant 0 : i32
      %dma_start3A_209 = arith.constant 0 : i32
      %dma_start3A_210 = tpu.memref_slice %arg11[%dma_start3A_208, %dma_start3A_209] : memref<50176x32xf32, #tpu.memory_space<vmem_shared>> -> memref<50176x32xf32, #tpu.memory_space<vmem_shared>>
      tpu.enqueue_indirect_dma source(%dma_start3A_204 : memref<128x32xf32, #tpu.memory_space<vmem>>) target(%dma_start3A_210 : memref<50176x32xf32, #tpu.memory_space<vmem_shared>>) offsets(%dma_start3A_207 : memref<128xi32, #tpu.memory_space<vmem>>) semaphore(%arg15 : memref<!tpu.dma_semaphore, #tpu.memory_space<semaphore_mem>>) {add = true}
    }
    %scan3A_100 = arith.constant 49 : i32
    %dma_wait3A = arith.constant 0 : i32
    %dma_wait3A_101 = arith.constant 0 : i32
    %dma_wait3A_102 = tpu.memref_slice %arg2[%dma_wait3A, %dma_wait3A_101] : memref<100352x32xf32, #tpu.memory_space<hbm>> -> memref<256x32xf32, #tpu.memory_space<hbm>>
    %dma_wait3A_103 = arith.constant 0 : i32
    %dma_wait3A_104 = arith.constant 0 : i32
    %dma_wait3A_105 = tpu.memref_slice %arg2[%dma_wait3A_103, %dma_wait3A_104] : memref<100352x32xf32, #tpu.memory_space<hbm>> -> memref<256x32xf32, #tpu.memory_space<hbm>>
    tpu.wait_dma2 semaphore(%arg14 : memref<!tpu.dma_semaphore, #tpu.memory_space<semaphore_mem>>) src(%dma_wait3A_105 : memref<256x32xf32, #tpu.memory_space<hbm>>) dst(%arg8 : memref<256x32xf32, #tpu.memory_space<vmem>>)
    %dma_wait3A_106 = arith.constant 0 : i32
    %dma_wait3A_107 = arith.constant 0 : i32
    %dma_wait3A_108 = tpu.memref_slice %arg2[%dma_wait3A_106, %dma_wait3A_107] : memref<100352x32xf32, #tpu.memory_space<hbm>> -> memref<256x32xf32, #tpu.memory_space<hbm>>
    %dma_wait3A_109 = arith.constant 0 : i32
    %dma_wait3A_110 = arith.constant 0 : i32
    %dma_wait3A_111 = tpu.memref_slice %arg2[%dma_wait3A_109, %dma_wait3A_110] : memref<100352x32xf32, #tpu.memory_space<hbm>> -> memref<256x32xf32, #tpu.memory_space<hbm>>
    tpu.wait_dma2 semaphore(%arg15 : memref<!tpu.dma_semaphore, #tpu.memory_space<semaphore_mem>>) src(%dma_wait3A_111 : memref<256x32xf32, #tpu.memory_space<hbm>>) dst(%arg9 : memref<256x32xf32, #tpu.memory_space<vmem>>)
    %barrier3A_112 = arith.constant 0 : index
    tpu.barrier barrier_id(%barrier3A_112)
    %mul3A_113 = arith.constant 3136 : i32
    %mul3A_114 = arith.muli %arg1, %mul3A_113 : i32
    "tpu.region"() ({
      %run_scoped3A_115 = tpu.sem_alloc : memref<!tpu.dma_semaphore, #tpu.memory_space<semaphore_mem>>
      %dma_start3A_116 = arith.constant 0 : i32
      %dma_start3A_117 = tpu.memref_slice %arg5[%arg0, %mul3A_114, %dma_start3A_116] : memref<2x50176x32xf32, #tpu.memory_space<hbm>> -> memref<1x3136x32xf32, #tpu.memory_space<hbm>>
      %dma_start3A_118 = tpu.memref_squeeze %dma_start3A_117 : memref<1x3136x32xf32, #tpu.memory_space<hbm>> -> memref<3136x32xf32, #tpu.memory_space<hbm>>
      %dma_start3A_119 = arith.constant 0 : i32
      %dma_start3A_120 = tpu.memref_slice %arg11[%mul3A_114, %dma_start3A_119] : memref<50176x32xf32, #tpu.memory_space<vmem_shared>> -> memref<3136x32xf32, #tpu.memory_space<vmem_shared>>
      tpu.enqueue_dma source(%dma_start3A_120 : memref<3136x32xf32, #tpu.memory_space<vmem_shared>>) target(%dma_start3A_118 : memref<3136x32xf32, #tpu.memory_space<hbm>>) target_semaphore(%run_scoped3A_115 : memref<!tpu.dma_semaphore, #tpu.memory_space<semaphore_mem>>)
      %dma_wait3A_121 = arith.constant 0 : i32
      %dma_wait3A_122 = tpu.memref_slice %arg5[%arg0, %mul3A_114, %dma_wait3A_121] : memref<2x50176x32xf32, #tpu.memory_space<hbm>> -> memref<1x3136x32xf32, #tpu.memory_space<hbm>>
      %dma_wait3A_123 = tpu.memref_squeeze %dma_wait3A_122 : memref<1x3136x32xf32, #tpu.memory_space<hbm>> -> memref<3136x32xf32, #tpu.memory_space<hbm>>
      %dma_wait3A_124 = arith.constant 0 : i32
      %dma_wait3A_125 = tpu.memref_slice %arg11[%mul3A_114, %dma_wait3A_124] : memref<50176x32xf32, #tpu.memory_space<vmem_shared>> -> memref<3136x32xf32, #tpu.memory_space<vmem_shared>>
      tpu.wait_dma2 semaphore(%run_scoped3A_115 : memref<!tpu.dma_semaphore, #tpu.memory_space<semaphore_mem>>) src(%dma_wait3A_125 : memref<3136x32xf32, #tpu.memory_space<vmem_shared>>) dst(%dma_wait3A_123 : memref<3136x32xf32, #tpu.memory_space<hbm>>)
      tpu.yield
    }) : () -> ()
    return
  }
}

module attributes {stable_mosaic.version = 14 : i64} {
  func.func @_mm1_body(%arg0: i32, %arg1: memref<1792x128xf32, #tpu.memory_space<vmem>>, %arg2: memref<1792x2xf32, #tpu.memory_space<vmem>>, %arg3: memref<128x64xf32, #tpu.memory_space<vmem>>, %arg4: memref<2x1792x32xf32, #tpu.memory_space<vmem>>) attributes {dimension_semantics = [#tpu.dimension_semantics<arbitrary>], iteration_bounds = array<i64: 28>, scalar_prefetch = 0 : i64, scratch_operands = 0 : i64, tpu.core_type = #tpu.core_type<tc>, window_params = [{transform_indices = @transform_0, window_bounds = array<i64: 1792, 128>}, {transform_indices = @transform_1, window_bounds = array<i64: 1792, 2>}, {pipeline_mode = #tpu.pipeline_mode<synchronous>, transform_indices = @transform_2, window_bounds = array<i64: 128, 64>}, {transform_indices = @transform_3, window_bounds = array<i64: 2, 1792, 32>}]} {
    %get3A = arith.constant 0 : index
    %get3A_0 = arith.constant 0 : index
    %get3A_1 = vector.load %arg1[%get3A, %get3A_0] : memref<1792x128xf32, #tpu.memory_space<vmem>>, vector<1792x128xf32>
    %get3A_2 = arith.constant 0 : index
    %get3A_3 = arith.constant 0 : index
    %get3A_4 = vector.load %arg2[%get3A_2, %get3A_3] : memref<1792x2xf32, #tpu.memory_space<vmem>>, vector<1792x1xf32>
    %max3A = arith.constant 1.000000e+00 : f32
    %max3A_5 = vector.broadcast %max3A : f32 to vector<1792x1xf32>
    %max3A_6 = arith.maximumf %get3A_4, %max3A_5 : vector<1792x1xf32>
    %rsqrt3A = math.rsqrt %max3A_6 : vector<1792x1xf32>
    %mul3A = vector.broadcast %rsqrt3A : vector<1792x1xf32> to vector<1792x128xf32>
    %mul3A_7 = arith.mulf %get3A_1, %mul3A : vector<1792x128xf32>
    %get3A_8 = arith.constant 0 : index
    %get3A_9 = arith.constant 0 : index
    %get3A_10 = vector.load %arg3[%get3A_8, %get3A_9] : memref<128x64xf32, #tpu.memory_space<vmem>>, vector<128x64xf32>
    %dot_general3A = arith.constant dense<0.000000e+00> : vector<1792x64xf32>
    %dot_general3A_11 = tpu.matmul %mul3A_7, %get3A_10, %dot_general3A {dimension_numbers = #tpu.dot_dimension_numbers<[1], [0], [0], [1], [0, 0, 1, 1], [], []>, transpose_lhs_hint = false} : vector<1792x128xf32>, vector<128x64xf32>, vector<1792x64xf32> -> vector<1792x64xf32>
    %slice3A = vector.extract_strided_slice %dot_general3A_11 {offsets = [0, 0], sizes = [1792, 32], strides = [1, 1]} : vector<1792x64xf32> to vector<1792x32xf32>
    %swap3A = arith.constant 0 : index
    %swap3A_12 = arith.constant 0 : index
    %swap3A_13 = arith.constant 0 : index
    %swap3A_14 = vector.load %arg4[%swap3A, %swap3A_12, %swap3A_13] : memref<2x1792x32xf32, #tpu.memory_space<vmem>>, vector<1x1792x32xf32>
    %swap3A_15 = vector.shape_cast %swap3A_14 : vector<1x1792x32xf32> to vector<1792x32xf32>
    %swap3A_16 = vector.shape_cast %slice3A : vector<1792x32xf32> to vector<1x1792x32xf32>
    tpu.vector_store %arg4[%swap3A, %swap3A_12, %swap3A_13], %swap3A_16 {strides = array<i32>} : memref<2x1792x32xf32, #tpu.memory_space<vmem>>, vector<1x1792x32xf32>,
    %slice3A_17 = vector.extract_strided_slice %dot_general3A_11 {offsets = [0, 32], sizes = [1792, 32], strides = [1, 1]} : vector<1792x64xf32> to vector<1792x32xf32>
    %swap3A_18 = arith.constant 1 : index
    %swap3A_19 = arith.constant 0 : index
    %swap3A_20 = arith.constant 0 : index
    %swap3A_21 = vector.load %arg4[%swap3A_18, %swap3A_19, %swap3A_20] : memref<2x1792x32xf32, #tpu.memory_space<vmem>>, vector<1x1792x32xf32>
    %swap3A_22 = vector.shape_cast %swap3A_21 : vector<1x1792x32xf32> to vector<1792x32xf32>
    %swap3A_23 = vector.shape_cast %slice3A_17 : vector<1792x32xf32> to vector<1x1792x32xf32>
    tpu.vector_store %arg4[%swap3A_18, %swap3A_19, %swap3A_20], %swap3A_23 {strides = array<i32>} : memref<2x1792x32xf32, #tpu.memory_space<vmem>>, vector<1x1792x32xf32>,
    return
  }
  func.func @transform_0(%arg0: i32) -> (i32, i32) {
    %c0_i32 = arith.constant 0 : i32
    %c0_i32_0 = arith.constant 0 : i32
    return %arg0, %c0_i32 : i32, i32
  }
  func.func @transform_1(%arg0: i32) -> (i32, i32) {
    %c0_i32 = arith.constant 0 : i32
    %c0_i32_0 = arith.constant 0 : i32
    return %arg0, %c0_i32 : i32, i32
  }
  func.func @transform_2(%arg0: i32) -> (i32, i32) {
    %c0_i32 = arith.constant 0 : i32
    %c0_i32_0 = arith.constant 0 : i32
    %c0_i32_1 = arith.constant 0 : i32
    return %c0_i32, %c0_i32_0 : i32, i32
  }
  func.func @transform_3(%arg0: i32) -> (i32, i32, i32) {
    %c0_i32 = arith.constant 0 : i32
    %c0_i32_0 = arith.constant 0 : i32
    %c0_i32_1 = arith.constant 0 : i32
    return %c0_i32, %arg0, %c0_i32_0 : i32, i32, i32
  }
}

module attributes {stable_mosaic.version = 14 : i64} {
  func.func @_mm2_body(%arg0: i32, %arg1: memref<2x1792x32xf32, #tpu.memory_space<vmem>>, %arg2: memref<1792x2xf32, #tpu.memory_space<vmem>>, %arg3: memref<64x32xf32, #tpu.memory_space<vmem>>, %arg4: memref<1x64xf32, #tpu.memory_space<vmem>>, %arg5: memref<2x1792x32xf32, #tpu.memory_space<vmem>>) attributes {dimension_semantics = [#tpu.dimension_semantics<arbitrary>], iteration_bounds = array<i64: 28>, scalar_prefetch = 0 : i64, scratch_operands = 0 : i64, tpu.core_type = #tpu.core_type<tc>, window_params = [{transform_indices = @transform_0, window_bounds = array<i64: 2, 1792, 32>}, {transform_indices = @transform_1, window_bounds = array<i64: 1792, 2>}, {pipeline_mode = #tpu.pipeline_mode<synchronous>, transform_indices = @transform_2, window_bounds = array<i64: 64, 32>}, {pipeline_mode = #tpu.pipeline_mode<synchronous>, transform_indices = @transform_3, window_bounds = array<i64: 1, 64>}, {transform_indices = @transform_4, window_bounds = array<i64: 2, 1792, 32>}]} {
    %get3A = arith.constant 0 : index
    %get3A_0 = arith.constant 0 : index
    %get3A_1 = arith.constant 0 : index
    %get3A_2 = vector.load %arg1[%get3A, %get3A_0, %get3A_1] : memref<2x1792x32xf32, #tpu.memory_space<vmem>>, vector<1x1792x32xf32>
    %get3A_3 = vector.shape_cast %get3A_2 : vector<1x1792x32xf32> to vector<1792x32xf32>
    %get3A_4 = arith.constant 1 : index
    %get3A_5 = arith.constant 0 : index
    %get3A_6 = arith.constant 0 : index
    %get3A_7 = vector.load %arg1[%get3A_4, %get3A_5, %get3A_6] : memref<2x1792x32xf32, #tpu.memory_space<vmem>>, vector<1x1792x32xf32>
    %get3A_8 = vector.shape_cast %get3A_7 : vector<1x1792x32xf32> to vector<1792x32xf32>
    %concatenate3A = tpu.concatenate %get3A_3, %get3A_8 in 1 : vector<1792x32xf32>, vector<1792x32xf32> -> vector<1792x64xf32>
    %get3A_9 = arith.constant 0 : index
    %get3A_10 = arith.constant 1 : index
    %get3A_11 = vector.load %arg2[%get3A_9, %get3A_10] : memref<1792x2xf32, #tpu.memory_space<vmem>>, vector<1792x1xf32>
    %max3A = arith.constant 1.000000e+00 : f32
    %max3A_12 = vector.broadcast %max3A : f32 to vector<1792x1xf32>
    %max3A_13 = arith.maximumf %get3A_11, %max3A_12 : vector<1792x1xf32>
    %rsqrt3A = math.rsqrt %max3A_13 : vector<1792x1xf32>
    %mul3A = vector.broadcast %rsqrt3A : vector<1792x1xf32> to vector<1792x64xf32>
    %mul3A_14 = arith.mulf %concatenate3A, %mul3A : vector<1792x64xf32>
    %get3A_15 = arith.constant 0 : index
    %get3A_16 = arith.constant 0 : index
    %get3A_17 = vector.load %arg4[%get3A_15, %get3A_16] : memref<1x64xf32, #tpu.memory_space<vmem>>, vector<1x64xf32>
    %add3A = vector.broadcast %get3A_17 : vector<1x64xf32> to vector<1792x64xf32>
    %add3A_18 = arith.addf %mul3A_14, %add3A : vector<1792x64xf32>
    %max3A_19 = arith.constant 0.000000e+00 : f32
    %max3A_20 = vector.broadcast %max3A_19 : f32 to vector<1792x64xf32>
    %max3A_21 = arith.maximumf %add3A_18, %max3A_20 : vector<1792x64xf32>
    %get3A_22 = arith.constant 0 : index
    %get3A_23 = arith.constant 0 : index
    %get3A_24 = vector.load %arg2[%get3A_22, %get3A_23] : memref<1792x2xf32, #tpu.memory_space<vmem>>, vector<1792x1xf32>
    %max3A_25 = arith.constant 1.000000e+00 : f32
    %max3A_26 = vector.broadcast %max3A_25 : f32 to vector<1792x1xf32>
    %max3A_27 = arith.maximumf %get3A_24, %max3A_26 : vector<1792x1xf32>
    %rsqrt3A_28 = math.rsqrt %max3A_27 : vector<1792x1xf32>
    %mul3A_29 = vector.broadcast %rsqrt3A_28 : vector<1792x1xf32> to vector<1792x64xf32>
    %mul3A_30 = arith.mulf %max3A_21, %mul3A_29 : vector<1792x64xf32>
    %get3A_31 = arith.constant 0 : index
    %get3A_32 = arith.constant 0 : index
    %get3A_33 = vector.load %arg3[%get3A_31, %get3A_32] : memref<64x32xf32, #tpu.memory_space<vmem>>, vector<64x32xf32>
    %dot_general3A = arith.constant dense<0.000000e+00> : vector<1792x32xf32>
    %dot_general3A_34 = tpu.matmul %mul3A_30, %get3A_33, %dot_general3A {dimension_numbers = #tpu.dot_dimension_numbers<[1], [0], [0], [1], [0, 0, 1, 1], [], []>, transpose_lhs_hint = false} : vector<1792x64xf32>, vector<64x32xf32>, vector<1792x32xf32> -> vector<1792x32xf32>
    %swap3A = arith.constant 0 : index
    %swap3A_35 = arith.constant 0 : index
    %swap3A_36 = arith.constant 0 : index
    %swap3A_37 = vector.load %arg5[%swap3A, %swap3A_35, %swap3A_36] : memref<2x1792x32xf32, #tpu.memory_space<vmem>>, vector<1x1792x32xf32>
    %swap3A_38 = vector.shape_cast %swap3A_37 : vector<1x1792x32xf32> to vector<1792x32xf32>
    %swap3A_39 = vector.shape_cast %dot_general3A_34 : vector<1792x32xf32> to vector<1x1792x32xf32>
    tpu.vector_store %arg5[%swap3A, %swap3A_35, %swap3A_36], %swap3A_39 {strides = array<i32>} : memref<2x1792x32xf32, #tpu.memory_space<vmem>>, vector<1x1792x32xf32>,
    return
  }
  func.func @transform_0(%arg0: i32) -> (i32, i32, i32) {
    %c0_i32 = arith.constant 0 : i32
    %c0_i32_0 = arith.constant 0 : i32
    %c0_i32_1 = arith.constant 0 : i32
    return %c0_i32, %arg0, %c0_i32_0 : i32, i32, i32
  }
  func.func @transform_1(%arg0: i32) -> (i32, i32) {
    %c0_i32 = arith.constant 0 : i32
    %c0_i32_0 = arith.constant 0 : i32
    return %arg0, %c0_i32 : i32, i32
  }
  func.func @transform_2(%arg0: i32) -> (i32, i32) {
    %c0_i32 = arith.constant 0 : i32
    %c0_i32_0 = arith.constant 0 : i32
    %c0_i32_1 = arith.constant 0 : i32
    return %c0_i32, %c0_i32_0 : i32, i32
  }
  func.func @transform_3(%arg0: i32) -> (i32, i32) {
    %c0_i32 = arith.constant 0 : i32
    %c0_i32_0 = arith.constant 0 : i32
    %c0_i32_1 = arith.constant 0 : i32
    return %c0_i32, %c0_i32_0 : i32, i32
  }
  func.func @transform_4(%arg0: i32) -> (i32, i32, i32) {
    %c0_i32 = arith.constant 0 : i32
    %c0_i32_0 = arith.constant 0 : i32
    %c0_i32_1 = arith.constant 0 : i32
    return %c0_i32, %arg0, %c0_i32_0 : i32, i32, i32
  }
}

module attributes {stable_mosaic.version = 14 : i64} {
  func.func @_fin_body(%arg0: i32, %arg1: memref<2x1792x32xf32, #tpu.memory_space<vmem>>, %arg2: memref<1792x2xf32, #tpu.memory_space<vmem>>, %arg3: memref<1x32xf32, #tpu.memory_space<vmem>>, %arg4: memref<1792x32xf32, #tpu.memory_space<vmem>>) attributes {dimension_semantics = [#tpu.dimension_semantics<arbitrary>], iteration_bounds = array<i64: 28>, scalar_prefetch = 0 : i64, scratch_operands = 0 : i64, tpu.core_type = #tpu.core_type<tc>, window_params = [{transform_indices = @transform_0, window_bounds = array<i64: 2, 1792, 32>}, {transform_indices = @transform_1, window_bounds = array<i64: 1792, 2>}, {pipeline_mode = #tpu.pipeline_mode<synchronous>, transform_indices = @transform_2, window_bounds = array<i64: 1, 32>}, {transform_indices = @transform_3, window_bounds = array<i64: 1792, 32>}]} {
    %get3A = arith.constant 0 : index
    %get3A_0 = arith.constant 0 : index
    %get3A_1 = arith.constant 0 : index
    %get3A_2 = vector.load %arg1[%get3A, %get3A_0, %get3A_1] : memref<2x1792x32xf32, #tpu.memory_space<vmem>>, vector<1x1792x32xf32>
    %get3A_3 = vector.shape_cast %get3A_2 : vector<1x1792x32xf32> to vector<1792x32xf32>
    %get3A_4 = arith.constant 1 : index
    %get3A_5 = arith.constant 0 : index
    %get3A_6 = arith.constant 0 : index
    %get3A_7 = vector.load %arg1[%get3A_4, %get3A_5, %get3A_6] : memref<2x1792x32xf32, #tpu.memory_space<vmem>>, vector<1x1792x32xf32>
    %get3A_8 = vector.shape_cast %get3A_7 : vector<1x1792x32xf32> to vector<1792x32xf32>
    %add3A = arith.addf %get3A_3, %get3A_8 : vector<1792x32xf32>
    %get3A_9 = arith.constant 0 : index
    %get3A_10 = arith.constant 1 : index
    %get3A_11 = vector.load %arg2[%get3A_9, %get3A_10] : memref<1792x2xf32, #tpu.memory_space<vmem>>, vector<1792x1xf32>
    %max3A = arith.constant 1.000000e+00 : f32
    %max3A_12 = vector.broadcast %max3A : f32 to vector<1792x1xf32>
    %max3A_13 = arith.maximumf %get3A_11, %max3A_12 : vector<1792x1xf32>
    %rsqrt3A = math.rsqrt %max3A_13 : vector<1792x1xf32>
    %mul3A = vector.broadcast %rsqrt3A : vector<1792x1xf32> to vector<1792x32xf32>
    %mul3A_14 = arith.mulf %add3A, %mul3A : vector<1792x32xf32>
    %get3A_15 = arith.constant 0 : index
    %get3A_16 = arith.constant 0 : index
    %get3A_17 = vector.load %arg3[%get3A_15, %get3A_16] : memref<1x32xf32, #tpu.memory_space<vmem>>, vector<1x32xf32>
    %add3A_18 = vector.broadcast %get3A_17 : vector<1x32xf32> to vector<1792x32xf32>
    %add3A_19 = arith.addf %mul3A_14, %add3A_18 : vector<1792x32xf32>
    %swap3A = arith.constant 0 : index
    %swap3A_20 = arith.constant 0 : index
    %swap3A_21 = vector.load %arg4[%swap3A, %swap3A_20] : memref<1792x32xf32, #tpu.memory_space<vmem>>, vector<1792x32xf32>
    tpu.vector_store %arg4[%swap3A, %swap3A_20], %add3A_19 {strides = array<i32>} : memref<1792x32xf32, #tpu.memory_space<vmem>>, vector<1792x32xf32>,
    return
  }
  func.func @transform_0(%arg0: i32) -> (i32, i32, i32) {
    %c0_i32 = arith.constant 0 : i32
    %c0_i32_0 = arith.constant 0 : i32
    %c0_i32_1 = arith.constant 0 : i32
    return %c0_i32, %arg0, %c0_i32_0 : i32, i32, i32
  }
  func.func @transform_1(%arg0: i32) -> (i32, i32) {
    %c0_i32 = arith.constant 0 : i32
    %c0_i32_0 = arith.constant 0 : i32
    return %arg0, %c0_i32 : i32, i32
  }
  func.func @transform_2(%arg0: i32) -> (i32, i32) {
    %c0_i32 = arith.constant 0 : i32
    %c0_i32_0 = arith.constant 0 : i32
    %c0_i32_1 = arith.constant 0 : i32
    return %c0_i32, %c0_i32_0 : i32, i32
  }
  func.func @transform_3(%arg0: i32) -> (i32, i32) {
    %c0_i32 = arith.constant 0 : i32
    %c0_i32_0 = arith.constant 0 : i32
    return %arg0, %c0_i32 : i32, i32
  }
}

</mosaic_0001>

<sc_bundles>
// kernel: branch_1_fun.4.cloned.1.call-start
scs
__scs_entry_jumppad:
0x0: {  	(pc) =	sbr.rel $0x88, $3  }
0x1: {  	(tag) =	ssettag $0x0;
	lr =	simm.s32 $0x1  }
0x2: {  	[smem:$0x3F9B] =	sst lr;
	_ =	strace $0xD0000000  }
0x3: {  	_ = 	snop  }
0x4: {  	_ = 	snop  }
0x5: {  	_ = 	snop  }
0x6: {  	_ = 	snop  }
0x7: {  	_ = 	snop  }
__scs_overlays_trampoline_lowered:
0x8: {  	[smem:$0x3FAA] =	sst s0  }
0x9: {  	[smem:$0x3FAB] =	sst s1  }
0xa: {  	[smem:$0x3FAC] =	sst s2  }
0xb: {  	[smem:$0x3FAD] =	sst s3  }
0xc: {  	[smem:$0x3FAE] =	sst s4  }
0xd: {  	[smem:$0x3FAF] =	sst s5  }
0xe: {  	[smem:$0x3FB0] =	sst s6  }
0xf: {  	[smem:$0x3FB1] =	sst s7  }
0x10: {  	[smem:$0x3FB2] =	sst s8  }
0x11: {  	[smem:$0x3FB3] =	sst s9;
	s0 =	simm.s32 @!p0 $0x0  }
0x12: {  	s1 =	sld [smem:$0x3F99];
	s0 =	simm.s32 @p0 $0x1  }
0x13: {  	[smem:$0x3FB4] =	sst s0;
	s0 =	simm.s32 @!p1 $0x0  }
0x14: {  	s2 =	sld [smem:$0x3F98];
	s0 =	simm.s32 @p1 $0x1  }
0x15: {  	[smem:$0x3FB5] =	sst s0;
	s0 =	simm.s32 @!p2 $0x0  }
0x16: {  	s3 =	sld [smem:$0x3FDB];
	s0 =	simm.s32 @p2 $0x1  }
0x17: {  	s4 =	simm.s32 $0x1BF5;
	[smem:$0x3FB7] =	sst s0  }
0x18: {  	s0 =	sld [smem:$0x3F9A];
	_ =	swait.ge [sflag:s4], $0x0  }
0x19: {  	s7 =	sld [smem:$0x3F9B]  }
0x1a: {  	s8 =	sadd.s32 $0xFFFFE003, lr  }
0x1b: {  	s9 =	sadd.s32 $0xFFFFFEF7, lr;
	s5 =	simm.s32 $0xFFFFFFFF;
	p2 =	slt.u32 s8, $0xFFFFF086  }
0x1c: {  	p1 =	slt.u32 s9, $0xF7A;
	s5 =	simm.s32 @!p2 $0x0  }
0x1d: {  	s5 =	simm.s32 @p1 $0x1;
	p0 =	seq.s32 s7, s2  }
0x1e: {  	s7 =	smul.u32 @!p0 $0xF7A, s2;
	p2 =	seq.s32 @!p0 s5, $0x0  }
0x1f: {  	s9 =	smul.u32 $0xF7A, s1;
	s8 =	simm.s32 @!p0 $0x1BF5;
	p2 =	por !p2, p0  }
0x20: {  	[sflag:s8] =	ssyncset.s32 @!p0 $0xFFFFF086;
	s6 =	sadd.s32 @!p0 s3, s7;
	s7 =	simm.s32 @!p0 $0x108  }
0x21: {  	s3 =	sadd.s32 s3, s9;
	s6 =	sadd.s32 @!p0 $0x88, s6;
	s7 =	simm.s32 @p2 $0x1082  }
0x22: {  	[simem:s7], [sflag:s8] =	dma.local @!p0 [hbm:s6], $0xF7A  }
0x23: {  	s9 =	sor.u32 $0xD0000000, s2;
	s6 =	simm.s32 $0x108;
	_ =	swait.ge @!p0 [sflag:s8], $0x0  }
0x24: {  	s3 =	sadd.s32 $0x88, s3;
	s6 =	simm.s32 @!p1 $0x1082;
	[sflag:s4] =	ssyncset.s32 $0xFFFFF086  }
0x25: {  	[simem:s6], [sflag:s4] =	dma.local [hbm:s3], $0xF7A  }
0x26: {  	[smem:$0x3F9B] =	sst s1;
	(tag) =	ssettag s2;
	_ =	strace s9  }
0x27: {  	s1 =	sld [smem:$0x3FAB]  }
0x28: {  	s2 =	sld [smem:$0x3FAC]  }
0x29: {  	s4 =	sld [smem:$0x3FAE]  }
0x2a: {  	p0 =	seq.s32 s5, $0x0;
	s5 =	sld [smem:$0x3FAF]  }
0x2b: {  	s6 =	sld [smem:$0x3FB0]  }
0x2c: {  	s7 =	sld [smem:$0x3FB1]  }
0x2d: {  	s3 =	simm.s32 $0x108;
	s8 =	sld [smem:$0x3FB2]  }
0x2e: {  	s3 =	simm.s32 @!p0 $0x1082;
	s9 =	sld [smem:$0x3FB3]  }
0x2f: {  	lr =	sadd.s32 s0, s3;
	s0 =	sld [smem:$0x3FAA]  }
0x30: {  	s3 =	sld [smem:$0x3FAD]  }
0x31: {  	[smem:$0x3FB6] =	sst s10  }
0x32: {  	s10 =	sld [smem:$0x3FB4];
	_ =	sdelay $0x3  }
0x33: {  	p0 =	seq.s32 s10, $0x1;
	s10 =	sld [smem:$0x3FB6];
	_ =	sdelay $0x3  }
0x34: {  	[smem:$0x3FB6] =	sst s10  }
0x35: {  	s10 =	sld [smem:$0x3FB5];
	_ =	sdelay $0x3  }
0x36: {  	p1 =	seq.s32 s10, $0x1;
	s10 =	sld [smem:$0x3FB6];
	_ =	sdelay $0x3  }
0x37: {  	[smem:$0x3FB6] =	sst s10  }
0x38: {  	s10 =	sld [smem:$0x3FB7]  }
0x39: {  	_ = 	snop;
	(pc) =	sbr.ind lr, $3  }
0x3a: {  	_ = 	snop  }
0x3b: {  	_ = 	snop  }
0x3c: {  	p2 =	seq.s32 s10, $0x1;
	s10 =	sld [smem:$0x3FB6]  }
0x3d: {  	_ =	shalt  }
0x3e: {  	_ =	shalt  }
0x3f: {  	_ =	shalt  }
0x40: {  	_ =	shalt  }
0x41: {  	_ =	shalt  }
0x42: {  	_ =	shalt  }
0x43: {  	_ =	shalt  }
0x44: {  	_ =	shalt  }
0x45: {  	_ =	shalt  }
0x46: {  	_ =	shalt  }
0x47: {  	_ =	shalt  }
0x48: {  	_ =	shalt  }
0x49: {  	_ =	shalt  }
0x4a: {  	_ =	shalt  }
0x4b: {  	_ =	shalt  }
0x4c: {  	_ =	shalt  }
0x4d: {  	_ =	shalt  }
0x4e: {  	_ =	shalt  }
0x4f: {  	_ =	shalt  }
0x50: {  	_ =	shalt  }
0x51: {  	_ =	shalt  }
0x52: {  	_ =	shalt  }
0x53: {  	_ =	shalt  }
0x54: {  	_ =	shalt  }
0x55: {  	_ =	shalt  }
0x56: {  	_ =	shalt  }
0x57: {  	_ =	shalt  }
0x58: {  	_ =	shalt  }
0x59: {  	_ =	shalt  }
0x5a: {  	_ =	shalt  }
0x5b: {  	_ =	shalt  }
0x5c: {  	_ =	shalt  }
0x5d: {  	_ =	shalt  }
0x5e: {  	_ =	shalt  }
0x5f: {  	_ =	shalt  }
0x60: {  	_ =	shalt  }
0x61: {  	_ =	shalt  }
0x62: {  	_ =	shalt  }
0x63: {  	_ =	shalt  }
0x64: {  	_ =	shalt  }
0x65: {  	_ =	shalt  }
0x66: {  	_ =	shalt  }
0x67: {  	_ =	shalt  }
0x68: {  	_ =	shalt  }
0x69: {  	_ =	shalt  }
0x6a: {  	_ =	shalt  }
0x6b: {  	_ =	shalt  }
0x6c: {  	_ =	shalt  }
0x6d: {  	_ =	shalt  }
0x6e: {  	_ =	shalt  }
0x6f: {  	_ =	shalt  }
0x70: {  	_ =	shalt  }
0x71: {  	_ =	shalt  }
0x72: {  	_ =	shalt  }
0x73: {  	_ =	shalt  }
0x74: {  	_ =	shalt  }
0x75: {  	_ =	shalt  }
0x76: {  	_ =	shalt  }
0x77: {  	_ =	shalt  }
0x78: {  	_ =	shalt  }
0x79: {  	_ =	shalt  }
0x7a: {  	_ =	shalt  }
0x7b: {  	_ =	shalt  }
0x7c: {  	_ =	shalt  }
0x7d: {  	_ =	shalt  }
0x7e: {  	_ =	shalt  }
0x7f: {  	_ =	shalt  }
0x80: {  	_ =	shalt  }
0x81: {  	_ =	shalt  }
0x82: {  	_ =	shalt  }
0x83: {  	_ =	shalt  }
0x84: {  	_ =	shalt  }
0x85: {  	_ =	shalt  }
0x86: {  	_ =	shalt  }
0x87: {  	_ =	shalt  }
.Lfunc_end0:
.L_simem_size_0:
called_computation_lowered:
.L_overlay_start_0:
0x88: {  	s2 =	sld [smem:$0x3FD9]  }
0x89: {  	s3 =	sld [smem:$0x3FFE];
	_ =	sdelay $0x1  }
0x8a: {  	s1 =	srdreg.scid  }
0x8b: {  	s0 =	sand.u32 $0x1, s1  }
0x8c: {  	s17 =	sshll.u32 s0, $0xA;
	s2 =	sadd.s32 s3, s2  }
0x8d: {  	s2 =	sadd.s32 s2, s17  }
0x8e: {  	[smem:$0x3FC2] =	sst s2  }
0x8f: {  	_ = 	snop  }
0x90: {  	s2 =	sld [smem:$0x3FD0];
	(tm) =	ssettm $0x1  }
0x91: {  	s18 =	sld [smem:$0x3FFB];
	_ =	sdelay $0x3  }
0x92: {  	_ =	strace s18  }
0x93: {  	s3 =	sld [smem:$0x3FFC];
	_ =	sdelay $0x3  }
0x94: {  	_ =	strace s3  }
0x95: {  	s3 =	sld [smem:$0x3FFD];
	_ =	sdelay $0x3  }
0x96: {  	_ =	strace s3  }
0x97: {  	_ =	strace $0x8FFFFFFF  }
0x98: {  	s19 =	sld [smem:$0x3FDB];
	_ =	sdelay $0x1  }
0x99: {  	s4 =	simm.s32 $_scs_section_size  }
0x9a: {  	s5 =	simm.s32 $_size__tile_overlayer_lowered;
	s6 =	simm.s32 $_tile_overlayer_lowered  }
0x9b: {  	s22 =	simm.s32 $0x1BFF;
	s21 =	sshll.u32 s6, $0x1;
	s3 =	sadd.s32 s4, s19  }
0x9c: {  	s7 =	simm.s32 $0x0;
	s20 =	sshll.u32 s5, $0x1;
	s5 =	sadd.s32 s21, s3  }
0x9d: {  	[timem:s7], [sflag:s22] =	dma.local [hbm:s5], s20  }
0x9e: {  	_ =	swait.ge [sflag:s22], s20  }
0x9f: {  	s4 =	ssub.s32 $0x0, s20;
	[sflag:s22] =	ssyncset.done $0x0  }
0xa0: {  	[sflag:s22] =	ssyncadd.s32 s4;
	_ =	sdelay $0x1  }
0xa1: {  	s23 =	simm.s32 $0x1B8B  }
0xa2: {  	_ =	swait.ge [sflag:s23], $0x1  }
0xa3: {  	[sflag:s23] =	ssyncset.done $0x0  }
0xa4: {  	s25 =	simm.s32 $0x1B8E;
	s24 =	sld [smem:$0x3FFE];
	[sflag:s23] =	ssyncadd.s32 $0xFFFFFFFF  }
0xa5: {  	s26 =	simm.s32 $execute0_lowered;
	[smem:$0x3FD2] =	sst s25  }
0xa6: {  	s5 =	sshll.u32 s26, $0x1;
	_ =	strace $0x80000046;
	[dreg:$0x1] =	wrdreg $0xFFFFFFFF  }
0xa7: {  	s28 =	simm.s32 $_size_execute0_lowered;
	s3 =	sadd.s32 s3, s5;
	[dreg:$0x0] =	wrdreg $0x0  }
0xa8: {  	s5 =	sshll.u32 s28, $0x1;
	[dreg:$0x2] =	wrdreg s3  }
0xa9: {  	[dreg:$0x3] =	wrdreg s5  }
0xaa: {  	[dreg:$0x4] =	wrdreg $0xC0  }
0xab: {  	_ =	task [dreg:s7], $0x5FFFF  }
0xac: {  	[dreg:$0x1] =	wrdreg $0xFFFFFFFF  }
0xad: {  	[dreg:$0x0] =	wrdreg $0x60  }
0xae: {  	[dreg:$0x2] =	wrdreg s24  }
0xaf: {  	[dreg:$0x3] =	wrdreg s2  }
0xb0: {  	[dreg:$0x4] =	wrdreg $0x5C800  }
0xb1: {  	[dreg:$0x5] =	wrdreg $0x9  }
0xb2: {  	_ =	task.clear_ibuf [dreg:s7], $0x6FFFF;
	_ =	strace $0x90000046  }
0xb3: {  	s29 =	simm.s32 $0x9;
	_ =	strace $0x80000048  }
0xb4: {  	_ =	swait.ge [sflag:s29], $0x1  }
0xb5: {  	[sflag:s29] =	ssyncadd.s32 $0xFFFFFFFF  }
0xb6: {  	_ =	strace $0x90000048  }
0xb7: {  	_ =	sfence  }
0xb8: {  	s30 =	sld [smem:$0x0];
	_ =	sdelay $0x2  }
0xb9: {  	s31 =	sshll.u32 s1, $0xD;
	s1 =	sshrl.u32 s1, $0x2  }
0xba: {  	s3 =	sand.u32 $0x4000, s31;
	s1 =	sadd.s32 s1, s30  }
0xbb: {  	s0 =	sor.u32 s3, s0;
	s1 =	sshll.u32 s1, $0x11  }
0xbc: {  	s0 =	sor.u32 s1, s0  }
0xbd: {  	s0 =	sadd.s32 $0x8F2B, s0  }
0xbe: {  	[sflag:s0] =	ssyncadd.remote.s32 $0x1  }
0xbf: {  	_ =	sfence.sel $0xFFFF  }
0xc0: {  	[dreg:$0x0] =	wrdreg $0xFFFFFFFF;
	(pc) =	sbr.abs _section_cstart, $3  }
0xc1: {  	[dreg:$0x1] =	wrdreg $0xFFFFFFFF  }
0xc2: {  	_ =	task.clear_ibuf [dreg:s7], $0x2FFFF;
	_ =	strace $0x9FFFFFFF  }
0xc3: {  	(tm) =	ssettm $0x7FFFFFFF  }
tec
execute0_lowered:
.L_overlay_start_1:
0x0: {  	(tag) =	ssettag $0x1  }
0x1: {  	s9 =	stileid.u32  }
0x2: {  	s6 =	smul.u32 $0x1880, s9  }
0x3: {  	s0 =	rddreg [dreg:$0x0];
	s5 =	smul.u32 $0x18800, s9  }
0x4: {  	s1 =	rddreg [dreg:$0x1];
	s9 =	smul.u32 $0x62000, s9  }
0x5: {  	s2 =	rddreg [dreg:$0x2];
	s4 =	srdreg.scid  }
0x6: {  	s3 =	simm.s32 $0x0;
	s28 =	simm.s32 $0x200;
	s9 =	sshrl.u32 s9, $0x2  }
0x7: {  	s29 =	simm.s32 $0x80;
	s30 =	simm.s32 $0x400;
	s9 =	sadd.s32 s9, s2  }
0x8: {  	s31 =	simm.s32 $0x1400;
	[smem:$0x7FF] =	sst s3;
	s13 =	sadd.s32 $0x1880, s9  }
0x9: {  	_ =	strace $0x80000047;
	s14 =	sadd.s32 $0x3100, s9;
	[dreg:$0x4] =	wrdreg s13  }
0xa: {  	s7 =	sand.u32 $0x1, s4;
	s15 =	sadd.s32 $0x4980, s9;
	[dreg:$0x5] =	wrdreg s14  }
0xb: {  	s4 =	sadd.s32 $0x454000, s0;
	s16 =	sadd.s32 $0x6200, s9;
	[dreg:$0x6] =	wrdreg s15  }
0xc: {  	s8 =	smul.u32 $0x188000, s7;
	s17 =	sadd.s32 $0x7A80, s9;
	[dreg:$0x7] =	wrdreg s16  }
0xd: {  	s11 =	ssub.s32 $0x2, s7;
	s18 =	sadd.s32 $0x9300, s9;
	[dreg:$0x8] =	wrdreg s17  }
0xe: {  	s10 =	sadd.s32 s6, s0;
	s19 =	sadd.s32 $0xAB80, s9;
	[dreg:$0x9] =	wrdreg s18  }
0xf: {  	s12 =	sshrl.u32 s11, $0x1;
	s20 =	sadd.s32 $0xC400, s9;
	[dreg:$0xa] =	wrdreg s19  }
0x10: {  	s8 =	sadd.s32 s5, s8;
	s21 =	sadd.s32 $0xDC80, s9;
	[dreg:$0xb] =	wrdreg s20  }
0x11: {  	s12 =	ssub.s32 s11, s12;
	s22 =	sadd.s32 $0xF500, s9;
	[dreg:$0xc] =	wrdreg s21  }
0x12: {  	s5 =	sadd.s32 s5, s2;
	s23 =	sadd.s32 $0x10D80, s9;
	[dreg:$0xd] =	wrdreg s22  }
0x13: {  	s11 =	simm.s32 $0x2;
	s24 =	sadd.s32 $0x12600, s9;
	[dreg:$0xe] =	wrdreg s23  }
0x14: {  	s8 =	sshrl.u32 s8, $0x3;
	s25 =	sadd.s32 $0x13E80, s9;
	[dreg:$0xf] =	wrdreg s24  }
0x15: {  	s26 =	sadd.s32 $0x15700, s9;
	s0 =	sadd.s32 s8, s0;
	[dreg:$0x10] =	wrdreg s25  }
0x16: {  	s19 =	sadd.s32 s1, s6;
	[dreg:$0x11] =	wrdreg s26;
	s21 =	sadd.s32 $0x16F80, s9  }
0x17: {  	s22 =	sadd.s32 $0x2400, s10;
	s13 =	smul.u32 $0xC400, s7;
	s24 =	smax.u32 s12, $0x1  }
.Ltmp0:
0x18: {  	s25 =	simm.s32 $0x4400;
	s26 =	simm.s32 $0x5;
	(pc) =	sbr.rel .LBB2_1-.Ltmp0, $4  }
0x19: {  	s1 =	simm.s32 $0x300;
	s6 =	simm.s32 $0x2400;
	s7 =	simm.s32 $0x180  }
0x1a: {  	s8 =	simm.s32 $0x3400;
	s9 =	simm.s32 $0x1;
	s10 =	simm.s32 $0x280  }
0x1b: {  	s12 =	simm.s32 $0x380;
	s14 =	simm.s32 $0x4;
	s15 =	simm.s32 $0x0  }
0x1c: {  	v1 =	vimm.f32 $0.0e+00;
	s23 =	sadd.s32 $0x4B6000, s0;
	s0 =	simm.s32 $0x100;
	v0 =	vmov s13;
	s13 =	simm.s32 $0x3  }
.LBB2_7:
0x1d: {  	_ =	swait.ge [sflag:s13], $0x2000  }
0x1e: {  	[sflag:s13] =	ssyncset.done $0x0  }
0x1f: {  	[sflag:s13] =	ssyncadd.s32 $0xFFFFE000  }
0x20: {  	s16 =	stileid.u32;
	_ =	swait.ge [sflag:s14], $0x2000  }
0x21: {  	s17 =	sshrl.u32 s5, $0x3;
	s15 =	sadd.s32 $0x1, s15;
	[sflag:s14] =	ssyncset.done $0x0  }
0x22: {  	s16 =	sshll.u32 s16, $0x6;
	p0 =	sne.s32 s15, s24;
	[sflag:s14] =	ssyncadd.s32 $0xFFFFE000  }
.Ltmp1:
0x23: {  	s16 =	sor.u32 $0x1C05, s16;
	[bflag:$0x0] =	sbarrier.arrive $0xFFFF;
	(pc) =	sbr.rel @!p0 .LBB2_8-.Ltmp1, $4  }
0x24: {  	[hbm:s23], [sflag:s16] =	dma.local [spmem:s17], $0x3100  }
0x25: {  	_ =	swait.ge [sflag:s26], $0x3100  }
0x26: {  	[sflag:s26] =	ssyncset.done $0x0  }
0x27: {  	[sflag:s26] =	ssyncadd.s32 $0xFFFFCF00  }
.LBB2_1:
0x28: {  	s16 =	simm.s32 $0x4440  }
0x29: {  	[tilespmem:s16+$0xFFFFFFC0] =	vst v1  }
0x2a: {  	[tilespmem:s16+$0x30] =	vst v1  }
0x2b: {  	[tilespmem:s16+$0x20] =	vst v1  }
0x2c: {  	[tilespmem:s16+$0x10] =	vst v1  }
0x2d: {  	[tilespmem:s16+$0x0] =	vst v1  }
0x2e: {  	[tilespmem:s16+$0xFFFFFFF0] =	vst v1  }
0x2f: {  	s17 =	simm.s32 $0x0;
	[tilespmem:s16+$0xFFFFFFE0] =	vst v1  }
.LBB2_2:
0x30: {  	s17 =	sadd.s32 $0x4, s17;
	[tilespmem:s16+$0xFFFFFFD0] =	vst v1;
	s16 =	sadd.s32 $0x80, s16  }
0x31: {  	[tilespmem:s16+$0xFFFFFFC0] =	vst v1;
	p0 =	slt.u32 s17, $0xC0  }
0x32: {  	[tilespmem:s16+$0x30] =	vst v1  }
.Ltmp2:
0x33: {  	[tilespmem:s16+$0x20] =	vst v1;
	(pc) =	sbr.rel @p0 .LBB2_2-.Ltmp2, $4  }
0x34: {  	[tilespmem:s16+$0x10] =	vst v1  }
0x35: {  	[tilespmem:s16+$0x0] =	vst v1  }
0x36: {  	[tilespmem:s16+$0xFFFFFFF0] =	vst v1  }
0x37: {  	[tilespmem:s16+$0xFFFFFFE0] =	vst v1  }
0x38: {  	[tilespmem:s16+$0xFFFFFFD0] =	vst v1  }
0x39: {  	[spmem:s5] =	stream.linear.scatter [tilespmem:s25], [sflag:$0x5], $0x1880, $0x38;
	[tilespmem:$0x1E480] =	vst v63  }
0x3a: {  	_ =	swait.ge [sflag:s26], $0x1880  }
0x3b: {  	[sflag:s26] =	ssyncset.done $0x0  }
0x3c: {  	s18 =	rddreg [dreg:$0x4];
	[sflag:s26] =	ssyncadd.s32 $0xFFFFE780  }
0x3d: {  	[spmem:s18] =	stream.linear.scatter [tilespmem:s25], [sflag:$0x5], $0x1880, $0x38;
	[tilespmem:$0x1E480] =	vst v63  }
0x3e: {  	_ =	swait.ge [sflag:s26], $0x1880  }
0x3f: {  	[sflag:s26] =	ssyncset.done $0x0  }
0x40: {  	s20 =	rddreg [dreg:$0x5];
	[sflag:s26] =	ssyncadd.s32 $0xFFFFE780  }
0x41: {  	[spmem:s20] =	stream.linear.scatter [tilespmem:s25], [sflag:$0x5], $0x1880, $0x38;
	[tilespmem:$0x1E480] =	vst v63  }
0x42: {  	_ =	swait.ge [sflag:s26], $0x1880  }
0x43: {  	[sflag:s26] =	ssyncset.done $0x0  }
0x44: {  	s17 =	rddreg [dreg:$0x6];
	[sflag:s26] =	ssyncadd.s32 $0xFFFFE780  }
0x45: {  	[spmem:s17] =	stream.linear.scatter [tilespmem:s25], [sflag:$0x5], $0x1880, $0x38;
	[tilespmem:$0x1E480] =	vst v63  }
0x46: {  	_ =	swait.ge [sflag:s26], $0x1880  }
0x47: {  	[sflag:s26] =	ssyncset.done $0x0  }
0x48: {  	s18 =	rddreg [dreg:$0x7];
	[sflag:s26] =	ssyncadd.s32 $0xFFFFE780  }
0x49: {  	[spmem:s18] =	stream.linear.scatter [tilespmem:s25], [sflag:$0x5], $0x1880, $0x38;
	[tilespmem:$0x1E480] =	vst v63  }
0x4a: {  	_ =	swait.ge [sflag:s26], $0x1880  }
0x4b: {  	[sflag:s26] =	ssyncset.done $0x0  }
0x4c: {  	s20 =	rddreg [dreg:$0x8];
	[sflag:s26] =	ssyncadd.s32 $0xFFFFE780  }
0x4d: {  	[spmem:s20] =	stream.linear.scatter [tilespmem:s25], [sflag:$0x5], $0x1880, $0x38;
	[tilespmem:$0x1E480] =	vst v63  }
0x4e: {  	_ =	swait.ge [sflag:s26], $0x1880  }
0x4f: {  	[sflag:s26] =	ssyncset.done $0x0  }
0x50: {  	s17 =	rddreg [dreg:$0x9];
	[sflag:s26] =	ssyncadd.s32 $0xFFFFE780  }
0x51: {  	[spmem:s17] =	stream.linear.scatter [tilespmem:s25], [sflag:$0x5], $0x1880, $0x38;
	[tilespmem:$0x1E480] =	vst v63  }
0x52: {  	_ =	swait.ge [sflag:s26], $0x1880  }
0x53: {  	[sflag:s26] =	ssyncset.done $0x0  }
0x54: {  	s18 =	rddreg [dreg:$0xa];
	[sflag:s26] =	ssyncadd.s32 $0xFFFFE780  }
0x55: {  	[spmem:s18] =	stream.linear.scatter [tilespmem:s25], [sflag:$0x5], $0x1880, $0x38;
	[tilespmem:$0x1E480] =	vst v63  }
0x56: {  	_ =	swait.ge [sflag:s26], $0x1880  }
0x57: {  	[sflag:s26] =	ssyncset.done $0x0  }
0x58: {  	s20 =	rddreg [dreg:$0xb];
	[sflag:s26] =	ssyncadd.s32 $0xFFFFE780  }
0x59: {  	[spmem:s20] =	stream.linear.scatter [tilespmem:s25], [sflag:$0x5], $0x1880, $0x38;
	[tilespmem:$0x1E480] =	vst v63  }
0x5a: {  	_ =	swait.ge [sflag:s26], $0x1880  }
0x5b: {  	[sflag:s26] =	ssyncset.done $0x0  }
0x5c: {  	s17 =	rddreg [dreg:$0xc];
	[sflag:s26] =	ssyncadd.s32 $0xFFFFE780  }
0x5d: {  	[spmem:s17] =	stream.linear.scatter [tilespmem:s25], [sflag:$0x5], $0x1880, $0x38;
	[tilespmem:$0x1E480] =	vst v63  }
0x5e: {  	_ =	swait.ge [sflag:s26], $0x1880  }
0x5f: {  	[sflag:s26] =	ssyncset.done $0x0  }
0x60: {  	s18 =	rddreg [dreg:$0xd];
	[sflag:s26] =	ssyncadd.s32 $0xFFFFE780  }
0x61: {  	[spmem:s18] =	stream.linear.scatter [tilespmem:s25], [sflag:$0x5], $0x1880, $0x38;
	[tilespmem:$0x1E480] =	vst v63  }
0x62: {  	_ =	swait.ge [sflag:s26], $0x1880  }
0x63: {  	[sflag:s26] =	ssyncset.done $0x0  }
0x64: {  	s20 =	rddreg [dreg:$0xe];
	[sflag:s26] =	ssyncadd.s32 $0xFFFFE780  }
0x65: {  	[spmem:s20] =	stream.linear.scatter [tilespmem:s25], [sflag:$0x5], $0x1880, $0x38;
	[tilespmem:$0x1E480] =	vst v63  }
0x66: {  	_ =	swait.ge [sflag:s26], $0x1880  }
0x67: {  	[sflag:s26] =	ssyncset.done $0x0  }
0x68: {  	s17 =	rddreg [dreg:$0xf];
	[sflag:s26] =	ssyncadd.s32 $0xFFFFE780  }
0x69: {  	[spmem:s17] =	stream.linear.scatter [tilespmem:s25], [sflag:$0x5], $0x1880, $0x38;
	[tilespmem:$0x1E480] =	vst v63  }
0x6a: {  	_ =	swait.ge [sflag:s26], $0x1880  }
0x6b: {  	[sflag:s26] =	ssyncset.done $0x0  }
0x6c: {  	s18 =	rddreg [dreg:$0x10];
	[sflag:s26] =	ssyncadd.s32 $0xFFFFE780  }
0x6d: {  	[spmem:s18] =	stream.linear.scatter [tilespmem:s25], [sflag:$0x5], $0x1880, $0x38;
	[tilespmem:$0x1E480] =	vst v63  }
0x6e: {  	_ =	swait.ge [sflag:s26], $0x1880  }
0x6f: {  	[sflag:s26] =	ssyncset.done $0x0  }
0x70: {  	s20 =	rddreg [dreg:$0x11];
	[sflag:s26] =	ssyncadd.s32 $0xFFFFE780  }
0x71: {  	[spmem:s20] =	stream.linear.scatter [tilespmem:s25], [sflag:$0x5], $0x1880, $0x38;
	[tilespmem:$0x1E480] =	vst v63  }
0x72: {  	_ =	swait.ge [sflag:s26], $0x1880  }
0x73: {  	[sflag:s26] =	ssyncset.done $0x0  }
0x74: {  	[sflag:s26] =	ssyncadd.s32 $0xFFFFE780  }
0x75: {  	[spmem:s21] =	stream.linear.scatter [tilespmem:s25], [sflag:$0x5], $0x1880, $0x38;
	[tilespmem:$0x1E480] =	vst v63  }
0x76: {  	_ =	swait.ge [sflag:s26], $0x1880  }
0x77: {  	[sflag:s26] =	ssyncset.done $0x0  }
0x78: {  	[sflag:s26] =	ssyncadd.s32 $0xFFFFE780  }
0x79: {  	s16 =	simm.s32 $0x0;
	[bflag:$0x0] =	sbarrier.arrive $0xFFFF  }
0x7a: {  	[tilespmem:s16], [sflag:$0x5] =	stream.linear.gather [hbm4b:s19+s16], $0x100, $0x38;
	[tilespmem:$0x1E480] =	vst v63  }
0x7b: {  	_ =	swait.ge [sflag:s26], $0x100  }
0x7c: {  	[sflag:s26] =	ssyncset.done $0x0  }
0x7d: {  	[sflag:s26] =	ssyncadd.s32 $0xFFFFFF00  }
0x7e: {  	[tilespmem:s28], [sflag:$0x5] =	stream.linear.gather [hbm4b:s22+s16], $0x100, $0x38;
	[tilespmem:$0x1E480] =	vst v63  }
0x7f: {  	_ =	swait.ge [sflag:s26], $0x100  }
0x80: {  	[sflag:s26] =	ssyncset.done $0x0  }
0x81: {  	[sflag:s26] =	ssyncadd.s32 $0xFFFFFF00  }
0x82: {  	v2 =	vld [tilespmem:$0x0]  }
0x83: {  	v3 =	vld [tilespmem:$0x10]  }
0x84: {  	v4 =	vld [tilespmem:$0x20]  }
0x85: {  	v5 =	vld [tilespmem:$0x30]  }
0x86: {  	v6 =	vld [tilespmem:$0x40]  }
0x87: {  	v7 =	vld [tilespmem:$0x50];
	v2 =	vadd.s32 v0, v2  }
0x88: {  	[tilespmem:$0x0] =	vst v2;
	v2 =	vadd.s32 v0, v3;
	v3 =	vld [tilespmem:$0x60]  }
0x89: {  	v56 =	vld [tilespmem:$0x70];
	[tilespmem:$0x10] =	vst v2;
	v2 =	vadd.s32 v0, v4  }
0x8a: {  	v57 =	vld [tilespmem:$0x80];
	[tilespmem:$0x20] =	vst v2;
	v2 =	vadd.s32 v0, v5  }
0x8b: {  	v58 =	vld [tilespmem:$0x90];
	[tilespmem:$0x30] =	vst v2;
	v2 =	vadd.s32 v0, v6  }
0x8c: {  	v59 =	vld [tilespmem:$0xA0];
	[tilespmem:$0x40] =	vst v2;
	v2 =	vadd.s32 v0, v7  }
0x8d: {  	[tilespmem:$0x50] =	vst v2;
	v2 =	vadd.s32 v0, v3;
	v3 =	vld [tilespmem:$0xB0]  }
0x8e: {  	v60 =	vld [tilespmem:$0xC0];
	[tilespmem:$0x60] =	vst v2;
	v2 =	vadd.s32 v0, v56  }
0x8f: {  	v61 =	vld [tilespmem:$0xD0];
	[tilespmem:$0x70] =	vst v2;
	v2 =	vadd.s32 v0, v57  }
0x90: {  	v62 =	vld [tilespmem:$0xE0];
	[tilespmem:$0x80] =	vst v2;
	v2 =	vadd.s32 v0, v58  }
0x91: {  	v63 =	vld [tilespmem:$0xF0];
	[tilespmem:$0x90] =	vst v2;
	v2 =	vadd.s32 v0, v59  }
0x92: {  	[tilespmem:$0xA0] =	vst v2;
	v2 =	vadd.s32 v0, v3  }
0x93: {  	[tilespmem:$0xB0] =	vst v2;
	v2 =	vadd.s32 v0, v60  }
0x94: {  	[tilespmem:$0xC0] =	vst v2;
	v2 =	vadd.s32 v0, v61  }
0x95: {  	[tilespmem:$0xD0] =	vst v2;
	v2 =	vadd.s32 v0, v62  }
.Ltmp3:
0x96: {  	[tilespmem:$0xE0] =	vst v2;
	v2 =	vadd.s32 v0, v63;
	(pc) =	sbr.rel .LBB2_4-.Ltmp3, $4  }
0x97: {  	[tilespmem:$0xF0] =	vst v2  }
0x98: {  	[tilespmem:s30], [sflag:$0x1] =	stream.indirect.gather [hbm4b:s4+s29], $0x20, s16, s29, $0xb8;
	[tilespmem:$0x1E480] =	vst v63  }
0x99: {  	_ = 	snop  }
0x9a: {  	[tilespmem:s31], [sflag:$0x1] =	stream.indirect.gather [hbm4b:s4+s29], $0x20, s29, s29, $0xb8;
	[tilespmem:$0x1E480] =	vst v63  }
.LBB2_6:
0x9b: {  	s16 =	sadd.s32 $0x40, s16  }
0x9c: {  	_ =	swait.ge [sflag:s11], $0x2000;
	p0 =	sne.s32 s16, $0x1880  }
.Ltmp4:
0x9d: {  	[sflag:s11] =	ssyncset.done $0x0;
	(pc) =	sbr.rel @!p0 .LBB2_7-.Ltmp4, $4  }
0x9e: {  	[sflag:s11] =	ssyncadd.s32 $0xFFFFE000  }
0x9f: {  	[spmem:s2] =	stream.indirect.scatter.add.f32 [tilespmem:s6], [sflag:$0x4], $0x20, s1, s29, $0xb8;
	[tilespmem:$0x1E480] =	vst v63  }
0xa0: {  	_ = 	snop  }
0xa1: {  	[spmem:s2] =	stream.indirect.scatter.add.f32 [tilespmem:s8], [sflag:$0x4], $0x20, s12, s29, $0xb8;
	[tilespmem:$0x1E480] =	vst v63  }
.LBB2_4:
0xa2: {  	s17 =	sadd.s32 s16, s19  }
0xa3: {  	s18 =	sadd.s32 $0x20, s17  }
0xa4: {  	[tilespmem:s0], [sflag:$0x5] =	stream.linear.gather [hbm4b:s18+s3], $0x100, $0x38;
	[tilespmem:$0x1E480] =	vst v63  }
0xa5: {  	_ =	swait.ge [sflag:s26], $0x100  }
0xa6: {  	s18 =	sadd.s32 s16, s22;
	[sflag:s26] =	ssyncset.done $0x0  }
0xa7: {  	s20 =	sadd.s32 $0x20, s18;
	[sflag:s26] =	ssyncadd.s32 $0xFFFFFF00  }
0xa8: {  	[tilespmem:s1], [sflag:$0x5] =	stream.linear.gather [hbm4b:s20+s3], $0x100, $0x38;
	[tilespmem:$0x1E480] =	vst v63  }
0xa9: {  	_ =	swait.ge [sflag:s26], $0x100  }
0xaa: {  	[sflag:s26] =	ssyncset.done $0x0  }
0xab: {  	[sflag:s26] =	ssyncadd.s32 $0xFFFFFF00  }
0xac: {  	v2 =	vld [tilespmem:$0x100]  }
0xad: {  	v3 =	vld [tilespmem:$0x110]  }
0xae: {  	v4 =	vld [tilespmem:$0x120]  }
0xaf: {  	v5 =	vld [tilespmem:$0x130]  }
0xb0: {  	v6 =	vld [tilespmem:$0x140]  }
0xb1: {  	v7 =	vld [tilespmem:$0x150];
	v2 =	vadd.s32 v0, v2  }
0xb2: {  	[tilespmem:$0x100] =	vst v2;
	v2 =	vadd.s32 v0, v3;
	v3 =	vld [tilespmem:$0x160]  }
0xb3: {  	v56 =	vld [tilespmem:$0x170];
	[tilespmem:$0x110] =	vst v2;
	v2 =	vadd.s32 v0, v4  }
0xb4: {  	v57 =	vld [tilespmem:$0x180];
	[tilespmem:$0x120] =	vst v2;
	v2 =	vadd.s32 v0, v5  }
0xb5: {  	v58 =	vld [tilespmem:$0x190];
	[tilespmem:$0x130] =	vst v2;
	v2 =	vadd.s32 v0, v6  }
0xb6: {  	v59 =	vld [tilespmem:$0x1A0];
	[tilespmem:$0x140] =	vst v2;
	v2 =	vadd.s32 v0, v7  }
0xb7: {  	[tilespmem:$0x150] =	vst v2;
	v2 =	vadd.s32 v0, v3;
	v3 =	vld [tilespmem:$0x1B0]  }
0xb8: {  	v60 =	vld [tilespmem:$0x1C0];
	[tilespmem:$0x160] =	vst v2;
	v2 =	vadd.s32 v0, v56  }
0xb9: {  	v61 =	vld [tilespmem:$0x1D0];
	[tilespmem:$0x170] =	vst v2;
	v2 =	vadd.s32 v0, v57  }
0xba: {  	v62 =	vld [tilespmem:$0x1E0];
	[tilespmem:$0x180] =	vst v2;
	v2 =	vadd.s32 v0, v58  }
0xbb: {  	v63 =	vld [tilespmem:$0x1F0];
	[tilespmem:$0x190] =	vst v2;
	v2 =	vadd.s32 v0, v59  }
0xbc: {  	[tilespmem:$0x1A0] =	vst v2;
	v2 =	vadd.s32 v0, v3  }
0xbd: {  	[tilespmem:$0x1B0] =	vst v2;
	v2 =	vadd.s32 v0, v60  }
0xbe: {  	[tilespmem:$0x1C0] =	vst v2;
	v2 =	vadd.s32 v0, v61  }
0xbf: {  	[tilespmem:$0x1D0] =	vst v2;
	v2 =	vadd.s32 v0, v62  }
0xc0: {  	p0 =	seq.s32 s16, $0x0;
	[tilespmem:$0x1E0] =	vst v2;
	v2 =	vadd.s32 v0, v63  }
0xc1: {  	s20 =	simm.s32 @!p0 $0x4;
	[tilespmem:$0x1F0] =	vst v2  }
0xc2: {  	_ =	swait.ge @!p0 [sflag:s20], $0x2000  }
0xc3: {  	[sflag:s20] =	ssyncset.done @!p0 $0x0  }
0xc4: {  	[sflag:s20] =	ssyncadd.s32 @!p0 $0xFFFFE000  }
0xc5: {  	[tilespmem:s6], [sflag:$0x2] =	stream.indirect.gather [hbm4b:s4+s29], $0x20, s0, s29, $0xb8;
	[tilespmem:$0x1E480] =	vst v63  }
0xc6: {  	_ = 	snop  }
0xc7: {  	[tilespmem:s8], [sflag:$0x2] =	stream.indirect.gather [hbm4b:s4+s29], $0x20, s7, s29, $0xb8;
	[tilespmem:$0x1E480] =	vst v63  }
0xc8: {  	p0 =	seq.s32 s16, $0x1840;
	_ =	swait.ge [sflag:s9], $0x2000  }
.Ltmp5:
0xc9: {  	[sflag:s9] =	ssyncset.done $0x0;
	(pc) =	sbr.rel @p0 .LBB2_6-.Ltmp5, $4  }
0xca: {  	[sflag:s9] =	ssyncadd.s32 $0xFFFFE000  }
0xcb: {  	[spmem:s2] =	stream.indirect.scatter.add.f32 [tilespmem:s30], [sflag:$0x3], $0x20, s28, s29, $0xb8;
	[tilespmem:$0x1E480] =	vst v63  }
0xcc: {  	_ = 	snop  }
0xcd: {  	[spmem:s2] =	stream.indirect.scatter.add.f32 [tilespmem:s31], [sflag:$0x3], $0x20, s10, s29, $0xb8;
	[tilespmem:$0x1E480] =	vst v63  }
0xce: {  	s17 =	sadd.s32 $0x40, s17  }
0xcf: {  	[tilespmem:s3], [sflag:$0x5] =	stream.linear.gather [hbm4b:s17+s3], $0x100, $0x38;
	[tilespmem:$0x1E480] =	vst v63  }
0xd0: {  	_ =	swait.ge [sflag:s26], $0x100  }
0xd1: {  	[sflag:s26] =	ssyncset.done $0x0  }
0xd2: {  	s20 =	sadd.s32 $0x40, s18;
	[sflag:s26] =	ssyncadd.s32 $0xFFFFFF00  }
0xd3: {  	[tilespmem:s28], [sflag:$0x5] =	stream.linear.gather [hbm4b:s20+s3], $0x100, $0x38;
	[tilespmem:$0x1E480] =	vst v63  }
0xd4: {  	_ =	swait.ge [sflag:s26], $0x100  }
0xd5: {  	[sflag:s26] =	ssyncset.done $0x0  }
0xd6: {  	[sflag:s26] =	ssyncadd.s32 $0xFFFFFF00  }
0xd7: {  	v2 =	vld [tilespmem:$0x0]  }
0xd8: {  	v3 =	vld [tilespmem:$0x10]  }
0xd9: {  	v4 =	vld [tilespmem:$0x20]  }
0xda: {  	v5 =	vld [tilespmem:$0x30]  }
0xdb: {  	v6 =	vld [tilespmem:$0x40]  }
0xdc: {  	v7 =	vld [tilespmem:$0x50];
	v2 =	vadd.s32 v0, v2  }
0xdd: {  	[tilespmem:$0x0] =	vst v2;
	v2 =	vadd.s32 v0, v3;
	v3 =	vld [tilespmem:$0x60]  }
0xde: {  	v56 =	vld [tilespmem:$0x70];
	[tilespmem:$0x10] =	vst v2;
	v2 =	vadd.s32 v0, v4  }
0xdf: {  	v57 =	vld [tilespmem:$0x80];
	[tilespmem:$0x20] =	vst v2;
	v2 =	vadd.s32 v0, v5  }
0xe0: {  	v58 =	vld [tilespmem:$0x90];
	[tilespmem:$0x30] =	vst v2;
	v2 =	vadd.s32 v0, v6  }
0xe1: {  	v59 =	vld [tilespmem:$0xA0];
	[tilespmem:$0x40] =	vst v2;
	v2 =	vadd.s32 v0, v7  }
0xe2: {  	[tilespmem:$0x50] =	vst v2;
	v2 =	vadd.s32 v0, v3;
	v3 =	vld [tilespmem:$0xB0]  }
0xe3: {  	v60 =	vld [tilespmem:$0xC0];
	[tilespmem:$0x60] =	vst v2;
	v2 =	vadd.s32 v0, v56  }
0xe4: {  	v61 =	vld [tilespmem:$0xD0];
	[tilespmem:$0x70] =	vst v2;
	v2 =	vadd.s32 v0, v57  }
0xe5: {  	v62 =	vld [tilespmem:$0xE0];
	[tilespmem:$0x80] =	vst v2;
	v2 =	vadd.s32 v0, v58  }
0xe6: {  	v63 =	vld [tilespmem:$0xF0];
	[tilespmem:$0x90] =	vst v2;
	v2 =	vadd.s32 v0, v59  }
0xe7: {  	[tilespmem:$0xA0] =	vst v2;
	v2 =	vadd.s32 v0, v3  }
0xe8: {  	[tilespmem:$0xB0] =	vst v2;
	v2 =	vadd.s32 v0, v60  }
0xe9: {  	[tilespmem:$0xC0] =	vst v2;
	v2 =	vadd.s32 v0, v61  }
0xea: {  	[tilespmem:$0xD0] =	vst v2;
	v2 =	vadd.s32 v0, v62  }
0xeb: {  	[tilespmem:$0xE0] =	vst v2;
	v2 =	vadd.s32 v0, v63  }
0xec: {  	[tilespmem:$0xF0] =	vst v2  }
0xed: {  	_ =	swait.ge [sflag:s13], $0x2000  }
.Ltmp6:
0xee: {  	[sflag:s13] =	ssyncset.done $0x0;
	(pc) =	sbr.rel .LBB2_6-.Ltmp6, $4  }
0xef: {  	[sflag:s13] =	ssyncadd.s32 $0xFFFFE000  }
0xf0: {  	[tilespmem:s30], [sflag:$0x1] =	stream.indirect.gather [hbm4b:s4+s29], $0x20, s3, s29, $0xb8;
	[tilespmem:$0x1E480] =	vst v63  }
0xf1: {  	_ = 	snop  }
0xf2: {  	[tilespmem:s31], [sflag:$0x1] =	stream.indirect.gather [hbm4b:s4+s29], $0x20, s29, s29, $0xb8;
	[tilespmem:$0x1E480] =	vst v63  }
.LBB2_8:
0xf3: {  	_ =	sfence.sel $0x180000  }
0xf4: {  	[bflag:$0x0] =	sbarrier.arrive $0xFFFF  }
0xf5: {  	_ =	strace $0x90000047  }
0xf6: {  	s0 =	stileid.u32;
	[bflag:$0x2] =	sbarrier.arrive $0xFFFF  }
0xf7: {  	p0 =	sne.s32 s0, $0x0;
	s0 =	rddreg [dreg:$0x3]  }
0xf8: {  	s0 =	sadd.s32 @!p0 $0x100000, s0  }
0xf9: {  	[sflag:s0] =	ssyncadd.tile.s32 @!p0 $0x1;
	_ =	shalt  }
.Lfunc_end2:
_tile_overlayer_lowered:
.L_overlay_start_2:
0xfa: {  	(tag) =	ssettag $0x2  }
0xfb: {  	s0 =	rddreg [dreg:$0x0];
	s2 =	stileid.u32  }
0xfc: {  	s1 =	rddreg [dreg:$0x1];
	p0 =	sne.s32 s2, $0x0  }
0xfd: {  	s3 =	rddreg [dreg:$0x2];
	[bflag:$0x3] =	sbarrier.arrive $0xFFFF;
	s2 =	simm.s32 @!p0 $0x1C05  }
0xfe: {  	[timem:s3], [sflag:s2] =	dma.local @!p0 [hbm:s0], s1  }
0xff: {  	s0 =	simm.s32 @!p0 $0x5  }
0x100: {  	_ =	swait.ge @!p0 [sflag:s0], s1  }
0x101: {  	s1 =	ssub.s32 @!p0 $0x0, s1;
	[sflag:s0] =	ssyncset.done @!p0 $0x0  }
0x102: {  	[sflag:s0] =	ssyncadd.s32 @!p0 s1  }
0x103: {  	[bflag:$0x3] =	sbarrier.arrive $0xFFFF  }
0x104: {  	_ =	shalt  }

// kernel: branch_1_fun.7.cloned.1.call-start
scs
__scs_entry_jumppad:
0x0: {  	(pc) =	sbr.rel $0x88, $3  }
0x1: {  	(tag) =	ssettag $0x0;
	lr =	simm.s32 $0x1  }
0x2: {  	[smem:$0x3F9B] =	sst lr;
	_ =	strace $0xD0000000  }
0x3: {  	_ = 	snop  }
0x4: {  	_ = 	snop  }
0x5: {  	_ = 	snop  }
0x6: {  	_ = 	snop  }
0x7: {  	_ = 	snop  }
__scs_overlays_trampoline_lowered:
0x8: {  	[smem:$0x3FAA] =	sst s0  }
0x9: {  	[smem:$0x3FAB] =	sst s1  }
0xa: {  	[smem:$0x3FAC] =	sst s2  }
0xb: {  	[smem:$0x3FAD] =	sst s3  }
0xc: {  	[smem:$0x3FAE] =	sst s4  }
0xd: {  	[smem:$0x3FAF] =	sst s5  }
0xe: {  	[smem:$0x3FB0] =	sst s6  }
0xf: {  	[smem:$0x3FB1] =	sst s7  }
0x10: {  	[smem:$0x3FB2] =	sst s8  }
0x11: {  	[smem:$0x3FB3] =	sst s9;
	s0 =	simm.s32 @!p0 $0x0  }
0x12: {  	s1 =	sld [smem:$0x3F99];
	s0 =	simm.s32 @p0 $0x1  }
0x13: {  	[smem:$0x3FB4] =	sst s0;
	s0 =	simm.s32 @!p1 $0x0  }
0x14: {  	s2 =	sld [smem:$0x3F98];
	s0 =	simm.s32 @p1 $0x1  }
0x15: {  	[smem:$0x3FB5] =	sst s0;
	s0 =	simm.s32 @!p2 $0x0  }
0x16: {  	s3 =	sld [smem:$0x3FDB];
	s0 =	simm.s32 @p2 $0x1  }
0x17: {  	s4 =	simm.s32 $0x1BF5;
	[smem:$0x3FB7] =	sst s0  }
0x18: {  	s0 =	sld [smem:$0x3F9A];
	_ =	swait.ge [sflag:s4], $0x0  }
0x19: {  	s7 =	sld [smem:$0x3F9B]  }
0x1a: {  	s8 =	sadd.s32 $0xFFFFE003, lr  }
0x1b: {  	s9 =	sadd.s32 $0xFFFFFEF7, lr;
	s5 =	simm.s32 $0xFFFFFFFF;
	p2 =	slt.u32 s8, $0xFFFFF086  }
0x1c: {  	p1 =	slt.u32 s9, $0xF7A;
	s5 =	simm.s32 @!p2 $0x0  }
0x1d: {  	s5 =	simm.s32 @p1 $0x1;
	p0 =	seq.s32 s7, s2  }
0x1e: {  	s7 =	smul.u32 @!p0 $0xF7A, s2;
	p2 =	seq.s32 @!p0 s5, $0x0  }
0x1f: {  	s9 =	smul.u32 $0xF7A, s1;
	s8 =	simm.s32 @!p0 $0x1BF5;
	p2 =	por !p2, p0  }
0x20: {  	[sflag:s8] =	ssyncset.s32 @!p0 $0xFFFFF086;
	s6 =	sadd.s32 @!p0 s3, s7;
	s7 =	simm.s32 @!p0 $0x108  }
0x21: {  	s3 =	sadd.s32 s3, s9;
	s6 =	sadd.s32 @!p0 $0x88, s6;
	s7 =	simm.s32 @p2 $0x1082  }
0x22: {  	[simem:s7], [sflag:s8] =	dma.local @!p0 [hbm:s6], $0xF7A  }
0x23: {  	s9 =	sor.u32 $0xD0000000, s2;
	s6 =	simm.s32 $0x108;
	_ =	swait.ge @!p0 [sflag:s8], $0x0  }
0x24: {  	s3 =	sadd.s32 $0x88, s3;
	s6 =	simm.s32 @!p1 $0x1082;
	[sflag:s4] =	ssyncset.s32 $0xFFFFF086  }
0x25: {  	[simem:s6], [sflag:s4] =	dma.local [hbm:s3], $0xF7A  }
0x26: {  	[smem:$0x3F9B] =	sst s1;
	(tag) =	ssettag s2;
	_ =	strace s9  }
0x27: {  	s1 =	sld [smem:$0x3FAB]  }
0x28: {  	s2 =	sld [smem:$0x3FAC]  }
0x29: {  	s4 =	sld [smem:$0x3FAE]  }
0x2a: {  	p0 =	seq.s32 s5, $0x0;
	s5 =	sld [smem:$0x3FAF]  }
0x2b: {  	s6 =	sld [smem:$0x3FB0]  }
0x2c: {  	s7 =	sld [smem:$0x3FB1]  }
0x2d: {  	s3 =	simm.s32 $0x108;
	s8 =	sld [smem:$0x3FB2]  }
0x2e: {  	s3 =	simm.s32 @!p0 $0x1082;
	s9 =	sld [smem:$0x3FB3]  }
0x2f: {  	lr =	sadd.s32 s0, s3;
	s0 =	sld [smem:$0x3FAA]  }
0x30: {  	s3 =	sld [smem:$0x3FAD]  }
0x31: {  	[smem:$0x3FB6] =	sst s10  }
0x32: {  	s10 =	sld [smem:$0x3FB4];
	_ =	sdelay $0x3  }
0x33: {  	p0 =	seq.s32 s10, $0x1;
	s10 =	sld [smem:$0x3FB6];
	_ =	sdelay $0x3  }
0x34: {  	[smem:$0x3FB6] =	sst s10  }
0x35: {  	s10 =	sld [smem:$0x3FB5];
	_ =	sdelay $0x3  }
0x36: {  	p1 =	seq.s32 s10, $0x1;
	s10 =	sld [smem:$0x3FB6];
	_ =	sdelay $0x3  }
0x37: {  	[smem:$0x3FB6] =	sst s10  }
0x38: {  	s10 =	sld [smem:$0x3FB7]  }
0x39: {  	_ = 	snop;
	(pc) =	sbr.ind lr, $3  }
0x3a: {  	_ = 	snop  }
0x3b: {  	_ = 	snop  }
0x3c: {  	p2 =	seq.s32 s10, $0x1;
	s10 =	sld [smem:$0x3FB6]  }
0x3d: {  	_ =	shalt  }
0x3e: {  	_ =	shalt  }
0x3f: {  	_ =	shalt  }
0x40: {  	_ =	shalt  }
0x41: {  	_ =	shalt  }
0x42: {  	_ =	shalt  }
0x43: {  	_ =	shalt  }
0x44: {  	_ =	shalt  }
0x45: {  	_ =	shalt  }
0x46: {  	_ =	shalt  }
0x47: {  	_ =	shalt  }
0x48: {  	_ =	shalt  }
0x49: {  	_ =	shalt  }
0x4a: {  	_ =	shalt  }
0x4b: {  	_ =	shalt  }
0x4c: {  	_ =	shalt  }
0x4d: {  	_ =	shalt  }
0x4e: {  	_ =	shalt  }
0x4f: {  	_ =	shalt  }
0x50: {  	_ =	shalt  }
0x51: {  	_ =	shalt  }
0x52: {  	_ =	shalt  }
0x53: {  	_ =	shalt  }
0x54: {  	_ =	shalt  }
0x55: {  	_ =	shalt  }
0x56: {  	_ =	shalt  }
0x57: {  	_ =	shalt  }
0x58: {  	_ =	shalt  }
0x59: {  	_ =	shalt  }
0x5a: {  	_ =	shalt  }
0x5b: {  	_ =	shalt  }
0x5c: {  	_ =	shalt  }
0x5d: {  	_ =	shalt  }
0x5e: {  	_ =	shalt  }
0x5f: {  	_ =	shalt  }
0x60: {  	_ =	shalt  }
0x61: {  	_ =	shalt  }
0x62: {  	_ =	shalt  }
0x63: {  	_ =	shalt  }
0x64: {  	_ =	shalt  }
0x65: {  	_ =	shalt  }
0x66: {  	_ =	shalt  }
0x67: {  	_ =	shalt  }
0x68: {  	_ =	shalt  }
0x69: {  	_ =	shalt  }
0x6a: {  	_ =	shalt  }
0x6b: {  	_ =	shalt  }
0x6c: {  	_ =	shalt  }
0x6d: {  	_ =	shalt  }
0x6e: {  	_ =	shalt  }
0x6f: {  	_ =	shalt  }
0x70: {  	_ =	shalt  }
0x71: {  	_ =	shalt  }
0x72: {  	_ =	shalt  }
0x73: {  	_ =	shalt  }
0x74: {  	_ =	shalt  }
0x75: {  	_ =	shalt  }
0x76: {  	_ =	shalt  }
0x77: {  	_ =	shalt  }
0x78: {  	_ =	shalt  }
0x79: {  	_ =	shalt  }
0x7a: {  	_ =	shalt  }
0x7b: {  	_ =	shalt  }
0x7c: {  	_ =	shalt  }
0x7d: {  	_ =	shalt  }
0x7e: {  	_ =	shalt  }
0x7f: {  	_ =	shalt  }
0x80: {  	_ =	shalt  }
0x81: {  	_ =	shalt  }
0x82: {  	_ =	shalt  }
0x83: {  	_ =	shalt  }
0x84: {  	_ =	shalt  }
0x85: {  	_ =	shalt  }
0x86: {  	_ =	shalt  }
0x87: {  	_ =	shalt  }
.Lfunc_end0:
.L_simem_size_0:
called_computation.1_lowered:
.L_overlay_start_0:
0x88: {  	s2 =	sld [smem:$0x3FD9]  }
0x89: {  	s3 =	sld [smem:$0x3FFE];
	_ =	sdelay $0x1  }
0x8a: {  	s1 =	srdreg.scid  }
0x8b: {  	s0 =	sand.u32 $0x1, s1  }
0x8c: {  	s16 =	sshll.u32 s0, $0xA;
	s2 =	sadd.s32 s3, s2  }
0x8d: {  	s2 =	sadd.s32 s2, s16  }
0x8e: {  	[smem:$0x3FC2] =	sst s2  }
0x8f: {  	_ = 	snop  }
0x90: {  	(tm) =	ssettm $0x1  }
0x91: {  	s17 =	sld [smem:$0x3FFB];
	_ =	sdelay $0x3  }
0x92: {  	_ =	strace s17  }
0x93: {  	s2 =	sld [smem:$0x3FFC];
	_ =	sdelay $0x3  }
0x94: {  	_ =	strace s2  }
0x95: {  	s2 =	sld [smem:$0x3FFD];
	_ =	sdelay $0x3  }
0x96: {  	_ =	strace s2  }
0x97: {  	_ =	strace $0x8FFFFFFF  }
0x98: {  	s18 =	sld [smem:$0x3FDB];
	_ =	sdelay $0x1  }
0x99: {  	s19 =	simm.s32 $_scs_section_size  }
0x9a: {  	s4 =	simm.s32 $_size__tile_overlayer_lowered;
	s5 =	simm.s32 $_tile_overlayer_lowered  }
0x9b: {  	s22 =	simm.s32 $0x1BFF;
	s21 =	sshll.u32 s5, $0x1;
	s2 =	sadd.s32 s19, s18  }
0x9c: {  	s6 =	simm.s32 $0x0;
	s20 =	sshll.u32 s4, $0x1;
	s4 =	sadd.s32 s21, s2  }
0x9d: {  	[timem:s6], [sflag:s22] =	dma.local [hbm:s4], s20  }
0x9e: {  	_ =	swait.ge [sflag:s22], s20  }
0x9f: {  	s3 =	ssub.s32 $0x0, s20;
	[sflag:s22] =	ssyncset.done $0x0  }
0xa0: {  	[sflag:s22] =	ssyncadd.s32 s3;
	_ =	sdelay $0x1  }
0xa1: {  	s23 =	simm.s32 $0x1B8B  }
0xa2: {  	_ =	swait.ge [sflag:s23], $0x1  }
0xa3: {  	[sflag:s23] =	ssyncset.done $0x0  }
0xa4: {  	s25 =	simm.s32 $0x1B8E;
	s24 =	sld [smem:$0x3FFE];
	[sflag:s23] =	ssyncadd.s32 $0xFFFFFFFF  }
0xa5: {  	s26 =	simm.s32 $execute0_lowered;
	[smem:$0x3FD2] =	sst s25  }
0xa6: {  	s4 =	sshll.u32 s26, $0x1;
	_ =	strace $0x80000049;
	[dreg:$0x1] =	wrdreg $0xFFFFFFFF  }
0xa7: {  	s28 =	simm.s32 $_size_execute0_lowered;
	s2 =	sadd.s32 s2, s4;
	[dreg:$0x0] =	wrdreg $0x0  }
0xa8: {  	s4 =	sshll.u32 s28, $0x1;
	[dreg:$0x2] =	wrdreg s2  }
0xa9: {  	[dreg:$0x3] =	wrdreg s4  }
0xaa: {  	[dreg:$0x4] =	wrdreg $0xC0  }
0xab: {  	_ =	task [dreg:s6], $0x5FFFF  }
0xac: {  	[dreg:$0x1] =	wrdreg $0xFFFFFFFF  }
0xad: {  	[dreg:$0x0] =	wrdreg $0x60  }
0xae: {  	[dreg:$0x2] =	wrdreg s24  }
0xaf: {  	[dreg:$0x3] =	wrdreg $0x5C800  }
0xb0: {  	[dreg:$0x4] =	wrdreg $0x9  }
0xb1: {  	_ =	task.clear_ibuf [dreg:s6], $0x5FFFF;
	_ =	strace $0x90000049  }
0xb2: {  	s29 =	simm.s32 $0x9;
	_ =	strace $0x8000004B  }
0xb3: {  	_ =	swait.ge [sflag:s29], $0x1  }
0xb4: {  	[sflag:s29] =	ssyncadd.s32 $0xFFFFFFFF  }
0xb5: {  	_ =	strace $0x9000004B  }
0xb6: {  	_ =	sfence  }
0xb7: {  	s30 =	sld [smem:$0x0];
	_ =	sdelay $0x2  }
0xb8: {  	s31 =	sshll.u32 s1, $0xD;
	s1 =	sshrl.u32 s1, $0x2  }
0xb9: {  	s3 =	sand.u32 $0x4000, s31;
	s1 =	sadd.s32 s1, s30  }
0xba: {  	s0 =	sor.u32 s3, s0;
	s1 =	sshll.u32 s1, $0x11  }
0xbb: {  	s0 =	sor.u32 s1, s0  }
0xbc: {  	s0 =	sadd.s32 $0x8F2B, s0  }
0xbd: {  	[sflag:s0] =	ssyncadd.remote.s32 $0x1  }
0xbe: {  	_ =	sfence.sel $0xFFFF  }
0xbf: {  	[dreg:$0x0] =	wrdreg $0xFFFFFFFF;
	(pc) =	sbr.abs _section_cstart, $3  }
0xc0: {  	[dreg:$0x1] =	wrdreg $0xFFFFFFFF  }
0xc1: {  	_ =	task.clear_ibuf [dreg:s6], $0x2FFFF;
	_ =	strace $0x9FFFFFFF  }
0xc2: {  	(tm) =	ssettm $0x7FFFFFFF  }
0xc3: {  	_ =	shalt  }
tec
execute0_lowered:
.L_overlay_start_1:
0x0: {  	(tag) =	ssettag $0x1  }
0x1: {  	s0 =	rddreg [dreg:$0x0]  }
0x2: {  	s2 =	rddreg [dreg:$0x1];
	s13 =	stileid.u32  }
0x3: {  	s1 =	srdreg.scid;
	s5 =	smul.u32 $0x18800, s13  }
0x4: {  	s3 =	simm.s32 $0x0;
	s1 =	sand.u32 $0x1, s1;
	s9 =	smul.u32 $0x62000, s13  }
0x5: {  	[smem:$0x7FF] =	sst s3;
	s4 =	sadd.s32 $0x454000, s0;
	s12 =	smul.u32 $0xC4, s13  }
0x6: {  	s7 =	sadd.s32 $0x33400, s0;
	s8 =	sadd.s32 $0x1AC00, s0;
	s16 =	smul.u32 $0xC40, s13  }
0x7: {  	s13 =	simm.s32 $0x300;
	s6 =	smul.u32 $0x188000, s1;
	s9 =	sshrl.u32 s9, $0x2  }
0x8: {  	_ =	strace $0x8000004A;
	s10 =	smul.u32 $0xC40, s1;
	s9 =	sadd.s32 s9, s2  }
0x9: {  	s20 =	ssub.s32 $0x2, s1;
	s1 =	smul.u32 $0xC400, s1;
	s21 =	sadd.s32 $0x1880, s9  }
0xa: {  	s11 =	sshrl.u32 s20, $0x1;
	s22 =	sadd.s32 $0x3100, s9;
	[dreg:$0x3] =	wrdreg s21  }
0xb: {  	s6 =	sadd.s32 s5, s6;
	s23 =	sadd.s32 $0x4980, s9;
	[dreg:$0x4] =	wrdreg s22  }
0xc: {  	s5 =	sadd.s32 s5, s2;
	s24 =	sadd.s32 $0x6200, s9;
	[dreg:$0x5] =	wrdreg s23  }
0xd: {  	s10 =	sadd.s32 s12, s10;
	s25 =	sadd.s32 $0x7A80, s9;
	[dreg:$0x6] =	wrdreg s24  }
0xe: {  	s12 =	simm.s32 $0x100;
	s18 =	sadd.s32 $0x9300, s9;
	[dreg:$0x7] =	wrdreg s25  }
0xf: {  	s10 =	sshll.u32 s10, $0x4;
	s19 =	sadd.s32 $0xAB80, s9;
	[dreg:$0x10] =	wrdreg s18  }
0x10: {  	s6 =	sshrl.u32 s6, $0x3;
	s26 =	sadd.s32 s7, s10;
	[dreg:$0x11] =	wrdreg s19  }
0x11: {  	s0 =	sadd.s32 s6, s0;
	s29 =	sadd.s32 s8, s10;
	[dreg:$0x8] =	wrdreg s26  }
0x12: {  	s6 =	ssub.s32 s20, s11;
	s22 =	sadd.s32 $0xC400, s9;
	[dreg:$0x9] =	wrdreg s29  }
0x13: {  	s28 =	sor.u32 $0x20, s10;
	s23 =	sadd.s32 $0xDC80, s9;
	[dreg:$0x12] =	wrdreg s22  }
0x14: {  	s31 =	sadd.s32 $0x40, s10;
	s24 =	sadd.s32 $0xF500, s9;
	[dreg:$0x13] =	wrdreg s23  }
0x15: {  	s10 =	sadd.s32 $0xC20, s10;
	s25 =	sadd.s32 $0x10D80, s9;
	[dreg:$0x14] =	wrdreg s24  }
0x16: {  	s18 =	simm.s32 $0x280;
	s30 =	sadd.s32 s7, s28;
	[dreg:$0x15] =	wrdreg s25  }
0x17: {  	s19 =	simm.s32 $0x3;
	s11 =	sadd.s32 s8, s28;
	[dreg:$0xa] =	wrdreg s30  }
0x18: {  	s14 =	sadd.s32 s7, s31;
	s15 =	sadd.s32 s8, s31;
	[dreg:$0xb] =	wrdreg s11  }
0x19: {  	s17 =	sadd.s32 s7, s10;
	s10 =	sadd.s32 s8, s10;
	[dreg:$0xc] =	wrdreg s14  }
0x1a: {  	s8 =	sadd.s32 s1, s8;
	s1 =	sadd.s32 s1, s7;
	[dreg:$0xd] =	wrdreg s15  }
0x1b: {  	s26 =	sadd.s32 $0x12600, s9;
	s28 =	sadd.s32 $0x13E80, s9;
	[dreg:$0xe] =	wrdreg s17  }
0x1c: {  	s29 =	sadd.s32 $0x15700, s9;
	s0 =	sadd.s32 $0x4B6000, s0;
	[dreg:$0xf] =	wrdreg s10  }
0x1d: {  	s31 =	smax.u32 s6, $0x1;
	s6 =	simm.s32 $0x4400;
	[dreg:$0x16] =	wrdreg s26  }
0x1e: {  	s7 =	simm.s32 $0x5;
	s22 =	simm.s32 $0x2;
	[dreg:$0x17] =	wrdreg s28  }
0x1f: {  	s23 =	simm.s32 $0x380;
	s24 =	simm.s32 $0x4;
	[dreg:$0x18] =	wrdreg s29  }
0x20: {  	s25 =	simm.s32 $0x0;
	s20 =	sadd.s32 s16, s8;
	[dreg:$0x1a] =	wrdreg s0  }
0x21: {  	s21 =	sadd.s32 s16, s1;
	s30 =	sadd.s32 $0x16F80, s9;
	[dreg:$0x1b] =	wrdreg s31  }
0x22: {  	s8 =	simm.s32 $0x200;
	s9 =	simm.s32 $0x80;
	s10 =	simm.s32 $0x400  }
0x23: {  	s11 =	simm.s32 $0x1400;
	s14 =	simm.s32 $0x2400;
	s15 =	simm.s32 $0x180  }
0x24: {  	v0 =	vimm.f32 $0.0e+00;
	s16 =	simm.s32 $0x3400;
	s17 =	simm.s32 $0x1;
	[dreg:$0x19] =	wrdreg s30  }
.LBB2_1:
0x25: {  	s26 =	simm.s32 $0x4440  }
0x26: {  	[tilespmem:s26+$0xFFFFFFC0] =	vst v0  }
0x27: {  	[tilespmem:s26+$0x30] =	vst v0  }
0x28: {  	[tilespmem:s26+$0x20] =	vst v0  }
0x29: {  	[tilespmem:s26+$0x10] =	vst v0  }
0x2a: {  	[tilespmem:s26+$0x0] =	vst v0  }
0x2b: {  	[tilespmem:s26+$0xFFFFFFF0] =	vst v0  }
0x2c: {  	s28 =	simm.s32 $0x0;
	[tilespmem:s26+$0xFFFFFFE0] =	vst v0  }
.LBB2_2:
0x2d: {  	s28 =	sadd.s32 $0x4, s28;
	[tilespmem:s26+$0xFFFFFFD0] =	vst v0;
	s26 =	sadd.s32 $0x80, s26  }
0x2e: {  	[tilespmem:s26+$0xFFFFFFC0] =	vst v0;
	p0 =	slt.u32 s28, $0xC0  }
0x2f: {  	[tilespmem:s26+$0x30] =	vst v0  }
.Ltmp0:
0x30: {  	[tilespmem:s26+$0x20] =	vst v0;
	(pc) =	sbr.rel @p0 .LBB2_2-.Ltmp0, $4  }
0x31: {  	[tilespmem:s26+$0x10] =	vst v0  }
0x32: {  	[tilespmem:s26+$0x0] =	vst v0  }
0x33: {  	[tilespmem:s26+$0xFFFFFFF0] =	vst v0  }
0x34: {  	[tilespmem:s26+$0xFFFFFFE0] =	vst v0  }
0x35: {  	[tilespmem:s26+$0xFFFFFFD0] =	vst v0  }
0x36: {  	[spmem:s5] =	stream.linear.scatter [tilespmem:s6], [sflag:$0x5], $0x1880, $0x38;
	[tilespmem:$0x1E480] =	vst v63  }
0x37: {  	_ =	swait.ge [sflag:s7], $0x1880  }
0x38: {  	[sflag:s7] =	ssyncset.done $0x0  }
0x39: {  	s0 =	rddreg [dreg:$0x3];
	[sflag:s7] =	ssyncadd.s32 $0xFFFFE780  }
0x3a: {  	[spmem:s0] =	stream.linear.scatter [tilespmem:s6], [sflag:$0x5], $0x1880, $0x38;
	[tilespmem:$0x1E480] =	vst v63  }
0x3b: {  	_ =	swait.ge [sflag:s7], $0x1880  }
0x3c: {  	[sflag:s7] =	ssyncset.done $0x0  }
0x3d: {  	s1 =	rddreg [dreg:$0x4];
	[sflag:s7] =	ssyncadd.s32 $0xFFFFE780  }
0x3e: {  	[spmem:s1] =	stream.linear.scatter [tilespmem:s6], [sflag:$0x5], $0x1880, $0x38;
	[tilespmem:$0x1E480] =	vst v63  }
0x3f: {  	_ =	swait.ge [sflag:s7], $0x1880  }
0x40: {  	[sflag:s7] =	ssyncset.done $0x0  }
0x41: {  	s26 =	rddreg [dreg:$0x5];
	[sflag:s7] =	ssyncadd.s32 $0xFFFFE780  }
0x42: {  	[spmem:s26] =	stream.linear.scatter [tilespmem:s6], [sflag:$0x5], $0x1880, $0x38;
	[tilespmem:$0x1E480] =	vst v63  }
0x43: {  	_ =	swait.ge [sflag:s7], $0x1880  }
0x44: {  	[sflag:s7] =	ssyncset.done $0x0  }
0x45: {  	s30 =	rddreg [dreg:$0x6];
	[sflag:s7] =	ssyncadd.s32 $0xFFFFE780  }
0x46: {  	[spmem:s30] =	stream.linear.scatter [tilespmem:s6], [sflag:$0x5], $0x1880, $0x38;
	[tilespmem:$0x1E480] =	vst v63  }
0x47: {  	_ =	swait.ge [sflag:s7], $0x1880  }
0x48: {  	[sflag:s7] =	ssyncset.done $0x0  }
0x49: {  	s31 =	rddreg [dreg:$0x7];
	[sflag:s7] =	ssyncadd.s32 $0xFFFFE780  }
0x4a: {  	[spmem:s31] =	stream.linear.scatter [tilespmem:s6], [sflag:$0x5], $0x1880, $0x38;
	[tilespmem:$0x1E480] =	vst v63  }
0x4b: {  	_ =	swait.ge [sflag:s7], $0x1880  }
0x4c: {  	[sflag:s7] =	ssyncset.done $0x0  }
0x4d: {  	s1 =	rddreg [dreg:$0x10];
	[sflag:s7] =	ssyncadd.s32 $0xFFFFE780  }
0x4e: {  	[spmem:s1] =	stream.linear.scatter [tilespmem:s6], [sflag:$0x5], $0x1880, $0x38;
	[tilespmem:$0x1E480] =	vst v63  }
0x4f: {  	_ =	swait.ge [sflag:s7], $0x1880  }
0x50: {  	[sflag:s7] =	ssyncset.done $0x0  }
0x51: {  	s26 =	rddreg [dreg:$0x11];
	[sflag:s7] =	ssyncadd.s32 $0xFFFFE780  }
0x52: {  	[spmem:s26] =	stream.linear.scatter [tilespmem:s6], [sflag:$0x5], $0x1880, $0x38;
	[tilespmem:$0x1E480] =	vst v63  }
0x53: {  	_ =	swait.ge [sflag:s7], $0x1880  }
0x54: {  	[sflag:s7] =	ssyncset.done $0x0  }
0x55: {  	s30 =	rddreg [dreg:$0x12];
	[sflag:s7] =	ssyncadd.s32 $0xFFFFE780  }
0x56: {  	[spmem:s30] =	stream.linear.scatter [tilespmem:s6], [sflag:$0x5], $0x1880, $0x38;
	[tilespmem:$0x1E480] =	vst v63  }
0x57: {  	_ =	swait.ge [sflag:s7], $0x1880  }
0x58: {  	[sflag:s7] =	ssyncset.done $0x0  }
0x59: {  	s31 =	rddreg [dreg:$0x13];
	[sflag:s7] =	ssyncadd.s32 $0xFFFFE780  }
0x5a: {  	[spmem:s31] =	stream.linear.scatter [tilespmem:s6], [sflag:$0x5], $0x1880, $0x38;
	[tilespmem:$0x1E480] =	vst v63  }
0x5b: {  	_ =	swait.ge [sflag:s7], $0x1880  }
0x5c: {  	[sflag:s7] =	ssyncset.done $0x0  }
0x5d: {  	s1 =	rddreg [dreg:$0x14];
	[sflag:s7] =	ssyncadd.s32 $0xFFFFE780  }
0x5e: {  	[spmem:s1] =	stream.linear.scatter [tilespmem:s6], [sflag:$0x5], $0x1880, $0x38;
	[tilespmem:$0x1E480] =	vst v63  }
0x5f: {  	_ =	swait.ge [sflag:s7], $0x1880  }
0x60: {  	[sflag:s7] =	ssyncset.done $0x0  }
0x61: {  	s26 =	rddreg [dreg:$0x15];
	[sflag:s7] =	ssyncadd.s32 $0xFFFFE780  }
0x62: {  	[spmem:s26] =	stream.linear.scatter [tilespmem:s6], [sflag:$0x5], $0x1880, $0x38;
	[tilespmem:$0x1E480] =	vst v63  }
0x63: {  	_ =	swait.ge [sflag:s7], $0x1880  }
0x64: {  	[sflag:s7] =	ssyncset.done $0x0  }
0x65: {  	s30 =	rddreg [dreg:$0x16];
	[sflag:s7] =	ssyncadd.s32 $0xFFFFE780  }
0x66: {  	[spmem:s30] =	stream.linear.scatter [tilespmem:s6], [sflag:$0x5], $0x1880, $0x38;
	[tilespmem:$0x1E480] =	vst v63  }
0x67: {  	_ =	swait.ge [sflag:s7], $0x1880  }
0x68: {  	[sflag:s7] =	ssyncset.done $0x0  }
0x69: {  	s31 =	rddreg [dreg:$0x17];
	[sflag:s7] =	ssyncadd.s32 $0xFFFFE780  }
0x6a: {  	[spmem:s31] =	stream.linear.scatter [tilespmem:s6], [sflag:$0x5], $0x1880, $0x38;
	[tilespmem:$0x1E480] =	vst v63  }
0x6b: {  	_ =	swait.ge [sflag:s7], $0x1880  }
0x6c: {  	[sflag:s7] =	ssyncset.done $0x0  }
0x6d: {  	s1 =	rddreg [dreg:$0x18];
	[sflag:s7] =	ssyncadd.s32 $0xFFFFE780  }
0x6e: {  	[spmem:s1] =	stream.linear.scatter [tilespmem:s6], [sflag:$0x5], $0x1880, $0x38;
	[tilespmem:$0x1E480] =	vst v63  }
0x6f: {  	_ =	swait.ge [sflag:s7], $0x1880  }
0x70: {  	[sflag:s7] =	ssyncset.done $0x0  }
0x71: {  	s26 =	rddreg [dreg:$0x19];
	[sflag:s7] =	ssyncadd.s32 $0xFFFFE780  }
0x72: {  	[spmem:s26] =	stream.linear.scatter [tilespmem:s6], [sflag:$0x5], $0x1880, $0x38;
	[tilespmem:$0x1E480] =	vst v63  }
0x73: {  	_ =	swait.ge [sflag:s7], $0x1880  }
0x74: {  	[sflag:s7] =	ssyncset.done $0x0  }
0x75: {  	[sflag:s7] =	ssyncadd.s32 $0xFFFFE780  }
0x76: {  	[bflag:$0x0] =	sbarrier.arrive $0xFFFF  }
0x77: {  	s26 =	simm.s32 $0x0;
	s30 =	rddreg [dreg:$0x8]  }
0x78: {  	[tilespmem:s26], [sflag:$0x5] =	stream.linear.gather [hbm4b:s30+s26], $0x100, $0x38;
	[tilespmem:$0x1E480] =	vst v63  }
0x79: {  	_ =	swait.ge [sflag:s7], $0x100  }
0x7a: {  	[sflag:s7] =	ssyncset.done $0x0  }
0x7b: {  	s31 =	rddreg [dreg:$0x9];
	[sflag:s7] =	ssyncadd.s32 $0xFFFFFF00  }
0x7c: {  	[tilespmem:s8], [sflag:$0x5] =	stream.linear.gather [hbm4b:s31+s26], $0x100, $0x38;
	[tilespmem:$0x1E480] =	vst v63  }
0x7d: {  	_ =	swait.ge [sflag:s7], $0x100  }
0x7e: {  	[sflag:s7] =	ssyncset.done $0x0  }
0x7f: {  	[sflag:s7] =	ssyncadd.s32 $0xFFFFFF00  }
0x80: {  	[tilespmem:s10], [sflag:$0x1] =	stream.indirect.gather [hbm4b:s4+s9], $0x20, s26, s9, $0xb8;
	[tilespmem:$0x1E480] =	vst v63  }
0x81: {  	_ = 	snop  }
0x82: {  	[tilespmem:s11], [sflag:$0x1] =	stream.indirect.gather [hbm4b:s4+s9], $0x20, s9, s9, $0xb8;
	[tilespmem:$0x1E480] =	vst v63  }
0x83: {  	s1 =	rddreg [dreg:$0xa]  }
0x84: {  	[tilespmem:s12], [sflag:$0x5] =	stream.linear.gather [hbm4b:s1+s26], $0x100, $0x38;
	[tilespmem:$0x1E480] =	vst v63  }
0x85: {  	_ =	swait.ge [sflag:s7], $0x100  }
0x86: {  	[sflag:s7] =	ssyncset.done $0x0  }
0x87: {  	s30 =	rddreg [dreg:$0xb];
	[sflag:s7] =	ssyncadd.s32 $0xFFFFFF00  }
0x88: {  	[tilespmem:s13], [sflag:$0x5] =	stream.linear.gather [hbm4b:s30+s26], $0x100, $0x38;
	[tilespmem:$0x1E480] =	vst v63  }
0x89: {  	_ =	swait.ge [sflag:s7], $0x100  }
0x8a: {  	[sflag:s7] =	ssyncset.done $0x0  }
0x8b: {  	[sflag:s7] =	ssyncadd.s32 $0xFFFFFF00  }
0x8c: {  	[tilespmem:s14], [sflag:$0x2] =	stream.indirect.gather [hbm4b:s4+s9], $0x20, s12, s9, $0xb8;
	[tilespmem:$0x1E480] =	vst v63  }
0x8d: {  	_ = 	snop  }
0x8e: {  	[tilespmem:s16], [sflag:$0x2] =	stream.indirect.gather [hbm4b:s4+s9], $0x20, s15, s9, $0xb8;
	[tilespmem:$0x1E480] =	vst v63  }
0x8f: {  	_ =	swait.ge [sflag:s17], $0x2000  }
0x90: {  	[sflag:s17] =	ssyncset.done $0x0  }
0x91: {  	[sflag:s17] =	ssyncadd.s32 $0xFFFFE000  }
0x92: {  	[spmem:s2] =	stream.indirect.scatter.add.f32 [tilespmem:s10], [sflag:$0x3], $0x20, s8, s9, $0xb8;
	[tilespmem:$0x1E480] =	vst v63  }
0x93: {  	_ = 	snop  }
0x94: {  	[spmem:s2] =	stream.indirect.scatter.add.f32 [tilespmem:s11], [sflag:$0x3], $0x20, s18, s9, $0xb8;
	[tilespmem:$0x1E480] =	vst v63  }
0x95: {  	s31 =	rddreg [dreg:$0xc]  }
0x96: {  	[tilespmem:s26], [sflag:$0x5] =	stream.linear.gather [hbm4b:s31+s26], $0x100, $0x38;
	[tilespmem:$0x1E480] =	vst v63  }
0x97: {  	_ =	swait.ge [sflag:s7], $0x100  }
0x98: {  	[sflag:s7] =	ssyncset.done $0x0  }
0x99: {  	s1 =	rddreg [dreg:$0xd];
	[sflag:s7] =	ssyncadd.s32 $0xFFFFFF00  }
0x9a: {  	[tilespmem:s8], [sflag:$0x5] =	stream.linear.gather [hbm4b:s1+s26], $0x100, $0x38;
	[tilespmem:$0x1E480] =	vst v63  }
0x9b: {  	_ =	swait.ge [sflag:s7], $0x100  }
0x9c: {  	[sflag:s7] =	ssyncset.done $0x0  }
0x9d: {  	[sflag:s7] =	ssyncadd.s32 $0xFFFFFF00  }
0x9e: {  	_ =	swait.ge [sflag:s19], $0x2000  }
0x9f: {  	[sflag:s19] =	ssyncset.done $0x0  }
0xa0: {  	[sflag:s19] =	ssyncadd.s32 $0xFFFFE000  }
0xa1: {  	[tilespmem:s10], [sflag:$0x1] =	stream.indirect.gather [hbm4b:s4+s9], $0x20, s26, s9, $0xb8;
	[tilespmem:$0x1E480] =	vst v63  }
0xa2: {  	_ = 	snop  }
0xa3: {  	[tilespmem:s11], [sflag:$0x1] =	stream.indirect.gather [hbm4b:s4+s9], $0x20, s9, s9, $0xb8;
	[tilespmem:$0x1E480] =	vst v63  }
0xa4: {  	_ =	swait.ge [sflag:s22], $0x2000  }
0xa5: {  	[sflag:s22] =	ssyncset.done $0x0  }
0xa6: {  	[sflag:s22] =	ssyncadd.s32 $0xFFFFE000  }
0xa7: {  	[spmem:s2] =	stream.indirect.scatter.add.f32 [tilespmem:s14], [sflag:$0x4], $0x20, s13, s9, $0xb8;
	[tilespmem:$0x1E480] =	vst v63  }
0xa8: {  	s30 =	sadd.s32 $0x0, s21  }
0xa9: {  	[spmem:s2] =	stream.indirect.scatter.add.f32 [tilespmem:s16], [sflag:$0x4], $0x20, s23, s9, $0xb8;
	[tilespmem:$0x1E480] =	vst v63  }
0xaa: {  	s28 =	sadd.s32 $0x60, s30  }
0xab: {  	[tilespmem:s12], [sflag:$0x5] =	stream.linear.gather [hbm4b:s28+s3], $0x100, $0x38;
	[tilespmem:$0x1E480] =	vst v63  }
0xac: {  	_ =	swait.ge [sflag:s7], $0x100  }
0xad: {  	s28 =	sadd.s32 $0x0, s20;
	[sflag:s7] =	ssyncset.done $0x0  }
0xae: {  	s29 =	sadd.s32 $0x60, s28;
	[sflag:s7] =	ssyncadd.s32 $0xFFFFFF00  }
0xaf: {  	[tilespmem:s13], [sflag:$0x5] =	stream.linear.gather [hbm4b:s29+s3], $0x100, $0x38;
	[tilespmem:$0x1E480] =	vst v63  }
0xb0: {  	_ =	swait.ge [sflag:s7], $0x100  }
0xb1: {  	[sflag:s7] =	ssyncset.done $0x0  }
0xb2: {  	[sflag:s7] =	ssyncadd.s32 $0xFFFFFF00  }
0xb3: {  	_ =	swait.ge [sflag:s24], $0x2000  }
0xb4: {  	[sflag:s24] =	ssyncset.done $0x0  }
0xb5: {  	[sflag:s24] =	ssyncadd.s32 $0xFFFFE000  }
0xb6: {  	[tilespmem:s14], [sflag:$0x2] =	stream.indirect.gather [hbm4b:s4+s9], $0x20, s12, s9, $0xb8;
	[tilespmem:$0x1E480] =	vst v63  }
0xb7: {  	_ = 	snop  }
0xb8: {  	[tilespmem:s16], [sflag:$0x2] =	stream.indirect.gather [hbm4b:s4+s9], $0x20, s15, s9, $0xb8;
	[tilespmem:$0x1E480] =	vst v63  }
0xb9: {  	_ =	swait.ge [sflag:s17], $0x2000  }
0xba: {  	[sflag:s17] =	ssyncset.done $0x0  }
0xbb: {  	[sflag:s17] =	ssyncadd.s32 $0xFFFFE000  }
0xbc: {  	[spmem:s2] =	stream.indirect.scatter.add.f32 [tilespmem:s10], [sflag:$0x3], $0x20, s8, s9, $0xb8;
	[tilespmem:$0x1E480] =	vst v63  }
0xbd: {  	_ = 	snop  }
0xbe: {  	[spmem:s2] =	stream.indirect.scatter.add.f32 [tilespmem:s11], [sflag:$0x3], $0x20, s18, s9, $0xb8;
	[tilespmem:$0x1E480] =	vst v63  }
0xbf: {  	s26 =	sadd.s32 $0x80, s30  }
0xc0: {  	[tilespmem:s3], [sflag:$0x5] =	stream.linear.gather [hbm4b:s26+s3], $0x100, $0x38;
	[tilespmem:$0x1E480] =	vst v63  }
0xc1: {  	_ =	swait.ge [sflag:s7], $0x100  }
0xc2: {  	[sflag:s7] =	ssyncset.done $0x0  }
0xc3: {  	s31 =	sadd.s32 $0x80, s28;
	[sflag:s7] =	ssyncadd.s32 $0xFFFFFF00  }
0xc4: {  	[tilespmem:s8], [sflag:$0x5] =	stream.linear.gather [hbm4b:s31+s3], $0x100, $0x38;
	[tilespmem:$0x1E480] =	vst v63  }
0xc5: {  	_ =	swait.ge [sflag:s7], $0x100  }
0xc6: {  	[sflag:s7] =	ssyncset.done $0x0  }
0xc7: {  	[sflag:s7] =	ssyncadd.s32 $0xFFFFFF00  }
0xc8: {  	_ =	swait.ge [sflag:s19], $0x2000  }
0xc9: {  	[sflag:s19] =	ssyncset.done $0x0  }
0xca: {  	[sflag:s19] =	ssyncadd.s32 $0xFFFFE000  }
0xcb: {  	[tilespmem:s10], [sflag:$0x1] =	stream.indirect.gather [hbm4b:s4+s9], $0x20, s3, s9, $0xb8;
	[tilespmem:$0x1E480] =	vst v63  }
0xcc: {  	_ = 	snop  }
0xcd: {  	[tilespmem:s11], [sflag:$0x1] =	stream.indirect.gather [hbm4b:s4+s9], $0x20, s9, s9, $0xb8;
	[tilespmem:$0x1E480] =	vst v63  }
0xce: {  	_ =	swait.ge [sflag:s22], $0x2000  }
0xcf: {  	s28 =	simm.s32 $0x40;
	[sflag:s22] =	ssyncset.done $0x0  }
0xd0: {  	s29 =	simm.s32 $0x80;
	s26 =	sadd.s32 $0x40, s21;
	[sflag:s22] =	ssyncadd.s32 $0xFFFFE000  }
0xd1: {  	[spmem:s2] =	stream.indirect.scatter.add.f32 [tilespmem:s14], [sflag:$0x4], $0x20, s13, s9, $0xb8;
	[tilespmem:$0x1E480] =	vst v63  }
.LBB2_4:
0xd2: {  	[spmem:s2] =	stream.indirect.scatter.add.f32 [tilespmem:s16], [sflag:$0x4], $0x20, s23, s9, $0xb8;
	[tilespmem:$0x1E480] =	vst v63  }
0xd3: {  	s31 =	smov.u32 s29  }
0xd4: {  	s30 =	sadd.s32 $0x40, s29;
	s1 =	sadd.s32 $0x60, s26;
	s0 =	sadd.s32 s31, s21  }
0xd5: {  	[tilespmem:s12], [sflag:$0x5] =	stream.linear.gather [hbm4b:s1+s3], $0x100, $0x38;
	[tilespmem:$0x1E480] =	vst v63  }
0xd6: {  	p0 =	sne.s32 s29, $0xB80;
	_ =	swait.ge [sflag:s7], $0x100  }
0xd7: {  	s1 =	sadd.s32 s28, s20;
	s28 =	smov.u32 s31;
	[sflag:s7] =	ssyncset.done $0x0  }
0xd8: {  	s29 =	sadd.s32 $0x60, s1;
	[sflag:s7] =	ssyncadd.s32 $0xFFFFFF00  }
0xd9: {  	[tilespmem:s13], [sflag:$0x5] =	stream.linear.gather [hbm4b:s29+s3], $0x100, $0x38;
	[tilespmem:$0x1E480] =	vst v63  }
0xda: {  	_ =	swait.ge [sflag:s7], $0x100  }
0xdb: {  	[sflag:s7] =	ssyncset.done $0x0  }
0xdc: {  	[sflag:s7] =	ssyncadd.s32 $0xFFFFFF00  }
0xdd: {  	_ =	swait.ge [sflag:s24], $0x2000  }
0xde: {  	[sflag:s24] =	ssyncset.done $0x0  }
0xdf: {  	[sflag:s24] =	ssyncadd.s32 $0xFFFFE000  }
0xe0: {  	[tilespmem:s14], [sflag:$0x2] =	stream.indirect.gather [hbm4b:s4+s9], $0x20, s12, s9, $0xb8;
	[tilespmem:$0x1E480] =	vst v63  }
0xe1: {  	_ = 	snop  }
0xe2: {  	[tilespmem:s16], [sflag:$0x2] =	stream.indirect.gather [hbm4b:s4+s9], $0x20, s15, s9, $0xb8;
	[tilespmem:$0x1E480] =	vst v63  }
0xe3: {  	_ =	swait.ge [sflag:s17], $0x2000  }
0xe4: {  	[sflag:s17] =	ssyncset.done $0x0  }
0xe5: {  	[sflag:s17] =	ssyncadd.s32 $0xFFFFE000  }
0xe6: {  	[spmem:s2] =	stream.indirect.scatter.add.f32 [tilespmem:s10], [sflag:$0x3], $0x20, s8, s9, $0xb8;
	[tilespmem:$0x1E480] =	vst v63  }
0xe7: {  	_ = 	snop  }
0xe8: {  	[spmem:s2] =	stream.indirect.scatter.add.f32 [tilespmem:s11], [sflag:$0x3], $0x20, s18, s9, $0xb8;
	[tilespmem:$0x1E480] =	vst v63  }
0xe9: {  	s29 =	sadd.s32 $0x80, s26;
	s26 =	smov.u32 s0  }
0xea: {  	[tilespmem:s3], [sflag:$0x5] =	stream.linear.gather [hbm4b:s29+s3], $0x100, $0x38;
	[tilespmem:$0x1E480] =	vst v63  }
0xeb: {  	_ =	swait.ge [sflag:s7], $0x100  }
0xec: {  	[sflag:s7] =	ssyncset.done $0x0  }
0xed: {  	s0 =	sadd.s32 $0x80, s1;
	[sflag:s7] =	ssyncadd.s32 $0xFFFFFF00  }
0xee: {  	[tilespmem:s8], [sflag:$0x5] =	stream.linear.gather [hbm4b:s0+s3], $0x100, $0x38;
	[tilespmem:$0x1E480] =	vst v63  }
0xef: {  	_ =	swait.ge [sflag:s7], $0x100  }
0xf0: {  	[sflag:s7] =	ssyncset.done $0x0  }
0xf1: {  	[sflag:s7] =	ssyncadd.s32 $0xFFFFFF00  }
0xf2: {  	_ =	swait.ge [sflag:s19], $0x2000  }
0xf3: {  	[sflag:s19] =	ssyncset.done $0x0  }
0xf4: {  	[sflag:s19] =	ssyncadd.s32 $0xFFFFE000  }
0xf5: {  	[tilespmem:s10], [sflag:$0x1] =	stream.indirect.gather [hbm4b:s4+s9], $0x20, s3, s9, $0xb8;
	[tilespmem:$0x1E480] =	vst v63  }
0xf6: {  	_ = 	snop  }
0xf7: {  	[tilespmem:s11], [sflag:$0x1] =	stream.indirect.gather [hbm4b:s4+s9], $0x20, s9, s9, $0xb8;
	[tilespmem:$0x1E480] =	vst v63  }
.Ltmp1:
0xf8: {  	_ = 	snop;
	(pc) =	sbr.rel @p0 .LBB2_4-.Ltmp1, $4  }
0xf9: {  	_ =	swait.ge [sflag:s22], $0x2000  }
0xfa: {  	[sflag:s22] =	ssyncset.done $0x0  }
0xfb: {  	s29 =	smov.u32 s30;
	[sflag:s22] =	ssyncadd.s32 $0xFFFFE000  }
0xfc: {  	[spmem:s2] =	stream.indirect.scatter.add.f32 [tilespmem:s14], [sflag:$0x4], $0x20, s13, s9, $0xb8;
	[tilespmem:$0x1E480] =	vst v63  }
0xfd: {  	[spmem:s2] =	stream.indirect.scatter.add.f32 [tilespmem:s16], [sflag:$0x4], $0x20, s23, s9, $0xb8;
	[tilespmem:$0x1E480] =	vst v63  }
0xfe: {  	s0 =	sadd.s32 $0x60, s26  }
0xff: {  	[tilespmem:s12], [sflag:$0x5] =	stream.linear.gather [hbm4b:s0+s3], $0x100, $0x38;
	[tilespmem:$0x1E480] =	vst v63  }
0x100: {  	_ =	swait.ge [sflag:s7], $0x100  }
0x101: {  	s30 =	sadd.s32 s28, s20;
	[sflag:s7] =	ssyncset.done $0x0  }
0x102: {  	s1 =	sadd.s32 $0x60, s30;
	[sflag:s7] =	ssyncadd.s32 $0xFFFFFF00  }
0x103: {  	[tilespmem:s13], [sflag:$0x5] =	stream.linear.gather [hbm4b:s1+s3], $0x100, $0x38;
	[tilespmem:$0x1E480] =	vst v63  }
0x104: {  	_ =	swait.ge [sflag:s7], $0x100  }
0x105: {  	[sflag:s7] =	ssyncset.done $0x0  }
0x106: {  	[sflag:s7] =	ssyncadd.s32 $0xFFFFFF00  }
0x107: {  	_ =	swait.ge [sflag:s24], $0x2000  }
0x108: {  	[sflag:s24] =	ssyncset.done $0x0  }
0x109: {  	[sflag:s24] =	ssyncadd.s32 $0xFFFFE000  }
0x10a: {  	[tilespmem:s14], [sflag:$0x2] =	stream.indirect.gather [hbm4b:s4+s9], $0x20, s12, s9, $0xb8;
	[tilespmem:$0x1E480] =	vst v63  }
0x10b: {  	_ = 	snop  }
0x10c: {  	[tilespmem:s16], [sflag:$0x2] =	stream.indirect.gather [hbm4b:s4+s9], $0x20, s15, s9, $0xb8;
	[tilespmem:$0x1E480] =	vst v63  }
0x10d: {  	_ =	swait.ge [sflag:s17], $0x2000  }
0x10e: {  	[sflag:s17] =	ssyncset.done $0x0  }
0x10f: {  	[sflag:s17] =	ssyncadd.s32 $0xFFFFE000  }
0x110: {  	[spmem:s2] =	stream.indirect.scatter.add.f32 [tilespmem:s10], [sflag:$0x3], $0x20, s8, s9, $0xb8;
	[tilespmem:$0x1E480] =	vst v63  }
0x111: {  	_ = 	snop  }
0x112: {  	[spmem:s2] =	stream.indirect.scatter.add.f32 [tilespmem:s11], [sflag:$0x3], $0x20, s18, s9, $0xb8;
	[tilespmem:$0x1E480] =	vst v63  }
0x113: {  	s31 =	sadd.s32 $0x80, s26  }
0x114: {  	[tilespmem:s3], [sflag:$0x5] =	stream.linear.gather [hbm4b:s31+s3], $0x100, $0x38;
	[tilespmem:$0x1E480] =	vst v63  }
0x115: {  	_ =	swait.ge [sflag:s7], $0x100  }
0x116: {  	[sflag:s7] =	ssyncset.done $0x0  }
0x117: {  	s0 =	sadd.s32 $0x80, s30;
	[sflag:s7] =	ssyncadd.s32 $0xFFFFFF00  }
0x118: {  	[tilespmem:s8], [sflag:$0x5] =	stream.linear.gather [hbm4b:s0+s3], $0x100, $0x38;
	[tilespmem:$0x1E480] =	vst v63  }
0x119: {  	_ =	swait.ge [sflag:s7], $0x100  }
0x11a: {  	[sflag:s7] =	ssyncset.done $0x0  }
0x11b: {  	[sflag:s7] =	ssyncadd.s32 $0xFFFFFF00  }
0x11c: {  	_ =	swait.ge [sflag:s19], $0x2000  }
0x11d: {  	[sflag:s19] =	ssyncset.done $0x0  }
0x11e: {  	[sflag:s19] =	ssyncadd.s32 $0xFFFFE000  }
0x11f: {  	[tilespmem:s10], [sflag:$0x1] =	stream.indirect.gather [hbm4b:s4+s9], $0x20, s3, s9, $0xb8;
	[tilespmem:$0x1E480] =	vst v63  }
0x120: {  	_ = 	snop  }
0x121: {  	[tilespmem:s11], [sflag:$0x1] =	stream.indirect.gather [hbm4b:s4+s9], $0x20, s9, s9, $0xb8;
	[tilespmem:$0x1E480] =	vst v63  }
0x122: {  	_ =	swait.ge [sflag:s22], $0x2000  }
0x123: {  	[sflag:s22] =	ssyncset.done $0x0  }
0x124: {  	[sflag:s22] =	ssyncadd.s32 $0xFFFFE000  }
0x125: {  	[spmem:s2] =	stream.indirect.scatter.add.f32 [tilespmem:s14], [sflag:$0x4], $0x20, s13, s9, $0xb8;
	[tilespmem:$0x1E480] =	vst v63  }
0x126: {  	_ = 	snop  }
0x127: {  	[spmem:s2] =	stream.indirect.scatter.add.f32 [tilespmem:s16], [sflag:$0x4], $0x20, s23, s9, $0xb8;
	[tilespmem:$0x1E480] =	vst v63  }
0x128: {  	s1 =	rddreg [dreg:$0xe]  }
0x129: {  	[tilespmem:s12], [sflag:$0x5] =	stream.linear.gather [hbm4b:s1+s3], $0x100, $0x38;
	[tilespmem:$0x1E480] =	vst v63  }
0x12a: {  	_ =	swait.ge [sflag:s7], $0x100  }
0x12b: {  	[sflag:s7] =	ssyncset.done $0x0  }
0x12c: {  	s26 =	rddreg [dreg:$0xf];
	[sflag:s7] =	ssyncadd.s32 $0xFFFFFF00  }
0x12d: {  	[tilespmem:s13], [sflag:$0x5] =	stream.linear.gather [hbm4b:s26+s3], $0x100, $0x38;
	[tilespmem:$0x1E480] =	vst v63  }
0x12e: {  	_ =	swait.ge [sflag:s7], $0x100  }
0x12f: {  	[sflag:s7] =	ssyncset.done $0x0  }
0x130: {  	[sflag:s7] =	ssyncadd.s32 $0xFFFFFF00  }
0x131: {  	_ =	swait.ge [sflag:s24], $0x2000  }
0x132: {  	[sflag:s24] =	ssyncset.done $0x0  }
0x133: {  	[sflag:s24] =	ssyncadd.s32 $0xFFFFE000  }
0x134: {  	[tilespmem:s14], [sflag:$0x2] =	stream.indirect.gather [hbm4b:s4+s9], $0x20, s12, s9, $0xb8;
	[tilespmem:$0x1E480] =	vst v63  }
0x135: {  	_ = 	snop  }
0x136: {  	[tilespmem:s16], [sflag:$0x2] =	stream.indirect.gather [hbm4b:s4+s9], $0x20, s15, s9, $0xb8;
	[tilespmem:$0x1E480] =	vst v63  }
0x137: {  	_ =	swait.ge [sflag:s17], $0x2000  }
0x138: {  	[sflag:s17] =	ssyncset.done $0x0  }
0x139: {  	[sflag:s17] =	ssyncadd.s32 $0xFFFFE000  }
0x13a: {  	[spmem:s2] =	stream.indirect.scatter.add.f32 [tilespmem:s10], [sflag:$0x3], $0x20, s8, s9, $0xb8;
	[tilespmem:$0x1E480] =	vst v63  }
0x13b: {  	_ = 	snop  }
0x13c: {  	[spmem:s2] =	stream.indirect.scatter.add.f32 [tilespmem:s11], [sflag:$0x3], $0x20, s18, s9, $0xb8;
	[tilespmem:$0x1E480] =	vst v63  }
0x13d: {  	_ =	swait.ge [sflag:s22], $0x2000  }
0x13e: {  	[sflag:s22] =	ssyncset.done $0x0  }
0x13f: {  	[sflag:s22] =	ssyncadd.s32 $0xFFFFE000  }
0x140: {  	[spmem:s2] =	stream.indirect.scatter.add.f32 [tilespmem:s14], [sflag:$0x4], $0x20, s13, s9, $0xb8;
	[tilespmem:$0x1E480] =	vst v63  }
0x141: {  	_ = 	snop  }
0x142: {  	[spmem:s2] =	stream.indirect.scatter.add.f32 [tilespmem:s16], [sflag:$0x4], $0x20, s23, s9, $0xb8;
	[tilespmem:$0x1E480] =	vst v63  }
0x143: {  	_ =	swait.ge [sflag:s19], $0x2000  }
0x144: {  	[sflag:s19] =	ssyncset.done $0x0  }
0x145: {  	[sflag:s19] =	ssyncadd.s32 $0xFFFFE000  }
0x146: {  	_ =	swait.ge [sflag:s24], $0x2000  }
0x147: {  	[sflag:s24] =	ssyncset.done $0x0  }
0x148: {  	s28 =	stileid.u32;
	[sflag:s24] =	ssyncadd.s32 $0xFFFFE000  }
0x149: {  	s0 =	sshll.u32 s28, $0x6;
	[bflag:$0x0] =	sbarrier.arrive $0xFFFF  }
0x14a: {  	s29 =	sshrl.u32 s5, $0x3;
	s0 =	sor.u32 $0x1C05, s0;
	s30 =	rddreg [dreg:$0x1a]  }
0x14b: {  	[hbm:s30], [sflag:s0] =	dma.local [spmem:s29], $0x3100  }
0x14c: {  	_ =	swait.ge [sflag:s7], $0x3100  }
0x14d: {  	s25 =	sadd.s32 $0x1, s25;
	s31 =	rddreg [dreg:$0x1b]  }
0x14e: {  	p0 =	sne.s32 s25, s31  }
.Ltmp2:
0x14f: {  	_ = 	snop;
	(pc) =	sbr.rel @p0 .LBB2_1-.Ltmp2, $3  }
0x150: {  	_ =	sdelay $0x1  }
0x151: {  	[sflag:s7] =	ssyncset.done $0x0  }
0x152: {  	[sflag:s7] =	ssyncadd.s32 $0xFFFFCF00  }
0x153: {  	_ =	sfence.sel $0x180000  }
0x154: {  	[bflag:$0x0] =	sbarrier.arrive $0xFFFF  }
0x155: {  	_ =	strace $0x9000004A  }
0x156: {  	s0 =	stileid.u32;
	[bflag:$0x2] =	sbarrier.arrive $0xFFFF  }
0x157: {  	p0 =	sne.s32 s0, $0x0;
	s0 =	rddreg [dreg:$0x2]  }
0x158: {  	s0 =	sadd.s32 @!p0 $0x100000, s0  }
0x159: {  	[sflag:s0] =	ssyncadd.tile.s32 @!p0 $0x1;
	_ =	shalt  }
.Lfunc_end2:
_tile_overlayer_lowered:
.L_overlay_start_2:
0x15a: {  	(tag) =	ssettag $0x2  }
0x15b: {  	s0 =	rddreg [dreg:$0x0];
	s2 =	stileid.u32  }
0x15c: {  	s1 =	rddreg [dreg:$0x1];
	p0 =	sne.s32 s2, $0x0  }
0x15d: {  	s3 =	rddreg [dreg:$0x2];
	[bflag:$0x3] =	sbarrier.arrive $0xFFFF;
	s2 =	simm.s32 @!p0 $0x1C05  }
0x15e: {  	[timem:s3], [sflag:s2] =	dma.local @!p0 [hbm:s0], s1  }
0x15f: {  	s0 =	simm.s32 @!p0 $0x5  }
0x160: {  	_ =	swait.ge @!p0 [sflag:s0], s1  }
0x161: {  	s1 =	ssub.s32 @!p0 $0x0, s1;
	[sflag:s0] =	ssyncset.done @!p0 $0x0  }
0x162: {  	[sflag:s0] =	ssyncadd.s32 @!p0 s1  }
0x163: {  	[bflag:$0x3] =	sbarrier.arrive $0xFFFF  }
0x164: {  	_ =	shalt  }

// kernel: kernel.6.cloned.1.call-start
scs
__scs_entry_jumppad:
0x0: {  	(pc) =	sbr.rel $0x88, $3  }
0x1: {  	(tag) =	ssettag $0x0;
	lr =	simm.s32 $0x1  }
0x2: {  	[smem:$0x3F9B] =	sst lr;
	_ =	strace $0xD0000000  }
0x3: {  	_ = 	snop  }
0x4: {  	_ = 	snop  }
0x5: {  	_ = 	snop  }
0x6: {  	_ = 	snop  }
0x7: {  	_ = 	snop  }
__scs_overlays_trampoline_lowered:
0x8: {  	[smem:$0x3FAA] =	sst s0  }
0x9: {  	[smem:$0x3FAB] =	sst s1  }
0xa: {  	[smem:$0x3FAC] =	sst s2  }
0xb: {  	[smem:$0x3FAD] =	sst s3  }
0xc: {  	[smem:$0x3FAE] =	sst s4  }
0xd: {  	[smem:$0x3FAF] =	sst s5  }
0xe: {  	[smem:$0x3FB0] =	sst s6  }
0xf: {  	[smem:$0x3FB1] =	sst s7  }
0x10: {  	[smem:$0x3FB2] =	sst s8  }
0x11: {  	[smem:$0x3FB3] =	sst s9;
	s0 =	simm.s32 @!p0 $0x0  }
0x12: {  	s1 =	sld [smem:$0x3F99];
	s0 =	simm.s32 @p0 $0x1  }
0x13: {  	[smem:$0x3FB4] =	sst s0;
	s0 =	simm.s32 @!p1 $0x0  }
0x14: {  	s2 =	sld [smem:$0x3F98];
	s0 =	simm.s32 @p1 $0x1  }
0x15: {  	[smem:$0x3FB5] =	sst s0;
	s0 =	simm.s32 @!p2 $0x0  }
0x16: {  	s3 =	sld [smem:$0x3FDB];
	s0 =	simm.s32 @p2 $0x1  }
0x17: {  	s4 =	simm.s32 $0x1BF5;
	[smem:$0x3FB7] =	sst s0  }
0x18: {  	s0 =	sld [smem:$0x3F9A];
	_ =	swait.ge [sflag:s4], $0x0  }
0x19: {  	s7 =	sld [smem:$0x3F9B]  }
0x1a: {  	s8 =	sadd.s32 $0xFFFFE003, lr  }
0x1b: {  	s9 =	sadd.s32 $0xFFFFFEF7, lr;
	s5 =	simm.s32 $0xFFFFFFFF;
	p2 =	slt.u32 s8, $0xFFFFF086  }
0x1c: {  	p1 =	slt.u32 s9, $0xF7A;
	s5 =	simm.s32 @!p2 $0x0  }
0x1d: {  	s5 =	simm.s32 @p1 $0x1;
	p0 =	seq.s32 s7, s2  }
0x1e: {  	s7 =	smul.u32 @!p0 $0xF7A, s2;
	p2 =	seq.s32 @!p0 s5, $0x0  }
0x1f: {  	s9 =	smul.u32 $0xF7A, s1;
	s8 =	simm.s32 @!p0 $0x1BF5;
	p2 =	por !p2, p0  }
0x20: {  	[sflag:s8] =	ssyncset.s32 @!p0 $0xFFFFF086;
	s6 =	sadd.s32 @!p0 s3, s7;
	s7 =	simm.s32 @!p0 $0x108  }
0x21: {  	s3 =	sadd.s32 s3, s9;
	s6 =	sadd.s32 @!p0 $0x88, s6;
	s7 =	simm.s32 @p2 $0x1082  }
0x22: {  	[simem:s7], [sflag:s8] =	dma.local @!p0 [hbm:s6], $0xF7A  }
0x23: {  	s9 =	sor.u32 $0xD0000000, s2;
	s6 =	simm.s32 $0x108;
	_ =	swait.ge @!p0 [sflag:s8], $0x0  }
0x24: {  	s3 =	sadd.s32 $0x88, s3;
	s6 =	simm.s32 @!p1 $0x1082;
	[sflag:s4] =	ssyncset.s32 $0xFFFFF086  }
0x25: {  	[simem:s6], [sflag:s4] =	dma.local [hbm:s3], $0xF7A  }
0x26: {  	[smem:$0x3F9B] =	sst s1;
	(tag) =	ssettag s2;
	_ =	strace s9  }
0x27: {  	s1 =	sld [smem:$0x3FAB]  }
0x28: {  	s2 =	sld [smem:$0x3FAC]  }
0x29: {  	s4 =	sld [smem:$0x3FAE]  }
0x2a: {  	p0 =	seq.s32 s5, $0x0;
	s5 =	sld [smem:$0x3FAF]  }
0x2b: {  	s6 =	sld [smem:$0x3FB0]  }
0x2c: {  	s7 =	sld [smem:$0x3FB1]  }
0x2d: {  	s3 =	simm.s32 $0x108;
	s8 =	sld [smem:$0x3FB2]  }
0x2e: {  	s3 =	simm.s32 @!p0 $0x1082;
	s9 =	sld [smem:$0x3FB3]  }
0x2f: {  	lr =	sadd.s32 s0, s3;
	s0 =	sld [smem:$0x3FAA]  }
0x30: {  	s3 =	sld [smem:$0x3FAD]  }
0x31: {  	[smem:$0x3FB6] =	sst s10  }
0x32: {  	s10 =	sld [smem:$0x3FB4];
	_ =	sdelay $0x3  }
0x33: {  	p0 =	seq.s32 s10, $0x1;
	s10 =	sld [smem:$0x3FB6];
	_ =	sdelay $0x3  }
0x34: {  	[smem:$0x3FB6] =	sst s10  }
0x35: {  	s10 =	sld [smem:$0x3FB5];
	_ =	sdelay $0x3  }
0x36: {  	p1 =	seq.s32 s10, $0x1;
	s10 =	sld [smem:$0x3FB6];
	_ =	sdelay $0x3  }
0x37: {  	[smem:$0x3FB6] =	sst s10  }
0x38: {  	s10 =	sld [smem:$0x3FB7]  }
0x39: {  	_ = 	snop;
	(pc) =	sbr.ind lr, $3  }
0x3a: {  	_ = 	snop  }
0x3b: {  	_ = 	snop  }
0x3c: {  	p2 =	seq.s32 s10, $0x1;
	s10 =	sld [smem:$0x3FB6]  }
0x3d: {  	_ =	shalt  }
0x3e: {  	_ =	shalt  }
0x3f: {  	_ =	shalt  }
0x40: {  	_ =	shalt  }
0x41: {  	_ =	shalt  }
0x42: {  	_ =	shalt  }
0x43: {  	_ =	shalt  }
0x44: {  	_ =	shalt  }
0x45: {  	_ =	shalt  }
0x46: {  	_ =	shalt  }
0x47: {  	_ =	shalt  }
0x48: {  	_ =	shalt  }
0x49: {  	_ =	shalt  }
0x4a: {  	_ =	shalt  }
0x4b: {  	_ =	shalt  }
0x4c: {  	_ =	shalt  }
0x4d: {  	_ =	shalt  }
0x4e: {  	_ =	shalt  }
0x4f: {  	_ =	shalt  }
0x50: {  	_ =	shalt  }
0x51: {  	_ =	shalt  }
0x52: {  	_ =	shalt  }
0x53: {  	_ =	shalt  }
0x54: {  	_ =	shalt  }
0x55: {  	_ =	shalt  }
0x56: {  	_ =	shalt  }
0x57: {  	_ =	shalt  }
0x58: {  	_ =	shalt  }
0x59: {  	_ =	shalt  }
0x5a: {  	_ =	shalt  }
0x5b: {  	_ =	shalt  }
0x5c: {  	_ =	shalt  }
0x5d: {  	_ =	shalt  }
0x5e: {  	_ =	shalt  }
0x5f: {  	_ =	shalt  }
0x60: {  	_ =	shalt  }
0x61: {  	_ =	shalt  }
0x62: {  	_ =	shalt  }
0x63: {  	_ =	shalt  }
0x64: {  	_ =	shalt  }
0x65: {  	_ =	shalt  }
0x66: {  	_ =	shalt  }
0x67: {  	_ =	shalt  }
0x68: {  	_ =	shalt  }
0x69: {  	_ =	shalt  }
0x6a: {  	_ =	shalt  }
0x6b: {  	_ =	shalt  }
0x6c: {  	_ =	shalt  }
0x6d: {  	_ =	shalt  }
0x6e: {  	_ =	shalt  }
0x6f: {  	_ =	shalt  }
0x70: {  	_ =	shalt  }
0x71: {  	_ =	shalt  }
0x72: {  	_ =	shalt  }
0x73: {  	_ =	shalt  }
0x74: {  	_ =	shalt  }
0x75: {  	_ =	shalt  }
0x76: {  	_ =	shalt  }
0x77: {  	_ =	shalt  }
0x78: {  	_ =	shalt  }
0x79: {  	_ =	shalt  }
0x7a: {  	_ =	shalt  }
0x7b: {  	_ =	shalt  }
0x7c: {  	_ =	shalt  }
0x7d: {  	_ =	shalt  }
0x7e: {  	_ =	shalt  }
0x7f: {  	_ =	shalt  }
0x80: {  	_ =	shalt  }
0x81: {  	_ =	shalt  }
0x82: {  	_ =	shalt  }
0x83: {  	_ =	shalt  }
0x84: {  	_ =	shalt  }
0x85: {  	_ =	shalt  }
0x86: {  	_ =	shalt  }
0x87: {  	_ =	shalt  }
.Lfunc_end0:
.L_simem_size_0:
called_computation.2_lowered:
.L_overlay_start_0:
0x88: {  	s2 =	sld [smem:$0x3FD9]  }
0x89: {  	s3 =	sld [smem:$0x3FFE];
	_ =	sdelay $0x1  }
0x8a: {  	s1 =	srdreg.scid  }
0x8b: {  	s0 =	sand.u32 $0x1, s1  }
0x8c: {  	s17 =	sshll.u32 s0, $0xA;
	s2 =	sadd.s32 s3, s2  }
0x8d: {  	s2 =	sadd.s32 s2, s17  }
0x8e: {  	[smem:$0x3FC2] =	sst s2  }
0x8f: {  	_ = 	snop  }
0x90: {  	s2 =	sld [smem:$0x3FD0];
	(tm) =	ssettm $0x1  }
0x91: {  	s18 =	sld [smem:$0x3FFB];
	_ =	sdelay $0x3  }
0x92: {  	_ =	strace s18  }
0x93: {  	s3 =	sld [smem:$0x3FFC];
	_ =	sdelay $0x3  }
0x94: {  	_ =	strace s3  }
0x95: {  	s3 =	sld [smem:$0x3FFD];
	_ =	sdelay $0x3  }
0x96: {  	_ =	strace s3  }
0x97: {  	_ =	strace $0x8FFFFFFF  }
0x98: {  	s19 =	sld [smem:$0x3FDB];
	_ =	sdelay $0x1  }
0x99: {  	s4 =	simm.s32 $_scs_section_size  }
0x9a: {  	s5 =	simm.s32 $_size__tile_overlayer_lowered;
	s6 =	simm.s32 $_tile_overlayer_lowered  }
0x9b: {  	s22 =	simm.s32 $0x1BFF;
	s21 =	sshll.u32 s6, $0x1;
	s3 =	sadd.s32 s4, s19  }
0x9c: {  	s7 =	simm.s32 $0x0;
	s20 =	sshll.u32 s5, $0x1;
	s5 =	sadd.s32 s21, s3  }
0x9d: {  	[timem:s7], [sflag:s22] =	dma.local [hbm:s5], s20  }
0x9e: {  	_ =	swait.ge [sflag:s22], s20  }
0x9f: {  	s4 =	ssub.s32 $0x0, s20;
	[sflag:s22] =	ssyncset.done $0x0  }
0xa0: {  	[sflag:s22] =	ssyncadd.s32 s4;
	_ =	sdelay $0x1  }
0xa1: {  	s23 =	simm.s32 $0x1B8B  }
0xa2: {  	_ =	swait.ge [sflag:s23], $0x1  }
0xa3: {  	[sflag:s23] =	ssyncset.done $0x0  }
0xa4: {  	s25 =	simm.s32 $0x1B8E;
	s24 =	sld [smem:$0x3FFE];
	[sflag:s23] =	ssyncadd.s32 $0xFFFFFFFF  }
0xa5: {  	s26 =	simm.s32 $execute0_lowered;
	[smem:$0x3FD2] =	sst s25  }
0xa6: {  	s5 =	sshll.u32 s26, $0x1;
	_ =	strace $0x8000004C;
	[dreg:$0x1] =	wrdreg $0xFFFFFFFF  }
0xa7: {  	s28 =	simm.s32 $_size_execute0_lowered;
	s3 =	sadd.s32 s3, s5;
	[dreg:$0x0] =	wrdreg $0x0  }
0xa8: {  	s5 =	sshll.u32 s28, $0x1;
	[dreg:$0x2] =	wrdreg s3  }
0xa9: {  	[dreg:$0x3] =	wrdreg s5  }
0xaa: {  	[dreg:$0x4] =	wrdreg $0xC0  }
0xab: {  	_ =	task [dreg:s7], $0x5FFFF  }
0xac: {  	[dreg:$0x1] =	wrdreg $0xFFFFFFFF  }
0xad: {  	[dreg:$0x0] =	wrdreg $0x60  }
0xae: {  	[dreg:$0x2] =	wrdreg s24  }
0xaf: {  	[dreg:$0x3] =	wrdreg s2  }
0xb0: {  	[dreg:$0x4] =	wrdreg $0x9  }
0xb1: {  	_ =	task.clear_ibuf [dreg:s7], $0x5FFFF;
	_ =	strace $0x9000004C  }
0xb2: {  	s29 =	simm.s32 $0x9;
	_ =	strace $0x8000004E  }
0xb3: {  	_ =	swait.ge [sflag:s29], $0x1  }
0xb4: {  	[sflag:s29] =	ssyncadd.s32 $0xFFFFFFFF  }
0xb5: {  	_ =	strace $0x9000004E  }
0xb6: {  	_ =	sfence  }
0xb7: {  	s30 =	sld [smem:$0x0];
	_ =	sdelay $0x2  }
0xb8: {  	s31 =	sshll.u32 s1, $0xD;
	s1 =	sshrl.u32 s1, $0x2  }
0xb9: {  	s3 =	sand.u32 $0x4000, s31;
	s1 =	sadd.s32 s1, s30  }
0xba: {  	s0 =	sor.u32 s3, s0;
	s1 =	sshll.u32 s1, $0x11  }
0xbb: {  	s0 =	sor.u32 s1, s0  }
0xbc: {  	s0 =	sadd.s32 $0x8F2B, s0  }
0xbd: {  	[sflag:s0] =	ssyncadd.remote.s32 $0x1  }
0xbe: {  	_ =	sfence.sel $0xFFFF  }
0xbf: {  	[dreg:$0x0] =	wrdreg $0xFFFFFFFF;
	(pc) =	sbr.abs _section_cstart, $3  }
0xc0: {  	[dreg:$0x1] =	wrdreg $0xFFFFFFFF  }
0xc1: {  	_ =	task.clear_ibuf [dreg:s7], $0x2FFFF;
	_ =	strace $0x9FFFFFFF  }
0xc2: {  	(tm) =	ssettm $0x7FFFFFFF  }
0xc3: {  	_ =	shalt  }
tec
execute0_lowered:
.L_overlay_start_1:
0x0: {  	(tag) =	ssettag $0x1  }
0x1: {  	s0 =	rddreg [dreg:$0x0]  }
0x2: {  	s1 =	rddreg [dreg:$0x1]  }
0x3: {  	s3 =	srdreg.scid;
	s11 =	stileid.u32;
	s2 =	simm.s32 $0x0  }
0x4: {  	s28 =	simm.s32 $0xD200;
	s29 =	simm.s32 $0x1;
	s30 =	simm.s32 $0x2  }
0x5: {  	s31 =	simm.s32 $0x5;
	s4 =	sand.u32 $0x1, s3;
	s5 =	smul.u32 $0xC40, s11  }
0x6: {  	[smem:$0x7FF] =	sst s2;
	s6 =	sadd.s32 $0x2400, s0;
	s10 =	smul.u32 $0xC400, s11  }
0x7: {  	s7 =	sadd.s32 $0x4BC00, s0;
	s3 =	smul.u32 $0xC400, s4;
	_ =	strace $0x8000004D  }
0x8: {  	s8 =	ssub.s32 $0x2, s4;
	s9 =	smul.u32 $0xC4000, s4;
	p0 =	seq.s32 s4, $0x0  }
0x9: {  	s19 =	sshrl.u32 s8, $0x1;
	s1 =	smov.u32 @p0 s6;
	s6 =	simm.s32 $0x4  }
0xa: {  	s3 =	sadd.s32 s5, s3;
	s8 =	ssub.s32 s8, s19;
	s5 =	sadd.s32 s5, s9  }
0xb: {  	s20 =	sadd.s32 s10, s9;
	s9 =	smul.u32 $0x1880, s11;
	s3 =	sshrl.u32 s3, $0x3  }
0xc: {  	s5 =	sshrl.u32 s5, $0x3;
	s10 =	sshrl.u32 s20, $0x3;
	s0 =	sadd.s32 s3, s0  }
0xd: {  	s3 =	smul.u32 $0x188, s11;
	s4 =	sadd.s32 s7, s5;
	s21 =	sadd.s32 s7, s10  }
0xe: {  	s5 =	simm.s32 $0x3;
	s7 =	simm.s32 $0x0;
	[dreg:$0x3] =	wrdreg s21  }
0xf: {  	s22 =	sadd.s32 $0x1880, s4;
	s23 =	sadd.s32 $0x3100, s4;
	s24 =	sadd.s32 $0x4980, s4  }
0x10: {  	s25 =	sadd.s32 $0x6200, s4;
	s26 =	sadd.s32 $0x7A80, s4;
	s11 =	sadd.s32 $0x9300, s4  }
0x11: {  	s12 =	sadd.s32 $0xAB80, s4;
	s13 =	sadd.s32 $0xC400, s4;
	[dreg:$0x4] =	wrdreg s22  }
0x12: {  	s14 =	sadd.s32 $0xDC80, s4;
	s15 =	sadd.s32 $0xF500, s4;
	[dreg:$0x5] =	wrdreg s23  }
0x13: {  	s16 =	sadd.s32 $0x10D80, s4;
	s17 =	sadd.s32 $0x12600, s4;
	[dreg:$0x6] =	wrdreg s24  }
0x14: {  	s18 =	sadd.s32 $0x13E80, s4;
	s19 =	sadd.s32 $0x15700, s4;
	[dreg:$0x7] =	wrdreg s25  }
0x15: {  	s20 =	sadd.s32 $0x16F80, s4;
	s21 =	sadd.s32 $0x7CC00, s0;
	[dreg:$0x8] =	wrdreg s26  }
0x16: {  	s22 =	smax.u32 s8, $0x1;
	s23 =	sadd.s32 s1, s9;
	s24 =	sadd.s32 $0x1C0, s1  }
0x17: {  	v0 =	vimm.f32 $0.0e+00;
	v1 =	vimm.f32 $1.000000000e+00;
	s25 =	sadd.s32 $0x380, s1;
	s1 =	simm.s32 $0xEC40;
	s26 =	simm.s32 $0xF880  }
.LBB2_1:
0x18: {  	s0 =	simm.s32 $0x20  }
0x19: {  	[tilespmem:s0+$0xFFFFFFE0] =	vst v0  }
0x1a: {  	[tilespmem:s0+$0x10] =	vst v0  }
0x1b: {  	s8 =	simm.s32 $0x0;
	[tilespmem:s0+$0x0] =	vst v0  }
.LBB2_2:
0x1c: {  	s8 =	sadd.s32 $0x4, s8  }
0x1d: {  	[tilespmem:s0+$0xFFFFFFF0] =	vst v0;
	s0 =	sadd.s32 $0x40, s0;
	p0 =	slt.u32 s8, $0xC3C  }
.Ltmp0:
0x1e: {  	[tilespmem:s0+$0xFFFFFFE0] =	vst v0;
	(pc) =	sbr.rel @p0 .LBB2_2-.Ltmp0, $3  }
0x1f: {  	_ =	sdelay $0x1  }
0x20: {  	[tilespmem:s0+$0x10] =	vst v0  }
0x21: {  	[tilespmem:s0+$0x0] =	vst v0  }
0x22: {  	[tilespmem:s0+$0xFFFFFFF0] =	vst v0;
	s8 =	simm.s32 $0x0;
	s10 =	simm.s32 $0xC400  }
0x23: {  	[tilespmem:s10], [sflag:$0x1] =	stream.linear.gather [hbm4b:s23+s8], $0xE00, $0x38;
	[tilespmem:$0x104C0] =	vst v63  }
.LBB2_5:
0x24: {  	s0 =	smul.u32 $0x38, s8;
	_ =	sdelay $0x1  }
0x25: {  	s0 =	sadd.s32 s3, s0  }
0x26: {  	s9 =	sshll.u32 s0, $0x4  }
0x27: {  	s0 =	sadd.s32 s24, s9  }
0x28: {  	[tilespmem:s28], [sflag:$0x2] =	stream.linear.gather [hbm4b:s0+s2], $0xE00, $0x38;
	[tilespmem:$0x104C0] =	vst v63  }
0x29: {  	_ =	swait.ge [sflag:s29], $0xE00  }
0x2a: {  	[sflag:s29] =	ssyncset.done $0x0  }
0x2b: {  	s10 =	simm.s32 $0xC500;
	s0 =	simm.s32 $0xFFFFFFFC;
	[sflag:s29] =	ssyncadd.s32 $0xFFFFF200  }
.LBB2_6:
0x2c: {  	v2 =	vld [tilespmem:s10+$0xFFFFFF00];
	_ =	sdelay $0x7  }
0x2d: {  	[tilespmem:v2+s2+$0x0] =	vst.idx.add.f32.msk $0xffff, v1  }
0x2e: {  	v2 =	vld [tilespmem:s10+$0xFFFFFF10];
	_ =	sdelay $0x7  }
0x2f: {  	[tilespmem:v2+s2+$0x0] =	vst.idx.add.f32.msk $0xffff, v1  }
0x30: {  	v2 =	vld [tilespmem:s10+$0xFFFFFF20];
	_ =	sdelay $0x7  }
0x31: {  	[tilespmem:v2+s2+$0x0] =	vst.idx.add.f32.msk $0xffff, v1  }
0x32: {  	v2 =	vld [tilespmem:s10+$0xFFFFFF30];
	_ =	sdelay $0x7  }
0x33: {  	[tilespmem:v2+s2+$0x0] =	vst.idx.add.f32.msk $0xffff, v1  }
0x34: {  	v2 =	vld [tilespmem:s10+$0xFFFFFF40];
	_ =	sdelay $0x7  }
0x35: {  	[tilespmem:v2+s2+$0x0] =	vst.idx.add.f32.msk $0xffff, v1  }
0x36: {  	v2 =	vld [tilespmem:s10+$0xFFFFFF50];
	_ =	sdelay $0x7  }
0x37: {  	[tilespmem:v2+s2+$0x0] =	vst.idx.add.f32.msk $0xffff, v1  }
0x38: {  	v2 =	vld [tilespmem:s10+$0xFFFFFF60];
	_ =	sdelay $0x7  }
0x39: {  	[tilespmem:v2+s2+$0x0] =	vst.idx.add.f32.msk $0xffff, v1  }
0x3a: {  	v2 =	vld [tilespmem:s10+$0xFFFFFF70];
	_ =	sdelay $0x7  }
0x3b: {  	[tilespmem:v2+s2+$0x0] =	vst.idx.add.f32.msk $0xffff, v1  }
0x3c: {  	v2 =	vld [tilespmem:s10+$0xFFFFFF80];
	_ =	sdelay $0x7  }
0x3d: {  	[tilespmem:v2+s2+$0x0] =	vst.idx.add.f32.msk $0xffff, v1  }
0x3e: {  	v2 =	vld [tilespmem:s10+$0xFFFFFF90];
	_ =	sdelay $0x7  }
0x3f: {  	[tilespmem:v2+s2+$0x0] =	vst.idx.add.f32.msk $0xffff, v1  }
0x40: {  	v2 =	vld [tilespmem:s10+$0xFFFFFFA0];
	_ =	sdelay $0x7  }
0x41: {  	[tilespmem:v2+s2+$0x0] =	vst.idx.add.f32.msk $0xffff, v1  }
0x42: {  	v2 =	vld [tilespmem:s10+$0xFFFFFFB0];
	_ =	sdelay $0x7  }
0x43: {  	[tilespmem:v2+s2+$0x0] =	vst.idx.add.f32.msk $0xffff, v1  }
0x44: {  	v2 =	vld [tilespmem:s10+$0xFFFFFFC0];
	_ =	sdelay $0x7  }
0x45: {  	[tilespmem:v2+s2+$0x0] =	vst.idx.add.f32.msk $0xffff, v1  }
0x46: {  	v2 =	vld [tilespmem:s10+$0xFFFFFFD0];
	_ =	sdelay $0x7  }
0x47: {  	[tilespmem:v2+s2+$0x0] =	vst.idx.add.f32.msk $0xffff, v1  }
0x48: {  	v2 =	vld [tilespmem:s10+$0xFFFFFFE0];
	_ =	sdelay $0x7  }
0x49: {  	[tilespmem:v2+s2+$0x0] =	vst.idx.add.f32.msk $0xffff, v1  }
0x4a: {  	v2 =	vld [tilespmem:s10+$0xFFFFFFF0];
	_ =	sdelay $0x7  }
0x4b: {  	[tilespmem:v2+s2+$0x0] =	vst.idx.add.f32.msk $0xffff, v1  }
0x4c: {  	v2 =	vld [tilespmem:s10+$0x0];
	_ =	sdelay $0x7  }
0x4d: {  	[tilespmem:v2+s2+$0x0] =	vst.idx.add.f32.msk $0xffff, v1  }
0x4e: {  	v2 =	vld [tilespmem:s10+$0x10];
	_ =	sdelay $0x7  }
0x4f: {  	[tilespmem:v2+s2+$0x0] =	vst.idx.add.f32.msk $0xffff, v1  }
0x50: {  	v2 =	vld [tilespmem:s10+$0x20];
	_ =	sdelay $0x7  }
0x51: {  	[tilespmem:v2+s2+$0x0] =	vst.idx.add.f32.msk $0xffff, v1  }
0x52: {  	v2 =	vld [tilespmem:s10+$0x30];
	_ =	sdelay $0x7  }
0x53: {  	[tilespmem:v2+s2+$0x0] =	vst.idx.add.f32.msk $0xffff, v1  }
0x54: {  	v2 =	vld [tilespmem:s10+$0x40];
	_ =	sdelay $0x7  }
0x55: {  	[tilespmem:v2+s2+$0x0] =	vst.idx.add.f32.msk $0xffff, v1  }
0x56: {  	v2 =	vld [tilespmem:s10+$0x50];
	_ =	sdelay $0x7  }
0x57: {  	[tilespmem:v2+s2+$0x0] =	vst.idx.add.f32.msk $0xffff, v1  }
0x58: {  	v2 =	vld [tilespmem:s10+$0x60];
	_ =	sdelay $0x7  }
0x59: {  	[tilespmem:v2+s2+$0x0] =	vst.idx.add.f32.msk $0xffff, v1  }
0x5a: {  	v2 =	vld [tilespmem:s10+$0x70];
	_ =	sdelay $0x7  }
0x5b: {  	[tilespmem:v2+s2+$0x0] =	vst.idx.add.f32.msk $0xffff, v1  }
0x5c: {  	v2 =	vld [tilespmem:s10+$0x80];
	_ =	sdelay $0x7  }
0x5d: {  	[tilespmem:v2+s2+$0x0] =	vst.idx.add.f32.msk $0xffff, v1  }
0x5e: {  	v2 =	vld [tilespmem:s10+$0x90];
	_ =	sdelay $0x7  }
0x5f: {  	[tilespmem:v2+s2+$0x0] =	vst.idx.add.f32.msk $0xffff, v1  }
0x60: {  	v2 =	vld [tilespmem:s10+$0xA0];
	_ =	sdelay $0x7  }
0x61: {  	[tilespmem:v2+s2+$0x0] =	vst.idx.add.f32.msk $0xffff, v1  }
0x62: {  	v2 =	vld [tilespmem:s10+$0xB0];
	_ =	sdelay $0x7  }
0x63: {  	[tilespmem:v2+s2+$0x0] =	vst.idx.add.f32.msk $0xffff, v1  }
0x64: {  	v2 =	vld [tilespmem:s10+$0xC0];
	_ =	sdelay $0x7  }
0x65: {  	[tilespmem:v2+s2+$0x0] =	vst.idx.add.f32.msk $0xffff, v1  }
0x66: {  	v2 =	vld [tilespmem:s10+$0xD0];
	_ =	sdelay $0x7  }
0x67: {  	[tilespmem:v2+s2+$0x0] =	vst.idx.add.f32.msk $0xffff, v1  }
0x68: {  	v2 =	vld [tilespmem:s10+$0xE0];
	_ =	sdelay $0x7  }
0x69: {  	[tilespmem:v2+s2+$0x0] =	vst.idx.add.f32.msk $0xffff, v1  }
0x6a: {  	v2 =	vld [tilespmem:s10+$0xF0];
	_ =	sdelay $0x1  }
0x6b: {  	s0 =	sadd.s32 $0x4, s0  }
0x6c: {  	p0 =	slt.u32 s0, $0x18  }
.Ltmp1:
0x6d: {  	_ = 	snop;
	(pc) =	sbr.rel @p0 .LBB2_6-.Ltmp1, $2  }
0x6e: {  	_ =	sdelay $0x2  }
0x6f: {  	s10 =	sadd.s32 $0x200, s10;
	[tilespmem:v2+s2+$0x0] =	vst.idx.add.f32.msk $0xffff, v1  }
0x70: {  	p0 =	seq.s32 s8, $0x6  }
0x71: {  	s0 =	sadd.s32 @!p0 s25, s9;
	s9 =	simm.s32 @!p0 $0x0;
	s10 =	simm.s32 @!p0 $0xC400  }
0x72: {  	[tilespmem:s10], [sflag:$0x1] =	stream.linear.gather @!p0 [hbm4b:s0+s9], $0xE00, $0x38;
	[tilespmem:$0x104C0] =	vst v63  }
0x73: {  	_ =	swait.ge [sflag:s30], $0xE00  }
0x74: {  	s8 =	sadd.s32 $0x1, s8;
	[sflag:s30] =	ssyncset.done $0x0  }
0x75: {  	s0 =	simm.s32 $0xFFFFFFFC;
	s9 =	simm.s32 $0xD300;
	[sflag:s30] =	ssyncadd.s32 $0xFFFFF200  }
.LBB2_8:
0x76: {  	v2 =	vld [tilespmem:s9+$0xFFFFFF00];
	_ =	sdelay $0x7  }
0x77: {  	[tilespmem:v2+s2+$0x0] =	vst.idx.add.f32.msk $0xffff, v1  }
0x78: {  	v2 =	vld [tilespmem:s9+$0xFFFFFF10];
	_ =	sdelay $0x7  }
0x79: {  	[tilespmem:v2+s2+$0x0] =	vst.idx.add.f32.msk $0xffff, v1  }
0x7a: {  	v2 =	vld [tilespmem:s9+$0xFFFFFF20];
	_ =	sdelay $0x7  }
0x7b: {  	[tilespmem:v2+s2+$0x0] =	vst.idx.add.f32.msk $0xffff, v1  }
0x7c: {  	v2 =	vld [tilespmem:s9+$0xFFFFFF30];
	_ =	sdelay $0x7  }
0x7d: {  	[tilespmem:v2+s2+$0x0] =	vst.idx.add.f32.msk $0xffff, v1  }
0x7e: {  	v2 =	vld [tilespmem:s9+$0xFFFFFF40];
	_ =	sdelay $0x7  }
0x7f: {  	[tilespmem:v2+s2+$0x0] =	vst.idx.add.f32.msk $0xffff, v1  }
0x80: {  	v2 =	vld [tilespmem:s9+$0xFFFFFF50];
	_ =	sdelay $0x7  }
0x81: {  	[tilespmem:v2+s2+$0x0] =	vst.idx.add.f32.msk $0xffff, v1  }
0x82: {  	v2 =	vld [tilespmem:s9+$0xFFFFFF60];
	_ =	sdelay $0x7  }
0x83: {  	[tilespmem:v2+s2+$0x0] =	vst.idx.add.f32.msk $0xffff, v1  }
0x84: {  	v2 =	vld [tilespmem:s9+$0xFFFFFF70];
	_ =	sdelay $0x7  }
0x85: {  	[tilespmem:v2+s2+$0x0] =	vst.idx.add.f32.msk $0xffff, v1  }
0x86: {  	v2 =	vld [tilespmem:s9+$0xFFFFFF80];
	_ =	sdelay $0x7  }
0x87: {  	[tilespmem:v2+s2+$0x0] =	vst.idx.add.f32.msk $0xffff, v1  }
0x88: {  	v2 =	vld [tilespmem:s9+$0xFFFFFF90];
	_ =	sdelay $0x7  }
0x89: {  	[tilespmem:v2+s2+$0x0] =	vst.idx.add.f32.msk $0xffff, v1  }
0x8a: {  	v2 =	vld [tilespmem:s9+$0xFFFFFFA0];
	_ =	sdelay $0x7  }
0x8b: {  	[tilespmem:v2+s2+$0x0] =	vst.idx.add.f32.msk $0xffff, v1  }
0x8c: {  	v2 =	vld [tilespmem:s9+$0xFFFFFFB0];
	_ =	sdelay $0x7  }
0x8d: {  	[tilespmem:v2+s2+$0x0] =	vst.idx.add.f32.msk $0xffff, v1  }
0x8e: {  	v2 =	vld [tilespmem:s9+$0xFFFFFFC0];
	_ =	sdelay $0x7  }
0x8f: {  	[tilespmem:v2+s2+$0x0] =	vst.idx.add.f32.msk $0xffff, v1  }
0x90: {  	v2 =	vld [tilespmem:s9+$0xFFFFFFD0];
	_ =	sdelay $0x7  }
0x91: {  	[tilespmem:v2+s2+$0x0] =	vst.idx.add.f32.msk $0xffff, v1  }
0x92: {  	v2 =	vld [tilespmem:s9+$0xFFFFFFE0];
	_ =	sdelay $0x7  }
0x93: {  	[tilespmem:v2+s2+$0x0] =	vst.idx.add.f32.msk $0xffff, v1  }
0x94: {  	v2 =	vld [tilespmem:s9+$0xFFFFFFF0];
	_ =	sdelay $0x7  }
0x95: {  	[tilespmem:v2+s2+$0x0] =	vst.idx.add.f32.msk $0xffff, v1  }
0x96: {  	v2 =	vld [tilespmem:s9+$0x0];
	_ =	sdelay $0x7  }
0x97: {  	[tilespmem:v2+s2+$0x0] =	vst.idx.add.f32.msk $0xffff, v1  }
0x98: {  	v2 =	vld [tilespmem:s9+$0x10];
	_ =	sdelay $0x7  }
0x99: {  	[tilespmem:v2+s2+$0x0] =	vst.idx.add.f32.msk $0xffff, v1  }
0x9a: {  	v2 =	vld [tilespmem:s9+$0x20];
	_ =	sdelay $0x7  }
0x9b: {  	[tilespmem:v2+s2+$0x0] =	vst.idx.add.f32.msk $0xffff, v1  }
0x9c: {  	v2 =	vld [tilespmem:s9+$0x30];
	_ =	sdelay $0x7  }
0x9d: {  	[tilespmem:v2+s2+$0x0] =	vst.idx.add.f32.msk $0xffff, v1  }
0x9e: {  	v2 =	vld [tilespmem:s9+$0x40];
	_ =	sdelay $0x7  }
0x9f: {  	[tilespmem:v2+s2+$0x0] =	vst.idx.add.f32.msk $0xffff, v1  }
0xa0: {  	v2 =	vld [tilespmem:s9+$0x50];
	_ =	sdelay $0x7  }
0xa1: {  	[tilespmem:v2+s2+$0x0] =	vst.idx.add.f32.msk $0xffff, v1  }
0xa2: {  	v2 =	vld [tilespmem:s9+$0x60];
	_ =	sdelay $0x7  }
0xa3: {  	[tilespmem:v2+s2+$0x0] =	vst.idx.add.f32.msk $0xffff, v1  }
0xa4: {  	v2 =	vld [tilespmem:s9+$0x70];
	_ =	sdelay $0x7  }
0xa5: {  	[tilespmem:v2+s2+$0x0] =	vst.idx.add.f32.msk $0xffff, v1  }
0xa6: {  	v2 =	vld [tilespmem:s9+$0x80];
	_ =	sdelay $0x7  }
0xa7: {  	[tilespmem:v2+s2+$0x0] =	vst.idx.add.f32.msk $0xffff, v1  }
0xa8: {  	v2 =	vld [tilespmem:s9+$0x90];
	_ =	sdelay $0x7  }
0xa9: {  	[tilespmem:v2+s2+$0x0] =	vst.idx.add.f32.msk $0xffff, v1  }
0xaa: {  	v2 =	vld [tilespmem:s9+$0xA0];
	_ =	sdelay $0x7  }
0xab: {  	[tilespmem:v2+s2+$0x0] =	vst.idx.add.f32.msk $0xffff, v1  }
0xac: {  	v2 =	vld [tilespmem:s9+$0xB0];
	_ =	sdelay $0x7  }
0xad: {  	[tilespmem:v2+s2+$0x0] =	vst.idx.add.f32.msk $0xffff, v1  }
0xae: {  	v2 =	vld [tilespmem:s9+$0xC0];
	_ =	sdelay $0x7  }
0xaf: {  	[tilespmem:v2+s2+$0x0] =	vst.idx.add.f32.msk $0xffff, v1  }
0xb0: {  	v2 =	vld [tilespmem:s9+$0xD0];
	_ =	sdelay $0x7  }
0xb1: {  	[tilespmem:v2+s2+$0x0] =	vst.idx.add.f32.msk $0xffff, v1  }
0xb2: {  	v2 =	vld [tilespmem:s9+$0xE0];
	_ =	sdelay $0x7  }
0xb3: {  	[tilespmem:v2+s2+$0x0] =	vst.idx.add.f32.msk $0xffff, v1  }
0xb4: {  	v2 =	vld [tilespmem:s9+$0xF0];
	_ =	sdelay $0x1  }
0xb5: {  	s0 =	sadd.s32 $0x4, s0  }
0xb6: {  	p0 =	slt.u32 s0, $0x18  }
.Ltmp2:
0xb7: {  	_ = 	snop;
	(pc) =	sbr.rel @p0 .LBB2_8-.Ltmp2, $2  }
0xb8: {  	_ =	sdelay $0x2  }
0xb9: {  	s9 =	sadd.s32 $0x200, s9;
	[tilespmem:v2+s2+$0x0] =	vst.idx.add.f32.msk $0xffff, v1  }
0xba: {  	p0 =	seq.s32 s8, $0x7  }
.Ltmp3:
0xbb: {  	_ = 	snop;
	(pc) =	sbr.rel @!p0 .LBB2_5-.Ltmp3, $1  }
0xbc: {  	_ =	sdelay $0x3  }
0xbd: {  	s0 =	rddreg [dreg:$0x3]  }
0xbe: {  	[hbm4b:s0+s2] =	stream.linear.scatter [tilespmem:s2], [sflag:$0x5], $0xC400, $0x38;
	[tilespmem:$0x104C0] =	vst v63  }
0xbf: {  	_ =	swait.ge [sflag:s31], $0xC400  }
0xc0: {  	[sflag:s31] =	ssyncset.done $0x0  }
0xc1: {  	[sflag:s31] =	ssyncadd.s32 $0xFFFF3C00  }
0xc2: {  	s8 =	simm.s32 $0xE000;
	[bflag:$0x0] =	sbarrier.arrive $0xFFFF  }
0xc3: {  	[tilespmem:s8], [sflag:$0x5] =	stream.linear.gather [hbm4b:s4+s2], $0xC40, $0x38;
	[tilespmem:$0x104C0] =	vst v63  }
0xc4: {  	_ =	swait.ge [sflag:s31], $0xC40  }
0xc5: {  	[sflag:s31] =	ssyncset.done $0x0  }
0xc6: {  	s9 =	rddreg [dreg:$0x4];
	[sflag:s31] =	ssyncadd.s32 $0xFFFFF3C0  }
0xc7: {  	[tilespmem:s1], [sflag:$0x3] =	stream.linear.gather [hbm4b:s9+s2], $0xC40, $0x38;
	[tilespmem:$0x104C0] =	vst v63  }
0xc8: {  	s10 =	rddreg [dreg:$0x5]  }
0xc9: {  	[tilespmem:s26], [sflag:$0x4] =	stream.linear.gather [hbm4b:s10+s2], $0xC40, $0x38;
	[tilespmem:$0x104C0] =	vst v63  }
0xca: {  	_ =	swait.ge [sflag:s5], $0xC40  }
0xcb: {  	[sflag:s5] =	ssyncset.done $0x0  }
0xcc: {  	s8 =	simm.s32 $0xE020;
	[sflag:s5] =	ssyncadd.s32 $0xFFFFF3C0  }
0xcd: {  	s9 =	simm.s32 $0xEC60;
	v2 =	vld [tilespmem:s8+$0xFFFFFFE0]  }
0xce: {  	v3 =	vld [tilespmem:s9+$0xFFFFFFE0];
	_ =	sdelay $0x4  }
0xcf: {  	v2 =	vadd.f32 v3, v2;
	_ =	sdelay $0x1  }
0xd0: {  	[tilespmem:s8+$0xFFFFFFE0] =	vst v2;
	v2 =	vld [tilespmem:s8+$0xFFFFFFF0]  }
0xd1: {  	v3 =	vld [tilespmem:s9+$0xFFFFFFF0];
	_ =	sdelay $0x4  }
0xd2: {  	v2 =	vadd.f32 v3, v2;
	_ =	sdelay $0x1  }
0xd3: {  	[tilespmem:s8+$0xFFFFFFF0] =	vst v2;
	v2 =	vld [tilespmem:s8+$0x0]  }
0xd4: {  	v3 =	vld [tilespmem:s9+$0x0];
	_ =	sdelay $0x4  }
0xd5: {  	v2 =	vadd.f32 v3, v2;
	_ =	sdelay $0x1  }
0xd6: {  	[tilespmem:s8+$0x0] =	vst v2;
	v2 =	vld [tilespmem:s8+$0x10]  }
0xd7: {  	v3 =	vld [tilespmem:s9+$0x10];
	_ =	sdelay $0x4  }
0xd8: {  	v2 =	vadd.f32 v3, v2  }
0xd9: {  	s0 =	simm.s32 $0x0;
	s10 =	simm.s32 $0xE060  }
.LBB2_10:
0xda: {  	v3 =	vld [tilespmem:s10+$0xFFFFFFE0];
	[tilespmem:s8+$0x10] =	vst v2;
	s9 =	sadd.s32 $0x40, s9;
	s8 =	smov.u32 s10  }
0xdb: {  	s0 =	sadd.s32 $0x4, s0;
	v2 =	vld [tilespmem:s9+$0xFFFFFFE0]  }
0xdc: {  	p0 =	slt.u32 s0, $0xC0;
	_ =	sdelay $0x3  }
0xdd: {  	v2 =	vadd.f32 v2, v3;
	_ =	sdelay $0x1  }
0xde: {  	[tilespmem:s10+$0xFFFFFFE0] =	vst v2;
	v2 =	vld [tilespmem:s10+$0xFFFFFFF0]  }
0xdf: {  	v3 =	vld [tilespmem:s9+$0xFFFFFFF0];
	_ =	sdelay $0x4  }
0xe0: {  	v2 =	vadd.f32 v3, v2;
	_ =	sdelay $0x1  }
0xe1: {  	[tilespmem:s10+$0xFFFFFFF0] =	vst v2;
	v2 =	vld [tilespmem:s10+$0x0]  }
0xe2: {  	v3 =	vld [tilespmem:s9+$0x0];
	_ =	sdelay $0x4  }
0xe3: {  	v2 =	vadd.f32 v3, v2;
	_ =	sdelay $0x1  }
0xe4: {  	[tilespmem:s10+$0x0] =	vst v2;
	v2 =	vld [tilespmem:s10+$0x10]  }
0xe5: {  	v3 =	vld [tilespmem:s9+$0x10];
	_ =	sdelay $0x1  }
.Ltmp4:
0xe6: {  	(pc) =	sbr.rel @p0 .LBB2_10-.Ltmp4, $3  }
0xe7: {  	_ =	sdelay $0x1  }
0xe8: {  	v2 =	vadd.f32 v3, v2  }
0xe9: {  	s10 =	sadd.s32 $0x40, s10  }
0xea: {  	[tilespmem:s8+$0x10] =	vst v2;
	s0 =	rddreg [dreg:$0x6]  }
0xeb: {  	[tilespmem:s1], [sflag:$0x3] =	stream.linear.gather [hbm4b:s0+s2], $0xC40, $0x38;
	[tilespmem:$0x104C0] =	vst v63  }
0xec: {  	_ =	swait.ge [sflag:s6], $0xC40  }
0xed: {  	[sflag:s6] =	ssyncset.done $0x0  }
0xee: {  	s8 =	simm.s32 $0xE020;
	[sflag:s6] =	ssyncadd.s32 $0xFFFFF3C0  }
0xef: {  	s9 =	simm.s32 $0xF8A0;
	v2 =	vld [tilespmem:s8+$0xFFFFFFE0]  }
0xf0: {  	v3 =	vld [tilespmem:s9+$0xFFFFFFE0];
	_ =	sdelay $0x4  }
0xf1: {  	v2 =	vadd.f32 v3, v2;
	_ =	sdelay $0x1  }
0xf2: {  	[tilespmem:s8+$0xFFFFFFE0] =	vst v2;
	v2 =	vld [tilespmem:s8+$0xFFFFFFF0]  }
0xf3: {  	v3 =	vld [tilespmem:s9+$0xFFFFFFF0];
	_ =	sdelay $0x4  }
0xf4: {  	v2 =	vadd.f32 v3, v2;
	_ =	sdelay $0x1  }
0xf5: {  	[tilespmem:s8+$0xFFFFFFF0] =	vst v2;
	v2 =	vld [tilespmem:s8+$0x0]  }
0xf6: {  	v3 =	vld [tilespmem:s9+$0x0];
	_ =	sdelay $0x4  }
0xf7: {  	v2 =	vadd.f32 v3, v2;
	_ =	sdelay $0x1  }
0xf8: {  	[tilespmem:s8+$0x0] =	vst v2;
	v2 =	vld [tilespmem:s8+$0x10]  }
0xf9: {  	v3 =	vld [tilespmem:s9+$0x10];
	_ =	sdelay $0x4  }
0xfa: {  	v2 =	vadd.f32 v3, v2  }
0xfb: {  	s10 =	simm.s32 $0xE060;
	s0 =	simm.s32 $0x0  }
.LBB2_12:
0xfc: {  	v3 =	vld [tilespmem:s10+$0xFFFFFFE0];
	[tilespmem:s8+$0x10] =	vst v2;
	s9 =	sadd.s32 $0x40, s9;
	s8 =	smov.u32 s10  }
0xfd: {  	s0 =	sadd.s32 $0x4, s0;
	v2 =	vld [tilespmem:s9+$0xFFFFFFE0]  }
0xfe: {  	p0 =	slt.u32 s0, $0xC0;
	_ =	sdelay $0x3  }
0xff: {  	v2 =	vadd.f32 v2, v3;
	_ =	sdelay $0x1  }
0x100: {  	[tilespmem:s10+$0xFFFFFFE0] =	vst v2;
	v2 =	vld [tilespmem:s10+$0xFFFFFFF0]  }
0x101: {  	v3 =	vld [tilespmem:s9+$0xFFFFFFF0];
	_ =	sdelay $0x4  }
0x102: {  	v2 =	vadd.f32 v3, v2;
	_ =	sdelay $0x1  }
0x103: {  	[tilespmem:s10+$0xFFFFFFF0] =	vst v2;
	v2 =	vld [tilespmem:s10+$0x0]  }
0x104: {  	v3 =	vld [tilespmem:s9+$0x0];
	_ =	sdelay $0x4  }
0x105: {  	v2 =	vadd.f32 v3, v2;
	_ =	sdelay $0x1  }
0x106: {  	[tilespmem:s10+$0x0] =	vst v2;
	v2 =	vld [tilespmem:s10+$0x10]  }
0x107: {  	v3 =	vld [tilespmem:s9+$0x10];
	_ =	sdelay $0x1  }
.Ltmp5:
0x108: {  	(pc) =	sbr.rel @p0 .LBB2_12-.Ltmp5, $3  }
0x109: {  	_ =	sdelay $0x1  }
0x10a: {  	v2 =	vadd.f32 v3, v2  }
0x10b: {  	s10 =	sadd.s32 $0x40, s10  }
0x10c: {  	[tilespmem:s8+$0x10] =	vst v2;
	s0 =	rddreg [dreg:$0x7]  }
0x10d: {  	[tilespmem:s26], [sflag:$0x4] =	stream.linear.gather [hbm4b:s0+s2], $0xC40, $0x38;
	[tilespmem:$0x104C0] =	vst v63  }
0x10e: {  	_ =	swait.ge [sflag:s5], $0xC40  }
0x10f: {  	[sflag:s5] =	ssyncset.done $0x0  }
0x110: {  	s8 =	simm.s32 $0xE020;
	[sflag:s5] =	ssyncadd.s32 $0xFFFFF3C0  }
0x111: {  	s9 =	simm.s32 $0xEC60;
	v2 =	vld [tilespmem:s8+$0xFFFFFFE0]  }
0x112: {  	v3 =	vld [tilespmem:s9+$0xFFFFFFE0];
	_ =	sdelay $0x4  }
0x113: {  	v2 =	vadd.f32 v3, v2;
	_ =	sdelay $0x1  }
0x114: {  	[tilespmem:s8+$0xFFFFFFE0] =	vst v2;
	v2 =	vld [tilespmem:s8+$0xFFFFFFF0]  }
0x115: {  	v3 =	vld [tilespmem:s9+$0xFFFFFFF0];
	_ =	sdelay $0x4  }
0x116: {  	v2 =	vadd.f32 v3, v2;
	_ =	sdelay $0x1  }
0x117: {  	[tilespmem:s8+$0xFFFFFFF0] =	vst v2;
	v2 =	vld [tilespmem:s8+$0x0]  }
0x118: {  	v3 =	vld [tilespmem:s9+$0x0];
	_ =	sdelay $0x4  }
0x119: {  	v2 =	vadd.f32 v3, v2;
	_ =	sdelay $0x1  }
0x11a: {  	[tilespmem:s8+$0x0] =	vst v2;
	v2 =	vld [tilespmem:s8+$0x10]  }
0x11b: {  	v3 =	vld [tilespmem:s9+$0x10];
	_ =	sdelay $0x4  }
0x11c: {  	v2 =	vadd.f32 v3, v2  }
0x11d: {  	s10 =	simm.s32 $0xE060;
	s0 =	simm.s32 $0x0  }
.LBB2_14:
0x11e: {  	v3 =	vld [tilespmem:s10+$0xFFFFFFE0];
	[tilespmem:s8+$0x10] =	vst v2;
	s9 =	sadd.s32 $0x40, s9;
	s8 =	smov.u32 s10  }
0x11f: {  	s0 =	sadd.s32 $0x4, s0;
	v2 =	vld [tilespmem:s9+$0xFFFFFFE0]  }
0x120: {  	p0 =	slt.u32 s0, $0xC0;
	_ =	sdelay $0x3  }
0x121: {  	v2 =	vadd.f32 v2, v3;
	_ =	sdelay $0x1  }
0x122: {  	[tilespmem:s10+$0xFFFFFFE0] =	vst v2;
	v2 =	vld [tilespmem:s10+$0xFFFFFFF0]  }
0x123: {  	v3 =	vld [tilespmem:s9+$0xFFFFFFF0];
	_ =	sdelay $0x4  }
0x124: {  	v2 =	vadd.f32 v3, v2;
	_ =	sdelay $0x1  }
0x125: {  	[tilespmem:s10+$0xFFFFFFF0] =	vst v2;
	v2 =	vld [tilespmem:s10+$0x0]  }
0x126: {  	v3 =	vld [tilespmem:s9+$0x0];
	_ =	sdelay $0x4  }
0x127: {  	v2 =	vadd.f32 v3, v2;
	_ =	sdelay $0x1  }
0x128: {  	[tilespmem:s10+$0x0] =	vst v2;
	v2 =	vld [tilespmem:s10+$0x10]  }
0x129: {  	v3 =	vld [tilespmem:s9+$0x10];
	_ =	sdelay $0x1  }
.Ltmp6:
0x12a: {  	(pc) =	sbr.rel @p0 .LBB2_14-.Ltmp6, $3  }
0x12b: {  	_ =	sdelay $0x1  }
0x12c: {  	v2 =	vadd.f32 v3, v2  }
0x12d: {  	s10 =	sadd.s32 $0x40, s10  }
0x12e: {  	[tilespmem:s8+$0x10] =	vst v2;
	s0 =	rddreg [dreg:$0x8]  }
0x12f: {  	[tilespmem:s1], [sflag:$0x3] =	stream.linear.gather [hbm4b:s0+s2], $0xC40, $0x38;
	[tilespmem:$0x104C0] =	vst v63  }
0x130: {  	_ =	swait.ge [sflag:s6], $0xC40  }
0x131: {  	[sflag:s6] =	ssyncset.done $0x0  }
0x132: {  	s8 =	simm.s32 $0xE020;
	[sflag:s6] =	ssyncadd.s32 $0xFFFFF3C0  }
0x133: {  	s9 =	simm.s32 $0xF8A0;
	v2 =	vld [tilespmem:s8+$0xFFFFFFE0]  }
0x134: {  	v3 =	vld [tilespmem:s9+$0xFFFFFFE0];
	_ =	sdelay $0x4  }
0x135: {  	v2 =	vadd.f32 v3, v2;
	_ =	sdelay $0x1  }
0x136: {  	[tilespmem:s8+$0xFFFFFFE0] =	vst v2;
	v2 =	vld [tilespmem:s8+$0xFFFFFFF0]  }
0x137: {  	v3 =	vld [tilespmem:s9+$0xFFFFFFF0];
	_ =	sdelay $0x4  }
0x138: {  	v2 =	vadd.f32 v3, v2;
	_ =	sdelay $0x1  }
0x139: {  	[tilespmem:s8+$0xFFFFFFF0] =	vst v2;
	v2 =	vld [tilespmem:s8+$0x0]  }
0x13a: {  	v3 =	vld [tilespmem:s9+$0x0];
	_ =	sdelay $0x4  }
0x13b: {  	v2 =	vadd.f32 v3, v2;
	_ =	sdelay $0x1  }
0x13c: {  	[tilespmem:s8+$0x0] =	vst v2;
	v2 =	vld [tilespmem:s8+$0x10]  }
0x13d: {  	v3 =	vld [tilespmem:s9+$0x10];
	_ =	sdelay $0x4  }
0x13e: {  	v2 =	vadd.f32 v3, v2  }
0x13f: {  	s10 =	simm.s32 $0xE060;
	s0 =	simm.s32 $0x0  }
.LBB2_16:
0x140: {  	v3 =	vld [tilespmem:s10+$0xFFFFFFE0];
	[tilespmem:s8+$0x10] =	vst v2;
	s9 =	sadd.s32 $0x40, s9;
	s8 =	smov.u32 s10  }
0x141: {  	s0 =	sadd.s32 $0x4, s0;
	v2 =	vld [tilespmem:s9+$0xFFFFFFE0]  }
0x142: {  	p0 =	slt.u32 s0, $0xC0;
	_ =	sdelay $0x3  }
0x143: {  	v2 =	vadd.f32 v2, v3;
	_ =	sdelay $0x1  }
0x144: {  	[tilespmem:s10+$0xFFFFFFE0] =	vst v2;
	v2 =	vld [tilespmem:s10+$0xFFFFFFF0]  }
0x145: {  	v3 =	vld [tilespmem:s9+$0xFFFFFFF0];
	_ =	sdelay $0x4  }
0x146: {  	v2 =	vadd.f32 v3, v2;
	_ =	sdelay $0x1  }
0x147: {  	[tilespmem:s10+$0xFFFFFFF0] =	vst v2;
	v2 =	vld [tilespmem:s10+$0x0]  }
0x148: {  	v3 =	vld [tilespmem:s9+$0x0];
	_ =	sdelay $0x4  }
0x149: {  	v2 =	vadd.f32 v3, v2;
	_ =	sdelay $0x1  }
0x14a: {  	[tilespmem:s10+$0x0] =	vst v2;
	v2 =	vld [tilespmem:s10+$0x10]  }
0x14b: {  	v3 =	vld [tilespmem:s9+$0x10];
	_ =	sdelay $0x1  }
.Ltmp7:
0x14c: {  	(pc) =	sbr.rel @p0 .LBB2_16-.Ltmp7, $3  }
0x14d: {  	_ =	sdelay $0x1  }
0x14e: {  	v2 =	vadd.f32 v3, v2  }
0x14f: {  	s10 =	sadd.s32 $0x40, s10  }
0x150: {  	[tilespmem:s8+$0x10] =	vst v2  }
0x151: {  	[tilespmem:s26], [sflag:$0x4] =	stream.linear.gather [hbm4b:s11+s2], $0xC40, $0x38;
	[tilespmem:$0x104C0] =	vst v63  }
0x152: {  	_ =	swait.ge [sflag:s5], $0xC40  }
0x153: {  	[sflag:s5] =	ssyncset.done $0x0  }
0x154: {  	s8 =	simm.s32 $0xE020;
	[sflag:s5] =	ssyncadd.s32 $0xFFFFF3C0  }
0x155: {  	s9 =	simm.s32 $0xEC60;
	v2 =	vld [tilespmem:s8+$0xFFFFFFE0]  }
0x156: {  	v3 =	vld [tilespmem:s9+$0xFFFFFFE0];
	_ =	sdelay $0x4  }
0x157: {  	v2 =	vadd.f32 v3, v2;
	_ =	sdelay $0x1  }
0x158: {  	[tilespmem:s8+$0xFFFFFFE0] =	vst v2;
	v2 =	vld [tilespmem:s8+$0xFFFFFFF0]  }
0x159: {  	v3 =	vld [tilespmem:s9+$0xFFFFFFF0];
	_ =	sdelay $0x4  }
0x15a: {  	v2 =	vadd.f32 v3, v2;
	_ =	sdelay $0x1  }
0x15b: {  	[tilespmem:s8+$0xFFFFFFF0] =	vst v2;
	v2 =	vld [tilespmem:s8+$0x0]  }
0x15c: {  	v3 =	vld [tilespmem:s9+$0x0];
	_ =	sdelay $0x4  }
0x15d: {  	v2 =	vadd.f32 v3, v2;
	_ =	sdelay $0x1  }
0x15e: {  	[tilespmem:s8+$0x0] =	vst v2;
	v2 =	vld [tilespmem:s8+$0x10]  }
0x15f: {  	v3 =	vld [tilespmem:s9+$0x10];
	_ =	sdelay $0x4  }
0x160: {  	v2 =	vadd.f32 v3, v2  }
0x161: {  	s0 =	simm.s32 $0x0;
	s10 =	simm.s32 $0xE060  }
.LBB2_18:
0x162: {  	v3 =	vld [tilespmem:s10+$0xFFFFFFE0];
	[tilespmem:s8+$0x10] =	vst v2;
	s9 =	sadd.s32 $0x40, s9;
	s8 =	smov.u32 s10  }
0x163: {  	s0 =	sadd.s32 $0x4, s0;
	v2 =	vld [tilespmem:s9+$0xFFFFFFE0]  }
0x164: {  	p0 =	slt.u32 s0, $0xC0;
	_ =	sdelay $0x3  }
0x165: {  	v2 =	vadd.f32 v2, v3;
	_ =	sdelay $0x1  }
0x166: {  	[tilespmem:s10+$0xFFFFFFE0] =	vst v2;
	v2 =	vld [tilespmem:s10+$0xFFFFFFF0]  }
0x167: {  	v3 =	vld [tilespmem:s9+$0xFFFFFFF0];
	_ =	sdelay $0x4  }
0x168: {  	v2 =	vadd.f32 v3, v2;
	_ =	sdelay $0x1  }
0x169: {  	[tilespmem:s10+$0xFFFFFFF0] =	vst v2;
	v2 =	vld [tilespmem:s10+$0x0]  }
0x16a: {  	v3 =	vld [tilespmem:s9+$0x0];
	_ =	sdelay $0x4  }
0x16b: {  	v2 =	vadd.f32 v3, v2;
	_ =	sdelay $0x1  }
0x16c: {  	[tilespmem:s10+$0x0] =	vst v2;
	v2 =	vld [tilespmem:s10+$0x10]  }
0x16d: {  	v3 =	vld [tilespmem:s9+$0x10];
	_ =	sdelay $0x1  }
.Ltmp8:
0x16e: {  	(pc) =	sbr.rel @p0 .LBB2_18-.Ltmp8, $3  }
0x16f: {  	_ =	sdelay $0x1  }
0x170: {  	v2 =	vadd.f32 v3, v2  }
0x171: {  	s10 =	sadd.s32 $0x40, s10  }
0x172: {  	[tilespmem:s8+$0x10] =	vst v2  }
0x173: {  	[tilespmem:s1], [sflag:$0x3] =	stream.linear.gather [hbm4b:s12+s2], $0xC40, $0x38;
	[tilespmem:$0x104C0] =	vst v63  }
0x174: {  	_ =	swait.ge [sflag:s6], $0xC40  }
0x175: {  	[sflag:s6] =	ssyncset.done $0x0  }
0x176: {  	s8 =	simm.s32 $0xE020;
	[sflag:s6] =	ssyncadd.s32 $0xFFFFF3C0  }
0x177: {  	s9 =	simm.s32 $0xF8A0;
	v2 =	vld [tilespmem:s8+$0xFFFFFFE0]  }
0x178: {  	v3 =	vld [tilespmem:s9+$0xFFFFFFE0];
	_ =	sdelay $0x4  }
0x179: {  	v2 =	vadd.f32 v3, v2;
	_ =	sdelay $0x1  }
0x17a: {  	[tilespmem:s8+$0xFFFFFFE0] =	vst v2;
	v2 =	vld [tilespmem:s8+$0xFFFFFFF0]  }
0x17b: {  	v3 =	vld [tilespmem:s9+$0xFFFFFFF0];
	_ =	sdelay $0x4  }
0x17c: {  	v2 =	vadd.f32 v3, v2;
	_ =	sdelay $0x1  }
0x17d: {  	[tilespmem:s8+$0xFFFFFFF0] =	vst v2;
	v2 =	vld [tilespmem:s8+$0x0]  }
0x17e: {  	v3 =	vld [tilespmem:s9+$0x0];
	_ =	sdelay $0x4  }
0x17f: {  	v2 =	vadd.f32 v3, v2;
	_ =	sdelay $0x1  }
0x180: {  	[tilespmem:s8+$0x0] =	vst v2;
	v2 =	vld [tilespmem:s8+$0x10]  }
0x181: {  	v3 =	vld [tilespmem:s9+$0x10];
	_ =	sdelay $0x4  }
0x182: {  	v2 =	vadd.f32 v3, v2  }
0x183: {  	s0 =	simm.s32 $0x0;
	s10 =	simm.s32 $0xE060  }
.LBB2_20:
0x184: {  	v3 =	vld [tilespmem:s10+$0xFFFFFFE0];
	[tilespmem:s8+$0x10] =	vst v2;
	s9 =	sadd.s32 $0x40, s9;
	s8 =	smov.u32 s10  }
0x185: {  	s0 =	sadd.s32 $0x4, s0;
	v2 =	vld [tilespmem:s9+$0xFFFFFFE0]  }
0x186: {  	p0 =	slt.u32 s0, $0xC0;
	_ =	sdelay $0x3  }
0x187: {  	v2 =	vadd.f32 v2, v3;
	_ =	sdelay $0x1  }
0x188: {  	[tilespmem:s10+$0xFFFFFFE0] =	vst v2;
	v2 =	vld [tilespmem:s10+$0xFFFFFFF0]  }
0x189: {  	v3 =	vld [tilespmem:s9+$0xFFFFFFF0];
	_ =	sdelay $0x4  }
0x18a: {  	v2 =	vadd.f32 v3, v2;
	_ =	sdelay $0x1  }
0x18b: {  	[tilespmem:s10+$0xFFFFFFF0] =	vst v2;
	v2 =	vld [tilespmem:s10+$0x0]  }
0x18c: {  	v3 =	vld [tilespmem:s9+$0x0];
	_ =	sdelay $0x4  }
0x18d: {  	v2 =	vadd.f32 v3, v2;
	_ =	sdelay $0x1  }
0x18e: {  	[tilespmem:s10+$0x0] =	vst v2;
	v2 =	vld [tilespmem:s10+$0x10]  }
0x18f: {  	v3 =	vld [tilespmem:s9+$0x10];
	_ =	sdelay $0x1  }
.Ltmp9:
0x190: {  	(pc) =	sbr.rel @p0 .LBB2_20-.Ltmp9, $3  }
0x191: {  	_ =	sdelay $0x1  }
0x192: {  	v2 =	vadd.f32 v3, v2  }
0x193: {  	s10 =	sadd.s32 $0x40, s10  }
0x194: {  	[tilespmem:s8+$0x10] =	vst v2  }
0x195: {  	[tilespmem:s26], [sflag:$0x4] =	stream.linear.gather [hbm4b:s13+s2], $0xC40, $0x38;
	[tilespmem:$0x104C0] =	vst v63  }
0x196: {  	_ =	swait.ge [sflag:s5], $0xC40  }
0x197: {  	[sflag:s5] =	ssyncset.done $0x0  }
0x198: {  	s8 =	simm.s32 $0xE020;
	[sflag:s5] =	ssyncadd.s32 $0xFFFFF3C0  }
0x199: {  	s9 =	simm.s32 $0xEC60;
	v2 =	vld [tilespmem:s8+$0xFFFFFFE0]  }
0x19a: {  	v3 =	vld [tilespmem:s9+$0xFFFFFFE0];
	_ =	sdelay $0x4  }
0x19b: {  	v2 =	vadd.f32 v3, v2;
	_ =	sdelay $0x1  }
0x19c: {  	[tilespmem:s8+$0xFFFFFFE0] =	vst v2;
	v2 =	vld [tilespmem:s8+$0xFFFFFFF0]  }
0x19d: {  	v3 =	vld [tilespmem:s9+$0xFFFFFFF0];
	_ =	sdelay $0x4  }
0x19e: {  	v2 =	vadd.f32 v3, v2;
	_ =	sdelay $0x1  }
0x19f: {  	[tilespmem:s8+$0xFFFFFFF0] =	vst v2;
	v2 =	vld [tilespmem:s8+$0x0]  }
0x1a0: {  	v3 =	vld [tilespmem:s9+$0x0];
	_ =	sdelay $0x4  }
0x1a1: {  	v2 =	vadd.f32 v3, v2;
	_ =	sdelay $0x1  }
0x1a2: {  	[tilespmem:s8+$0x0] =	vst v2;
	v2 =	vld [tilespmem:s8+$0x10]  }
0x1a3: {  	v3 =	vld [tilespmem:s9+$0x10];
	_ =	sdelay $0x4  }
0x1a4: {  	v2 =	vadd.f32 v3, v2  }
0x1a5: {  	s0 =	simm.s32 $0x0;
	s10 =	simm.s32 $0xE060  }
.LBB2_22:
0x1a6: {  	v3 =	vld [tilespmem:s10+$0xFFFFFFE0];
	[tilespmem:s8+$0x10] =	vst v2;
	s9 =	sadd.s32 $0x40, s9;
	s8 =	smov.u32 s10  }
0x1a7: {  	s0 =	sadd.s32 $0x4, s0;
	v2 =	vld [tilespmem:s9+$0xFFFFFFE0]  }
0x1a8: {  	p0 =	slt.u32 s0, $0xC0;
	_ =	sdelay $0x3  }
0x1a9: {  	v2 =	vadd.f32 v2, v3;
	_ =	sdelay $0x1  }
0x1aa: {  	[tilespmem:s10+$0xFFFFFFE0] =	vst v2;
	v2 =	vld [tilespmem:s10+$0xFFFFFFF0]  }
0x1ab: {  	v3 =	vld [tilespmem:s9+$0xFFFFFFF0];
	_ =	sdelay $0x4  }
0x1ac: {  	v2 =	vadd.f32 v3, v2;
	_ =	sdelay $0x1  }
0x1ad: {  	[tilespmem:s10+$0xFFFFFFF0] =	vst v2;
	v2 =	vld [tilespmem:s10+$0x0]  }
0x1ae: {  	v3 =	vld [tilespmem:s9+$0x0];
	_ =	sdelay $0x4  }
0x1af: {  	v2 =	vadd.f32 v3, v2;
	_ =	sdelay $0x1  }
0x1b0: {  	[tilespmem:s10+$0x0] =	vst v2;
	v2 =	vld [tilespmem:s10+$0x10]  }
0x1b1: {  	v3 =	vld [tilespmem:s9+$0x10];
	_ =	sdelay $0x1  }
.Ltmp10:
0x1b2: {  	(pc) =	sbr.rel @p0 .LBB2_22-.Ltmp10, $3  }
0x1b3: {  	_ =	sdelay $0x1  }
0x1b4: {  	v2 =	vadd.f32 v3, v2  }
0x1b5: {  	s10 =	sadd.s32 $0x40, s10  }
0x1b6: {  	[tilespmem:s8+$0x10] =	vst v2  }
0x1b7: {  	[tilespmem:s1], [sflag:$0x3] =	stream.linear.gather [hbm4b:s14+s2], $0xC40, $0x38;
	[tilespmem:$0x104C0] =	vst v63  }
0x1b8: {  	_ =	swait.ge [sflag:s6], $0xC40  }
0x1b9: {  	[sflag:s6] =	ssyncset.done $0x0  }
0x1ba: {  	s8 =	simm.s32 $0xE020;
	[sflag:s6] =	ssyncadd.s32 $0xFFFFF3C0  }
0x1bb: {  	s9 =	simm.s32 $0xF8A0;
	v2 =	vld [tilespmem:s8+$0xFFFFFFE0]  }
0x1bc: {  	v3 =	vld [tilespmem:s9+$0xFFFFFFE0];
	_ =	sdelay $0x4  }
0x1bd: {  	v2 =	vadd.f32 v3, v2;
	_ =	sdelay $0x1  }
0x1be: {  	[tilespmem:s8+$0xFFFFFFE0] =	vst v2;
	v2 =	vld [tilespmem:s8+$0xFFFFFFF0]  }
0x1bf: {  	v3 =	vld [tilespmem:s9+$0xFFFFFFF0];
	_ =	sdelay $0x4  }
0x1c0: {  	v2 =	vadd.f32 v3, v2;
	_ =	sdelay $0x1  }
0x1c1: {  	[tilespmem:s8+$0xFFFFFFF0] =	vst v2;
	v2 =	vld [tilespmem:s8+$0x0]  }
0x1c2: {  	v3 =	vld [tilespmem:s9+$0x0];
	_ =	sdelay $0x4  }
0x1c3: {  	v2 =	vadd.f32 v3, v2;
	_ =	sdelay $0x1  }
0x1c4: {  	[tilespmem:s8+$0x0] =	vst v2;
	v2 =	vld [tilespmem:s8+$0x10]  }
0x1c5: {  	v3 =	vld [tilespmem:s9+$0x10];
	_ =	sdelay $0x4  }
0x1c6: {  	v2 =	vadd.f32 v3, v2  }
0x1c7: {  	s0 =	simm.s32 $0x0;
	s10 =	simm.s32 $0xE060  }
.LBB2_24:
0x1c8: {  	v3 =	vld [tilespmem:s10+$0xFFFFFFE0];
	[tilespmem:s8+$0x10] =	vst v2;
	s9 =	sadd.s32 $0x40, s9;
	s8 =	smov.u32 s10  }
0x1c9: {  	s0 =	sadd.s32 $0x4, s0;
	v2 =	vld [tilespmem:s9+$0xFFFFFFE0]  }
0x1ca: {  	p0 =	slt.u32 s0, $0xC0;
	_ =	sdelay $0x3  }
0x1cb: {  	v2 =	vadd.f32 v2, v3;
	_ =	sdelay $0x1  }
0x1cc: {  	[tilespmem:s10+$0xFFFFFFE0] =	vst v2;
	v2 =	vld [tilespmem:s10+$0xFFFFFFF0]  }
0x1cd: {  	v3 =	vld [tilespmem:s9+$0xFFFFFFF0];
	_ =	sdelay $0x4  }
0x1ce: {  	v2 =	vadd.f32 v3, v2;
	_ =	sdelay $0x1  }
0x1cf: {  	[tilespmem:s10+$0xFFFFFFF0] =	vst v2;
	v2 =	vld [tilespmem:s10+$0x0]  }
0x1d0: {  	v3 =	vld [tilespmem:s9+$0x0];
	_ =	sdelay $0x4  }
0x1d1: {  	v2 =	vadd.f32 v3, v2;
	_ =	sdelay $0x1  }
0x1d2: {  	[tilespmem:s10+$0x0] =	vst v2;
	v2 =	vld [tilespmem:s10+$0x10]  }
0x1d3: {  	v3 =	vld [tilespmem:s9+$0x10];
	_ =	sdelay $0x1  }
.Ltmp11:
0x1d4: {  	(pc) =	sbr.rel @p0 .LBB2_24-.Ltmp11, $3  }
0x1d5: {  	_ =	sdelay $0x1  }
0x1d6: {  	v2 =	vadd.f32 v3, v2  }
0x1d7: {  	s10 =	sadd.s32 $0x40, s10  }
0x1d8: {  	[tilespmem:s8+$0x10] =	vst v2  }
0x1d9: {  	[tilespmem:s26], [sflag:$0x4] =	stream.linear.gather [hbm4b:s15+s2], $0xC40, $0x38;
	[tilespmem:$0x104C0] =	vst v63  }
0x1da: {  	_ =	swait.ge [sflag:s5], $0xC40  }
0x1db: {  	[sflag:s5] =	ssyncset.done $0x0  }
0x1dc: {  	s8 =	simm.s32 $0xE020;
	[sflag:s5] =	ssyncadd.s32 $0xFFFFF3C0  }
0x1dd: {  	s9 =	simm.s32 $0xEC60;
	v2 =	vld [tilespmem:s8+$0xFFFFFFE0]  }
0x1de: {  	v3 =	vld [tilespmem:s9+$0xFFFFFFE0];
	_ =	sdelay $0x4  }
0x1df: {  	v2 =	vadd.f32 v3, v2;
	_ =	sdelay $0x1  }
0x1e0: {  	[tilespmem:s8+$0xFFFFFFE0] =	vst v2;
	v2 =	vld [tilespmem:s8+$0xFFFFFFF0]  }
0x1e1: {  	v3 =	vld [tilespmem:s9+$0xFFFFFFF0];
	_ =	sdelay $0x4  }
0x1e2: {  	v2 =	vadd.f32 v3, v2;
	_ =	sdelay $0x1  }
0x1e3: {  	[tilespmem:s8+$0xFFFFFFF0] =	vst v2;
	v2 =	vld [tilespmem:s8+$0x0]  }
0x1e4: {  	v3 =	vld [tilespmem:s9+$0x0];
	_ =	sdelay $0x4  }
0x1e5: {  	v2 =	vadd.f32 v3, v2;
	_ =	sdelay $0x1  }
0x1e6: {  	[tilespmem:s8+$0x0] =	vst v2;
	v2 =	vld [tilespmem:s8+$0x10]  }
0x1e7: {  	v3 =	vld [tilespmem:s9+$0x10];
	_ =	sdelay $0x4  }
0x1e8: {  	v2 =	vadd.f32 v3, v2  }
0x1e9: {  	s0 =	simm.s32 $0x0;
	s10 =	simm.s32 $0xE060  }
.LBB2_26:
0x1ea: {  	v3 =	vld [tilespmem:s10+$0xFFFFFFE0];
	[tilespmem:s8+$0x10] =	vst v2;
	s9 =	sadd.s32 $0x40, s9;
	s8 =	smov.u32 s10  }
0x1eb: {  	s0 =	sadd.s32 $0x4, s0;
	v2 =	vld [tilespmem:s9+$0xFFFFFFE0]  }
0x1ec: {  	p0 =	slt.u32 s0, $0xC0;
	_ =	sdelay $0x3  }
0x1ed: {  	v2 =	vadd.f32 v2, v3;
	_ =	sdelay $0x1  }
0x1ee: {  	[tilespmem:s10+$0xFFFFFFE0] =	vst v2;
	v2 =	vld [tilespmem:s10+$0xFFFFFFF0]  }
0x1ef: {  	v3 =	vld [tilespmem:s9+$0xFFFFFFF0];
	_ =	sdelay $0x4  }
0x1f0: {  	v2 =	vadd.f32 v3, v2;
	_ =	sdelay $0x1  }
0x1f1: {  	[tilespmem:s10+$0xFFFFFFF0] =	vst v2;
	v2 =	vld [tilespmem:s10+$0x0]  }
0x1f2: {  	v3 =	vld [tilespmem:s9+$0x0];
	_ =	sdelay $0x4  }
0x1f3: {  	v2 =	vadd.f32 v3, v2;
	_ =	sdelay $0x1  }
0x1f4: {  	[tilespmem:s10+$0x0] =	vst v2;
	v2 =	vld [tilespmem:s10+$0x10]  }
0x1f5: {  	v3 =	vld [tilespmem:s9+$0x10];
	_ =	sdelay $0x1  }
.Ltmp12:
0x1f6: {  	(pc) =	sbr.rel @p0 .LBB2_26-.Ltmp12, $3  }
0x1f7: {  	_ =	sdelay $0x1  }
0x1f8: {  	v2 =	vadd.f32 v3, v2  }
0x1f9: {  	s10 =	sadd.s32 $0x40, s10  }
0x1fa: {  	[tilespmem:s8+$0x10] =	vst v2  }
0x1fb: {  	[tilespmem:s1], [sflag:$0x3] =	stream.linear.gather [hbm4b:s16+s2], $0xC40, $0x38;
	[tilespmem:$0x104C0] =	vst v63  }
0x1fc: {  	_ =	swait.ge [sflag:s6], $0xC40  }
0x1fd: {  	[sflag:s6] =	ssyncset.done $0x0  }
0x1fe: {  	s8 =	simm.s32 $0xE020;
	[sflag:s6] =	ssyncadd.s32 $0xFFFFF3C0  }
0x1ff: {  	s9 =	simm.s32 $0xF8A0;
	v2 =	vld [tilespmem:s8+$0xFFFFFFE0]  }
0x200: {  	v3 =	vld [tilespmem:s9+$0xFFFFFFE0];
	_ =	sdelay $0x4  }
0x201: {  	v2 =	vadd.f32 v3, v2;
	_ =	sdelay $0x1  }
0x202: {  	[tilespmem:s8+$0xFFFFFFE0] =	vst v2;
	v2 =	vld [tilespmem:s8+$0xFFFFFFF0]  }
0x203: {  	v3 =	vld [tilespmem:s9+$0xFFFFFFF0];
	_ =	sdelay $0x4  }
0x204: {  	v2 =	vadd.f32 v3, v2;
	_ =	sdelay $0x1  }
0x205: {  	[tilespmem:s8+$0xFFFFFFF0] =	vst v2;
	v2 =	vld [tilespmem:s8+$0x0]  }
0x206: {  	v3 =	vld [tilespmem:s9+$0x0];
	_ =	sdelay $0x4  }
0x207: {  	v2 =	vadd.f32 v3, v2;
	_ =	sdelay $0x1  }
0x208: {  	[tilespmem:s8+$0x0] =	vst v2;
	v2 =	vld [tilespmem:s8+$0x10]  }
0x209: {  	v3 =	vld [tilespmem:s9+$0x10];
	_ =	sdelay $0x4  }
0x20a: {  	v2 =	vadd.f32 v3, v2  }
0x20b: {  	s0 =	simm.s32 $0x0;
	s10 =	simm.s32 $0xE060  }
.LBB2_28:
0x20c: {  	v3 =	vld [tilespmem:s10+$0xFFFFFFE0];
	[tilespmem:s8+$0x10] =	vst v2;
	s9 =	sadd.s32 $0x40, s9;
	s8 =	smov.u32 s10  }
0x20d: {  	s0 =	sadd.s32 $0x4, s0;
	v2 =	vld [tilespmem:s9+$0xFFFFFFE0]  }
0x20e: {  	p0 =	slt.u32 s0, $0xC0;
	_ =	sdelay $0x3  }
0x20f: {  	v2 =	vadd.f32 v2, v3;
	_ =	sdelay $0x1  }
0x210: {  	[tilespmem:s10+$0xFFFFFFE0] =	vst v2;
	v2 =	vld [tilespmem:s10+$0xFFFFFFF0]  }
0x211: {  	v3 =	vld [tilespmem:s9+$0xFFFFFFF0];
	_ =	sdelay $0x4  }
0x212: {  	v2 =	vadd.f32 v3, v2;
	_ =	sdelay $0x1  }
0x213: {  	[tilespmem:s10+$0xFFFFFFF0] =	vst v2;
	v2 =	vld [tilespmem:s10+$0x0]  }
0x214: {  	v3 =	vld [tilespmem:s9+$0x0];
	_ =	sdelay $0x4  }
0x215: {  	v2 =	vadd.f32 v3, v2;
	_ =	sdelay $0x1  }
0x216: {  	[tilespmem:s10+$0x0] =	vst v2;
	v2 =	vld [tilespmem:s10+$0x10]  }
0x217: {  	v3 =	vld [tilespmem:s9+$0x10];
	_ =	sdelay $0x1  }
.Ltmp13:
0x218: {  	(pc) =	sbr.rel @p0 .LBB2_28-.Ltmp13, $3  }
0x219: {  	_ =	sdelay $0x1  }
0x21a: {  	v2 =	vadd.f32 v3, v2  }
0x21b: {  	s10 =	sadd.s32 $0x40, s10  }
0x21c: {  	[tilespmem:s8+$0x10] =	vst v2  }
0x21d: {  	[tilespmem:s26], [sflag:$0x4] =	stream.linear.gather [hbm4b:s17+s2], $0xC40, $0x38;
	[tilespmem:$0x104C0] =	vst v63  }
0x21e: {  	_ =	swait.ge [sflag:s5], $0xC40  }
0x21f: {  	[sflag:s5] =	ssyncset.done $0x0  }
0x220: {  	s8 =	simm.s32 $0xE020;
	[sflag:s5] =	ssyncadd.s32 $0xFFFFF3C0  }
0x221: {  	s9 =	simm.s32 $0xEC60;
	v2 =	vld [tilespmem:s8+$0xFFFFFFE0]  }
0x222: {  	v3 =	vld [tilespmem:s9+$0xFFFFFFE0];
	_ =	sdelay $0x4  }
0x223: {  	v2 =	vadd.f32 v3, v2;
	_ =	sdelay $0x1  }
0x224: {  	[tilespmem:s8+$0xFFFFFFE0] =	vst v2;
	v2 =	vld [tilespmem:s8+$0xFFFFFFF0]  }
0x225: {  	v3 =	vld [tilespmem:s9+$0xFFFFFFF0];
	_ =	sdelay $0x4  }
0x226: {  	v2 =	vadd.f32 v3, v2;
	_ =	sdelay $0x1  }
0x227: {  	[tilespmem:s8+$0xFFFFFFF0] =	vst v2;
	v2 =	vld [tilespmem:s8+$0x0]  }
0x228: {  	v3 =	vld [tilespmem:s9+$0x0];
	_ =	sdelay $0x4  }
0x229: {  	v2 =	vadd.f32 v3, v2;
	_ =	sdelay $0x1  }
0x22a: {  	[tilespmem:s8+$0x0] =	vst v2;
	v2 =	vld [tilespmem:s8+$0x10]  }
0x22b: {  	v3 =	vld [tilespmem:s9+$0x10];
	_ =	sdelay $0x4  }
0x22c: {  	v2 =	vadd.f32 v3, v2  }
0x22d: {  	s0 =	simm.s32 $0x0;
	s10 =	simm.s32 $0xE060  }
.LBB2_30:
0x22e: {  	v3 =	vld [tilespmem:s10+$0xFFFFFFE0];
	[tilespmem:s8+$0x10] =	vst v2;
	s9 =	sadd.s32 $0x40, s9;
	s8 =	smov.u32 s10  }
0x22f: {  	s0 =	sadd.s32 $0x4, s0;
	v2 =	vld [tilespmem:s9+$0xFFFFFFE0]  }
0x230: {  	p0 =	slt.u32 s0, $0xC0;
	_ =	sdelay $0x3  }
0x231: {  	v2 =	vadd.f32 v2, v3;
	_ =	sdelay $0x1  }
0x232: {  	[tilespmem:s10+$0xFFFFFFE0] =	vst v2;
	v2 =	vld [tilespmem:s10+$0xFFFFFFF0]  }
0x233: {  	v3 =	vld [tilespmem:s9+$0xFFFFFFF0];
	_ =	sdelay $0x4  }
0x234: {  	v2 =	vadd.f32 v3, v2;
	_ =	sdelay $0x1  }
0x235: {  	[tilespmem:s10+$0xFFFFFFF0] =	vst v2;
	v2 =	vld [tilespmem:s10+$0x0]  }
0x236: {  	v3 =	vld [tilespmem:s9+$0x0];
	_ =	sdelay $0x4  }
0x237: {  	v2 =	vadd.f32 v3, v2;
	_ =	sdelay $0x1  }
0x238: {  	[tilespmem:s10+$0x0] =	vst v2;
	v2 =	vld [tilespmem:s10+$0x10]  }
0x239: {  	v3 =	vld [tilespmem:s9+$0x10];
	_ =	sdelay $0x1  }
.Ltmp14:
0x23a: {  	(pc) =	sbr.rel @p0 .LBB2_30-.Ltmp14, $3  }
0x23b: {  	_ =	sdelay $0x1  }
0x23c: {  	v2 =	vadd.f32 v3, v2  }
0x23d: {  	s10 =	sadd.s32 $0x40, s10  }
0x23e: {  	[tilespmem:s8+$0x10] =	vst v2  }
0x23f: {  	[tilespmem:s1], [sflag:$0x3] =	stream.linear.gather [hbm4b:s18+s2], $0xC40, $0x38;
	[tilespmem:$0x104C0] =	vst v63  }
0x240: {  	_ =	swait.ge [sflag:s6], $0xC40  }
0x241: {  	[sflag:s6] =	ssyncset.done $0x0  }
0x242: {  	s8 =	simm.s32 $0xE020;
	[sflag:s6] =	ssyncadd.s32 $0xFFFFF3C0  }
0x243: {  	s9 =	simm.s32 $0xF8A0;
	v2 =	vld [tilespmem:s8+$0xFFFFFFE0]  }
0x244: {  	v3 =	vld [tilespmem:s9+$0xFFFFFFE0];
	_ =	sdelay $0x4  }
0x245: {  	v2 =	vadd.f32 v3, v2;
	_ =	sdelay $0x1  }
0x246: {  	[tilespmem:s8+$0xFFFFFFE0] =	vst v2;
	v2 =	vld [tilespmem:s8+$0xFFFFFFF0]  }
0x247: {  	v3 =	vld [tilespmem:s9+$0xFFFFFFF0];
	_ =	sdelay $0x4  }
0x248: {  	v2 =	vadd.f32 v3, v2;
	_ =	sdelay $0x1  }
0x249: {  	[tilespmem:s8+$0xFFFFFFF0] =	vst v2;
	v2 =	vld [tilespmem:s8+$0x0]  }
0x24a: {  	v3 =	vld [tilespmem:s9+$0x0];
	_ =	sdelay $0x4  }
0x24b: {  	v2 =	vadd.f32 v3, v2;
	_ =	sdelay $0x1  }
0x24c: {  	[tilespmem:s8+$0x0] =	vst v2;
	v2 =	vld [tilespmem:s8+$0x10]  }
0x24d: {  	v3 =	vld [tilespmem:s9+$0x10];
	_ =	sdelay $0x4  }
0x24e: {  	v2 =	vadd.f32 v3, v2  }
0x24f: {  	s0 =	simm.s32 $0x0;
	s10 =	simm.s32 $0xE060  }
.LBB2_32:
0x250: {  	v3 =	vld [tilespmem:s10+$0xFFFFFFE0];
	[tilespmem:s8+$0x10] =	vst v2;
	s9 =	sadd.s32 $0x40, s9;
	s8 =	smov.u32 s10  }
0x251: {  	s0 =	sadd.s32 $0x4, s0;
	v2 =	vld [tilespmem:s9+$0xFFFFFFE0]  }
0x252: {  	p0 =	slt.u32 s0, $0xC0;
	_ =	sdelay $0x3  }
0x253: {  	v2 =	vadd.f32 v2, v3;
	_ =	sdelay $0x1  }
0x254: {  	[tilespmem:s10+$0xFFFFFFE0] =	vst v2;
	v2 =	vld [tilespmem:s10+$0xFFFFFFF0]  }
0x255: {  	v3 =	vld [tilespmem:s9+$0xFFFFFFF0];
	_ =	sdelay $0x4  }
0x256: {  	v2 =	vadd.f32 v3, v2;
	_ =	sdelay $0x1  }
0x257: {  	[tilespmem:s10+$0xFFFFFFF0] =	vst v2;
	v2 =	vld [tilespmem:s10+$0x0]  }
0x258: {  	v3 =	vld [tilespmem:s9+$0x0];
	_ =	sdelay $0x4  }
0x259: {  	v2 =	vadd.f32 v3, v2;
	_ =	sdelay $0x1  }
0x25a: {  	[tilespmem:s10+$0x0] =	vst v2;
	v2 =	vld [tilespmem:s10+$0x10]  }
0x25b: {  	v3 =	vld [tilespmem:s9+$0x10];
	_ =	sdelay $0x1  }
.Ltmp15:
0x25c: {  	(pc) =	sbr.rel @p0 .LBB2_32-.Ltmp15, $3  }
0x25d: {  	_ =	sdelay $0x1  }
0x25e: {  	v2 =	vadd.f32 v3, v2  }
0x25f: {  	s10 =	sadd.s32 $0x40, s10  }
0x260: {  	[tilespmem:s8+$0x10] =	vst v2  }
0x261: {  	[tilespmem:s26], [sflag:$0x4] =	stream.linear.gather [hbm4b:s19+s2], $0xC40, $0x38;
	[tilespmem:$0x104C0] =	vst v63  }
0x262: {  	_ =	swait.ge [sflag:s5], $0xC40  }
0x263: {  	[sflag:s5] =	ssyncset.done $0x0  }
0x264: {  	s8 =	simm.s32 $0xE020;
	[sflag:s5] =	ssyncadd.s32 $0xFFFFF3C0  }
0x265: {  	s9 =	simm.s32 $0xEC60;
	v2 =	vld [tilespmem:s8+$0xFFFFFFE0]  }
0x266: {  	v3 =	vld [tilespmem:s9+$0xFFFFFFE0];
	_ =	sdelay $0x4  }
0x267: {  	v2 =	vadd.f32 v3, v2;
	_ =	sdelay $0x1  }
0x268: {  	[tilespmem:s8+$0xFFFFFFE0] =	vst v2;
	v2 =	vld [tilespmem:s8+$0xFFFFFFF0]  }
0x269: {  	v3 =	vld [tilespmem:s9+$0xFFFFFFF0];
	_ =	sdelay $0x4  }
0x26a: {  	v2 =	vadd.f32 v3, v2;
	_ =	sdelay $0x1  }
0x26b: {  	[tilespmem:s8+$0xFFFFFFF0] =	vst v2;
	v2 =	vld [tilespmem:s8+$0x0]  }
0x26c: {  	v3 =	vld [tilespmem:s9+$0x0];
	_ =	sdelay $0x4  }
0x26d: {  	v2 =	vadd.f32 v3, v2;
	_ =	sdelay $0x1  }
0x26e: {  	[tilespmem:s8+$0x0] =	vst v2;
	v2 =	vld [tilespmem:s8+$0x10]  }
0x26f: {  	v3 =	vld [tilespmem:s9+$0x10];
	_ =	sdelay $0x4  }
0x270: {  	v2 =	vadd.f32 v3, v2  }
0x271: {  	s0 =	simm.s32 $0x0;
	s10 =	simm.s32 $0xE060  }
.LBB2_34:
0x272: {  	v3 =	vld [tilespmem:s10+$0xFFFFFFE0];
	[tilespmem:s8+$0x10] =	vst v2;
	s9 =	sadd.s32 $0x40, s9;
	s8 =	smov.u32 s10  }
0x273: {  	s0 =	sadd.s32 $0x4, s0;
	v2 =	vld [tilespmem:s9+$0xFFFFFFE0]  }
0x274: {  	p0 =	slt.u32 s0, $0xC0;
	_ =	sdelay $0x3  }
0x275: {  	v2 =	vadd.f32 v2, v3;
	_ =	sdelay $0x1  }
0x276: {  	[tilespmem:s10+$0xFFFFFFE0] =	vst v2;
	v2 =	vld [tilespmem:s10+$0xFFFFFFF0]  }
0x277: {  	v3 =	vld [tilespmem:s9+$0xFFFFFFF0];
	_ =	sdelay $0x4  }
0x278: {  	v2 =	vadd.f32 v3, v2;
	_ =	sdelay $0x1  }
0x279: {  	[tilespmem:s10+$0xFFFFFFF0] =	vst v2;
	v2 =	vld [tilespmem:s10+$0x0]  }
0x27a: {  	v3 =	vld [tilespmem:s9+$0x0];
	_ =	sdelay $0x4  }
0x27b: {  	v2 =	vadd.f32 v3, v2;
	_ =	sdelay $0x1  }
0x27c: {  	[tilespmem:s10+$0x0] =	vst v2;
	v2 =	vld [tilespmem:s10+$0x10]  }
0x27d: {  	v3 =	vld [tilespmem:s9+$0x10];
	_ =	sdelay $0x1  }
.Ltmp16:
0x27e: {  	(pc) =	sbr.rel @p0 .LBB2_34-.Ltmp16, $3  }
0x27f: {  	_ =	sdelay $0x1  }
0x280: {  	v2 =	vadd.f32 v3, v2  }
0x281: {  	s10 =	sadd.s32 $0x40, s10  }
0x282: {  	[tilespmem:s8+$0x10] =	vst v2  }
0x283: {  	[tilespmem:s1], [sflag:$0x3] =	stream.linear.gather [hbm4b:s20+s2], $0xC40, $0x38;
	[tilespmem:$0x104C0] =	vst v63  }
0x284: {  	_ =	swait.ge [sflag:s6], $0xC40  }
0x285: {  	[sflag:s6] =	ssyncset.done $0x0  }
0x286: {  	s8 =	simm.s32 $0xE020;
	[sflag:s6] =	ssyncadd.s32 $0xFFFFF3C0  }
0x287: {  	s9 =	simm.s32 $0xF8A0;
	v2 =	vld [tilespmem:s8+$0xFFFFFFE0]  }
0x288: {  	v3 =	vld [tilespmem:s9+$0xFFFFFFE0];
	_ =	sdelay $0x4  }
0x289: {  	v2 =	vadd.f32 v3, v2;
	_ =	sdelay $0x1  }
0x28a: {  	[tilespmem:s8+$0xFFFFFFE0] =	vst v2;
	v2 =	vld [tilespmem:s8+$0xFFFFFFF0]  }
0x28b: {  	v3 =	vld [tilespmem:s9+$0xFFFFFFF0];
	_ =	sdelay $0x4  }
0x28c: {  	v2 =	vadd.f32 v3, v2;
	_ =	sdelay $0x1  }
0x28d: {  	[tilespmem:s8+$0xFFFFFFF0] =	vst v2;
	v2 =	vld [tilespmem:s8+$0x0]  }
0x28e: {  	v3 =	vld [tilespmem:s9+$0x0];
	_ =	sdelay $0x4  }
0x28f: {  	v2 =	vadd.f32 v3, v2;
	_ =	sdelay $0x1  }
0x290: {  	[tilespmem:s8+$0x0] =	vst v2;
	v2 =	vld [tilespmem:s8+$0x10]  }
0x291: {  	v3 =	vld [tilespmem:s9+$0x10];
	_ =	sdelay $0x4  }
0x292: {  	v2 =	vadd.f32 v3, v2  }
0x293: {  	s0 =	simm.s32 $0x0;
	s10 =	simm.s32 $0xE060  }
.LBB2_36:
0x294: {  	v3 =	vld [tilespmem:s10+$0xFFFFFFE0];
	[tilespmem:s8+$0x10] =	vst v2;
	s9 =	sadd.s32 $0x40, s9;
	s8 =	smov.u32 s10  }
0x295: {  	s0 =	sadd.s32 $0x4, s0;
	v2 =	vld [tilespmem:s9+$0xFFFFFFE0]  }
0x296: {  	p0 =	slt.u32 s0, $0xC0;
	_ =	sdelay $0x3  }
0x297: {  	v2 =	vadd.f32 v2, v3;
	_ =	sdelay $0x1  }
0x298: {  	[tilespmem:s10+$0xFFFFFFE0] =	vst v2;
	v2 =	vld [tilespmem:s10+$0xFFFFFFF0]  }
0x299: {  	v3 =	vld [tilespmem:s9+$0xFFFFFFF0];
	_ =	sdelay $0x4  }
0x29a: {  	v2 =	vadd.f32 v3, v2;
	_ =	sdelay $0x1  }
0x29b: {  	[tilespmem:s10+$0xFFFFFFF0] =	vst v2;
	v2 =	vld [tilespmem:s10+$0x0]  }
0x29c: {  	v3 =	vld [tilespmem:s9+$0x0];
	_ =	sdelay $0x4  }
0x29d: {  	v2 =	vadd.f32 v3, v2;
	_ =	sdelay $0x1  }
0x29e: {  	[tilespmem:s10+$0x0] =	vst v2;
	v2 =	vld [tilespmem:s10+$0x10]  }
0x29f: {  	v3 =	vld [tilespmem:s9+$0x10];
	_ =	sdelay $0x1  }
.Ltmp17:
0x2a0: {  	(pc) =	sbr.rel @p0 .LBB2_36-.Ltmp17, $3  }
0x2a1: {  	_ =	sdelay $0x1  }
0x2a2: {  	v2 =	vadd.f32 v3, v2  }
0x2a3: {  	s10 =	sadd.s32 $0x40, s10  }
0x2a4: {  	[tilespmem:s8+$0x10] =	vst v2  }
0x2a5: {  	_ =	swait.ge [sflag:s5], $0xC40  }
0x2a6: {  	[sflag:s5] =	ssyncset.done $0x0  }
0x2a7: {  	s8 =	simm.s32 $0xE020;
	[sflag:s5] =	ssyncadd.s32 $0xFFFFF3C0  }
0x2a8: {  	s9 =	simm.s32 $0xEC60;
	v2 =	vld [tilespmem:s8+$0xFFFFFFE0]  }
0x2a9: {  	v3 =	vld [tilespmem:s9+$0xFFFFFFE0];
	_ =	sdelay $0x4  }
0x2aa: {  	v2 =	vadd.f32 v3, v2;
	_ =	sdelay $0x1  }
0x2ab: {  	[tilespmem:s8+$0xFFFFFFE0] =	vst v2;
	v2 =	vld [tilespmem:s8+$0xFFFFFFF0]  }
0x2ac: {  	v3 =	vld [tilespmem:s9+$0xFFFFFFF0];
	_ =	sdelay $0x4  }
0x2ad: {  	v2 =	vadd.f32 v3, v2;
	_ =	sdelay $0x1  }
0x2ae: {  	[tilespmem:s8+$0xFFFFFFF0] =	vst v2;
	v2 =	vld [tilespmem:s8+$0x0]  }
0x2af: {  	v3 =	vld [tilespmem:s9+$0x0];
	_ =	sdelay $0x4  }
0x2b0: {  	v2 =	vadd.f32 v3, v2;
	_ =	sdelay $0x1  }
0x2b1: {  	[tilespmem:s8+$0x0] =	vst v2;
	v2 =	vld [tilespmem:s8+$0x10]  }
0x2b2: {  	v3 =	vld [tilespmem:s9+$0x10];
	_ =	sdelay $0x4  }
0x2b3: {  	v2 =	vadd.f32 v3, v2  }
0x2b4: {  	s0 =	simm.s32 $0x0;
	s10 =	simm.s32 $0xE060  }
.LBB2_38:
0x2b5: {  	v3 =	vld [tilespmem:s10+$0xFFFFFFE0];
	[tilespmem:s8+$0x10] =	vst v2;
	s9 =	sadd.s32 $0x40, s9;
	s8 =	smov.u32 s10  }
0x2b6: {  	s0 =	sadd.s32 $0x4, s0;
	v2 =	vld [tilespmem:s9+$0xFFFFFFE0]  }
0x2b7: {  	p0 =	slt.u32 s0, $0xC0;
	_ =	sdelay $0x3  }
0x2b8: {  	v2 =	vadd.f32 v2, v3;
	_ =	sdelay $0x1  }
0x2b9: {  	[tilespmem:s10+$0xFFFFFFE0] =	vst v2;
	v2 =	vld [tilespmem:s10+$0xFFFFFFF0]  }
0x2ba: {  	v3 =	vld [tilespmem:s9+$0xFFFFFFF0];
	_ =	sdelay $0x4  }
0x2bb: {  	v2 =	vadd.f32 v3, v2;
	_ =	sdelay $0x1  }
0x2bc: {  	[tilespmem:s10+$0xFFFFFFF0] =	vst v2;
	v2 =	vld [tilespmem:s10+$0x0]  }
0x2bd: {  	v3 =	vld [tilespmem:s9+$0x0];
	_ =	sdelay $0x4  }
0x2be: {  	v2 =	vadd.f32 v3, v2;
	_ =	sdelay $0x1  }
0x2bf: {  	[tilespmem:s10+$0x0] =	vst v2;
	v2 =	vld [tilespmem:s10+$0x10]  }
0x2c0: {  	v3 =	vld [tilespmem:s9+$0x10];
	_ =	sdelay $0x1  }
.Ltmp18:
0x2c1: {  	(pc) =	sbr.rel @p0 .LBB2_38-.Ltmp18, $3  }
0x2c2: {  	_ =	sdelay $0x1  }
0x2c3: {  	v2 =	vadd.f32 v3, v2  }
0x2c4: {  	s10 =	sadd.s32 $0x40, s10  }
0x2c5: {  	s7 =	sadd.s32 $0x1, s7  }
0x2c6: {  	p0 =	sne.s32 s7, s22  }
.Ltmp19:
0x2c7: {  	[tilespmem:s8+$0x10] =	vst v2;
	s0 =	simm.s32 $0xE000;
	(pc) =	sbr.rel @p0 .LBB2_1-.Ltmp19, $4  }
0x2c8: {  	[hbm4b:s21+s2] =	stream.linear.scatter [tilespmem:s0], [sflag:$0x5], $0xC40, $0x38;
	[tilespmem:$0x104C0] =	vst v63  }
0x2c9: {  	_ =	swait.ge [sflag:s31], $0xC40  }
0x2ca: {  	[sflag:s31] =	ssyncset.done $0x0  }
0x2cb: {  	[sflag:s31] =	ssyncadd.s32 $0xFFFFF3C0  }
0x2cc: {  	_ =	sfence.sel $0x180000  }
0x2cd: {  	[bflag:$0x0] =	sbarrier.arrive $0xFFFF  }
0x2ce: {  	_ =	strace $0x9000004D  }
0x2cf: {  	s0 =	stileid.u32;
	[bflag:$0x2] =	sbarrier.arrive $0xFFFF  }
0x2d0: {  	p0 =	sne.s32 s0, $0x0;
	s0 =	rddreg [dreg:$0x2]  }
0x2d1: {  	s0 =	sadd.s32 @!p0 $0x100000, s0  }
0x2d2: {  	[sflag:s0] =	ssyncadd.tile.s32 @!p0 $0x1;
	_ =	shalt  }
.Lfunc_end2:
_tile_overlayer_lowered:
.L_overlay_start_2:
0x2d3: {  	(tag) =	ssettag $0x2  }
0x2d4: {  	s0 =	rddreg [dreg:$0x0];
	s2 =	stileid.u32  }
0x2d5: {  	s1 =	rddreg [dreg:$0x1];
	p0 =	sne.s32 s2, $0x0  }
0x2d6: {  	s3 =	rddreg [dreg:$0x2];
	[bflag:$0x3] =	sbarrier.arrive $0xFFFF;
	s2 =	simm.s32 @!p0 $0x1C05  }
0x2d7: {  	[timem:s3], [sflag:s2] =	dma.local @!p0 [hbm:s0], s1  }
0x2d8: {  	s0 =	simm.s32 @!p0 $0x5  }
0x2d9: {  	_ =	swait.ge @!p0 [sflag:s0], s1  }
0x2da: {  	s1 =	ssub.s32 @!p0 $0x0, s1;
	[sflag:s0] =	ssyncset.done @!p0 $0x0  }
0x2db: {  	[sflag:s0] =	ssyncadd.s32 @!p0 s1  }
0x2dc: {  	[bflag:$0x3] =	sbarrier.arrive $0xFFFF  }
0x2dd: {  	_ =	shalt  }

</sc_bundles>
